<compile_context>
chip_gen: v7x
topology: tpu7x:2x2x1
jax: 0.10.2.dev20260603
libtpu: 0.0.44.dev20260713+nightly
codegen_flags: <defaults>
</compile_context>

<pallas_src>
import dataclasses
import functools

import jax
import jax.numpy as jnp
from jax import lax
from jax.experimental import pallas as pl
from jax.experimental.pallas import tpu as pltpu
from jax.experimental.pallas import tpu_sc as plsc

N = 10000
E = 320000
D_H = 128
D_OUT = 40

NC = 2
NS = 16
NW = NC * NS
CHUNK = 128
NCHT = 160
NCH0 = 80
NCH1 = NCHT - NCH0
EP = NS * NCHT * CHUNK
NPAD = 10240
RPW = NPAD // NS
NBUF = 2
PH = 40
CROWS = NPAD // 128

ROW_BLK = 1024
GRID = NPAD // ROW_BLK

_mesh = plsc.VectorSubcoreMesh(core_axis_name="c", subcore_axis_name="s")

_cp = pltpu.CompilerParams()
if "needs_layout_passes" in pltpu.CompilerParams.__dataclass_fields__:
    _cp = dataclasses.replace(_cp, needs_layout_passes=False)


def _phases(start, count):
    out = []
    done = 0
    while done < count:
        n = min(PH, count - done)
        out.append((start + done, n))
        done += n
    return out



@functools.partial(
    pl.kernel,
    out_type=jax.ShapeDtypeStruct((NC, CROWS, 128), jnp.float32),
    mesh=_mesh,
    scratch_types=[
        pltpu.VMEM((PH, CHUNK), jnp.int32),
        pltpu.VMEM((CROWS, 128), jnp.float32),
        pltpu.VMEM((CROWS,), jnp.int32),
        pltpu.VMEM_SHARED((CROWS, 128), jnp.float32),
    ],
    compiler_params=_cp,
)
def _sc_count(dstr_hbm, zeros_hbm, out_hbm, dst_all, hist_v, idn_v, acc_sh):
    cid = lax.axis_index("c")
    sid = lax.axis_index("s")
    pltpu.sync_copy(zeros_hbm.at[pl.ds(0, CROWS)], hist_v)

    @pl.when(sid == 0)
    def _():
        pltpu.sync_copy(zeros_hbm.at[pl.ds(0, CROWS)], acc_sh)

    for k in range(CROWS // 16):
        idn_v[pl.ds(16 * k, 16)] = lax.iota(jnp.int32, 16) + (16 * k)
    ones16 = jnp.ones((16,), jnp.float32)
    plsc.subcore_barrier()

    for cid_val in range(NC):
        @pl.when(cid == cid_val)
        def _():
            start = 0 if cid_val == 0 else NCH0
            count = NCH0 if cid_val == 0 else NCH1
            for (ch0, nch_p) in _phases(start, count):
                pltpu.sync_copy(dstr_hbm.at[sid, pl.ds(ch0, nch_p)],
                                dst_all.at[pl.ds(0, nch_p)])

                @pl.loop(0, nch_p)
                def _(j):
                    for k in range(CHUNK // 16):
                        idx = dst_all[j, pl.ds(16 * k, 16)]
                        hi = lax.shift_right_logical(idx, 7)
                        lo = lax.bitwise_and(idx, 127)
                        plsc.addupdate_scatter(hist_v, [hi, lo], ones16)

    pltpu.sync_copy(hist_v, acc_sh.at[idn_v], add=True)
    plsc.subcore_barrier()

    @pl.when(sid == 0)
    def _():
        pltpu.sync_copy(acc_sh, out_hbm.at[cid])


@functools.partial(
    pl.kernel,
    out_type=jax.ShapeDtypeStruct((NC, NPAD, D_H), jnp.float32),
    mesh=_mesh,
    scratch_types=[
        pltpu.VMEM((PH, CHUNK), jnp.int32),
        pltpu.VMEM((PH, CHUNK), jnp.int32),
        pltpu.VMEM((NBUF, CHUNK, D_H), jnp.float32),
        pltpu.VMEM_SHARED((NPAD, D_H), jnp.float32),
        pltpu.SemaphoreType.DMA,
        pltpu.SemaphoreType.DMA,
    ],
)
def _sc_agg(g_hbm, srcr_hbm, dstr_hbm, zeros_hbm, out_hbm,
            src_all, dst_all, rows_v, agg_sh, s0, s1):
    sems = [s0, s1]
    cid = lax.axis_index("c")
    sid = lax.axis_index("s")
    r0 = sid * RPW
    pltpu.sync_copy(zeros_hbm.at[pl.ds(r0, RPW)], agg_sh.at[pl.ds(r0, RPW)])
    plsc.subcore_barrier()

    for cid_val in range(NC):
        @pl.when(cid == cid_val)
        def _():
            start = 0 if cid_val == 0 else NCH0
            count = NCH0 if cid_val == 0 else NCH1
            for (ch0, nch_p) in _phases(start, count):
                pltpu.sync_copy(srcr_hbm.at[sid, pl.ds(ch0, nch_p)],
                                src_all.at[pl.ds(0, nch_p)])
                pltpu.sync_copy(dstr_hbm.at[sid, pl.ds(ch0, nch_p)],
                                dst_all.at[pl.ds(0, nch_p)])

                for b in range(NBUF):
                    pltpu.async_copy(g_hbm.at[src_all.at[b]], rows_v.at[b],
                                     sems[b])

                @pl.loop(0, NBUF * ((nch_p + NBUF - 1) // NBUF), step=NBUF)
                def _(k0):
                    for b in range(NBUF):
                        k = k0 + b

                        @pl.when(k < nch_p)
                        def _():
                            pltpu.make_async_copy(
                                g_hbm.at[src_all.at[k]], rows_v.at[b],
                                sems[b]).wait()
                            pltpu.sync_copy(rows_v.at[b],
                                            agg_sh.at[dst_all.at[k]],
                                            add=True)

                            @pl.when(k + NBUF < nch_p)
                            def _():
                                pltpu.async_copy(
                                    g_hbm.at[src_all.at[k + NBUF]],
                                    rows_v.at[b], sems[b])

    plsc.subcore_barrier()
    pltpu.sync_copy(agg_sh.at[pl.ds(r0, RPW)], out_hbm.at[cid, pl.ds(r0, RPW)])



def _dinv_from_counts(c):
    deg = 1.0 + c[0] + c[1]
    return lax.rsqrt(deg)


def _scale_rows(v, dinv8):
    v3 = v.reshape(8, 128, D_H)
    return (v3 * dinv8[:, :, None]).reshape(ROW_BLK, D_H)


def _g1_body(x_ref, w_ref, c_ref, o_ref):
    h = lax.dot_general(x_ref[...], w_ref[...], (((1,), (0,)), ((), ())),
                        preferred_element_type=jnp.float32,
                        precision=lax.Precision.HIGHEST)
    o_ref[...] = _scale_rows(h, _dinv_from_counts(c_ref[...]))


def _tc_g1(x, W, counts):
    return pl.pallas_call(
        _g1_body,
        grid=(GRID,),
        in_specs=[
            pl.BlockSpec((ROW_BLK, D_H), lambda i: (i, 0)),
            pl.BlockSpec((D_H, D_H), lambda i: (0, 0)),
            pl.BlockSpec((NC, 8, 128), lambda i: (0, i, 0)),
        ],
        out_specs=pl.BlockSpec((ROW_BLK, D_H), lambda i: (i, 0)),
        out_shape=jax.ShapeDtypeStruct((NPAD, D_H), jnp.float32),
    )(x, W, counts)


def _mid_body(p_ref, g_ref, c_ref, b_ref, w_ref, o_ref):
    dinv8 = _dinv_from_counts(c_ref[...])
    s = p_ref[0] + p_ref[1] + g_ref[...]
    a = jnp.maximum(_scale_rows(s, dinv8) + b_ref[...], 0.0)
    h = lax.dot_general(a, w_ref[...], (((1,), (0,)), ((), ())),
                        preferred_element_type=jnp.float32,
                        precision=lax.Precision.HIGHEST)
    o_ref[...] = _scale_rows(h, dinv8)


def _tc_mid(parts, g1, counts, b1, W2):
    return pl.pallas_call(
        _mid_body,
        grid=(GRID,),
        in_specs=[
            pl.BlockSpec((NC, ROW_BLK, D_H), lambda i: (0, i, 0)),
            pl.BlockSpec((ROW_BLK, D_H), lambda i: (i, 0)),
            pl.BlockSpec((NC, 8, 128), lambda i: (0, i, 0)),
            pl.BlockSpec((1, D_H), lambda i: (0, 0)),
            pl.BlockSpec((D_H, D_H), lambda i: (0, 0)),
        ],
        out_specs=pl.BlockSpec((ROW_BLK, D_H), lambda i: (i, 0)),
        out_shape=jax.ShapeDtypeStruct((NPAD, D_H), jnp.float32),
    )(parts, g1, counts, b1.reshape(1, D_H), W2)


def _out_body(p_ref, g_ref, c_ref, b_ref, w_ref, bc_ref, o_ref):
    dinv8 = _dinv_from_counts(c_ref[...])
    s = p_ref[0] + p_ref[1] + g_ref[...]
    a = jnp.maximum(_scale_rows(s, dinv8) + b_ref[...], 0.0)
    o_ref[...] = lax.dot_general(a, w_ref[...], (((1,), (0,)), ((), ())),
                                 preferred_element_type=jnp.float32,
                                 precision=lax.Precision.HIGHEST) + bc_ref[...]


def _tc_out(parts, g2, counts, b2, Wc, bc):
    return pl.pallas_call(
        _out_body,
        grid=(GRID,),
        in_specs=[
            pl.BlockSpec((NC, ROW_BLK, D_H), lambda i: (0, i, 0)),
            pl.BlockSpec((ROW_BLK, D_H), lambda i: (i, 0)),
            pl.BlockSpec((NC, 8, 128), lambda i: (0, i, 0)),
            pl.BlockSpec((1, D_H), lambda i: (0, 0)),
            pl.BlockSpec((D_H, D_OUT), lambda i: (0, 0)),
            pl.BlockSpec((1, D_OUT), lambda i: (0, 0)),
        ],
        out_specs=pl.BlockSpec((ROW_BLK, D_OUT), lambda i: (i, 0)),
        out_shape=jax.ShapeDtypeStruct((NPAD, D_OUT), jnp.float32),
    )(parts, g2, counts, b2.reshape(1, D_H), Wc, bc.reshape(1, D_OUT))



def kernel(x, edge_index, W1, b1, W2, b2, Wc, bc):
    src = edge_index[0]
    dst = edge_index[1]
    pad_src = jnp.arange(EP - E, dtype=jnp.int32) % N
    pad_dst = N + (jnp.arange(EP - E, dtype=jnp.int32) % (NPAD - N))
    srcr = jnp.concatenate([src, pad_src]).reshape(NS, NCHT, CHUNK)
    dstr = jnp.concatenate([dst, pad_dst]).reshape(NS, NCHT, CHUNK)
    zeros128 = jnp.zeros((NPAD, D_H), jnp.float32)
    x_pad = jnp.concatenate([x, jnp.zeros((NPAD - N, D_H), jnp.float32)])
    counts = _sc_count(dstr, zeros128)
    g1 = _tc_g1(x_pad, W1, counts)
    p1 = _sc_agg(g1, srcr, dstr, zeros128)
    g2 = _tc_mid(p1, g1, counts, b1, W2)
    p2 = _sc_agg(g2, srcr, dstr, zeros128)
    return _tc_out(p2, g2, counts, b2, Wc, bc)[:N]

# --- scband reference (transcript-rebuilt; emitter-appended) ---
"""Pipeline reference for scband-gcn-22290880266463 (READ-ONLY COPY).

The authoritative reference and input builder live on the scoring server;
editing this copy changes nothing except your own understanding.
"""

import jax, jax.numpy as jnp
import numpy as np

N = 10000
E = 320000
D_IN = 128
D_H = 128
D_OUT = 40


def setup_inputs(seed: int = 0) -> dict:
    key = jax.random.key(seed)
    ks = jax.random.split(key, 8)
    x = jax.random.normal(ks[0], (N, D_IN), dtype=jnp.float32)
    edge_index = jax.random.randint(ks[1], (2, E), 0, N, dtype=jnp.int32)
    W1 = jax.random.normal(ks[2], (D_IN, D_H), dtype=jnp.float32) * (1.0 / np.sqrt(D_IN))
    b1 = jnp.zeros((D_H,), dtype=jnp.float32)
    W2 = jax.random.normal(ks[3], (D_H, D_H), dtype=jnp.float32) * (1.0 / np.sqrt(D_H))
    b2 = jnp.zeros((D_H,), dtype=jnp.float32)
    Wc = jax.random.normal(ks[4], (D_H, D_OUT), dtype=jnp.float32) * (1.0 / np.sqrt(D_H))
    bc = jnp.zeros((D_OUT,), dtype=jnp.float32)
    return {"x": x, "edge_index": edge_index, "W1": W1, "b1": b1, "W2": W2, "b2": b2, "Wc": Wc, "bc": bc}


def _gcn_conv(x, edge_index, W, b):
    # GCNConv: x' = D^{-1/2} (A + I) D^{-1/2} X W + b  (add self loops, sym norm)
    src = edge_index[0]
    dst = edge_index[1]
    loop = jnp.arange(N, dtype=edge_index.dtype)
    src = jnp.concatenate([src, loop])
    dst = jnp.concatenate([dst, loop])
    deg = jnp.zeros((N,), dtype=x.dtype).at[dst].add(1.0)
    dinv = jnp.where(deg > 0, jax.lax.rsqrt(deg), 0.0)
    norm = dinv[src] * dinv[dst]
    h = x @ W
    msg = h[src] * norm[:, None]
    out = jnp.zeros((N, h.shape[1]), dtype=x.dtype).at[dst].add(msg)
    return out + b


def reference(x, edge_index, W1, b1, W2, b2, Wc, bc):
    h = _gcn_conv(x, edge_index, W1, b1)
    h = jax.nn.relu(h)
    # dropout is identity in eval mode (deterministic reference)
    h = _gcn_conv(h, edge_index, W2, b2)
    h = jax.nn.relu(h)
    return h @ Wc + bc

if __name__ == "__main__":
    import jax
    _d = setup_inputs()
    print(jax.jit(kernel)(*tuple(_d.values())))

</pallas_src>

<mosaic_0001>
#map = affine_map<(d0, d1) -> (0, 0)>
#map1 = affine_map<(d0, d1) -> (0, 0, 0)>
module attributes {stable_mosaic.version = 14 : i64} {
  func.func @_sc_agg(%arg0: i32, %arg1: i32, %arg2: memref<10240x128xf32, #tpu.memory_space<hbm>>, %arg3: memref<16x160x128xi32, #tpu.memory_space<hbm>>, %arg4: memref<16x160x128xi32, #tpu.memory_space<hbm>>, %arg5: memref<10240x128xf32, #tpu.memory_space<hbm>>, %arg6: memref<2x10240x128xf32, #tpu.memory_space<hbm>>, %arg7: memref<40x128xi32, #tpu.memory_space<vmem>>, %arg8: memref<40x128xi32, #tpu.memory_space<vmem>>, %arg9: memref<2x128x128xf32, #tpu.memory_space<vmem>>, %arg10: memref<10240x128xf32, #tpu.memory_space<vmem_shared>>, %arg11: memref<!tpu.dma_semaphore, #tpu.memory_space<semaphore_mem>>, %arg12: memref<!tpu.dma_semaphore, #tpu.memory_space<semaphore_mem>>) attributes {dimension_semantics = [#tpu.dimension_semantics<core_parallel>, #tpu.dimension_semantics<subcore_parallel>], iteration_bounds = array<i64: 2, 16>, scalar_prefetch = 0 : i64, scratch_operands = 6 : i64, tpu.core_type = #tpu.core_type<sc_vector_subcore>, window_params = [{transform_indices = #map}, {transform_indices = #map1}, {transform_indices = #map1}, {transform_indices = #map}, {transform_indices = #map1}]} {
    %mul3A = arith.constant 640 : i32
    %mul3A_0 = arith.muli %arg1, %mul3A : i32
    "tpu.region"() ({
      %run_scoped3A = tpu.sem_alloc : memref<!tpu.dma_semaphore, #tpu.memory_space<semaphore_mem>>
      %dma_start3A = arith.constant 0 : i32
      %dma_start3A_9 = tpu.memref_slice %arg10[%mul3A_0, %dma_start3A] : memref<10240x128xf32, #tpu.memory_space<vmem_shared>> -> memref<640x128xf32, #tpu.memory_space<vmem_shared>>
      %dma_start3A_10 = arith.constant 0 : i32
      %dma_start3A_11 = tpu.memref_slice %arg5[%mul3A_0, %dma_start3A_10] : memref<10240x128xf32, #tpu.memory_space<hbm>> -> memref<640x128xf32, #tpu.memory_space<hbm>>
      tpu.enqueue_dma source(%dma_start3A_11 : memref<640x128xf32, #tpu.memory_space<hbm>>) target(%dma_start3A_9 : memref<640x128xf32, #tpu.memory_space<vmem_shared>>) target_semaphore(%run_scoped3A : memref<!tpu.dma_semaphore, #tpu.memory_space<semaphore_mem>>)
      %dma_wait3A = arith.constant 0 : i32
      %dma_wait3A_12 = tpu.memref_slice %arg10[%mul3A_0, %dma_wait3A] : memref<10240x128xf32, #tpu.memory_space<vmem_shared>> -> memref<640x128xf32, #tpu.memory_space<vmem_shared>>
      %dma_wait3A_13 = arith.constant 0 : i32
      %dma_wait3A_14 = tpu.memref_slice %arg5[%mul3A_0, %dma_wait3A_13] : memref<10240x128xf32, #tpu.memory_space<hbm>> -> memref<640x128xf32, #tpu.memory_space<hbm>>
      tpu.wait_dma2 semaphore(%run_scoped3A : memref<!tpu.dma_semaphore, #tpu.memory_space<semaphore_mem>>) src(%dma_wait3A_14 : memref<640x128xf32, #tpu.memory_space<hbm>>) dst(%dma_wait3A_12 : memref<640x128xf32, #tpu.memory_space<vmem_shared>>)
      tpu.yield
    }) : () -> ()
    %barrier3A = arith.constant 0 : index
    tpu.barrier barrier_id(%barrier3A)
    %eq3A = arith.constant 0 : i32
    %eq3A_1 = arith.cmpi eq, %arg0, %eq3A : i32
    %convert_element_type3A = arith.extui %eq3A_1 : i1 to i32
    %cond3A = arith.constant 0 : i32
    %cond3A_2 = arith.cmpi ne, %convert_element_type3A, %cond3A : i32
    scf.if %cond3A_2 {
      "tpu.region"() ({
        %run_scoped3A = tpu.sem_alloc : memref<!tpu.dma_semaphore, #tpu.memory_space<semaphore_mem>>
        %dma_start3A_65 = arith.constant 0 : i32
        %dma_start3A_66 = arith.constant 0 : i32
        %dma_start3A_67 = tpu.memref_slice %arg7[%dma_start3A_65, %dma_start3A_66] : memref<40x128xi32, #tpu.memory_space<vmem>> -> memref<40x128xi32, #tpu.memory_space<vmem>>
        %dma_start3A_68 = arith.constant 0 : i32
        %dma_start3A_69 = arith.constant 0 : i32
        %dma_start3A_70 = tpu.memref_slice %arg3[%arg1, %dma_start3A_68, %dma_start3A_69] : memref<16x160x128xi32, #tpu.memory_space<hbm>> -> memref<1x40x128xi32, #tpu.memory_space<hbm>>
        %dma_start3A_71 = tpu.memref_squeeze %dma_start3A_70 : memref<1x40x128xi32, #tpu.memory_space<hbm>> -> memref<40x128xi32, #tpu.memory_space<hbm>>
        %dma_start3A_72 = arith.constant 0 : i32
        %dma_start3A_73 = arith.constant 0 : i32
        %dma_start3A_74 = tpu.memref_slice %arg7[%dma_start3A_72, %dma_start3A_73] : memref<40x128xi32, #tpu.memory_space<vmem>> -> memref<40x128xi32, #tpu.memory_space<vmem>>
        %dma_start3A_75 = arith.constant 0 : i32
        %dma_start3A_76 = arith.constant 0 : i32
        %dma_start3A_77 = tpu.memref_slice %arg3[%arg1, %dma_start3A_75, %dma_start3A_76] : memref<16x160x128xi32, #tpu.memory_space<hbm>> -> memref<1x40x128xi32, #tpu.memory_space<hbm>>
        %dma_start3A_78 = tpu.memref_squeeze %dma_start3A_77 : memref<1x40x128xi32, #tpu.memory_space<hbm>> -> memref<40x128xi32, #tpu.memory_space<hbm>>
        tpu.enqueue_dma source(%dma_start3A_78 : memref<40x128xi32, #tpu.memory_space<hbm>>) target(%dma_start3A_74 : memref<40x128xi32, #tpu.memory_space<vmem>>) target_semaphore(%run_scoped3A : memref<!tpu.dma_semaphore, #tpu.memory_space<semaphore_mem>>)
        %dma_wait3A = arith.constant 0 : i32
        %dma_wait3A_79 = arith.constant 0 : i32
        %dma_wait3A_80 = tpu.memref_slice %arg7[%dma_wait3A, %dma_wait3A_79] : memref<40x128xi32, #tpu.memory_space<vmem>> -> memref<40x128xi32, #tpu.memory_space<vmem>>
        %dma_wait3A_81 = arith.constant 0 : i32
        %dma_wait3A_82 = arith.constant 0 : i32
        %dma_wait3A_83 = tpu.memref_slice %arg3[%arg1, %dma_wait3A_81, %dma_wait3A_82] : memref<16x160x128xi32, #tpu.memory_space<hbm>> -> memref<1x40x128xi32, #tpu.memory_space<hbm>>
        %dma_wait3A_84 = tpu.memref_squeeze %dma_wait3A_83 : memref<1x40x128xi32, #tpu.memory_space<hbm>> -> memref<40x128xi32, #tpu.memory_space<hbm>>
        %dma_wait3A_85 = arith.constant 0 : i32
        %dma_wait3A_86 = arith.constant 0 : i32
        %dma_wait3A_87 = tpu.memref_slice %arg7[%dma_wait3A_85, %dma_wait3A_86] : memref<40x128xi32, #tpu.memory_space<vmem>> -> memref<40x128xi32, #tpu.memory_space<vmem>>
        %dma_wait3A_88 = arith.constant 0 : i32
        %dma_wait3A_89 = arith.constant 0 : i32
        %dma_wait3A_90 = tpu.memref_slice %arg3[%arg1, %dma_wait3A_88, %dma_wait3A_89] : memref<16x160x128xi32, #tpu.memory_space<hbm>> -> memref<1x40x128xi32, #tpu.memory_space<hbm>>
        %dma_wait3A_91 = tpu.memref_squeeze %dma_wait3A_90 : memref<1x40x128xi32, #tpu.memory_space<hbm>> -> memref<40x128xi32, #tpu.memory_space<hbm>>
        tpu.wait_dma2 semaphore(%run_scoped3A : memref<!tpu.dma_semaphore, #tpu.memory_space<semaphore_mem>>) src(%dma_wait3A_91 : memref<40x128xi32, #tpu.memory_space<hbm>>) dst(%dma_wait3A_87 : memref<40x128xi32, #tpu.memory_space<vmem>>)
        tpu.yield
      }) : () -> ()
      "tpu.region"() ({
        %run_scoped3A = tpu.sem_alloc : memref<!tpu.dma_semaphore, #tpu.memory_space<semaphore_mem>>
        %dma_start3A_65 = arith.constant 0 : i32
        %dma_start3A_66 = arith.constant 0 : i32
        %dma_start3A_67 = tpu.memref_slice %arg8[%dma_start3A_65, %dma_start3A_66] : memref<40x128xi32, #tpu.memory_space<vmem>> -> memref<40x128xi32, #tpu.memory_space<vmem>>
        %dma_start3A_68 = arith.constant 0 : i32
        %dma_start3A_69 = arith.constant 0 : i32
        %dma_start3A_70 = tpu.memref_slice %arg4[%arg1, %dma_start3A_68, %dma_start3A_69] : memref<16x160x128xi32, #tpu.memory_space<hbm>> -> memref<1x40x128xi32, #tpu.memory_space<hbm>>
        %dma_start3A_71 = tpu.memref_squeeze %dma_start3A_70 : memref<1x40x128xi32, #tpu.memory_space<hbm>> -> memref<40x128xi32, #tpu.memory_space<hbm>>
        %dma_start3A_72 = arith.constant 0 : i32
        %dma_start3A_73 = arith.constant 0 : i32
        %dma_start3A_74 = tpu.memref_slice %arg8[%dma_start3A_72, %dma_start3A_73] : memref<40x128xi32, #tpu.memory_space<vmem>> -> memref<40x128xi32, #tpu.memory_space<vmem>>
        %dma_start3A_75 = arith.constant 0 : i32
        %dma_start3A_76 = arith.constant 0 : i32
        %dma_start3A_77 = tpu.memref_slice %arg4[%arg1, %dma_start3A_75, %dma_start3A_76] : memref<16x160x128xi32, #tpu.memory_space<hbm>> -> memref<1x40x128xi32, #tpu.memory_space<hbm>>
        %dma_start3A_78 = tpu.memref_squeeze %dma_start3A_77 : memref<1x40x128xi32, #tpu.memory_space<hbm>> -> memref<40x128xi32, #tpu.memory_space<hbm>>
        tpu.enqueue_dma source(%dma_start3A_78 : memref<40x128xi32, #tpu.memory_space<hbm>>) target(%dma_start3A_74 : memref<40x128xi32, #tpu.memory_space<vmem>>) target_semaphore(%run_scoped3A : memref<!tpu.dma_semaphore, #tpu.memory_space<semaphore_mem>>)
        %dma_wait3A = arith.constant 0 : i32
        %dma_wait3A_79 = arith.constant 0 : i32
        %dma_wait3A_80 = tpu.memref_slice %arg8[%dma_wait3A, %dma_wait3A_79] : memref<40x128xi32, #tpu.memory_space<vmem>> -> memref<40x128xi32, #tpu.memory_space<vmem>>
        %dma_wait3A_81 = arith.constant 0 : i32
        %dma_wait3A_82 = arith.constant 0 : i32
        %dma_wait3A_83 = tpu.memref_slice %arg4[%arg1, %dma_wait3A_81, %dma_wait3A_82] : memref<16x160x128xi32, #tpu.memory_space<hbm>> -> memref<1x40x128xi32, #tpu.memory_space<hbm>>
        %dma_wait3A_84 = tpu.memref_squeeze %dma_wait3A_83 : memref<1x40x128xi32, #tpu.memory_space<hbm>> -> memref<40x128xi32, #tpu.memory_space<hbm>>
        %dma_wait3A_85 = arith.constant 0 : i32
        %dma_wait3A_86 = arith.constant 0 : i32
        %dma_wait3A_87 = tpu.memref_slice %arg8[%dma_wait3A_85, %dma_wait3A_86] : memref<40x128xi32, #tpu.memory_space<vmem>> -> memref<40x128xi32, #tpu.memory_space<vmem>>
        %dma_wait3A_88 = arith.constant 0 : i32
        %dma_wait3A_89 = arith.constant 0 : i32
        %dma_wait3A_90 = tpu.memref_slice %arg4[%arg1, %dma_wait3A_88, %dma_wait3A_89] : memref<16x160x128xi32, #tpu.memory_space<hbm>> -> memref<1x40x128xi32, #tpu.memory_space<hbm>>
        %dma_wait3A_91 = tpu.memref_squeeze %dma_wait3A_90 : memref<1x40x128xi32, #tpu.memory_space<hbm>> -> memref<40x128xi32, #tpu.memory_space<hbm>>
        tpu.wait_dma2 semaphore(%run_scoped3A : memref<!tpu.dma_semaphore, #tpu.memory_space<semaphore_mem>>) src(%dma_wait3A_91 : memref<40x128xi32, #tpu.memory_space<hbm>>) dst(%dma_wait3A_87 : memref<40x128xi32, #tpu.memory_space<vmem>>)
        tpu.yield
      }) : () -> ()
      %dma_start3A = arith.constant 0 : i32
      %dma_start3A_9 = arith.constant 0 : i32
      %dma_start3A_10 = arith.constant 0 : i32
      %dma_start3A_11 = arith.constant 0 : i32
      %dma_start3A_12 = tpu.memref_slice %arg9[%dma_start3A_9, %dma_start3A_10, %dma_start3A_11] : memref<2x128x128xf32, #tpu.memory_space<vmem>> -> memref<1x128x128xf32, #tpu.memory_space<vmem>>
      %dma_start3A_13 = tpu.memref_squeeze %dma_start3A_12 : memref<1x128x128xf32, #tpu.memory_space<vmem>> -> memref<128x128xf32, #tpu.memory_space<vmem>>
      %dma_start3A_14 = arith.constant 0 : i32
      %dma_start3A_15 = tpu.memref_slice %arg7[%dma_start3A, %dma_start3A_14] : memref<40x128xi32, #tpu.memory_space<vmem>> -> memref<1x128xi32, #tpu.memory_space<vmem>>
      %dma_start3A_16 = tpu.memref_squeeze %dma_start3A_15 : memref<1x128xi32, #tpu.memory_space<vmem>> -> memref<128xi32, #tpu.memory_space<vmem>>
      %dma_start3A_17 = arith.constant 0 : i32
      %dma_start3A_18 = arith.constant 0 : i32
      %dma_start3A_19 = tpu.memref_slice %arg2[%dma_start3A_17, %dma_start3A_18] : memref<10240x128xf32, #tpu.memory_space<hbm>> -> memref<10240x128xf32, #tpu.memory_space<hbm>>
      tpu.enqueue_indirect_dma source(%dma_start3A_19 : memref<10240x128xf32, #tpu.memory_space<hbm>>) target(%dma_start3A_13 : memref<128x128xf32, #tpu.memory_space<vmem>>) offsets(%dma_start3A_16 : memref<128xi32, #tpu.memory_space<vmem>>) semaphore(%arg11 : memref<!tpu.dma_semaphore, #tpu.memory_space<semaphore_mem>>)
      %dma_start3A_20 = arith.constant 1 : i32
      %dma_start3A_21 = arith.constant 1 : i32
      %dma_start3A_22 = arith.constant 0 : i32
      %dma_start3A_23 = arith.constant 0 : i32
      %dma_start3A_24 = tpu.memref_slice %arg9[%dma_start3A_21, %dma_start3A_22, %dma_start3A_23] : memref<2x128x128xf32, #tpu.memory_space<vmem>> -> memref<1x128x128xf32, #tpu.memory_space<vmem>>
      %dma_start3A_25 = tpu.memref_squeeze %dma_start3A_24 : memref<1x128x128xf32, #tpu.memory_space<vmem>> -> memref<128x128xf32, #tpu.memory_space<vmem>>
      %dma_start3A_26 = arith.constant 0 : i32
      %dma_start3A_27 = tpu.memref_slice %arg7[%dma_start3A_20, %dma_start3A_26] : memref<40x128xi32, #tpu.memory_space<vmem>> -> memref<1x128xi32, #tpu.memory_space<vmem>>
      %dma_start3A_28 = tpu.memref_squeeze %dma_start3A_27 : memref<1x128xi32, #tpu.memory_space<vmem>> -> memref<128xi32, #tpu.memory_space<vmem>>
      %dma_start3A_29 = arith.constant 0 : i32
      %dma_start3A_30 = arith.constant 0 : i32
      %dma_start3A_31 = tpu.memref_slice %arg2[%dma_start3A_29, %dma_start3A_30] : memref<10240x128xf32, #tpu.memory_space<hbm>> -> memref<10240x128xf32, #tpu.memory_space<hbm>>
      tpu.enqueue_indirect_dma source(%dma_start3A_31 : memref<10240x128xf32, #tpu.memory_space<hbm>>) target(%dma_start3A_25 : memref<128x128xf32, #tpu.memory_space<vmem>>) offsets(%dma_start3A_28 : memref<128xi32, #tpu.memory_space<vmem>>) semaphore(%arg12 : memref<!tpu.dma_semaphore, #tpu.memory_space<semaphore_mem>>)
      %scan3A = arith.constant 0 : i32
      %scan3A_32 = arith.constant 20 : i32
      %scan3A_33 = arith.addi %scan3A, %scan3A_32 : i32
      %scan3A_34 = arith.constant 1 : i32
      scf.for %scan3A_65 = %scan3A to %scan3A_33 step %scan3A_34  : i32 {
        %mul3A_66 = arith.constant 2 : i32
        %mul3A_67 = arith.muli %scan3A_65, %mul3A_66 : i32
        %add3A = arith.constant 0 : i32
        %add3A_68 = arith.addi %add3A, %mul3A_67 : i32
        %add3A_69 = arith.constant 0 : i32
        %add3A_70 = arith.addi %add3A_68, %add3A_69 : i32
        %lt3A = arith.constant 40 : i32
        %lt3A_71 = arith.cmpi slt, %add3A_70, %lt3A : i32
        %convert_element_type3A_72 = arith.extui %lt3A_71 : i1 to i32
        %cond3A_73 = arith.constant 0 : i32
        %cond3A_74 = arith.cmpi ne, %convert_element_type3A_72, %cond3A_73 : i32
        scf.if %cond3A_74 {
          %dma_wait3A = arith.constant 0 : i32
          %dma_wait3A_82 = arith.constant 0 : i32
          %dma_wait3A_83 = arith.constant 0 : i32
          %dma_wait3A_84 = tpu.memref_slice %arg9[%dma_wait3A, %dma_wait3A_82, %dma_wait3A_83] : memref<2x128x128xf32, #tpu.memory_space<vmem>> -> memref<1x128x128xf32, #tpu.memory_space<vmem>>
          %dma_wait3A_85 = tpu.memref_squeeze %dma_wait3A_84 : memref<1x128x128xf32, #tpu.memory_space<vmem>> -> memref<128x128xf32, #tpu.memory_space<vmem>>
          %dma_wait3A_86 = arith.constant 0 : i32
          %dma_wait3A_87 = tpu.memref_slice %arg7[%add3A_70, %dma_wait3A_86] : memref<40x128xi32, #tpu.memory_space<vmem>> -> memref<1x128xi32, #tpu.memory_space<vmem>>
          %dma_wait3A_88 = tpu.memref_squeeze %dma_wait3A_87 : memref<1x128xi32, #tpu.memory_space<vmem>> -> memref<128xi32, #tpu.memory_space<vmem>>
          %dma_wait3A_89 = arith.constant 0 : i32
          %dma_wait3A_90 = arith.constant 0 : i32
          %dma_wait3A_91 = tpu.memref_slice %arg2[%dma_wait3A_89, %dma_wait3A_90] : memref<10240x128xf32, #tpu.memory_space<hbm>> -> memref<10240x128xf32, #tpu.memory_space<hbm>>
          tpu.wait_indirect_dma semaphore(%arg11 : memref<!tpu.dma_semaphore, #tpu.memory_space<semaphore_mem>>) src(%dma_wait3A_91 : memref<10240x128xf32, #tpu.memory_space<hbm>>) dst(%dma_wait3A_85 : memref<128x128xf32, #tpu.memory_space<vmem>>)
          %run_scoped3A = arith.constant 0 : i32
          "tpu.region"() ({
            %run_scoped3A_99 = tpu.sem_alloc : memref<!tpu.dma_semaphore, #tpu.memory_space<semaphore_mem>>
            %dma_start3A_100 = arith.constant 0 : i32
            %dma_start3A_101 = arith.constant 0 : i32
            %dma_start3A_102 = tpu.memref_slice %arg9[%run_scoped3A, %dma_start3A_100, %dma_start3A_101] : memref<2x128x128xf32, #tpu.memory_space<vmem>> -> memref<1x128x128xf32, #tpu.memory_space<vmem>>
            %dma_start3A_103 = tpu.memref_squeeze %dma_start3A_102 : memref<1x128x128xf32, #tpu.memory_space<vmem>> -> memref<128x128xf32, #tpu.memory_space<vmem>>
            %dma_start3A_104 = arith.constant 0 : i32
            %dma_start3A_105 = tpu.memref_slice %arg8[%add3A_70, %dma_start3A_104] : memref<40x128xi32, #tpu.memory_space<vmem>> -> memref<1x128xi32, #tpu.memory_space<vmem>>
            %dma_start3A_106 = tpu.memref_squeeze %dma_start3A_105 : memref<1x128xi32, #tpu.memory_space<vmem>> -> memref<128xi32, #tpu.memory_space<vmem>>
            %dma_start3A_107 = arith.constant 0 : i32
            %dma_start3A_108 = arith.constant 0 : i32
            %dma_start3A_109 = tpu.memref_slice %arg10[%dma_start3A_107, %dma_start3A_108] : memref<10240x128xf32, #tpu.memory_space<vmem_shared>> -> memref<10240x128xf32, #tpu.memory_space<vmem_shared>>
            tpu.enqueue_indirect_dma source(%dma_start3A_103 : memref<128x128xf32, #tpu.memory_space<vmem>>) target(%dma_start3A_109 : memref<10240x128xf32, #tpu.memory_space<vmem_shared>>) offsets(%dma_start3A_106 : memref<128xi32, #tpu.memory_space<vmem>>) semaphore(%run_scoped3A_99 : memref<!tpu.dma_semaphore, #tpu.memory_space<semaphore_mem>>) {add = true}
            %dma_wait3A_110 = arith.constant 0 : i32
            %dma_wait3A_111 = arith.constant 0 : i32
            %dma_wait3A_112 = tpu.memref_slice %arg9[%run_scoped3A, %dma_wait3A_110, %dma_wait3A_111] : memref<2x128x128xf32, #tpu.memory_space<vmem>> -> memref<1x128x128xf32, #tpu.memory_space<vmem>>
            %dma_wait3A_113 = tpu.memref_squeeze %dma_wait3A_112 : memref<1x128x128xf32, #tpu.memory_space<vmem>> -> memref<128x128xf32, #tpu.memory_space<vmem>>
            %dma_wait3A_114 = arith.constant 0 : i32
            %dma_wait3A_115 = tpu.memref_slice %arg8[%add3A_70, %dma_wait3A_114] : memref<40x128xi32, #tpu.memory_space<vmem>> -> memref<1x128xi32, #tpu.memory_space<vmem>>
            %dma_wait3A_116 = tpu.memref_squeeze %dma_wait3A_115 : memref<1x128xi32, #tpu.memory_space<vmem>> -> memref<128xi32, #tpu.memory_space<vmem>>
            %dma_wait3A_117 = arith.constant 0 : i32
            %dma_wait3A_118 = arith.constant 0 : i32
            %dma_wait3A_119 = tpu.memref_slice %arg10[%dma_wait3A_117, %dma_wait3A_118] : memref<10240x128xf32, #tpu.memory_space<vmem_shared>> -> memref<10240x128xf32, #tpu.memory_space<vmem_shared>>
            tpu.wait_indirect_dma semaphore(%run_scoped3A_99 : memref<!tpu.dma_semaphore, #tpu.memory_space<semaphore_mem>>) src(%dma_wait3A_113 : memref<128x128xf32, #tpu.memory_space<vmem>>) dst(%dma_wait3A_119 : memref<10240x128xf32, #tpu.memory_space<vmem_shared>>)
            tpu.yield
          }) : () -> ()
          %add3A_92 = arith.constant 2 : i32
          %add3A_93 = arith.addi %add3A_70, %add3A_92 : i32
          %lt3A_94 = arith.constant 40 : i32
          %lt3A_95 = arith.cmpi slt, %add3A_93, %lt3A_94 : i32
          %convert_element_type3A_96 = arith.extui %lt3A_95 : i1 to i32
          %cond3A_97 = arith.constant 0 : i32
          %cond3A_98 = arith.cmpi ne, %convert_element_type3A_96, %cond3A_97 : i32
          scf.if %cond3A_98 {
            %add3A_99 = arith.constant 2 : i32
            %add3A_100 = arith.addi %add3A_70, %add3A_99 : i32
            %dma_start3A_101 = arith.constant 0 : i32
            %dma_start3A_102 = arith.constant 0 : i32
            %dma_start3A_103 = arith.constant 0 : i32
            %dma_start3A_104 = tpu.memref_slice %arg9[%dma_start3A_101, %dma_start3A_102, %dma_start3A_103] : memref<2x128x128xf32, #tpu.memory_space<vmem>> -> memref<1x128x128xf32, #tpu.memory_space<vmem>>
            %dma_start3A_105 = tpu.memref_squeeze %dma_start3A_104 : memref<1x128x128xf32, #tpu.memory_space<vmem>> -> memref<128x128xf32, #tpu.memory_space<vmem>>
            %dma_start3A_106 = arith.constant 0 : i32
            %dma_start3A_107 = tpu.memref_slice %arg7[%add3A_100, %dma_start3A_106] : memref<40x128xi32, #tpu.memory_space<vmem>> -> memref<1x128xi32, #tpu.memory_space<vmem>>
            %dma_start3A_108 = tpu.memref_squeeze %dma_start3A_107 : memref<1x128xi32, #tpu.memory_space<vmem>> -> memref<128xi32, #tpu.memory_space<vmem>>
            %dma_start3A_109 = arith.constant 0 : i32
            %dma_start3A_110 = arith.constant 0 : i32
            %dma_start3A_111 = tpu.memref_slice %arg2[%dma_start3A_109, %dma_start3A_110] : memref<10240x128xf32, #tpu.memory_space<hbm>> -> memref<10240x128xf32, #tpu.memory_space<hbm>>
            tpu.enqueue_indirect_dma source(%dma_start3A_111 : memref<10240x128xf32, #tpu.memory_space<hbm>>) target(%dma_start3A_105 : memref<128x128xf32, #tpu.memory_space<vmem>>) offsets(%dma_start3A_108 : memref<128xi32, #tpu.memory_space<vmem>>) semaphore(%arg11 : memref<!tpu.dma_semaphore, #tpu.memory_space<semaphore_mem>>)
          } else {
          }
        } else {
        }
        %add3A_75 = arith.constant 1 : i32
        %add3A_76 = arith.addi %add3A_68, %add3A_75 : i32
        %lt3A_77 = arith.constant 40 : i32
        %lt3A_78 = arith.cmpi slt, %add3A_76, %lt3A_77 : i32
        %convert_element_type3A_79 = arith.extui %lt3A_78 : i1 to i32
        %cond3A_80 = arith.constant 0 : i32
        %cond3A_81 = arith.cmpi ne, %convert_element_type3A_79, %cond3A_80 : i32
        scf.if %cond3A_81 {
          %dma_wait3A = arith.constant 1 : i32
          %dma_wait3A_82 = arith.constant 0 : i32
          %dma_wait3A_83 = arith.constant 0 : i32
          %dma_wait3A_84 = tpu.memref_slice %arg9[%dma_wait3A, %dma_wait3A_82, %dma_wait3A_83] : memref<2x128x128xf32, #tpu.memory_space<vmem>> -> memref<1x128x128xf32, #tpu.memory_space<vmem>>
          %dma_wait3A_85 = tpu.memref_squeeze %dma_wait3A_84 : memref<1x128x128xf32, #tpu.memory_space<vmem>> -> memref<128x128xf32, #tpu.memory_space<vmem>>
          %dma_wait3A_86 = arith.constant 0 : i32
          %dma_wait3A_87 = tpu.memref_slice %arg7[%add3A_76, %dma_wait3A_86] : memref<40x128xi32, #tpu.memory_space<vmem>> -> memref<1x128xi32, #tpu.memory_space<vmem>>
          %dma_wait3A_88 = tpu.memref_squeeze %dma_wait3A_87 : memref<1x128xi32, #tpu.memory_space<vmem>> -> memref<128xi32, #tpu.memory_space<vmem>>
          %dma_wait3A_89 = arith.constant 0 : i32
          %dma_wait3A_90 = arith.constant 0 : i32
          %dma_wait3A_91 = tpu.memref_slice %arg2[%dma_wait3A_89, %dma_wait3A_90] : memref<10240x128xf32, #tpu.memory_space<hbm>> -> memref<10240x128xf32, #tpu.memory_space<hbm>>
          tpu.wait_indirect_dma semaphore(%arg12 : memref<!tpu.dma_semaphore, #tpu.memory_space<semaphore_mem>>) src(%dma_wait3A_91 : memref<10240x128xf32, #tpu.memory_space<hbm>>) dst(%dma_wait3A_85 : memref<128x128xf32, #tpu.memory_space<vmem>>)
          %run_scoped3A = arith.constant 1 : i32
          "tpu.region"() ({
            %run_scoped3A_99 = tpu.sem_alloc : memref<!tpu.dma_semaphore, #tpu.memory_space<semaphore_mem>>
            %dma_start3A_100 = arith.constant 0 : i32
            %dma_start3A_101 = arith.constant 0 : i32
            %dma_start3A_102 = tpu.memref_slice %arg9[%run_scoped3A, %dma_start3A_100, %dma_start3A_101] : memref<2x128x128xf32, #tpu.memory_space<vmem>> -> memref<1x128x128xf32, #tpu.memory_space<vmem>>
            %dma_start3A_103 = tpu.memref_squeeze %dma_start3A_102 : memref<1x128x128xf32, #tpu.memory_space<vmem>> -> memref<128x128xf32, #tpu.memory_space<vmem>>
            %dma_start3A_104 = arith.constant 0 : i32
            %dma_start3A_105 = tpu.memref_slice %arg8[%add3A_76, %dma_start3A_104] : memref<40x128xi32, #tpu.memory_space<vmem>> -> memref<1x128xi32, #tpu.memory_space<vmem>>
            %dma_start3A_106 = tpu.memref_squeeze %dma_start3A_105 : memref<1x128xi32, #tpu.memory_space<vmem>> -> memref<128xi32, #tpu.memory_space<vmem>>
            %dma_start3A_107 = arith.constant 0 : i32
            %dma_start3A_108 = arith.constant 0 : i32
            %dma_start3A_109 = tpu.memref_slice %arg10[%dma_start3A_107, %dma_start3A_108] : memref<10240x128xf32, #tpu.memory_space<vmem_shared>> -> memref<10240x128xf32, #tpu.memory_space<vmem_shared>>
            tpu.enqueue_indirect_dma source(%dma_start3A_103 : memref<128x128xf32, #tpu.memory_space<vmem>>) target(%dma_start3A_109 : memref<10240x128xf32, #tpu.memory_space<vmem_shared>>) offsets(%dma_start3A_106 : memref<128xi32, #tpu.memory_space<vmem>>) semaphore(%run_scoped3A_99 : memref<!tpu.dma_semaphore, #tpu.memory_space<semaphore_mem>>) {add = true}
            %dma_wait3A_110 = arith.constant 0 : i32
            %dma_wait3A_111 = arith.constant 0 : i32
            %dma_wait3A_112 = tpu.memref_slice %arg9[%run_scoped3A, %dma_wait3A_110, %dma_wait3A_111] : memref<2x128x128xf32, #tpu.memory_space<vmem>> -> memref<1x128x128xf32, #tpu.memory_space<vmem>>
            %dma_wait3A_113 = tpu.memref_squeeze %dma_wait3A_112 : memref<1x128x128xf32, #tpu.memory_space<vmem>> -> memref<128x128xf32, #tpu.memory_space<vmem>>
            %dma_wait3A_114 = arith.constant 0 : i32
            %dma_wait3A_115 = tpu.memref_slice %arg8[%add3A_76, %dma_wait3A_114] : memref<40x128xi32, #tpu.memory_space<vmem>> -> memref<1x128xi32, #tpu.memory_space<vmem>>
            %dma_wait3A_116 = tpu.memref_squeeze %dma_wait3A_115 : memref<1x128xi32, #tpu.memory_space<vmem>> -> memref<128xi32, #tpu.memory_space<vmem>>
            %dma_wait3A_117 = arith.constant 0 : i32
            %dma_wait3A_118 = arith.constant 0 : i32
            %dma_wait3A_119 = tpu.memref_slice %arg10[%dma_wait3A_117, %dma_wait3A_118] : memref<10240x128xf32, #tpu.memory_space<vmem_shared>> -> memref<10240x128xf32, #tpu.memory_space<vmem_shared>>
            tpu.wait_indirect_dma semaphore(%run_scoped3A_99 : memref<!tpu.dma_semaphore, #tpu.memory_space<semaphore_mem>>) src(%dma_wait3A_113 : memref<128x128xf32, #tpu.memory_space<vmem>>) dst(%dma_wait3A_119 : memref<10240x128xf32, #tpu.memory_space<vmem_shared>>)
            tpu.yield
          }) : () -> ()
          %add3A_92 = arith.constant 2 : i32
          %add3A_93 = arith.addi %add3A_76, %add3A_92 : i32
          %lt3A_94 = arith.constant 40 : i32
          %lt3A_95 = arith.cmpi slt, %add3A_93, %lt3A_94 : i32
          %convert_element_type3A_96 = arith.extui %lt3A_95 : i1 to i32
          %cond3A_97 = arith.constant 0 : i32
          %cond3A_98 = arith.cmpi ne, %convert_element_type3A_96, %cond3A_97 : i32
          scf.if %cond3A_98 {
            %add3A_99 = arith.constant 2 : i32
            %add3A_100 = arith.addi %add3A_76, %add3A_99 : i32
            %dma_start3A_101 = arith.constant 1 : i32
            %dma_start3A_102 = arith.constant 0 : i32
            %dma_start3A_103 = arith.constant 0 : i32
            %dma_start3A_104 = tpu.memref_slice %arg9[%dma_start3A_101, %dma_start3A_102, %dma_start3A_103] : memref<2x128x128xf32, #tpu.memory_space<vmem>> -> memref<1x128x128xf32, #tpu.memory_space<vmem>>
            %dma_start3A_105 = tpu.memref_squeeze %dma_start3A_104 : memref<1x128x128xf32, #tpu.memory_space<vmem>> -> memref<128x128xf32, #tpu.memory_space<vmem>>
            %dma_start3A_106 = arith.constant 0 : i32
            %dma_start3A_107 = tpu.memref_slice %arg7[%add3A_100, %dma_start3A_106] : memref<40x128xi32, #tpu.memory_space<vmem>> -> memref<1x128xi32, #tpu.memory_space<vmem>>
            %dma_start3A_108 = tpu.memref_squeeze %dma_start3A_107 : memref<1x128xi32, #tpu.memory_space<vmem>> -> memref<128xi32, #tpu.memory_space<vmem>>
            %dma_start3A_109 = arith.constant 0 : i32
            %dma_start3A_110 = arith.constant 0 : i32
            %dma_start3A_111 = tpu.memref_slice %arg2[%dma_start3A_109, %dma_start3A_110] : memref<10240x128xf32, #tpu.memory_space<hbm>> -> memref<10240x128xf32, #tpu.memory_space<hbm>>
            tpu.enqueue_indirect_dma source(%dma_start3A_111 : memref<10240x128xf32, #tpu.memory_space<hbm>>) target(%dma_start3A_105 : memref<128x128xf32, #tpu.memory_space<vmem>>) offsets(%dma_start3A_108 : memref<128xi32, #tpu.memory_space<vmem>>) semaphore(%arg12 : memref<!tpu.dma_semaphore, #tpu.memory_space<semaphore_mem>>)
          } else {
          }
        } else {
        }
      }
      %scan3A_35 = arith.constant 20 : i32
      "tpu.region"() ({
        %run_scoped3A = tpu.sem_alloc : memref<!tpu.dma_semaphore, #tpu.memory_space<semaphore_mem>>
        %dma_start3A_65 = arith.constant 0 : i32
        %dma_start3A_66 = arith.constant 0 : i32
        %dma_start3A_67 = tpu.memref_slice %arg7[%dma_start3A_65, %dma_start3A_66] : memref<40x128xi32, #tpu.memory_space<vmem>> -> memref<40x128xi32, #tpu.memory_space<vmem>>
        %dma_start3A_68 = arith.constant 40 : i32
        %dma_start3A_69 = arith.constant 0 : i32
        %dma_start3A_70 = tpu.memref_slice %arg3[%arg1, %dma_start3A_68, %dma_start3A_69] : memref<16x160x128xi32, #tpu.memory_space<hbm>> -> memref<1x40x128xi32, #tpu.memory_space<hbm>>
        %dma_start3A_71 = tpu.memref_squeeze %dma_start3A_70 : memref<1x40x128xi32, #tpu.memory_space<hbm>> -> memref<40x128xi32, #tpu.memory_space<hbm>>
        %dma_start3A_72 = arith.constant 0 : i32
        %dma_start3A_73 = arith.constant 0 : i32
        %dma_start3A_74 = tpu.memref_slice %arg7[%dma_start3A_72, %dma_start3A_73] : memref<40x128xi32, #tpu.memory_space<vmem>> -> memref<40x128xi32, #tpu.memory_space<vmem>>
        %dma_start3A_75 = arith.constant 40 : i32
        %dma_start3A_76 = arith.constant 0 : i32
        %dma_start3A_77 = tpu.memref_slice %arg3[%arg1, %dma_start3A_75, %dma_start3A_76] : memref<16x160x128xi32, #tpu.memory_space<hbm>> -> memref<1x40x128xi32, #tpu.memory_space<hbm>>
        %dma_start3A_78 = tpu.memref_squeeze %dma_start3A_77 : memref<1x40x128xi32, #tpu.memory_space<hbm>> -> memref<40x128xi32, #tpu.memory_space<hbm>>
        tpu.enqueue_dma source(%dma_start3A_78 : memref<40x128xi32, #tpu.memory_space<hbm>>) target(%dma_start3A_74 : memref<40x128xi32, #tpu.memory_space<vmem>>) target_semaphore(%run_scoped3A : memref<!tpu.dma_semaphore, #tpu.memory_space<semaphore_mem>>)
        %dma_wait3A = arith.constant 0 : i32
        %dma_wait3A_79 = arith.constant 0 : i32
        %dma_wait3A_80 = tpu.memref_slice %arg7[%dma_wait3A, %dma_wait3A_79] : memref<40x128xi32, #tpu.memory_space<vmem>> -> memref<40x128xi32, #tpu.memory_space<vmem>>
        %dma_wait3A_81 = arith.constant 40 : i32
        %dma_wait3A_82 = arith.constant 0 : i32
        %dma_wait3A_83 = tpu.memref_slice %arg3[%arg1, %dma_wait3A_81, %dma_wait3A_82] : memref<16x160x128xi32, #tpu.memory_space<hbm>> -> memref<1x40x128xi32, #tpu.memory_space<hbm>>
        %dma_wait3A_84 = tpu.memref_squeeze %dma_wait3A_83 : memref<1x40x128xi32, #tpu.memory_space<hbm>> -> memref<40x128xi32, #tpu.memory_space<hbm>>
        %dma_wait3A_85 = arith.constant 0 : i32
        %dma_wait3A_86 = arith.constant 0 : i32
        %dma_wait3A_87 = tpu.memref_slice %arg7[%dma_wait3A_85, %dma_wait3A_86] : memref<40x128xi32, #tpu.memory_space<vmem>> -> memref<40x128xi32, #tpu.memory_space<vmem>>
        %dma_wait3A_88 = arith.constant 40 : i32
        %dma_wait3A_89 = arith.constant 0 : i32
        %dma_wait3A_90 = tpu.memref_slice %arg3[%arg1, %dma_wait3A_88, %dma_wait3A_89] : memref<16x160x128xi32, #tpu.memory_space<hbm>> -> memref<1x40x128xi32, #tpu.memory_space<hbm>>
        %dma_wait3A_91 = tpu.memref_squeeze %dma_wait3A_90 : memref<1x40x128xi32, #tpu.memory_space<hbm>> -> memref<40x128xi32, #tpu.memory_space<hbm>>
        tpu.wait_dma2 semaphore(%run_scoped3A : memref<!tpu.dma_semaphore, #tpu.memory_space<semaphore_mem>>) src(%dma_wait3A_91 : memref<40x128xi32, #tpu.memory_space<hbm>>) dst(%dma_wait3A_87 : memref<40x128xi32, #tpu.memory_space<vmem>>)
        tpu.yield
      }) : () -> ()
      "tpu.region"() ({
        %run_scoped3A = tpu.sem_alloc : memref<!tpu.dma_semaphore, #tpu.memory_space<semaphore_mem>>
        %dma_start3A_65 = arith.constant 0 : i32
        %dma_start3A_66 = arith.constant 0 : i32
        %dma_start3A_67 = tpu.memref_slice %arg8[%dma_start3A_65, %dma_start3A_66] : memref<40x128xi32, #tpu.memory_space<vmem>> -> memref<40x128xi32, #tpu.memory_space<vmem>>
        %dma_start3A_68 = arith.constant 40 : i32
        %dma_start3A_69 = arith.constant 0 : i32
        %dma_start3A_70 = tpu.memref_slice %arg4[%arg1, %dma_start3A_68, %dma_start3A_69] : memref<16x160x128xi32, #tpu.memory_space<hbm>> -> memref<1x40x128xi32, #tpu.memory_space<hbm>>
        %dma_start3A_71 = tpu.memref_squeeze %dma_start3A_70 : memref<1x40x128xi32, #tpu.memory_space<hbm>> -> memref<40x128xi32, #tpu.memory_space<hbm>>
        %dma_start3A_72 = arith.constant 0 : i32
        %dma_start3A_73 = arith.constant 0 : i32
        %dma_start3A_74 = tpu.memref_slice %arg8[%dma_start3A_72, %dma_start3A_73] : memref<40x128xi32, #tpu.memory_space<vmem>> -> memref<40x128xi32, #tpu.memory_space<vmem>>
        %dma_start3A_75 = arith.constant 40 : i32
        %dma_start3A_76 = arith.constant 0 : i32
        %dma_start3A_77 = tpu.memref_slice %arg4[%arg1, %dma_start3A_75, %dma_start3A_76] : memref<16x160x128xi32, #tpu.memory_space<hbm>> -> memref<1x40x128xi32, #tpu.memory_space<hbm>>
        %dma_start3A_78 = tpu.memref_squeeze %dma_start3A_77 : memref<1x40x128xi32, #tpu.memory_space<hbm>> -> memref<40x128xi32, #tpu.memory_space<hbm>>
        tpu.enqueue_dma source(%dma_start3A_78 : memref<40x128xi32, #tpu.memory_space<hbm>>) target(%dma_start3A_74 : memref<40x128xi32, #tpu.memory_space<vmem>>) target_semaphore(%run_scoped3A : memref<!tpu.dma_semaphore, #tpu.memory_space<semaphore_mem>>)
        %dma_wait3A = arith.constant 0 : i32
        %dma_wait3A_79 = arith.constant 0 : i32
        %dma_wait3A_80 = tpu.memref_slice %arg8[%dma_wait3A, %dma_wait3A_79] : memref<40x128xi32, #tpu.memory_space<vmem>> -> memref<40x128xi32, #tpu.memory_space<vmem>>
        %dma_wait3A_81 = arith.constant 40 : i32
        %dma_wait3A_82 = arith.constant 0 : i32
        %dma_wait3A_83 = tpu.memref_slice %arg4[%arg1, %dma_wait3A_81, %dma_wait3A_82] : memref<16x160x128xi32, #tpu.memory_space<hbm>> -> memref<1x40x128xi32, #tpu.memory_space<hbm>>
        %dma_wait3A_84 = tpu.memref_squeeze %dma_wait3A_83 : memref<1x40x128xi32, #tpu.memory_space<hbm>> -> memref<40x128xi32, #tpu.memory_space<hbm>>
        %dma_wait3A_85 = arith.constant 0 : i32
        %dma_wait3A_86 = arith.constant 0 : i32
        %dma_wait3A_87 = tpu.memref_slice %arg8[%dma_wait3A_85, %dma_wait3A_86] : memref<40x128xi32, #tpu.memory_space<vmem>> -> memref<40x128xi32, #tpu.memory_space<vmem>>
        %dma_wait3A_88 = arith.constant 40 : i32
        %dma_wait3A_89 = arith.constant 0 : i32
        %dma_wait3A_90 = tpu.memref_slice %arg4[%arg1, %dma_wait3A_88, %dma_wait3A_89] : memref<16x160x128xi32, #tpu.memory_space<hbm>> -> memref<1x40x128xi32, #tpu.memory_space<hbm>>
        %dma_wait3A_91 = tpu.memref_squeeze %dma_wait3A_90 : memref<1x40x128xi32, #tpu.memory_space<hbm>> -> memref<40x128xi32, #tpu.memory_space<hbm>>
        tpu.wait_dma2 semaphore(%run_scoped3A : memref<!tpu.dma_semaphore, #tpu.memory_space<semaphore_mem>>) src(%dma_wait3A_91 : memref<40x128xi32, #tpu.memory_space<hbm>>) dst(%dma_wait3A_87 : memref<40x128xi32, #tpu.memory_space<vmem>>)
        tpu.yield
      }) : () -> ()
      %dma_start3A_36 = arith.constant 0 : i32
      %dma_start3A_37 = arith.constant 0 : i32
      %dma_start3A_38 = arith.constant 0 : i32
      %dma_start3A_39 = arith.constant 0 : i32
      %dma_start3A_40 = tpu.memref_slice %arg9[%dma_start3A_37, %dma_start3A_38, %dma_start3A_39] : memref<2x128x128xf32, #tpu.memory_space<vmem>> -> memref<1x128x128xf32, #tpu.memory_space<vmem>>
      %dma_start3A_41 = tpu.memref_squeeze %dma_start3A_40 : memref<1x128x128xf32, #tpu.memory_space<vmem>> -> memref<128x128xf32, #tpu.memory_space<vmem>>
      %dma_start3A_42 = arith.constant 0 : i32
      %dma_start3A_43 = tpu.memref_slice %arg7[%dma_start3A_36, %dma_start3A_42] : memref<40x128xi32, #tpu.memory_space<vmem>> -> memref<1x128xi32, #tpu.memory_space<vmem>>
      %dma_start3A_44 = tpu.memref_squeeze %dma_start3A_43 : memref<1x128xi32, #tpu.memory_space<vmem>> -> memref<128xi32, #tpu.memory_space<vmem>>
      %dma_start3A_45 = arith.constant 0 : i32
      %dma_start3A_46 = arith.constant 0 : i32
      %dma_start3A_47 = tpu.memref_slice %arg2[%dma_start3A_45, %dma_start3A_46] : memref<10240x128xf32, #tpu.memory_space<hbm>> -> memref<10240x128xf32, #tpu.memory_space<hbm>>
      tpu.enqueue_indirect_dma source(%dma_start3A_47 : memref<10240x128xf32, #tpu.memory_space<hbm>>) target(%dma_start3A_41 : memref<128x128xf32, #tpu.memory_space<vmem>>) offsets(%dma_start3A_44 : memref<128xi32, #tpu.memory_space<vmem>>) semaphore(%arg11 : memref<!tpu.dma_semaphore, #tpu.memory_space<semaphore_mem>>)
      %dma_start3A_48 = arith.constant 1 : i32
      %dma_start3A_49 = arith.constant 1 : i32
      %dma_start3A_50 = arith.constant 0 : i32
      %dma_start3A_51 = arith.constant 0 : i32
      %dma_start3A_52 = tpu.memref_slice %arg9[%dma_start3A_49, %dma_start3A_50, %dma_start3A_51] : memref<2x128x128xf32, #tpu.memory_space<vmem>> -> memref<1x128x128xf32, #tpu.memory_space<vmem>>
      %dma_start3A_53 = tpu.memref_squeeze %dma_start3A_52 : memref<1x128x128xf32, #tpu.memory_space<vmem>> -> memref<128x128xf32, #tpu.memory_space<vmem>>
      %dma_start3A_54 = arith.constant 0 : i32
      %dma_start3A_55 = tpu.memref_slice %arg7[%dma_start3A_48, %dma_start3A_54] : memref<40x128xi32, #tpu.memory_space<vmem>> -> memref<1x128xi32, #tpu.memory_space<vmem>>
      %dma_start3A_56 = tpu.memref_squeeze %dma_start3A_55 : memref<1x128xi32, #tpu.memory_space<vmem>> -> memref<128xi32, #tpu.memory_space<vmem>>
      %dma_start3A_57 = arith.constant 0 : i32
      %dma_start3A_58 = arith.constant 0 : i32
      %dma_start3A_59 = tpu.memref_slice %arg2[%dma_start3A_57, %dma_start3A_58] : memref<10240x128xf32, #tpu.memory_space<hbm>> -> memref<10240x128xf32, #tpu.memory_space<hbm>>
      tpu.enqueue_indirect_dma source(%dma_start3A_59 : memref<10240x128xf32, #tpu.memory_space<hbm>>) target(%dma_start3A_53 : memref<128x128xf32, #tpu.memory_space<vmem>>) offsets(%dma_start3A_56 : memref<128xi32, #tpu.memory_space<vmem>>) semaphore(%arg12 : memref<!tpu.dma_semaphore, #tpu.memory_space<semaphore_mem>>)
      %scan3A_60 = arith.constant 0 : i32
      %scan3A_61 = arith.constant 20 : i32
      %scan3A_62 = arith.addi %scan3A_60, %scan3A_61 : i32
      %scan3A_63 = arith.constant 1 : i32
      scf.for %scan3A_65 = %scan3A_60 to %scan3A_62 step %scan3A_63  : i32 {
        %mul3A_66 = arith.constant 2 : i32
        %mul3A_67 = arith.muli %scan3A_65, %mul3A_66 : i32
        %add3A = arith.constant 0 : i32
        %add3A_68 = arith.addi %add3A, %mul3A_67 : i32
        %add3A_69 = arith.constant 0 : i32
        %add3A_70 = arith.addi %add3A_68, %add3A_69 : i32
        %lt3A = arith.constant 40 : i32
        %lt3A_71 = arith.cmpi slt, %add3A_70, %lt3A : i32
        %convert_element_type3A_72 = arith.extui %lt3A_71 : i1 to i32
        %cond3A_73 = arith.constant 0 : i32
        %cond3A_74 = arith.cmpi ne, %convert_element_type3A_72, %cond3A_73 : i32
        scf.if %cond3A_74 {
          %dma_wait3A = arith.constant 0 : i32
          %dma_wait3A_82 = arith.constant 0 : i32
          %dma_wait3A_83 = arith.constant 0 : i32
          %dma_wait3A_84 = tpu.memref_slice %arg9[%dma_wait3A, %dma_wait3A_82, %dma_wait3A_83] : memref<2x128x128xf32, #tpu.memory_space<vmem>> -> memref<1x128x128xf32, #tpu.memory_space<vmem>>
          %dma_wait3A_85 = tpu.memref_squeeze %dma_wait3A_84 : memref<1x128x128xf32, #tpu.memory_space<vmem>> -> memref<128x128xf32, #tpu.memory_space<vmem>>
          %dma_wait3A_86 = arith.constant 0 : i32
          %dma_wait3A_87 = tpu.memref_slice %arg7[%add3A_70, %dma_wait3A_86] : memref<40x128xi32, #tpu.memory_space<vmem>> -> memref<1x128xi32, #tpu.memory_space<vmem>>
          %dma_wait3A_88 = tpu.memref_squeeze %dma_wait3A_87 : memref<1x128xi32, #tpu.memory_space<vmem>> -> memref<128xi32, #tpu.memory_space<vmem>>
          %dma_wait3A_89 = arith.constant 0 : i32
          %dma_wait3A_90 = arith.constant 0 : i32
          %dma_wait3A_91 = tpu.memref_slice %arg2[%dma_wait3A_89, %dma_wait3A_90] : memref<10240x128xf32, #tpu.memory_space<hbm>> -> memref<10240x128xf32, #tpu.memory_space<hbm>>
          tpu.wait_indirect_dma semaphore(%arg11 : memref<!tpu.dma_semaphore, #tpu.memory_space<semaphore_mem>>) src(%dma_wait3A_91 : memref<10240x128xf32, #tpu.memory_space<hbm>>) dst(%dma_wait3A_85 : memref<128x128xf32, #tpu.memory_space<vmem>>)
          %run_scoped3A = arith.constant 0 : i32
          "tpu.region"() ({
            %run_scoped3A_99 = tpu.sem_alloc : memref<!tpu.dma_semaphore, #tpu.memory_space<semaphore_mem>>
            %dma_start3A_100 = arith.constant 0 : i32
            %dma_start3A_101 = arith.constant 0 : i32
            %dma_start3A_102 = tpu.memref_slice %arg9[%run_scoped3A, %dma_start3A_100, %dma_start3A_101] : memref<2x128x128xf32, #tpu.memory_space<vmem>> -> memref<1x128x128xf32, #tpu.memory_space<vmem>>
            %dma_start3A_103 = tpu.memref_squeeze %dma_start3A_102 : memref<1x128x128xf32, #tpu.memory_space<vmem>> -> memref<128x128xf32, #tpu.memory_space<vmem>>
            %dma_start3A_104 = arith.constant 0 : i32
            %dma_start3A_105 = tpu.memref_slice %arg8[%add3A_70, %dma_start3A_104] : memref<40x128xi32, #tpu.memory_space<vmem>> -> memref<1x128xi32, #tpu.memory_space<vmem>>
            %dma_start3A_106 = tpu.memref_squeeze %dma_start3A_105 : memref<1x128xi32, #tpu.memory_space<vmem>> -> memref<128xi32, #tpu.memory_space<vmem>>
            %dma_start3A_107 = arith.constant 0 : i32
            %dma_start3A_108 = arith.constant 0 : i32
            %dma_start3A_109 = tpu.memref_slice %arg10[%dma_start3A_107, %dma_start3A_108] : memref<10240x128xf32, #tpu.memory_space<vmem_shared>> -> memref<10240x128xf32, #tpu.memory_space<vmem_shared>>
            tpu.enqueue_indirect_dma source(%dma_start3A_103 : memref<128x128xf32, #tpu.memory_space<vmem>>) target(%dma_start3A_109 : memref<10240x128xf32, #tpu.memory_space<vmem_shared>>) offsets(%dma_start3A_106 : memref<128xi32, #tpu.memory_space<vmem>>) semaphore(%run_scoped3A_99 : memref<!tpu.dma_semaphore, #tpu.memory_space<semaphore_mem>>) {add = true}
            %dma_wait3A_110 = arith.constant 0 : i32
            %dma_wait3A_111 = arith.constant 0 : i32
            %dma_wait3A_112 = tpu.memref_slice %arg9[%run_scoped3A, %dma_wait3A_110, %dma_wait3A_111] : memref<2x128x128xf32, #tpu.memory_space<vmem>> -> memref<1x128x128xf32, #tpu.memory_space<vmem>>
            %dma_wait3A_113 = tpu.memref_squeeze %dma_wait3A_112 : memref<1x128x128xf32, #tpu.memory_space<vmem>> -> memref<128x128xf32, #tpu.memory_space<vmem>>
            %dma_wait3A_114 = arith.constant 0 : i32
            %dma_wait3A_115 = tpu.memref_slice %arg8[%add3A_70, %dma_wait3A_114] : memref<40x128xi32, #tpu.memory_space<vmem>> -> memref<1x128xi32, #tpu.memory_space<vmem>>
            %dma_wait3A_116 = tpu.memref_squeeze %dma_wait3A_115 : memref<1x128xi32, #tpu.memory_space<vmem>> -> memref<128xi32, #tpu.memory_space<vmem>>
            %dma_wait3A_117 = arith.constant 0 : i32
            %dma_wait3A_118 = arith.constant 0 : i32
            %dma_wait3A_119 = tpu.memref_slice %arg10[%dma_wait3A_117, %dma_wait3A_118] : memref<10240x128xf32, #tpu.memory_space<vmem_shared>> -> memref<10240x128xf32, #tpu.memory_space<vmem_shared>>
            tpu.wait_indirect_dma semaphore(%run_scoped3A_99 : memref<!tpu.dma_semaphore, #tpu.memory_space<semaphore_mem>>) src(%dma_wait3A_113 : memref<128x128xf32, #tpu.memory_space<vmem>>) dst(%dma_wait3A_119 : memref<10240x128xf32, #tpu.memory_space<vmem_shared>>)
            tpu.yield
          }) : () -> ()
          %add3A_92 = arith.constant 2 : i32
          %add3A_93 = arith.addi %add3A_70, %add3A_92 : i32
          %lt3A_94 = arith.constant 40 : i32
          %lt3A_95 = arith.cmpi slt, %add3A_93, %lt3A_94 : i32
          %convert_element_type3A_96 = arith.extui %lt3A_95 : i1 to i32
          %cond3A_97 = arith.constant 0 : i32
          %cond3A_98 = arith.cmpi ne, %convert_element_type3A_96, %cond3A_97 : i32
          scf.if %cond3A_98 {
            %add3A_99 = arith.constant 2 : i32
            %add3A_100 = arith.addi %add3A_70, %add3A_99 : i32
            %dma_start3A_101 = arith.constant 0 : i32
            %dma_start3A_102 = arith.constant 0 : i32
            %dma_start3A_103 = arith.constant 0 : i32
            %dma_start3A_104 = tpu.memref_slice %arg9[%dma_start3A_101, %dma_start3A_102, %dma_start3A_103] : memref<2x128x128xf32, #tpu.memory_space<vmem>> -> memref<1x128x128xf32, #tpu.memory_space<vmem>>
            %dma_start3A_105 = tpu.memref_squeeze %dma_start3A_104 : memref<1x128x128xf32, #tpu.memory_space<vmem>> -> memref<128x128xf32, #tpu.memory_space<vmem>>
            %dma_start3A_106 = arith.constant 0 : i32
            %dma_start3A_107 = tpu.memref_slice %arg7[%add3A_100, %dma_start3A_106] : memref<40x128xi32, #tpu.memory_space<vmem>> -> memref<1x128xi32, #tpu.memory_space<vmem>>
            %dma_start3A_108 = tpu.memref_squeeze %dma_start3A_107 : memref<1x128xi32, #tpu.memory_space<vmem>> -> memref<128xi32, #tpu.memory_space<vmem>>
            %dma_start3A_109 = arith.constant 0 : i32
            %dma_start3A_110 = arith.constant 0 : i32
            %dma_start3A_111 = tpu.memref_slice %arg2[%dma_start3A_109, %dma_start3A_110] : memref<10240x128xf32, #tpu.memory_space<hbm>> -> memref<10240x128xf32, #tpu.memory_space<hbm>>
            tpu.enqueue_indirect_dma source(%dma_start3A_111 : memref<10240x128xf32, #tpu.memory_space<hbm>>) target(%dma_start3A_105 : memref<128x128xf32, #tpu.memory_space<vmem>>) offsets(%dma_start3A_108 : memref<128xi32, #tpu.memory_space<vmem>>) semaphore(%arg11 : memref<!tpu.dma_semaphore, #tpu.memory_space<semaphore_mem>>)
          } else {
          }
        } else {
        }
        %add3A_75 = arith.constant 1 : i32
        %add3A_76 = arith.addi %add3A_68, %add3A_75 : i32
        %lt3A_77 = arith.constant 40 : i32
        %lt3A_78 = arith.cmpi slt, %add3A_76, %lt3A_77 : i32
        %convert_element_type3A_79 = arith.extui %lt3A_78 : i1 to i32
        %cond3A_80 = arith.constant 0 : i32
        %cond3A_81 = arith.cmpi ne, %convert_element_type3A_79, %cond3A_80 : i32
        scf.if %cond3A_81 {
          %dma_wait3A = arith.constant 1 : i32
          %dma_wait3A_82 = arith.constant 0 : i32
          %dma_wait3A_83 = arith.constant 0 : i32
          %dma_wait3A_84 = tpu.memref_slice %arg9[%dma_wait3A, %dma_wait3A_82, %dma_wait3A_83] : memref<2x128x128xf32, #tpu.memory_space<vmem>> -> memref<1x128x128xf32, #tpu.memory_space<vmem>>
          %dma_wait3A_85 = tpu.memref_squeeze %dma_wait3A_84 : memref<1x128x128xf32, #tpu.memory_space<vmem>> -> memref<128x128xf32, #tpu.memory_space<vmem>>
          %dma_wait3A_86 = arith.constant 0 : i32
          %dma_wait3A_87 = tpu.memref_slice %arg7[%add3A_76, %dma_wait3A_86] : memref<40x128xi32, #tpu.memory_space<vmem>> -> memref<1x128xi32, #tpu.memory_space<vmem>>
          %dma_wait3A_88 = tpu.memref_squeeze %dma_wait3A_87 : memref<1x128xi32, #tpu.memory_space<vmem>> -> memref<128xi32, #tpu.memory_space<vmem>>
          %dma_wait3A_89 = arith.constant 0 : i32
          %dma_wait3A_90 = arith.constant 0 : i32
          %dma_wait3A_91 = tpu.memref_slice %arg2[%dma_wait3A_89, %dma_wait3A_90] : memref<10240x128xf32, #tpu.memory_space<hbm>> -> memref<10240x128xf32, #tpu.memory_space<hbm>>
          tpu.wait_indirect_dma semaphore(%arg12 : memref<!tpu.dma_semaphore, #tpu.memory_space<semaphore_mem>>) src(%dma_wait3A_91 : memref<10240x128xf32, #tpu.memory_space<hbm>>) dst(%dma_wait3A_85 : memref<128x128xf32, #tpu.memory_space<vmem>>)
          %run_scoped3A = arith.constant 1 : i32
          "tpu.region"() ({
            %run_scoped3A_99 = tpu.sem_alloc : memref<!tpu.dma_semaphore, #tpu.memory_space<semaphore_mem>>
            %dma_start3A_100 = arith.constant 0 : i32
            %dma_start3A_101 = arith.constant 0 : i32
            %dma_start3A_102 = tpu.memref_slice %arg9[%run_scoped3A, %dma_start3A_100, %dma_start3A_101] : memref<2x128x128xf32, #tpu.memory_space<vmem>> -> memref<1x128x128xf32, #tpu.memory_space<vmem>>
            %dma_start3A_103 = tpu.memref_squeeze %dma_start3A_102 : memref<1x128x128xf32, #tpu.memory_space<vmem>> -> memref<128x128xf32, #tpu.memory_space<vmem>>
            %dma_start3A_104 = arith.constant 0 : i32
            %dma_start3A_105 = tpu.memref_slice %arg8[%add3A_76, %dma_start3A_104] : memref<40x128xi32, #tpu.memory_space<vmem>> -> memref<1x128xi32, #tpu.memory_space<vmem>>
            %dma_start3A_106 = tpu.memref_squeeze %dma_start3A_105 : memref<1x128xi32, #tpu.memory_space<vmem>> -> memref<128xi32, #tpu.memory_space<vmem>>
            %dma_start3A_107 = arith.constant 0 : i32
            %dma_start3A_108 = arith.constant 0 : i32
            %dma_start3A_109 = tpu.memref_slice %arg10[%dma_start3A_107, %dma_start3A_108] : memref<10240x128xf32, #tpu.memory_space<vmem_shared>> -> memref<10240x128xf32, #tpu.memory_space<vmem_shared>>
            tpu.enqueue_indirect_dma source(%dma_start3A_103 : memref<128x128xf32, #tpu.memory_space<vmem>>) target(%dma_start3A_109 : memref<10240x128xf32, #tpu.memory_space<vmem_shared>>) offsets(%dma_start3A_106 : memref<128xi32, #tpu.memory_space<vmem>>) semaphore(%run_scoped3A_99 : memref<!tpu.dma_semaphore, #tpu.memory_space<semaphore_mem>>) {add = true}
            %dma_wait3A_110 = arith.constant 0 : i32
            %dma_wait3A_111 = arith.constant 0 : i32
            %dma_wait3A_112 = tpu.memref_slice %arg9[%run_scoped3A, %dma_wait3A_110, %dma_wait3A_111] : memref<2x128x128xf32, #tpu.memory_space<vmem>> -> memref<1x128x128xf32, #tpu.memory_space<vmem>>
            %dma_wait3A_113 = tpu.memref_squeeze %dma_wait3A_112 : memref<1x128x128xf32, #tpu.memory_space<vmem>> -> memref<128x128xf32, #tpu.memory_space<vmem>>
            %dma_wait3A_114 = arith.constant 0 : i32
            %dma_wait3A_115 = tpu.memref_slice %arg8[%add3A_76, %dma_wait3A_114] : memref<40x128xi32, #tpu.memory_space<vmem>> -> memref<1x128xi32, #tpu.memory_space<vmem>>
            %dma_wait3A_116 = tpu.memref_squeeze %dma_wait3A_115 : memref<1x128xi32, #tpu.memory_space<vmem>> -> memref<128xi32, #tpu.memory_space<vmem>>
            %dma_wait3A_117 = arith.constant 0 : i32
            %dma_wait3A_118 = arith.constant 0 : i32
            %dma_wait3A_119 = tpu.memref_slice %arg10[%dma_wait3A_117, %dma_wait3A_118] : memref<10240x128xf32, #tpu.memory_space<vmem_shared>> -> memref<10240x128xf32, #tpu.memory_space<vmem_shared>>
            tpu.wait_indirect_dma semaphore(%run_scoped3A_99 : memref<!tpu.dma_semaphore, #tpu.memory_space<semaphore_mem>>) src(%dma_wait3A_113 : memref<128x128xf32, #tpu.memory_space<vmem>>) dst(%dma_wait3A_119 : memref<10240x128xf32, #tpu.memory_space<vmem_shared>>)
            tpu.yield
          }) : () -> ()
          %add3A_92 = arith.constant 2 : i32
          %add3A_93 = arith.addi %add3A_76, %add3A_92 : i32
          %lt3A_94 = arith.constant 40 : i32
          %lt3A_95 = arith.cmpi slt, %add3A_93, %lt3A_94 : i32
          %convert_element_type3A_96 = arith.extui %lt3A_95 : i1 to i32
          %cond3A_97 = arith.constant 0 : i32
          %cond3A_98 = arith.cmpi ne, %convert_element_type3A_96, %cond3A_97 : i32
          scf.if %cond3A_98 {
            %add3A_99 = arith.constant 2 : i32
            %add3A_100 = arith.addi %add3A_76, %add3A_99 : i32
            %dma_start3A_101 = arith.constant 1 : i32
            %dma_start3A_102 = arith.constant 0 : i32
            %dma_start3A_103 = arith.constant 0 : i32
            %dma_start3A_104 = tpu.memref_slice %arg9[%dma_start3A_101, %dma_start3A_102, %dma_start3A_103] : memref<2x128x128xf32, #tpu.memory_space<vmem>> -> memref<1x128x128xf32, #tpu.memory_space<vmem>>
            %dma_start3A_105 = tpu.memref_squeeze %dma_start3A_104 : memref<1x128x128xf32, #tpu.memory_space<vmem>> -> memref<128x128xf32, #tpu.memory_space<vmem>>
            %dma_start3A_106 = arith.constant 0 : i32
            %dma_start3A_107 = tpu.memref_slice %arg7[%add3A_100, %dma_start3A_106] : memref<40x128xi32, #tpu.memory_space<vmem>> -> memref<1x128xi32, #tpu.memory_space<vmem>>
            %dma_start3A_108 = tpu.memref_squeeze %dma_start3A_107 : memref<1x128xi32, #tpu.memory_space<vmem>> -> memref<128xi32, #tpu.memory_space<vmem>>
            %dma_start3A_109 = arith.constant 0 : i32
            %dma_start3A_110 = arith.constant 0 : i32
            %dma_start3A_111 = tpu.memref_slice %arg2[%dma_start3A_109, %dma_start3A_110] : memref<10240x128xf32, #tpu.memory_space<hbm>> -> memref<10240x128xf32, #tpu.memory_space<hbm>>
            tpu.enqueue_indirect_dma source(%dma_start3A_111 : memref<10240x128xf32, #tpu.memory_space<hbm>>) target(%dma_start3A_105 : memref<128x128xf32, #tpu.memory_space<vmem>>) offsets(%dma_start3A_108 : memref<128xi32, #tpu.memory_space<vmem>>) semaphore(%arg12 : memref<!tpu.dma_semaphore, #tpu.memory_space<semaphore_mem>>)
          } else {
          }
        } else {
        }
      }
      %scan3A_64 = arith.constant 20 : i32
    } else {
    }
    %eq3A_3 = arith.constant 1 : i32
    %eq3A_4 = arith.cmpi eq, %arg0, %eq3A_3 : i32
    %convert_element_type3A_5 = arith.extui %eq3A_4 : i1 to i32
    %cond3A_6 = arith.constant 0 : i32
    %cond3A_7 = arith.cmpi ne, %convert_element_type3A_5, %cond3A_6 : i32
    scf.if %cond3A_7 {
      "tpu.region"() ({
        %run_scoped3A = tpu.sem_alloc : memref<!tpu.dma_semaphore, #tpu.memory_space<semaphore_mem>>
        %dma_start3A_65 = arith.constant 0 : i32
        %dma_start3A_66 = arith.constant 0 : i32
        %dma_start3A_67 = tpu.memref_slice %arg7[%dma_start3A_65, %dma_start3A_66] : memref<40x128xi32, #tpu.memory_space<vmem>> -> memref<40x128xi32, #tpu.memory_space<vmem>>
        %dma_start3A_68 = arith.constant 80 : i32
        %dma_start3A_69 = arith.constant 0 : i32
        %dma_start3A_70 = tpu.memref_slice %arg3[%arg1, %dma_start3A_68, %dma_start3A_69] : memref<16x160x128xi32, #tpu.memory_space<hbm>> -> memref<1x40x128xi32, #tpu.memory_space<hbm>>
        %dma_start3A_71 = tpu.memref_squeeze %dma_start3A_70 : memref<1x40x128xi32, #tpu.memory_space<hbm>> -> memref<40x128xi32, #tpu.memory_space<hbm>>
        %dma_start3A_72 = arith.constant 0 : i32
        %dma_start3A_73 = arith.constant 0 : i32
        %dma_start3A_74 = tpu.memref_slice %arg7[%dma_start3A_72, %dma_start3A_73] : memref<40x128xi32, #tpu.memory_space<vmem>> -> memref<40x128xi32, #tpu.memory_space<vmem>>
        %dma_start3A_75 = arith.constant 80 : i32
        %dma_start3A_76 = arith.constant 0 : i32
        %dma_start3A_77 = tpu.memref_slice %arg3[%arg1, %dma_start3A_75, %dma_start3A_76] : memref<16x160x128xi32, #tpu.memory_space<hbm>> -> memref<1x40x128xi32, #tpu.memory_space<hbm>>
        %dma_start3A_78 = tpu.memref_squeeze %dma_start3A_77 : memref<1x40x128xi32, #tpu.memory_space<hbm>> -> memref<40x128xi32, #tpu.memory_space<hbm>>
        tpu.enqueue_dma source(%dma_start3A_78 : memref<40x128xi32, #tpu.memory_space<hbm>>) target(%dma_start3A_74 : memref<40x128xi32, #tpu.memory_space<vmem>>) target_semaphore(%run_scoped3A : memref<!tpu.dma_semaphore, #tpu.memory_space<semaphore_mem>>)
        %dma_wait3A = arith.constant 0 : i32
        %dma_wait3A_79 = arith.constant 0 : i32
        %dma_wait3A_80 = tpu.memref_slice %arg7[%dma_wait3A, %dma_wait3A_79] : memref<40x128xi32, #tpu.memory_space<vmem>> -> memref<40x128xi32, #tpu.memory_space<vmem>>
        %dma_wait3A_81 = arith.constant 80 : i32
        %dma_wait3A_82 = arith.constant 0 : i32
        %dma_wait3A_83 = tpu.memref_slice %arg3[%arg1, %dma_wait3A_81, %dma_wait3A_82] : memref<16x160x128xi32, #tpu.memory_space<hbm>> -> memref<1x40x128xi32, #tpu.memory_space<hbm>>
        %dma_wait3A_84 = tpu.memref_squeeze %dma_wait3A_83 : memref<1x40x128xi32, #tpu.memory_space<hbm>> -> memref<40x128xi32, #tpu.memory_space<hbm>>
        %dma_wait3A_85 = arith.constant 0 : i32
        %dma_wait3A_86 = arith.constant 0 : i32
        %dma_wait3A_87 = tpu.memref_slice %arg7[%dma_wait3A_85, %dma_wait3A_86] : memref<40x128xi32, #tpu.memory_space<vmem>> -> memref<40x128xi32, #tpu.memory_space<vmem>>
        %dma_wait3A_88 = arith.constant 80 : i32
        %dma_wait3A_89 = arith.constant 0 : i32
        %dma_wait3A_90 = tpu.memref_slice %arg3[%arg1, %dma_wait3A_88, %dma_wait3A_89] : memref<16x160x128xi32, #tpu.memory_space<hbm>> -> memref<1x40x128xi32, #tpu.memory_space<hbm>>
        %dma_wait3A_91 = tpu.memref_squeeze %dma_wait3A_90 : memref<1x40x128xi32, #tpu.memory_space<hbm>> -> memref<40x128xi32, #tpu.memory_space<hbm>>
        tpu.wait_dma2 semaphore(%run_scoped3A : memref<!tpu.dma_semaphore, #tpu.memory_space<semaphore_mem>>) src(%dma_wait3A_91 : memref<40x128xi32, #tpu.memory_space<hbm>>) dst(%dma_wait3A_87 : memref<40x128xi32, #tpu.memory_space<vmem>>)
        tpu.yield
      }) : () -> ()
      "tpu.region"() ({
        %run_scoped3A = tpu.sem_alloc : memref<!tpu.dma_semaphore, #tpu.memory_space<semaphore_mem>>
        %dma_start3A_65 = arith.constant 0 : i32
        %dma_start3A_66 = arith.constant 0 : i32
        %dma_start3A_67 = tpu.memref_slice %arg8[%dma_start3A_65, %dma_start3A_66] : memref<40x128xi32, #tpu.memory_space<vmem>> -> memref<40x128xi32, #tpu.memory_space<vmem>>
        %dma_start3A_68 = arith.constant 80 : i32
        %dma_start3A_69 = arith.constant 0 : i32
        %dma_start3A_70 = tpu.memref_slice %arg4[%arg1, %dma_start3A_68, %dma_start3A_69] : memref<16x160x128xi32, #tpu.memory_space<hbm>> -> memref<1x40x128xi32, #tpu.memory_space<hbm>>
        %dma_start3A_71 = tpu.memref_squeeze %dma_start3A_70 : memref<1x40x128xi32, #tpu.memory_space<hbm>> -> memref<40x128xi32, #tpu.memory_space<hbm>>
        %dma_start3A_72 = arith.constant 0 : i32
        %dma_start3A_73 = arith.constant 0 : i32
        %dma_start3A_74 = tpu.memref_slice %arg8[%dma_start3A_72, %dma_start3A_73] : memref<40x128xi32, #tpu.memory_space<vmem>> -> memref<40x128xi32, #tpu.memory_space<vmem>>
        %dma_start3A_75 = arith.constant 80 : i32
        %dma_start3A_76 = arith.constant 0 : i32
        %dma_start3A_77 = tpu.memref_slice %arg4[%arg1, %dma_start3A_75, %dma_start3A_76] : memref<16x160x128xi32, #tpu.memory_space<hbm>> -> memref<1x40x128xi32, #tpu.memory_space<hbm>>
        %dma_start3A_78 = tpu.memref_squeeze %dma_start3A_77 : memref<1x40x128xi32, #tpu.memory_space<hbm>> -> memref<40x128xi32, #tpu.memory_space<hbm>>
        tpu.enqueue_dma source(%dma_start3A_78 : memref<40x128xi32, #tpu.memory_space<hbm>>) target(%dma_start3A_74 : memref<40x128xi32, #tpu.memory_space<vmem>>) target_semaphore(%run_scoped3A : memref<!tpu.dma_semaphore, #tpu.memory_space<semaphore_mem>>)
        %dma_wait3A = arith.constant 0 : i32
        %dma_wait3A_79 = arith.constant 0 : i32
        %dma_wait3A_80 = tpu.memref_slice %arg8[%dma_wait3A, %dma_wait3A_79] : memref<40x128xi32, #tpu.memory_space<vmem>> -> memref<40x128xi32, #tpu.memory_space<vmem>>
        %dma_wait3A_81 = arith.constant 80 : i32
        %dma_wait3A_82 = arith.constant 0 : i32
        %dma_wait3A_83 = tpu.memref_slice %arg4[%arg1, %dma_wait3A_81, %dma_wait3A_82] : memref<16x160x128xi32, #tpu.memory_space<hbm>> -> memref<1x40x128xi32, #tpu.memory_space<hbm>>
        %dma_wait3A_84 = tpu.memref_squeeze %dma_wait3A_83 : memref<1x40x128xi32, #tpu.memory_space<hbm>> -> memref<40x128xi32, #tpu.memory_space<hbm>>
        %dma_wait3A_85 = arith.constant 0 : i32
        %dma_wait3A_86 = arith.constant 0 : i32
        %dma_wait3A_87 = tpu.memref_slice %arg8[%dma_wait3A_85, %dma_wait3A_86] : memref<40x128xi32, #tpu.memory_space<vmem>> -> memref<40x128xi32, #tpu.memory_space<vmem>>
        %dma_wait3A_88 = arith.constant 80 : i32
        %dma_wait3A_89 = arith.constant 0 : i32
        %dma_wait3A_90 = tpu.memref_slice %arg4[%arg1, %dma_wait3A_88, %dma_wait3A_89] : memref<16x160x128xi32, #tpu.memory_space<hbm>> -> memref<1x40x128xi32, #tpu.memory_space<hbm>>
        %dma_wait3A_91 = tpu.memref_squeeze %dma_wait3A_90 : memref<1x40x128xi32, #tpu.memory_space<hbm>> -> memref<40x128xi32, #tpu.memory_space<hbm>>
        tpu.wait_dma2 semaphore(%run_scoped3A : memref<!tpu.dma_semaphore, #tpu.memory_space<semaphore_mem>>) src(%dma_wait3A_91 : memref<40x128xi32, #tpu.memory_space<hbm>>) dst(%dma_wait3A_87 : memref<40x128xi32, #tpu.memory_space<vmem>>)
        tpu.yield
      }) : () -> ()
      %dma_start3A = arith.constant 0 : i32
      %dma_start3A_9 = arith.constant 0 : i32
      %dma_start3A_10 = arith.constant 0 : i32
      %dma_start3A_11 = arith.constant 0 : i32
      %dma_start3A_12 = tpu.memref_slice %arg9[%dma_start3A_9, %dma_start3A_10, %dma_start3A_11] : memref<2x128x128xf32, #tpu.memory_space<vmem>> -> memref<1x128x128xf32, #tpu.memory_space<vmem>>
      %dma_start3A_13 = tpu.memref_squeeze %dma_start3A_12 : memref<1x128x128xf32, #tpu.memory_space<vmem>> -> memref<128x128xf32, #tpu.memory_space<vmem>>
      %dma_start3A_14 = arith.constant 0 : i32
      %dma_start3A_15 = tpu.memref_slice %arg7[%dma_start3A, %dma_start3A_14] : memref<40x128xi32, #tpu.memory_space<vmem>> -> memref<1x128xi32, #tpu.memory_space<vmem>>
      %dma_start3A_16 = tpu.memref_squeeze %dma_start3A_15 : memref<1x128xi32, #tpu.memory_space<vmem>> -> memref<128xi32, #tpu.memory_space<vmem>>
      %dma_start3A_17 = arith.constant 0 : i32
      %dma_start3A_18 = arith.constant 0 : i32
      %dma_start3A_19 = tpu.memref_slice %arg2[%dma_start3A_17, %dma_start3A_18] : memref<10240x128xf32, #tpu.memory_space<hbm>> -> memref<10240x128xf32, #tpu.memory_space<hbm>>
      tpu.enqueue_indirect_dma source(%dma_start3A_19 : memref<10240x128xf32, #tpu.memory_space<hbm>>) target(%dma_start3A_13 : memref<128x128xf32, #tpu.memory_space<vmem>>) offsets(%dma_start3A_16 : memref<128xi32, #tpu.memory_space<vmem>>) semaphore(%arg11 : memref<!tpu.dma_semaphore, #tpu.memory_space<semaphore_mem>>)
      %dma_start3A_20 = arith.constant 1 : i32
      %dma_start3A_21 = arith.constant 1 : i32
      %dma_start3A_22 = arith.constant 0 : i32
      %dma_start3A_23 = arith.constant 0 : i32
      %dma_start3A_24 = tpu.memref_slice %arg9[%dma_start3A_21, %dma_start3A_22, %dma_start3A_23] : memref<2x128x128xf32, #tpu.memory_space<vmem>> -> memref<1x128x128xf32, #tpu.memory_space<vmem>>
      %dma_start3A_25 = tpu.memref_squeeze %dma_start3A_24 : memref<1x128x128xf32, #tpu.memory_space<vmem>> -> memref<128x128xf32, #tpu.memory_space<vmem>>
      %dma_start3A_26 = arith.constant 0 : i32
      %dma_start3A_27 = tpu.memref_slice %arg7[%dma_start3A_20, %dma_start3A_26] : memref<40x128xi32, #tpu.memory_space<vmem>> -> memref<1x128xi32, #tpu.memory_space<vmem>>
      %dma_start3A_28 = tpu.memref_squeeze %dma_start3A_27 : memref<1x128xi32, #tpu.memory_space<vmem>> -> memref<128xi32, #tpu.memory_space<vmem>>
      %dma_start3A_29 = arith.constant 0 : i32
      %dma_start3A_30 = arith.constant 0 : i32
      %dma_start3A_31 = tpu.memref_slice %arg2[%dma_start3A_29, %dma_start3A_30] : memref<10240x128xf32, #tpu.memory_space<hbm>> -> memref<10240x128xf32, #tpu.memory_space<hbm>>
      tpu.enqueue_indirect_dma source(%dma_start3A_31 : memref<10240x128xf32, #tpu.memory_space<hbm>>) target(%dma_start3A_25 : memref<128x128xf32, #tpu.memory_space<vmem>>) offsets(%dma_start3A_28 : memref<128xi32, #tpu.memory_space<vmem>>) semaphore(%arg12 : memref<!tpu.dma_semaphore, #tpu.memory_space<semaphore_mem>>)
      %scan3A = arith.constant 0 : i32
      %scan3A_32 = arith.constant 20 : i32
      %scan3A_33 = arith.addi %scan3A, %scan3A_32 : i32
      %scan3A_34 = arith.constant 1 : i32
      scf.for %scan3A_65 = %scan3A to %scan3A_33 step %scan3A_34  : i32 {
        %mul3A_66 = arith.constant 2 : i32
        %mul3A_67 = arith.muli %scan3A_65, %mul3A_66 : i32
        %add3A = arith.constant 0 : i32
        %add3A_68 = arith.addi %add3A, %mul3A_67 : i32
        %add3A_69 = arith.constant 0 : i32
        %add3A_70 = arith.addi %add3A_68, %add3A_69 : i32
        %lt3A = arith.constant 40 : i32
        %lt3A_71 = arith.cmpi slt, %add3A_70, %lt3A : i32
        %convert_element_type3A_72 = arith.extui %lt3A_71 : i1 to i32
        %cond3A_73 = arith.constant 0 : i32
        %cond3A_74 = arith.cmpi ne, %convert_element_type3A_72, %cond3A_73 : i32
        scf.if %cond3A_74 {
          %dma_wait3A = arith.constant 0 : i32
          %dma_wait3A_82 = arith.constant 0 : i32
          %dma_wait3A_83 = arith.constant 0 : i32
          %dma_wait3A_84 = tpu.memref_slice %arg9[%dma_wait3A, %dma_wait3A_82, %dma_wait3A_83] : memref<2x128x128xf32, #tpu.memory_space<vmem>> -> memref<1x128x128xf32, #tpu.memory_space<vmem>>
          %dma_wait3A_85 = tpu.memref_squeeze %dma_wait3A_84 : memref<1x128x128xf32, #tpu.memory_space<vmem>> -> memref<128x128xf32, #tpu.memory_space<vmem>>
          %dma_wait3A_86 = arith.constant 0 : i32
          %dma_wait3A_87 = tpu.memref_slice %arg7[%add3A_70, %dma_wait3A_86] : memref<40x128xi32, #tpu.memory_space<vmem>> -> memref<1x128xi32, #tpu.memory_space<vmem>>
          %dma_wait3A_88 = tpu.memref_squeeze %dma_wait3A_87 : memref<1x128xi32, #tpu.memory_space<vmem>> -> memref<128xi32, #tpu.memory_space<vmem>>
          %dma_wait3A_89 = arith.constant 0 : i32
          %dma_wait3A_90 = arith.constant 0 : i32
          %dma_wait3A_91 = tpu.memref_slice %arg2[%dma_wait3A_89, %dma_wait3A_90] : memref<10240x128xf32, #tpu.memory_space<hbm>> -> memref<10240x128xf32, #tpu.memory_space<hbm>>
          tpu.wait_indirect_dma semaphore(%arg11 : memref<!tpu.dma_semaphore, #tpu.memory_space<semaphore_mem>>) src(%dma_wait3A_91 : memref<10240x128xf32, #tpu.memory_space<hbm>>) dst(%dma_wait3A_85 : memref<128x128xf32, #tpu.memory_space<vmem>>)
          %run_scoped3A = arith.constant 0 : i32
          "tpu.region"() ({
            %run_scoped3A_99 = tpu.sem_alloc : memref<!tpu.dma_semaphore, #tpu.memory_space<semaphore_mem>>
            %dma_start3A_100 = arith.constant 0 : i32
            %dma_start3A_101 = arith.constant 0 : i32
            %dma_start3A_102 = tpu.memref_slice %arg9[%run_scoped3A, %dma_start3A_100, %dma_start3A_101] : memref<2x128x128xf32, #tpu.memory_space<vmem>> -> memref<1x128x128xf32, #tpu.memory_space<vmem>>
            %dma_start3A_103 = tpu.memref_squeeze %dma_start3A_102 : memref<1x128x128xf32, #tpu.memory_space<vmem>> -> memref<128x128xf32, #tpu.memory_space<vmem>>
            %dma_start3A_104 = arith.constant 0 : i32
            %dma_start3A_105 = tpu.memref_slice %arg8[%add3A_70, %dma_start3A_104] : memref<40x128xi32, #tpu.memory_space<vmem>> -> memref<1x128xi32, #tpu.memory_space<vmem>>
            %dma_start3A_106 = tpu.memref_squeeze %dma_start3A_105 : memref<1x128xi32, #tpu.memory_space<vmem>> -> memref<128xi32, #tpu.memory_space<vmem>>
            %dma_start3A_107 = arith.constant 0 : i32
            %dma_start3A_108 = arith.constant 0 : i32
            %dma_start3A_109 = tpu.memref_slice %arg10[%dma_start3A_107, %dma_start3A_108] : memref<10240x128xf32, #tpu.memory_space<vmem_shared>> -> memref<10240x128xf32, #tpu.memory_space<vmem_shared>>
            tpu.enqueue_indirect_dma source(%dma_start3A_103 : memref<128x128xf32, #tpu.memory_space<vmem>>) target(%dma_start3A_109 : memref<10240x128xf32, #tpu.memory_space<vmem_shared>>) offsets(%dma_start3A_106 : memref<128xi32, #tpu.memory_space<vmem>>) semaphore(%run_scoped3A_99 : memref<!tpu.dma_semaphore, #tpu.memory_space<semaphore_mem>>) {add = true}
            %dma_wait3A_110 = arith.constant 0 : i32
            %dma_wait3A_111 = arith.constant 0 : i32
            %dma_wait3A_112 = tpu.memref_slice %arg9[%run_scoped3A, %dma_wait3A_110, %dma_wait3A_111] : memref<2x128x128xf32, #tpu.memory_space<vmem>> -> memref<1x128x128xf32, #tpu.memory_space<vmem>>
            %dma_wait3A_113 = tpu.memref_squeeze %dma_wait3A_112 : memref<1x128x128xf32, #tpu.memory_space<vmem>> -> memref<128x128xf32, #tpu.memory_space<vmem>>
            %dma_wait3A_114 = arith.constant 0 : i32
            %dma_wait3A_115 = tpu.memref_slice %arg8[%add3A_70, %dma_wait3A_114] : memref<40x128xi32, #tpu.memory_space<vmem>> -> memref<1x128xi32, #tpu.memory_space<vmem>>
            %dma_wait3A_116 = tpu.memref_squeeze %dma_wait3A_115 : memref<1x128xi32, #tpu.memory_space<vmem>> -> memref<128xi32, #tpu.memory_space<vmem>>
            %dma_wait3A_117 = arith.constant 0 : i32
            %dma_wait3A_118 = arith.constant 0 : i32
            %dma_wait3A_119 = tpu.memref_slice %arg10[%dma_wait3A_117, %dma_wait3A_118] : memref<10240x128xf32, #tpu.memory_space<vmem_shared>> -> memref<10240x128xf32, #tpu.memory_space<vmem_shared>>
            tpu.wait_indirect_dma semaphore(%run_scoped3A_99 : memref<!tpu.dma_semaphore, #tpu.memory_space<semaphore_mem>>) src(%dma_wait3A_113 : memref<128x128xf32, #tpu.memory_space<vmem>>) dst(%dma_wait3A_119 : memref<10240x128xf32, #tpu.memory_space<vmem_shared>>)
            tpu.yield
          }) : () -> ()
          %add3A_92 = arith.constant 2 : i32
          %add3A_93 = arith.addi %add3A_70, %add3A_92 : i32
          %lt3A_94 = arith.constant 40 : i32
          %lt3A_95 = arith.cmpi slt, %add3A_93, %lt3A_94 : i32
          %convert_element_type3A_96 = arith.extui %lt3A_95 : i1 to i32
          %cond3A_97 = arith.constant 0 : i32
          %cond3A_98 = arith.cmpi ne, %convert_element_type3A_96, %cond3A_97 : i32
          scf.if %cond3A_98 {
            %add3A_99 = arith.constant 2 : i32
            %add3A_100 = arith.addi %add3A_70, %add3A_99 : i32
            %dma_start3A_101 = arith.constant 0 : i32
            %dma_start3A_102 = arith.constant 0 : i32
            %dma_start3A_103 = arith.constant 0 : i32
            %dma_start3A_104 = tpu.memref_slice %arg9[%dma_start3A_101, %dma_start3A_102, %dma_start3A_103] : memref<2x128x128xf32, #tpu.memory_space<vmem>> -> memref<1x128x128xf32, #tpu.memory_space<vmem>>
            %dma_start3A_105 = tpu.memref_squeeze %dma_start3A_104 : memref<1x128x128xf32, #tpu.memory_space<vmem>> -> memref<128x128xf32, #tpu.memory_space<vmem>>
            %dma_start3A_106 = arith.constant 0 : i32
            %dma_start3A_107 = tpu.memref_slice %arg7[%add3A_100, %dma_start3A_106] : memref<40x128xi32, #tpu.memory_space<vmem>> -> memref<1x128xi32, #tpu.memory_space<vmem>>
            %dma_start3A_108 = tpu.memref_squeeze %dma_start3A_107 : memref<1x128xi32, #tpu.memory_space<vmem>> -> memref<128xi32, #tpu.memory_space<vmem>>
            %dma_start3A_109 = arith.constant 0 : i32
            %dma_start3A_110 = arith.constant 0 : i32
            %dma_start3A_111 = tpu.memref_slice %arg2[%dma_start3A_109, %dma_start3A_110] : memref<10240x128xf32, #tpu.memory_space<hbm>> -> memref<10240x128xf32, #tpu.memory_space<hbm>>
            tpu.enqueue_indirect_dma source(%dma_start3A_111 : memref<10240x128xf32, #tpu.memory_space<hbm>>) target(%dma_start3A_105 : memref<128x128xf32, #tpu.memory_space<vmem>>) offsets(%dma_start3A_108 : memref<128xi32, #tpu.memory_space<vmem>>) semaphore(%arg11 : memref<!tpu.dma_semaphore, #tpu.memory_space<semaphore_mem>>)
          } else {
          }
        } else {
        }
        %add3A_75 = arith.constant 1 : i32
        %add3A_76 = arith.addi %add3A_68, %add3A_75 : i32
        %lt3A_77 = arith.constant 40 : i32
        %lt3A_78 = arith.cmpi slt, %add3A_76, %lt3A_77 : i32
        %convert_element_type3A_79 = arith.extui %lt3A_78 : i1 to i32
        %cond3A_80 = arith.constant 0 : i32
        %cond3A_81 = arith.cmpi ne, %convert_element_type3A_79, %cond3A_80 : i32
        scf.if %cond3A_81 {
          %dma_wait3A = arith.constant 1 : i32
          %dma_wait3A_82 = arith.constant 0 : i32
          %dma_wait3A_83 = arith.constant 0 : i32
          %dma_wait3A_84 = tpu.memref_slice %arg9[%dma_wait3A, %dma_wait3A_82, %dma_wait3A_83] : memref<2x128x128xf32, #tpu.memory_space<vmem>> -> memref<1x128x128xf32, #tpu.memory_space<vmem>>
          %dma_wait3A_85 = tpu.memref_squeeze %dma_wait3A_84 : memref<1x128x128xf32, #tpu.memory_space<vmem>> -> memref<128x128xf32, #tpu.memory_space<vmem>>
          %dma_wait3A_86 = arith.constant 0 : i32
          %dma_wait3A_87 = tpu.memref_slice %arg7[%add3A_76, %dma_wait3A_86] : memref<40x128xi32, #tpu.memory_space<vmem>> -> memref<1x128xi32, #tpu.memory_space<vmem>>
          %dma_wait3A_88 = tpu.memref_squeeze %dma_wait3A_87 : memref<1x128xi32, #tpu.memory_space<vmem>> -> memref<128xi32, #tpu.memory_space<vmem>>
          %dma_wait3A_89 = arith.constant 0 : i32
          %dma_wait3A_90 = arith.constant 0 : i32
          %dma_wait3A_91 = tpu.memref_slice %arg2[%dma_wait3A_89, %dma_wait3A_90] : memref<10240x128xf32, #tpu.memory_space<hbm>> -> memref<10240x128xf32, #tpu.memory_space<hbm>>
          tpu.wait_indirect_dma semaphore(%arg12 : memref<!tpu.dma_semaphore, #tpu.memory_space<semaphore_mem>>) src(%dma_wait3A_91 : memref<10240x128xf32, #tpu.memory_space<hbm>>) dst(%dma_wait3A_85 : memref<128x128xf32, #tpu.memory_space<vmem>>)
          %run_scoped3A = arith.constant 1 : i32
          "tpu.region"() ({
            %run_scoped3A_99 = tpu.sem_alloc : memref<!tpu.dma_semaphore, #tpu.memory_space<semaphore_mem>>
            %dma_start3A_100 = arith.constant 0 : i32
            %dma_start3A_101 = arith.constant 0 : i32
            %dma_start3A_102 = tpu.memref_slice %arg9[%run_scoped3A, %dma_start3A_100, %dma_start3A_101] : memref<2x128x128xf32, #tpu.memory_space<vmem>> -> memref<1x128x128xf32, #tpu.memory_space<vmem>>
            %dma_start3A_103 = tpu.memref_squeeze %dma_start3A_102 : memref<1x128x128xf32, #tpu.memory_space<vmem>> -> memref<128x128xf32, #tpu.memory_space<vmem>>
            %dma_start3A_104 = arith.constant 0 : i32
            %dma_start3A_105 = tpu.memref_slice %arg8[%add3A_76, %dma_start3A_104] : memref<40x128xi32, #tpu.memory_space<vmem>> -> memref<1x128xi32, #tpu.memory_space<vmem>>
            %dma_start3A_106 = tpu.memref_squeeze %dma_start3A_105 : memref<1x128xi32, #tpu.memory_space<vmem>> -> memref<128xi32, #tpu.memory_space<vmem>>
            %dma_start3A_107 = arith.constant 0 : i32
            %dma_start3A_108 = arith.constant 0 : i32
            %dma_start3A_109 = tpu.memref_slice %arg10[%dma_start3A_107, %dma_start3A_108] : memref<10240x128xf32, #tpu.memory_space<vmem_shared>> -> memref<10240x128xf32, #tpu.memory_space<vmem_shared>>
            tpu.enqueue_indirect_dma source(%dma_start3A_103 : memref<128x128xf32, #tpu.memory_space<vmem>>) target(%dma_start3A_109 : memref<10240x128xf32, #tpu.memory_space<vmem_shared>>) offsets(%dma_start3A_106 : memref<128xi32, #tpu.memory_space<vmem>>) semaphore(%run_scoped3A_99 : memref<!tpu.dma_semaphore, #tpu.memory_space<semaphore_mem>>) {add = true}
            %dma_wait3A_110 = arith.constant 0 : i32
            %dma_wait3A_111 = arith.constant 0 : i32
            %dma_wait3A_112 = tpu.memref_slice %arg9[%run_scoped3A, %dma_wait3A_110, %dma_wait3A_111] : memref<2x128x128xf32, #tpu.memory_space<vmem>> -> memref<1x128x128xf32, #tpu.memory_space<vmem>>
            %dma_wait3A_113 = tpu.memref_squeeze %dma_wait3A_112 : memref<1x128x128xf32, #tpu.memory_space<vmem>> -> memref<128x128xf32, #tpu.memory_space<vmem>>
            %dma_wait3A_114 = arith.constant 0 : i32
            %dma_wait3A_115 = tpu.memref_slice %arg8[%add3A_76, %dma_wait3A_114] : memref<40x128xi32, #tpu.memory_space<vmem>> -> memref<1x128xi32, #tpu.memory_space<vmem>>
            %dma_wait3A_116 = tpu.memref_squeeze %dma_wait3A_115 : memref<1x128xi32, #tpu.memory_space<vmem>> -> memref<128xi32, #tpu.memory_space<vmem>>
            %dma_wait3A_117 = arith.constant 0 : i32
            %dma_wait3A_118 = arith.constant 0 : i32
            %dma_wait3A_119 = tpu.memref_slice %arg10[%dma_wait3A_117, %dma_wait3A_118] : memref<10240x128xf32, #tpu.memory_space<vmem_shared>> -> memref<10240x128xf32, #tpu.memory_space<vmem_shared>>
            tpu.wait_indirect_dma semaphore(%run_scoped3A_99 : memref<!tpu.dma_semaphore, #tpu.memory_space<semaphore_mem>>) src(%dma_wait3A_113 : memref<128x128xf32, #tpu.memory_space<vmem>>) dst(%dma_wait3A_119 : memref<10240x128xf32, #tpu.memory_space<vmem_shared>>)
            tpu.yield
          }) : () -> ()
          %add3A_92 = arith.constant 2 : i32
          %add3A_93 = arith.addi %add3A_76, %add3A_92 : i32
          %lt3A_94 = arith.constant 40 : i32
          %lt3A_95 = arith.cmpi slt, %add3A_93, %lt3A_94 : i32
          %convert_element_type3A_96 = arith.extui %lt3A_95 : i1 to i32
          %cond3A_97 = arith.constant 0 : i32
          %cond3A_98 = arith.cmpi ne, %convert_element_type3A_96, %cond3A_97 : i32
          scf.if %cond3A_98 {
            %add3A_99 = arith.constant 2 : i32
            %add3A_100 = arith.addi %add3A_76, %add3A_99 : i32
            %dma_start3A_101 = arith.constant 1 : i32
            %dma_start3A_102 = arith.constant 0 : i32
            %dma_start3A_103 = arith.constant 0 : i32
            %dma_start3A_104 = tpu.memref_slice %arg9[%dma_start3A_101, %dma_start3A_102, %dma_start3A_103] : memref<2x128x128xf32, #tpu.memory_space<vmem>> -> memref<1x128x128xf32, #tpu.memory_space<vmem>>
            %dma_start3A_105 = tpu.memref_squeeze %dma_start3A_104 : memref<1x128x128xf32, #tpu.memory_space<vmem>> -> memref<128x128xf32, #tpu.memory_space<vmem>>
            %dma_start3A_106 = arith.constant 0 : i32
            %dma_start3A_107 = tpu.memref_slice %arg7[%add3A_100, %dma_start3A_106] : memref<40x128xi32, #tpu.memory_space<vmem>> -> memref<1x128xi32, #tpu.memory_space<vmem>>
            %dma_start3A_108 = tpu.memref_squeeze %dma_start3A_107 : memref<1x128xi32, #tpu.memory_space<vmem>> -> memref<128xi32, #tpu.memory_space<vmem>>
            %dma_start3A_109 = arith.constant 0 : i32
            %dma_start3A_110 = arith.constant 0 : i32
            %dma_start3A_111 = tpu.memref_slice %arg2[%dma_start3A_109, %dma_start3A_110] : memref<10240x128xf32, #tpu.memory_space<hbm>> -> memref<10240x128xf32, #tpu.memory_space<hbm>>
            tpu.enqueue_indirect_dma source(%dma_start3A_111 : memref<10240x128xf32, #tpu.memory_space<hbm>>) target(%dma_start3A_105 : memref<128x128xf32, #tpu.memory_space<vmem>>) offsets(%dma_start3A_108 : memref<128xi32, #tpu.memory_space<vmem>>) semaphore(%arg12 : memref<!tpu.dma_semaphore, #tpu.memory_space<semaphore_mem>>)
          } else {
          }
        } else {
        }
      }
      %scan3A_35 = arith.constant 20 : i32
      "tpu.region"() ({
        %run_scoped3A = tpu.sem_alloc : memref<!tpu.dma_semaphore, #tpu.memory_space<semaphore_mem>>
        %dma_start3A_65 = arith.constant 0 : i32
        %dma_start3A_66 = arith.constant 0 : i32
        %dma_start3A_67 = tpu.memref_slice %arg7[%dma_start3A_65, %dma_start3A_66] : memref<40x128xi32, #tpu.memory_space<vmem>> -> memref<40x128xi32, #tpu.memory_space<vmem>>
        %dma_start3A_68 = arith.constant 120 : i32
        %dma_start3A_69 = arith.constant 0 : i32
        %dma_start3A_70 = tpu.memref_slice %arg3[%arg1, %dma_start3A_68, %dma_start3A_69] : memref<16x160x128xi32, #tpu.memory_space<hbm>> -> memref<1x40x128xi32, #tpu.memory_space<hbm>>
        %dma_start3A_71 = tpu.memref_squeeze %dma_start3A_70 : memref<1x40x128xi32, #tpu.memory_space<hbm>> -> memref<40x128xi32, #tpu.memory_space<hbm>>
        %dma_start3A_72 = arith.constant 0 : i32
        %dma_start3A_73 = arith.constant 0 : i32
        %dma_start3A_74 = tpu.memref_slice %arg7[%dma_start3A_72, %dma_start3A_73] : memref<40x128xi32, #tpu.memory_space<vmem>> -> memref<40x128xi32, #tpu.memory_space<vmem>>
        %dma_start3A_75 = arith.constant 120 : i32
        %dma_start3A_76 = arith.constant 0 : i32
        %dma_start3A_77 = tpu.memref_slice %arg3[%arg1, %dma_start3A_75, %dma_start3A_76] : memref<16x160x128xi32, #tpu.memory_space<hbm>> -> memref<1x40x128xi32, #tpu.memory_space<hbm>>
        %dma_start3A_78 = tpu.memref_squeeze %dma_start3A_77 : memref<1x40x128xi32, #tpu.memory_space<hbm>> -> memref<40x128xi32, #tpu.memory_space<hbm>>
        tpu.enqueue_dma source(%dma_start3A_78 : memref<40x128xi32, #tpu.memory_space<hbm>>) target(%dma_start3A_74 : memref<40x128xi32, #tpu.memory_space<vmem>>) target_semaphore(%run_scoped3A : memref<!tpu.dma_semaphore, #tpu.memory_space<semaphore_mem>>)
        %dma_wait3A = arith.constant 0 : i32
        %dma_wait3A_79 = arith.constant 0 : i32
        %dma_wait3A_80 = tpu.memref_slice %arg7[%dma_wait3A, %dma_wait3A_79] : memref<40x128xi32, #tpu.memory_space<vmem>> -> memref<40x128xi32, #tpu.memory_space<vmem>>
        %dma_wait3A_81 = arith.constant 120 : i32
        %dma_wait3A_82 = arith.constant 0 : i32
        %dma_wait3A_83 = tpu.memref_slice %arg3[%arg1, %dma_wait3A_81, %dma_wait3A_82] : memref<16x160x128xi32, #tpu.memory_space<hbm>> -> memref<1x40x128xi32, #tpu.memory_space<hbm>>
        %dma_wait3A_84 = tpu.memref_squeeze %dma_wait3A_83 : memref<1x40x128xi32, #tpu.memory_space<hbm>> -> memref<40x128xi32, #tpu.memory_space<hbm>>
        %dma_wait3A_85 = arith.constant 0 : i32
        %dma_wait3A_86 = arith.constant 0 : i32
        %dma_wait3A_87 = tpu.memref_slice %arg7[%dma_wait3A_85, %dma_wait3A_86] : memref<40x128xi32, #tpu.memory_space<vmem>> -> memref<40x128xi32, #tpu.memory_space<vmem>>
        %dma_wait3A_88 = arith.constant 120 : i32
        %dma_wait3A_89 = arith.constant 0 : i32
        %dma_wait3A_90 = tpu.memref_slice %arg3[%arg1, %dma_wait3A_88, %dma_wait3A_89] : memref<16x160x128xi32, #tpu.memory_space<hbm>> -> memref<1x40x128xi32, #tpu.memory_space<hbm>>
        %dma_wait3A_91 = tpu.memref_squeeze %dma_wait3A_90 : memref<1x40x128xi32, #tpu.memory_space<hbm>> -> memref<40x128xi32, #tpu.memory_space<hbm>>
        tpu.wait_dma2 semaphore(%run_scoped3A : memref<!tpu.dma_semaphore, #tpu.memory_space<semaphore_mem>>) src(%dma_wait3A_91 : memref<40x128xi32, #tpu.memory_space<hbm>>) dst(%dma_wait3A_87 : memref<40x128xi32, #tpu.memory_space<vmem>>)
        tpu.yield
      }) : () -> ()
      "tpu.region"() ({
        %run_scoped3A = tpu.sem_alloc : memref<!tpu.dma_semaphore, #tpu.memory_space<semaphore_mem>>
        %dma_start3A_65 = arith.constant 0 : i32
        %dma_start3A_66 = arith.constant 0 : i32
        %dma_start3A_67 = tpu.memref_slice %arg8[%dma_start3A_65, %dma_start3A_66] : memref<40x128xi32, #tpu.memory_space<vmem>> -> memref<40x128xi32, #tpu.memory_space<vmem>>
        %dma_start3A_68 = arith.constant 120 : i32
        %dma_start3A_69 = arith.constant 0 : i32
        %dma_start3A_70 = tpu.memref_slice %arg4[%arg1, %dma_start3A_68, %dma_start3A_69] : memref<16x160x128xi32, #tpu.memory_space<hbm>> -> memref<1x40x128xi32, #tpu.memory_space<hbm>>
        %dma_start3A_71 = tpu.memref_squeeze %dma_start3A_70 : memref<1x40x128xi32, #tpu.memory_space<hbm>> -> memref<40x128xi32, #tpu.memory_space<hbm>>
        %dma_start3A_72 = arith.constant 0 : i32
        %dma_start3A_73 = arith.constant 0 : i32
        %dma_start3A_74 = tpu.memref_slice %arg8[%dma_start3A_72, %dma_start3A_73] : memref<40x128xi32, #tpu.memory_space<vmem>> -> memref<40x128xi32, #tpu.memory_space<vmem>>
        %dma_start3A_75 = arith.constant 120 : i32
        %dma_start3A_76 = arith.constant 0 : i32
        %dma_start3A_77 = tpu.memref_slice %arg4[%arg1, %dma_start3A_75, %dma_start3A_76] : memref<16x160x128xi32, #tpu.memory_space<hbm>> -> memref<1x40x128xi32, #tpu.memory_space<hbm>>
        %dma_start3A_78 = tpu.memref_squeeze %dma_start3A_77 : memref<1x40x128xi32, #tpu.memory_space<hbm>> -> memref<40x128xi32, #tpu.memory_space<hbm>>
        tpu.enqueue_dma source(%dma_start3A_78 : memref<40x128xi32, #tpu.memory_space<hbm>>) target(%dma_start3A_74 : memref<40x128xi32, #tpu.memory_space<vmem>>) target_semaphore(%run_scoped3A : memref<!tpu.dma_semaphore, #tpu.memory_space<semaphore_mem>>)
        %dma_wait3A = arith.constant 0 : i32
        %dma_wait3A_79 = arith.constant 0 : i32
        %dma_wait3A_80 = tpu.memref_slice %arg8[%dma_wait3A, %dma_wait3A_79] : memref<40x128xi32, #tpu.memory_space<vmem>> -> memref<40x128xi32, #tpu.memory_space<vmem>>
        %dma_wait3A_81 = arith.constant 120 : i32
        %dma_wait3A_82 = arith.constant 0 : i32
        %dma_wait3A_83 = tpu.memref_slice %arg4[%arg1, %dma_wait3A_81, %dma_wait3A_82] : memref<16x160x128xi32, #tpu.memory_space<hbm>> -> memref<1x40x128xi32, #tpu.memory_space<hbm>>
        %dma_wait3A_84 = tpu.memref_squeeze %dma_wait3A_83 : memref<1x40x128xi32, #tpu.memory_space<hbm>> -> memref<40x128xi32, #tpu.memory_space<hbm>>
        %dma_wait3A_85 = arith.constant 0 : i32
        %dma_wait3A_86 = arith.constant 0 : i32
        %dma_wait3A_87 = tpu.memref_slice %arg8[%dma_wait3A_85, %dma_wait3A_86] : memref<40x128xi32, #tpu.memory_space<vmem>> -> memref<40x128xi32, #tpu.memory_space<vmem>>
        %dma_wait3A_88 = arith.constant 120 : i32
        %dma_wait3A_89 = arith.constant 0 : i32
        %dma_wait3A_90 = tpu.memref_slice %arg4[%arg1, %dma_wait3A_88, %dma_wait3A_89] : memref<16x160x128xi32, #tpu.memory_space<hbm>> -> memref<1x40x128xi32, #tpu.memory_space<hbm>>
        %dma_wait3A_91 = tpu.memref_squeeze %dma_wait3A_90 : memref<1x40x128xi32, #tpu.memory_space<hbm>> -> memref<40x128xi32, #tpu.memory_space<hbm>>
        tpu.wait_dma2 semaphore(%run_scoped3A : memref<!tpu.dma_semaphore, #tpu.memory_space<semaphore_mem>>) src(%dma_wait3A_91 : memref<40x128xi32, #tpu.memory_space<hbm>>) dst(%dma_wait3A_87 : memref<40x128xi32, #tpu.memory_space<vmem>>)
        tpu.yield
      }) : () -> ()
      %dma_start3A_36 = arith.constant 0 : i32
      %dma_start3A_37 = arith.constant 0 : i32
      %dma_start3A_38 = arith.constant 0 : i32
      %dma_start3A_39 = arith.constant 0 : i32
      %dma_start3A_40 = tpu.memref_slice %arg9[%dma_start3A_37, %dma_start3A_38, %dma_start3A_39] : memref<2x128x128xf32, #tpu.memory_space<vmem>> -> memref<1x128x128xf32, #tpu.memory_space<vmem>>
      %dma_start3A_41 = tpu.memref_squeeze %dma_start3A_40 : memref<1x128x128xf32, #tpu.memory_space<vmem>> -> memref<128x128xf32, #tpu.memory_space<vmem>>
      %dma_start3A_42 = arith.constant 0 : i32
      %dma_start3A_43 = tpu.memref_slice %arg7[%dma_start3A_36, %dma_start3A_42] : memref<40x128xi32, #tpu.memory_space<vmem>> -> memref<1x128xi32, #tpu.memory_space<vmem>>
      %dma_start3A_44 = tpu.memref_squeeze %dma_start3A_43 : memref<1x128xi32, #tpu.memory_space<vmem>> -> memref<128xi32, #tpu.memory_space<vmem>>
      %dma_start3A_45 = arith.constant 0 : i32
      %dma_start3A_46 = arith.constant 0 : i32
      %dma_start3A_47 = tpu.memref_slice %arg2[%dma_start3A_45, %dma_start3A_46] : memref<10240x128xf32, #tpu.memory_space<hbm>> -> memref<10240x128xf32, #tpu.memory_space<hbm>>
      tpu.enqueue_indirect_dma source(%dma_start3A_47 : memref<10240x128xf32, #tpu.memory_space<hbm>>) target(%dma_start3A_41 : memref<128x128xf32, #tpu.memory_space<vmem>>) offsets(%dma_start3A_44 : memref<128xi32, #tpu.memory_space<vmem>>) semaphore(%arg11 : memref<!tpu.dma_semaphore, #tpu.memory_space<semaphore_mem>>)
      %dma_start3A_48 = arith.constant 1 : i32
      %dma_start3A_49 = arith.constant 1 : i32
      %dma_start3A_50 = arith.constant 0 : i32
      %dma_start3A_51 = arith.constant 0 : i32
      %dma_start3A_52 = tpu.memref_slice %arg9[%dma_start3A_49, %dma_start3A_50, %dma_start3A_51] : memref<2x128x128xf32, #tpu.memory_space<vmem>> -> memref<1x128x128xf32, #tpu.memory_space<vmem>>
      %dma_start3A_53 = tpu.memref_squeeze %dma_start3A_52 : memref<1x128x128xf32, #tpu.memory_space<vmem>> -> memref<128x128xf32, #tpu.memory_space<vmem>>
      %dma_start3A_54 = arith.constant 0 : i32
      %dma_start3A_55 = tpu.memref_slice %arg7[%dma_start3A_48, %dma_start3A_54] : memref<40x128xi32, #tpu.memory_space<vmem>> -> memref<1x128xi32, #tpu.memory_space<vmem>>
      %dma_start3A_56 = tpu.memref_squeeze %dma_start3A_55 : memref<1x128xi32, #tpu.memory_space<vmem>> -> memref<128xi32, #tpu.memory_space<vmem>>
      %dma_start3A_57 = arith.constant 0 : i32
      %dma_start3A_58 = arith.constant 0 : i32
      %dma_start3A_59 = tpu.memref_slice %arg2[%dma_start3A_57, %dma_start3A_58] : memref<10240x128xf32, #tpu.memory_space<hbm>> -> memref<10240x128xf32, #tpu.memory_space<hbm>>
      tpu.enqueue_indirect_dma source(%dma_start3A_59 : memref<10240x128xf32, #tpu.memory_space<hbm>>) target(%dma_start3A_53 : memref<128x128xf32, #tpu.memory_space<vmem>>) offsets(%dma_start3A_56 : memref<128xi32, #tpu.memory_space<vmem>>) semaphore(%arg12 : memref<!tpu.dma_semaphore, #tpu.memory_space<semaphore_mem>>)
      %scan3A_60 = arith.constant 0 : i32
      %scan3A_61 = arith.constant 20 : i32
      %scan3A_62 = arith.addi %scan3A_60, %scan3A_61 : i32
      %scan3A_63 = arith.constant 1 : i32
      scf.for %scan3A_65 = %scan3A_60 to %scan3A_62 step %scan3A_63  : i32 {
        %mul3A_66 = arith.constant 2 : i32
        %mul3A_67 = arith.muli %scan3A_65, %mul3A_66 : i32
        %add3A = arith.constant 0 : i32
        %add3A_68 = arith.addi %add3A, %mul3A_67 : i32
        %add3A_69 = arith.constant 0 : i32
        %add3A_70 = arith.addi %add3A_68, %add3A_69 : i32
        %lt3A = arith.constant 40 : i32
        %lt3A_71 = arith.cmpi slt, %add3A_70, %lt3A : i32
        %convert_element_type3A_72 = arith.extui %lt3A_71 : i1 to i32
        %cond3A_73 = arith.constant 0 : i32
        %cond3A_74 = arith.cmpi ne, %convert_element_type3A_72, %cond3A_73 : i32
        scf.if %cond3A_74 {
          %dma_wait3A = arith.constant 0 : i32
          %dma_wait3A_82 = arith.constant 0 : i32
          %dma_wait3A_83 = arith.constant 0 : i32
          %dma_wait3A_84 = tpu.memref_slice %arg9[%dma_wait3A, %dma_wait3A_82, %dma_wait3A_83] : memref<2x128x128xf32, #tpu.memory_space<vmem>> -> memref<1x128x128xf32, #tpu.memory_space<vmem>>
          %dma_wait3A_85 = tpu.memref_squeeze %dma_wait3A_84 : memref<1x128x128xf32, #tpu.memory_space<vmem>> -> memref<128x128xf32, #tpu.memory_space<vmem>>
          %dma_wait3A_86 = arith.constant 0 : i32
          %dma_wait3A_87 = tpu.memref_slice %arg7[%add3A_70, %dma_wait3A_86] : memref<40x128xi32, #tpu.memory_space<vmem>> -> memref<1x128xi32, #tpu.memory_space<vmem>>
          %dma_wait3A_88 = tpu.memref_squeeze %dma_wait3A_87 : memref<1x128xi32, #tpu.memory_space<vmem>> -> memref<128xi32, #tpu.memory_space<vmem>>
          %dma_wait3A_89 = arith.constant 0 : i32
          %dma_wait3A_90 = arith.constant 0 : i32
          %dma_wait3A_91 = tpu.memref_slice %arg2[%dma_wait3A_89, %dma_wait3A_90] : memref<10240x128xf32, #tpu.memory_space<hbm>> -> memref<10240x128xf32, #tpu.memory_space<hbm>>
          tpu.wait_indirect_dma semaphore(%arg11 : memref<!tpu.dma_semaphore, #tpu.memory_space<semaphore_mem>>) src(%dma_wait3A_91 : memref<10240x128xf32, #tpu.memory_space<hbm>>) dst(%dma_wait3A_85 : memref<128x128xf32, #tpu.memory_space<vmem>>)
          %run_scoped3A = arith.constant 0 : i32
          "tpu.region"() ({
            %run_scoped3A_99 = tpu.sem_alloc : memref<!tpu.dma_semaphore, #tpu.memory_space<semaphore_mem>>
            %dma_start3A_100 = arith.constant 0 : i32
            %dma_start3A_101 = arith.constant 0 : i32
            %dma_start3A_102 = tpu.memref_slice %arg9[%run_scoped3A, %dma_start3A_100, %dma_start3A_101] : memref<2x128x128xf32, #tpu.memory_space<vmem>> -> memref<1x128x128xf32, #tpu.memory_space<vmem>>
            %dma_start3A_103 = tpu.memref_squeeze %dma_start3A_102 : memref<1x128x128xf32, #tpu.memory_space<vmem>> -> memref<128x128xf32, #tpu.memory_space<vmem>>
            %dma_start3A_104 = arith.constant 0 : i32
            %dma_start3A_105 = tpu.memref_slice %arg8[%add3A_70, %dma_start3A_104] : memref<40x128xi32, #tpu.memory_space<vmem>> -> memref<1x128xi32, #tpu.memory_space<vmem>>
            %dma_start3A_106 = tpu.memref_squeeze %dma_start3A_105 : memref<1x128xi32, #tpu.memory_space<vmem>> -> memref<128xi32, #tpu.memory_space<vmem>>
            %dma_start3A_107 = arith.constant 0 : i32
            %dma_start3A_108 = arith.constant 0 : i32
            %dma_start3A_109 = tpu.memref_slice %arg10[%dma_start3A_107, %dma_start3A_108] : memref<10240x128xf32, #tpu.memory_space<vmem_shared>> -> memref<10240x128xf32, #tpu.memory_space<vmem_shared>>
            tpu.enqueue_indirect_dma source(%dma_start3A_103 : memref<128x128xf32, #tpu.memory_space<vmem>>) target(%dma_start3A_109 : memref<10240x128xf32, #tpu.memory_space<vmem_shared>>) offsets(%dma_start3A_106 : memref<128xi32, #tpu.memory_space<vmem>>) semaphore(%run_scoped3A_99 : memref<!tpu.dma_semaphore, #tpu.memory_space<semaphore_mem>>) {add = true}
            %dma_wait3A_110 = arith.constant 0 : i32
            %dma_wait3A_111 = arith.constant 0 : i32
            %dma_wait3A_112 = tpu.memref_slice %arg9[%run_scoped3A, %dma_wait3A_110, %dma_wait3A_111] : memref<2x128x128xf32, #tpu.memory_space<vmem>> -> memref<1x128x128xf32, #tpu.memory_space<vmem>>
            %dma_wait3A_113 = tpu.memref_squeeze %dma_wait3A_112 : memref<1x128x128xf32, #tpu.memory_space<vmem>> -> memref<128x128xf32, #tpu.memory_space<vmem>>
            %dma_wait3A_114 = arith.constant 0 : i32
            %dma_wait3A_115 = tpu.memref_slice %arg8[%add3A_70, %dma_wait3A_114] : memref<40x128xi32, #tpu.memory_space<vmem>> -> memref<1x128xi32, #tpu.memory_space<vmem>>
            %dma_wait3A_116 = tpu.memref_squeeze %dma_wait3A_115 : memref<1x128xi32, #tpu.memory_space<vmem>> -> memref<128xi32, #tpu.memory_space<vmem>>
            %dma_wait3A_117 = arith.constant 0 : i32
            %dma_wait3A_118 = arith.constant 0 : i32
            %dma_wait3A_119 = tpu.memref_slice %arg10[%dma_wait3A_117, %dma_wait3A_118] : memref<10240x128xf32, #tpu.memory_space<vmem_shared>> -> memref<10240x128xf32, #tpu.memory_space<vmem_shared>>
            tpu.wait_indirect_dma semaphore(%run_scoped3A_99 : memref<!tpu.dma_semaphore, #tpu.memory_space<semaphore_mem>>) src(%dma_wait3A_113 : memref<128x128xf32, #tpu.memory_space<vmem>>) dst(%dma_wait3A_119 : memref<10240x128xf32, #tpu.memory_space<vmem_shared>>)
            tpu.yield
          }) : () -> ()
          %add3A_92 = arith.constant 2 : i32
          %add3A_93 = arith.addi %add3A_70, %add3A_92 : i32
          %lt3A_94 = arith.constant 40 : i32
          %lt3A_95 = arith.cmpi slt, %add3A_93, %lt3A_94 : i32
          %convert_element_type3A_96 = arith.extui %lt3A_95 : i1 to i32
          %cond3A_97 = arith.constant 0 : i32
          %cond3A_98 = arith.cmpi ne, %convert_element_type3A_96, %cond3A_97 : i32
          scf.if %cond3A_98 {
            %add3A_99 = arith.constant 2 : i32
            %add3A_100 = arith.addi %add3A_70, %add3A_99 : i32
            %dma_start3A_101 = arith.constant 0 : i32
            %dma_start3A_102 = arith.constant 0 : i32
            %dma_start3A_103 = arith.constant 0 : i32
            %dma_start3A_104 = tpu.memref_slice %arg9[%dma_start3A_101, %dma_start3A_102, %dma_start3A_103] : memref<2x128x128xf32, #tpu.memory_space<vmem>> -> memref<1x128x128xf32, #tpu.memory_space<vmem>>
            %dma_start3A_105 = tpu.memref_squeeze %dma_start3A_104 : memref<1x128x128xf32, #tpu.memory_space<vmem>> -> memref<128x128xf32, #tpu.memory_space<vmem>>
            %dma_start3A_106 = arith.constant 0 : i32
            %dma_start3A_107 = tpu.memref_slice %arg7[%add3A_100, %dma_start3A_106] : memref<40x128xi32, #tpu.memory_space<vmem>> -> memref<1x128xi32, #tpu.memory_space<vmem>>
            %dma_start3A_108 = tpu.memref_squeeze %dma_start3A_107 : memref<1x128xi32, #tpu.memory_space<vmem>> -> memref<128xi32, #tpu.memory_space<vmem>>
            %dma_start3A_109 = arith.constant 0 : i32
            %dma_start3A_110 = arith.constant 0 : i32
            %dma_start3A_111 = tpu.memref_slice %arg2[%dma_start3A_109, %dma_start3A_110] : memref<10240x128xf32, #tpu.memory_space<hbm>> -> memref<10240x128xf32, #tpu.memory_space<hbm>>
            tpu.enqueue_indirect_dma source(%dma_start3A_111 : memref<10240x128xf32, #tpu.memory_space<hbm>>) target(%dma_start3A_105 : memref<128x128xf32, #tpu.memory_space<vmem>>) offsets(%dma_start3A_108 : memref<128xi32, #tpu.memory_space<vmem>>) semaphore(%arg11 : memref<!tpu.dma_semaphore, #tpu.memory_space<semaphore_mem>>)
          } else {
          }
        } else {
        }
        %add3A_75 = arith.constant 1 : i32
        %add3A_76 = arith.addi %add3A_68, %add3A_75 : i32
        %lt3A_77 = arith.constant 40 : i32
        %lt3A_78 = arith.cmpi slt, %add3A_76, %lt3A_77 : i32
        %convert_element_type3A_79 = arith.extui %lt3A_78 : i1 to i32
        %cond3A_80 = arith.constant 0 : i32
        %cond3A_81 = arith.cmpi ne, %convert_element_type3A_79, %cond3A_80 : i32
        scf.if %cond3A_81 {
          %dma_wait3A = arith.constant 1 : i32
          %dma_wait3A_82 = arith.constant 0 : i32
          %dma_wait3A_83 = arith.constant 0 : i32
          %dma_wait3A_84 = tpu.memref_slice %arg9[%dma_wait3A, %dma_wait3A_82, %dma_wait3A_83] : memref<2x128x128xf32, #tpu.memory_space<vmem>> -> memref<1x128x128xf32, #tpu.memory_space<vmem>>
          %dma_wait3A_85 = tpu.memref_squeeze %dma_wait3A_84 : memref<1x128x128xf32, #tpu.memory_space<vmem>> -> memref<128x128xf32, #tpu.memory_space<vmem>>
          %dma_wait3A_86 = arith.constant 0 : i32
          %dma_wait3A_87 = tpu.memref_slice %arg7[%add3A_76, %dma_wait3A_86] : memref<40x128xi32, #tpu.memory_space<vmem>> -> memref<1x128xi32, #tpu.memory_space<vmem>>
          %dma_wait3A_88 = tpu.memref_squeeze %dma_wait3A_87 : memref<1x128xi32, #tpu.memory_space<vmem>> -> memref<128xi32, #tpu.memory_space<vmem>>
          %dma_wait3A_89 = arith.constant 0 : i32
          %dma_wait3A_90 = arith.constant 0 : i32
          %dma_wait3A_91 = tpu.memref_slice %arg2[%dma_wait3A_89, %dma_wait3A_90] : memref<10240x128xf32, #tpu.memory_space<hbm>> -> memref<10240x128xf32, #tpu.memory_space<hbm>>
          tpu.wait_indirect_dma semaphore(%arg12 : memref<!tpu.dma_semaphore, #tpu.memory_space<semaphore_mem>>) src(%dma_wait3A_91 : memref<10240x128xf32, #tpu.memory_space<hbm>>) dst(%dma_wait3A_85 : memref<128x128xf32, #tpu.memory_space<vmem>>)
          %run_scoped3A = arith.constant 1 : i32
          "tpu.region"() ({
            %run_scoped3A_99 = tpu.sem_alloc : memref<!tpu.dma_semaphore, #tpu.memory_space<semaphore_mem>>
            %dma_start3A_100 = arith.constant 0 : i32
            %dma_start3A_101 = arith.constant 0 : i32
            %dma_start3A_102 = tpu.memref_slice %arg9[%run_scoped3A, %dma_start3A_100, %dma_start3A_101] : memref<2x128x128xf32, #tpu.memory_space<vmem>> -> memref<1x128x128xf32, #tpu.memory_space<vmem>>
            %dma_start3A_103 = tpu.memref_squeeze %dma_start3A_102 : memref<1x128x128xf32, #tpu.memory_space<vmem>> -> memref<128x128xf32, #tpu.memory_space<vmem>>
            %dma_start3A_104 = arith.constant 0 : i32
            %dma_start3A_105 = tpu.memref_slice %arg8[%add3A_76, %dma_start3A_104] : memref<40x128xi32, #tpu.memory_space<vmem>> -> memref<1x128xi32, #tpu.memory_space<vmem>>
            %dma_start3A_106 = tpu.memref_squeeze %dma_start3A_105 : memref<1x128xi32, #tpu.memory_space<vmem>> -> memref<128xi32, #tpu.memory_space<vmem>>
            %dma_start3A_107 = arith.constant 0 : i32
            %dma_start3A_108 = arith.constant 0 : i32
            %dma_start3A_109 = tpu.memref_slice %arg10[%dma_start3A_107, %dma_start3A_108] : memref<10240x128xf32, #tpu.memory_space<vmem_shared>> -> memref<10240x128xf32, #tpu.memory_space<vmem_shared>>
            tpu.enqueue_indirect_dma source(%dma_start3A_103 : memref<128x128xf32, #tpu.memory_space<vmem>>) target(%dma_start3A_109 : memref<10240x128xf32, #tpu.memory_space<vmem_shared>>) offsets(%dma_start3A_106 : memref<128xi32, #tpu.memory_space<vmem>>) semaphore(%run_scoped3A_99 : memref<!tpu.dma_semaphore, #tpu.memory_space<semaphore_mem>>) {add = true}
            %dma_wait3A_110 = arith.constant 0 : i32
            %dma_wait3A_111 = arith.constant 0 : i32
            %dma_wait3A_112 = tpu.memref_slice %arg9[%run_scoped3A, %dma_wait3A_110, %dma_wait3A_111] : memref<2x128x128xf32, #tpu.memory_space<vmem>> -> memref<1x128x128xf32, #tpu.memory_space<vmem>>
            %dma_wait3A_113 = tpu.memref_squeeze %dma_wait3A_112 : memref<1x128x128xf32, #tpu.memory_space<vmem>> -> memref<128x128xf32, #tpu.memory_space<vmem>>
            %dma_wait3A_114 = arith.constant 0 : i32
            %dma_wait3A_115 = tpu.memref_slice %arg8[%add3A_76, %dma_wait3A_114] : memref<40x128xi32, #tpu.memory_space<vmem>> -> memref<1x128xi32, #tpu.memory_space<vmem>>
            %dma_wait3A_116 = tpu.memref_squeeze %dma_wait3A_115 : memref<1x128xi32, #tpu.memory_space<vmem>> -> memref<128xi32, #tpu.memory_space<vmem>>
            %dma_wait3A_117 = arith.constant 0 : i32
            %dma_wait3A_118 = arith.constant 0 : i32
            %dma_wait3A_119 = tpu.memref_slice %arg10[%dma_wait3A_117, %dma_wait3A_118] : memref<10240x128xf32, #tpu.memory_space<vmem_shared>> -> memref<10240x128xf32, #tpu.memory_space<vmem_shared>>
            tpu.wait_indirect_dma semaphore(%run_scoped3A_99 : memref<!tpu.dma_semaphore, #tpu.memory_space<semaphore_mem>>) src(%dma_wait3A_113 : memref<128x128xf32, #tpu.memory_space<vmem>>) dst(%dma_wait3A_119 : memref<10240x128xf32, #tpu.memory_space<vmem_shared>>)
            tpu.yield
          }) : () -> ()
          %add3A_92 = arith.constant 2 : i32
          %add3A_93 = arith.addi %add3A_76, %add3A_92 : i32
          %lt3A_94 = arith.constant 40 : i32
          %lt3A_95 = arith.cmpi slt, %add3A_93, %lt3A_94 : i32
          %convert_element_type3A_96 = arith.extui %lt3A_95 : i1 to i32
          %cond3A_97 = arith.constant 0 : i32
          %cond3A_98 = arith.cmpi ne, %convert_element_type3A_96, %cond3A_97 : i32
          scf.if %cond3A_98 {
            %add3A_99 = arith.constant 2 : i32
            %add3A_100 = arith.addi %add3A_76, %add3A_99 : i32
            %dma_start3A_101 = arith.constant 1 : i32
            %dma_start3A_102 = arith.constant 0 : i32
            %dma_start3A_103 = arith.constant 0 : i32
            %dma_start3A_104 = tpu.memref_slice %arg9[%dma_start3A_101, %dma_start3A_102, %dma_start3A_103] : memref<2x128x128xf32, #tpu.memory_space<vmem>> -> memref<1x128x128xf32, #tpu.memory_space<vmem>>
            %dma_start3A_105 = tpu.memref_squeeze %dma_start3A_104 : memref<1x128x128xf32, #tpu.memory_space<vmem>> -> memref<128x128xf32, #tpu.memory_space<vmem>>
            %dma_start3A_106 = arith.constant 0 : i32
            %dma_start3A_107 = tpu.memref_slice %arg7[%add3A_100, %dma_start3A_106] : memref<40x128xi32, #tpu.memory_space<vmem>> -> memref<1x128xi32, #tpu.memory_space<vmem>>
            %dma_start3A_108 = tpu.memref_squeeze %dma_start3A_107 : memref<1x128xi32, #tpu.memory_space<vmem>> -> memref<128xi32, #tpu.memory_space<vmem>>
            %dma_start3A_109 = arith.constant 0 : i32
            %dma_start3A_110 = arith.constant 0 : i32
            %dma_start3A_111 = tpu.memref_slice %arg2[%dma_start3A_109, %dma_start3A_110] : memref<10240x128xf32, #tpu.memory_space<hbm>> -> memref<10240x128xf32, #tpu.memory_space<hbm>>
            tpu.enqueue_indirect_dma source(%dma_start3A_111 : memref<10240x128xf32, #tpu.memory_space<hbm>>) target(%dma_start3A_105 : memref<128x128xf32, #tpu.memory_space<vmem>>) offsets(%dma_start3A_108 : memref<128xi32, #tpu.memory_space<vmem>>) semaphore(%arg12 : memref<!tpu.dma_semaphore, #tpu.memory_space<semaphore_mem>>)
          } else {
          }
        } else {
        }
      }
      %scan3A_64 = arith.constant 20 : i32
    } else {
    }
    %barrier3A_8 = arith.constant 0 : index
    tpu.barrier barrier_id(%barrier3A_8)
    "tpu.region"() ({
      %run_scoped3A = tpu.sem_alloc : memref<!tpu.dma_semaphore, #tpu.memory_space<semaphore_mem>>
      %dma_start3A = arith.constant 0 : i32
      %dma_start3A_9 = tpu.memref_slice %arg6[%arg0, %mul3A_0, %dma_start3A] : memref<2x10240x128xf32, #tpu.memory_space<hbm>> -> memref<1x640x128xf32, #tpu.memory_space<hbm>>
      %dma_start3A_10 = tpu.memref_squeeze %dma_start3A_9 : memref<1x640x128xf32, #tpu.memory_space<hbm>> -> memref<640x128xf32, #tpu.memory_space<hbm>>
      %dma_start3A_11 = arith.constant 0 : i32
      %dma_start3A_12 = tpu.memref_slice %arg10[%mul3A_0, %dma_start3A_11] : memref<10240x128xf32, #tpu.memory_space<vmem_shared>> -> memref<640x128xf32, #tpu.memory_space<vmem_shared>>
      tpu.enqueue_dma source(%dma_start3A_12 : memref<640x128xf32, #tpu.memory_space<vmem_shared>>) target(%dma_start3A_10 : memref<640x128xf32, #tpu.memory_space<hbm>>) target_semaphore(%run_scoped3A : memref<!tpu.dma_semaphore, #tpu.memory_space<semaphore_mem>>)
      %dma_wait3A = arith.constant 0 : i32
      %dma_wait3A_13 = tpu.memref_slice %arg6[%arg0, %mul3A_0, %dma_wait3A] : memref<2x10240x128xf32, #tpu.memory_space<hbm>> -> memref<1x640x128xf32, #tpu.memory_space<hbm>>
      %dma_wait3A_14 = tpu.memref_squeeze %dma_wait3A_13 : memref<1x640x128xf32, #tpu.memory_space<hbm>> -> memref<640x128xf32, #tpu.memory_space<hbm>>
      %dma_wait3A_15 = arith.constant 0 : i32
      %dma_wait3A_16 = tpu.memref_slice %arg10[%mul3A_0, %dma_wait3A_15] : memref<10240x128xf32, #tpu.memory_space<vmem_shared>> -> memref<640x128xf32, #tpu.memory_space<vmem_shared>>
      tpu.wait_dma2 semaphore(%run_scoped3A : memref<!tpu.dma_semaphore, #tpu.memory_space<semaphore_mem>>) src(%dma_wait3A_16 : memref<640x128xf32, #tpu.memory_space<vmem_shared>>) dst(%dma_wait3A_14 : memref<640x128xf32, #tpu.memory_space<hbm>>)
      tpu.yield
    }) : () -> ()
    return
  }
}

#map = affine_map<(d0, d1) -> (0, 0)>
#map1 = affine_map<(d0, d1) -> (0, 0, 0)>
module attributes {stable_mosaic.version = 14 : i64} {
  func.func @_sc_agg(%arg0: i32, %arg1: i32, %arg2: memref<10240x128xf32, #tpu.memory_space<hbm>>, %arg3: memref<16x160x128xi32, #tpu.memory_space<hbm>>, %arg4: memref<16x160x128xi32, #tpu.memory_space<hbm>>, %arg5: memref<10240x128xf32, #tpu.memory_space<hbm>>, %arg6: memref<2x10240x128xf32, #tpu.memory_space<hbm>>, %arg7: memref<40x128xi32, #tpu.memory_space<vmem>>, %arg8: memref<40x128xi32, #tpu.memory_space<vmem>>, %arg9: memref<2x128x128xf32, #tpu.memory_space<vmem>>, %arg10: memref<10240x128xf32, #tpu.memory_space<vmem_shared>>, %arg11: memref<!tpu.dma_semaphore, #tpu.memory_space<semaphore_mem>>, %arg12: memref<!tpu.dma_semaphore, #tpu.memory_space<semaphore_mem>>) attributes {dimension_semantics = [#tpu.dimension_semantics<core_parallel>, #tpu.dimension_semantics<subcore_parallel>], iteration_bounds = array<i64: 2, 16>, scalar_prefetch = 0 : i64, scratch_operands = 6 : i64, tpu.core_type = #tpu.core_type<sc_vector_subcore>, window_params = [{transform_indices = #map}, {transform_indices = #map1}, {transform_indices = #map1}, {transform_indices = #map}, {transform_indices = #map1}]} {
    %mul3A = arith.constant 640 : i32
    %mul3A_0 = arith.muli %arg1, %mul3A : i32
    "tpu.region"() ({
      %run_scoped3A = tpu.sem_alloc : memref<!tpu.dma_semaphore, #tpu.memory_space<semaphore_mem>>
      %dma_start3A = arith.constant 0 : i32
      %dma_start3A_9 = tpu.memref_slice %arg10[%mul3A_0, %dma_start3A] : memref<10240x128xf32, #tpu.memory_space<vmem_shared>> -> memref<640x128xf32, #tpu.memory_space<vmem_shared>>
      %dma_start3A_10 = arith.constant 0 : i32
      %dma_start3A_11 = tpu.memref_slice %arg5[%mul3A_0, %dma_start3A_10] : memref<10240x128xf32, #tpu.memory_space<hbm>> -> memref<640x128xf32, #tpu.memory_space<hbm>>
      tpu.enqueue_dma source(%dma_start3A_11 : memref<640x128xf32, #tpu.memory_space<hbm>>) target(%dma_start3A_9 : memref<640x128xf32, #tpu.memory_space<vmem_shared>>) target_semaphore(%run_scoped3A : memref<!tpu.dma_semaphore, #tpu.memory_space<semaphore_mem>>)
      %dma_wait3A = arith.constant 0 : i32
      %dma_wait3A_12 = tpu.memref_slice %arg10[%mul3A_0, %dma_wait3A] : memref<10240x128xf32, #tpu.memory_space<vmem_shared>> -> memref<640x128xf32, #tpu.memory_space<vmem_shared>>
      %dma_wait3A_13 = arith.constant 0 : i32
      %dma_wait3A_14 = tpu.memref_slice %arg5[%mul3A_0, %dma_wait3A_13] : memref<10240x128xf32, #tpu.memory_space<hbm>> -> memref<640x128xf32, #tpu.memory_space<hbm>>
      tpu.wait_dma2 semaphore(%run_scoped3A : memref<!tpu.dma_semaphore, #tpu.memory_space<semaphore_mem>>) src(%dma_wait3A_14 : memref<640x128xf32, #tpu.memory_space<hbm>>) dst(%dma_wait3A_12 : memref<640x128xf32, #tpu.memory_space<vmem_shared>>)
      tpu.yield
    }) : () -> ()
    %barrier3A = arith.constant 0 : index
    tpu.barrier barrier_id(%barrier3A)
    %eq3A = arith.constant 0 : i32
    %eq3A_1 = arith.cmpi eq, %arg0, %eq3A : i32
    %convert_element_type3A = arith.extui %eq3A_1 : i1 to i32
    %cond3A = arith.constant 0 : i32
    %cond3A_2 = arith.cmpi ne, %convert_element_type3A, %cond3A : i32
    scf.if %cond3A_2 {
      "tpu.region"() ({
        %run_scoped3A = tpu.sem_alloc : memref<!tpu.dma_semaphore, #tpu.memory_space<semaphore_mem>>
        %dma_start3A_65 = arith.constant 0 : i32
        %dma_start3A_66 = arith.constant 0 : i32
        %dma_start3A_67 = tpu.memref_slice %arg7[%dma_start3A_65, %dma_start3A_66] : memref<40x128xi32, #tpu.memory_space<vmem>> -> memref<40x128xi32, #tpu.memory_space<vmem>>
        %dma_start3A_68 = arith.constant 0 : i32
        %dma_start3A_69 = arith.constant 0 : i32
        %dma_start3A_70 = tpu.memref_slice %arg3[%arg1, %dma_start3A_68, %dma_start3A_69] : memref<16x160x128xi32, #tpu.memory_space<hbm>> -> memref<1x40x128xi32, #tpu.memory_space<hbm>>
        %dma_start3A_71 = tpu.memref_squeeze %dma_start3A_70 : memref<1x40x128xi32, #tpu.memory_space<hbm>> -> memref<40x128xi32, #tpu.memory_space<hbm>>
        %dma_start3A_72 = arith.constant 0 : i32
        %dma_start3A_73 = arith.constant 0 : i32
        %dma_start3A_74 = tpu.memref_slice %arg7[%dma_start3A_72, %dma_start3A_73] : memref<40x128xi32, #tpu.memory_space<vmem>> -> memref<40x128xi32, #tpu.memory_space<vmem>>
        %dma_start3A_75 = arith.constant 0 : i32
        %dma_start3A_76 = arith.constant 0 : i32
        %dma_start3A_77 = tpu.memref_slice %arg3[%arg1, %dma_start3A_75, %dma_start3A_76] : memref<16x160x128xi32, #tpu.memory_space<hbm>> -> memref<1x40x128xi32, #tpu.memory_space<hbm>>
        %dma_start3A_78 = tpu.memref_squeeze %dma_start3A_77 : memref<1x40x128xi32, #tpu.memory_space<hbm>> -> memref<40x128xi32, #tpu.memory_space<hbm>>
        tpu.enqueue_dma source(%dma_start3A_78 : memref<40x128xi32, #tpu.memory_space<hbm>>) target(%dma_start3A_74 : memref<40x128xi32, #tpu.memory_space<vmem>>) target_semaphore(%run_scoped3A : memref<!tpu.dma_semaphore, #tpu.memory_space<semaphore_mem>>)
        %dma_wait3A = arith.constant 0 : i32
        %dma_wait3A_79 = arith.constant 0 : i32
        %dma_wait3A_80 = tpu.memref_slice %arg7[%dma_wait3A, %dma_wait3A_79] : memref<40x128xi32, #tpu.memory_space<vmem>> -> memref<40x128xi32, #tpu.memory_space<vmem>>
        %dma_wait3A_81 = arith.constant 0 : i32
        %dma_wait3A_82 = arith.constant 0 : i32
        %dma_wait3A_83 = tpu.memref_slice %arg3[%arg1, %dma_wait3A_81, %dma_wait3A_82] : memref<16x160x128xi32, #tpu.memory_space<hbm>> -> memref<1x40x128xi32, #tpu.memory_space<hbm>>
        %dma_wait3A_84 = tpu.memref_squeeze %dma_wait3A_83 : memref<1x40x128xi32, #tpu.memory_space<hbm>> -> memref<40x128xi32, #tpu.memory_space<hbm>>
        %dma_wait3A_85 = arith.constant 0 : i32
        %dma_wait3A_86 = arith.constant 0 : i32
        %dma_wait3A_87 = tpu.memref_slice %arg7[%dma_wait3A_85, %dma_wait3A_86] : memref<40x128xi32, #tpu.memory_space<vmem>> -> memref<40x128xi32, #tpu.memory_space<vmem>>
        %dma_wait3A_88 = arith.constant 0 : i32
        %dma_wait3A_89 = arith.constant 0 : i32
        %dma_wait3A_90 = tpu.memref_slice %arg3[%arg1, %dma_wait3A_88, %dma_wait3A_89] : memref<16x160x128xi32, #tpu.memory_space<hbm>> -> memref<1x40x128xi32, #tpu.memory_space<hbm>>
        %dma_wait3A_91 = tpu.memref_squeeze %dma_wait3A_90 : memref<1x40x128xi32, #tpu.memory_space<hbm>> -> memref<40x128xi32, #tpu.memory_space<hbm>>
        tpu.wait_dma2 semaphore(%run_scoped3A : memref<!tpu.dma_semaphore, #tpu.memory_space<semaphore_mem>>) src(%dma_wait3A_91 : memref<40x128xi32, #tpu.memory_space<hbm>>) dst(%dma_wait3A_87 : memref<40x128xi32, #tpu.memory_space<vmem>>)
        tpu.yield
      }) : () -> ()
      "tpu.region"() ({
        %run_scoped3A = tpu.sem_alloc : memref<!tpu.dma_semaphore, #tpu.memory_space<semaphore_mem>>
        %dma_start3A_65 = arith.constant 0 : i32
        %dma_start3A_66 = arith.constant 0 : i32
        %dma_start3A_67 = tpu.memref_slice %arg8[%dma_start3A_65, %dma_start3A_66] : memref<40x128xi32, #tpu.memory_space<vmem>> -> memref<40x128xi32, #tpu.memory_space<vmem>>
        %dma_start3A_68 = arith.constant 0 : i32
        %dma_start3A_69 = arith.constant 0 : i32
        %dma_start3A_70 = tpu.memref_slice %arg4[%arg1, %dma_start3A_68, %dma_start3A_69] : memref<16x160x128xi32, #tpu.memory_space<hbm>> -> memref<1x40x128xi32, #tpu.memory_space<hbm>>
        %dma_start3A_71 = tpu.memref_squeeze %dma_start3A_70 : memref<1x40x128xi32, #tpu.memory_space<hbm>> -> memref<40x128xi32, #tpu.memory_space<hbm>>
        %dma_start3A_72 = arith.constant 0 : i32
        %dma_start3A_73 = arith.constant 0 : i32
        %dma_start3A_74 = tpu.memref_slice %arg8[%dma_start3A_72, %dma_start3A_73] : memref<40x128xi32, #tpu.memory_space<vmem>> -> memref<40x128xi32, #tpu.memory_space<vmem>>
        %dma_start3A_75 = arith.constant 0 : i32
        %dma_start3A_76 = arith.constant 0 : i32
        %dma_start3A_77 = tpu.memref_slice %arg4[%arg1, %dma_start3A_75, %dma_start3A_76] : memref<16x160x128xi32, #tpu.memory_space<hbm>> -> memref<1x40x128xi32, #tpu.memory_space<hbm>>
        %dma_start3A_78 = tpu.memref_squeeze %dma_start3A_77 : memref<1x40x128xi32, #tpu.memory_space<hbm>> -> memref<40x128xi32, #tpu.memory_space<hbm>>
        tpu.enqueue_dma source(%dma_start3A_78 : memref<40x128xi32, #tpu.memory_space<hbm>>) target(%dma_start3A_74 : memref<40x128xi32, #tpu.memory_space<vmem>>) target_semaphore(%run_scoped3A : memref<!tpu.dma_semaphore, #tpu.memory_space<semaphore_mem>>)
        %dma_wait3A = arith.constant 0 : i32
        %dma_wait3A_79 = arith.constant 0 : i32
        %dma_wait3A_80 = tpu.memref_slice %arg8[%dma_wait3A, %dma_wait3A_79] : memref<40x128xi32, #tpu.memory_space<vmem>> -> memref<40x128xi32, #tpu.memory_space<vmem>>
        %dma_wait3A_81 = arith.constant 0 : i32
        %dma_wait3A_82 = arith.constant 0 : i32
        %dma_wait3A_83 = tpu.memref_slice %arg4[%arg1, %dma_wait3A_81, %dma_wait3A_82] : memref<16x160x128xi32, #tpu.memory_space<hbm>> -> memref<1x40x128xi32, #tpu.memory_space<hbm>>
        %dma_wait3A_84 = tpu.memref_squeeze %dma_wait3A_83 : memref<1x40x128xi32, #tpu.memory_space<hbm>> -> memref<40x128xi32, #tpu.memory_space<hbm>>
        %dma_wait3A_85 = arith.constant 0 : i32
        %dma_wait3A_86 = arith.constant 0 : i32
        %dma_wait3A_87 = tpu.memref_slice %arg8[%dma_wait3A_85, %dma_wait3A_86] : memref<40x128xi32, #tpu.memory_space<vmem>> -> memref<40x128xi32, #tpu.memory_space<vmem>>
        %dma_wait3A_88 = arith.constant 0 : i32
        %dma_wait3A_89 = arith.constant 0 : i32
        %dma_wait3A_90 = tpu.memref_slice %arg4[%arg1, %dma_wait3A_88, %dma_wait3A_89] : memref<16x160x128xi32, #tpu.memory_space<hbm>> -> memref<1x40x128xi32, #tpu.memory_space<hbm>>
        %dma_wait3A_91 = tpu.memref_squeeze %dma_wait3A_90 : memref<1x40x128xi32, #tpu.memory_space<hbm>> -> memref<40x128xi32, #tpu.memory_space<hbm>>
        tpu.wait_dma2 semaphore(%run_scoped3A : memref<!tpu.dma_semaphore, #tpu.memory_space<semaphore_mem>>) src(%dma_wait3A_91 : memref<40x128xi32, #tpu.memory_space<hbm>>) dst(%dma_wait3A_87 : memref<40x128xi32, #tpu.memory_space<vmem>>)
        tpu.yield
      }) : () -> ()
      %dma_start3A = arith.constant 0 : i32
      %dma_start3A_9 = arith.constant 0 : i32
      %dma_start3A_10 = arith.constant 0 : i32
      %dma_start3A_11 = arith.constant 0 : i32
      %dma_start3A_12 = tpu.memref_slice %arg9[%dma_start3A_9, %dma_start3A_10, %dma_start3A_11] : memref<2x128x128xf32, #tpu.memory_space<vmem>> -> memref<1x128x128xf32, #tpu.memory_space<vmem>>
      %dma_start3A_13 = tpu.memref_squeeze %dma_start3A_12 : memref<1x128x128xf32, #tpu.memory_space<vmem>> -> memref<128x128xf32, #tpu.memory_space<vmem>>
      %dma_start3A_14 = arith.constant 0 : i32
      %dma_start3A_15 = tpu.memref_slice %arg7[%dma_start3A, %dma_start3A_14] : memref<40x128xi32, #tpu.memory_space<vmem>> -> memref<1x128xi32, #tpu.memory_space<vmem>>
      %dma_start3A_16 = tpu.memref_squeeze %dma_start3A_15 : memref<1x128xi32, #tpu.memory_space<vmem>> -> memref<128xi32, #tpu.memory_space<vmem>>
      %dma_start3A_17 = arith.constant 0 : i32
      %dma_start3A_18 = arith.constant 0 : i32
      %dma_start3A_19 = tpu.memref_slice %arg2[%dma_start3A_17, %dma_start3A_18] : memref<10240x128xf32, #tpu.memory_space<hbm>> -> memref<10240x128xf32, #tpu.memory_space<hbm>>
      tpu.enqueue_indirect_dma source(%dma_start3A_19 : memref<10240x128xf32, #tpu.memory_space<hbm>>) target(%dma_start3A_13 : memref<128x128xf32, #tpu.memory_space<vmem>>) offsets(%dma_start3A_16 : memref<128xi32, #tpu.memory_space<vmem>>) semaphore(%arg11 : memref<!tpu.dma_semaphore, #tpu.memory_space<semaphore_mem>>)
      %dma_start3A_20 = arith.constant 1 : i32
      %dma_start3A_21 = arith.constant 1 : i32
      %dma_start3A_22 = arith.constant 0 : i32
      %dma_start3A_23 = arith.constant 0 : i32
      %dma_start3A_24 = tpu.memref_slice %arg9[%dma_start3A_21, %dma_start3A_22, %dma_start3A_23] : memref<2x128x128xf32, #tpu.memory_space<vmem>> -> memref<1x128x128xf32, #tpu.memory_space<vmem>>
      %dma_start3A_25 = tpu.memref_squeeze %dma_start3A_24 : memref<1x128x128xf32, #tpu.memory_space<vmem>> -> memref<128x128xf32, #tpu.memory_space<vmem>>
      %dma_start3A_26 = arith.constant 0 : i32
      %dma_start3A_27 = tpu.memref_slice %arg7[%dma_start3A_20, %dma_start3A_26] : memref<40x128xi32, #tpu.memory_space<vmem>> -> memref<1x128xi32, #tpu.memory_space<vmem>>
      %dma_start3A_28 = tpu.memref_squeeze %dma_start3A_27 : memref<1x128xi32, #tpu.memory_space<vmem>> -> memref<128xi32, #tpu.memory_space<vmem>>
      %dma_start3A_29 = arith.constant 0 : i32
      %dma_start3A_30 = arith.constant 0 : i32
      %dma_start3A_31 = tpu.memref_slice %arg2[%dma_start3A_29, %dma_start3A_30] : memref<10240x128xf32, #tpu.memory_space<hbm>> -> memref<10240x128xf32, #tpu.memory_space<hbm>>
      tpu.enqueue_indirect_dma source(%dma_start3A_31 : memref<10240x128xf32, #tpu.memory_space<hbm>>) target(%dma_start3A_25 : memref<128x128xf32, #tpu.memory_space<vmem>>) offsets(%dma_start3A_28 : memref<128xi32, #tpu.memory_space<vmem>>) semaphore(%arg12 : memref<!tpu.dma_semaphore, #tpu.memory_space<semaphore_mem>>)
      %scan3A = arith.constant 0 : i32
      %scan3A_32 = arith.constant 20 : i32
      %scan3A_33 = arith.addi %scan3A, %scan3A_32 : i32
      %scan3A_34 = arith.constant 1 : i32
      scf.for %scan3A_65 = %scan3A to %scan3A_33 step %scan3A_34  : i32 {
        %mul3A_66 = arith.constant 2 : i32
        %mul3A_67 = arith.muli %scan3A_65, %mul3A_66 : i32
        %add3A = arith.constant 0 : i32
        %add3A_68 = arith.addi %add3A, %mul3A_67 : i32
        %add3A_69 = arith.constant 0 : i32
        %add3A_70 = arith.addi %add3A_68, %add3A_69 : i32
        %lt3A = arith.constant 40 : i32
        %lt3A_71 = arith.cmpi slt, %add3A_70, %lt3A : i32
        %convert_element_type3A_72 = arith.extui %lt3A_71 : i1 to i32
        %cond3A_73 = arith.constant 0 : i32
        %cond3A_74 = arith.cmpi ne, %convert_element_type3A_72, %cond3A_73 : i32
        scf.if %cond3A_74 {
          %dma_wait3A = arith.constant 0 : i32
          %dma_wait3A_82 = arith.constant 0 : i32
          %dma_wait3A_83 = arith.constant 0 : i32
          %dma_wait3A_84 = tpu.memref_slice %arg9[%dma_wait3A, %dma_wait3A_82, %dma_wait3A_83] : memref<2x128x128xf32, #tpu.memory_space<vmem>> -> memref<1x128x128xf32, #tpu.memory_space<vmem>>
          %dma_wait3A_85 = tpu.memref_squeeze %dma_wait3A_84 : memref<1x128x128xf32, #tpu.memory_space<vmem>> -> memref<128x128xf32, #tpu.memory_space<vmem>>
          %dma_wait3A_86 = arith.constant 0 : i32
          %dma_wait3A_87 = tpu.memref_slice %arg7[%add3A_70, %dma_wait3A_86] : memref<40x128xi32, #tpu.memory_space<vmem>> -> memref<1x128xi32, #tpu.memory_space<vmem>>
          %dma_wait3A_88 = tpu.memref_squeeze %dma_wait3A_87 : memref<1x128xi32, #tpu.memory_space<vmem>> -> memref<128xi32, #tpu.memory_space<vmem>>
          %dma_wait3A_89 = arith.constant 0 : i32
          %dma_wait3A_90 = arith.constant 0 : i32
          %dma_wait3A_91 = tpu.memref_slice %arg2[%dma_wait3A_89, %dma_wait3A_90] : memref<10240x128xf32, #tpu.memory_space<hbm>> -> memref<10240x128xf32, #tpu.memory_space<hbm>>
          tpu.wait_indirect_dma semaphore(%arg11 : memref<!tpu.dma_semaphore, #tpu.memory_space<semaphore_mem>>) src(%dma_wait3A_91 : memref<10240x128xf32, #tpu.memory_space<hbm>>) dst(%dma_wait3A_85 : memref<128x128xf32, #tpu.memory_space<vmem>>)
          %run_scoped3A = arith.constant 0 : i32
          "tpu.region"() ({
            %run_scoped3A_99 = tpu.sem_alloc : memref<!tpu.dma_semaphore, #tpu.memory_space<semaphore_mem>>
            %dma_start3A_100 = arith.constant 0 : i32
            %dma_start3A_101 = arith.constant 0 : i32
            %dma_start3A_102 = tpu.memref_slice %arg9[%run_scoped3A, %dma_start3A_100, %dma_start3A_101] : memref<2x128x128xf32, #tpu.memory_space<vmem>> -> memref<1x128x128xf32, #tpu.memory_space<vmem>>
            %dma_start3A_103 = tpu.memref_squeeze %dma_start3A_102 : memref<1x128x128xf32, #tpu.memory_space<vmem>> -> memref<128x128xf32, #tpu.memory_space<vmem>>
            %dma_start3A_104 = arith.constant 0 : i32
            %dma_start3A_105 = tpu.memref_slice %arg8[%add3A_70, %dma_start3A_104] : memref<40x128xi32, #tpu.memory_space<vmem>> -> memref<1x128xi32, #tpu.memory_space<vmem>>
            %dma_start3A_106 = tpu.memref_squeeze %dma_start3A_105 : memref<1x128xi32, #tpu.memory_space<vmem>> -> memref<128xi32, #tpu.memory_space<vmem>>
            %dma_start3A_107 = arith.constant 0 : i32
            %dma_start3A_108 = arith.constant 0 : i32
            %dma_start3A_109 = tpu.memref_slice %arg10[%dma_start3A_107, %dma_start3A_108] : memref<10240x128xf32, #tpu.memory_space<vmem_shared>> -> memref<10240x128xf32, #tpu.memory_space<vmem_shared>>
            tpu.enqueue_indirect_dma source(%dma_start3A_103 : memref<128x128xf32, #tpu.memory_space<vmem>>) target(%dma_start3A_109 : memref<10240x128xf32, #tpu.memory_space<vmem_shared>>) offsets(%dma_start3A_106 : memref<128xi32, #tpu.memory_space<vmem>>) semaphore(%run_scoped3A_99 : memref<!tpu.dma_semaphore, #tpu.memory_space<semaphore_mem>>) {add = true}
            %dma_wait3A_110 = arith.constant 0 : i32
            %dma_wait3A_111 = arith.constant 0 : i32
            %dma_wait3A_112 = tpu.memref_slice %arg9[%run_scoped3A, %dma_wait3A_110, %dma_wait3A_111] : memref<2x128x128xf32, #tpu.memory_space<vmem>> -> memref<1x128x128xf32, #tpu.memory_space<vmem>>
            %dma_wait3A_113 = tpu.memref_squeeze %dma_wait3A_112 : memref<1x128x128xf32, #tpu.memory_space<vmem>> -> memref<128x128xf32, #tpu.memory_space<vmem>>
            %dma_wait3A_114 = arith.constant 0 : i32
            %dma_wait3A_115 = tpu.memref_slice %arg8[%add3A_70, %dma_wait3A_114] : memref<40x128xi32, #tpu.memory_space<vmem>> -> memref<1x128xi32, #tpu.memory_space<vmem>>
            %dma_wait3A_116 = tpu.memref_squeeze %dma_wait3A_115 : memref<1x128xi32, #tpu.memory_space<vmem>> -> memref<128xi32, #tpu.memory_space<vmem>>
            %dma_wait3A_117 = arith.constant 0 : i32
            %dma_wait3A_118 = arith.constant 0 : i32
            %dma_wait3A_119 = tpu.memref_slice %arg10[%dma_wait3A_117, %dma_wait3A_118] : memref<10240x128xf32, #tpu.memory_space<vmem_shared>> -> memref<10240x128xf32, #tpu.memory_space<vmem_shared>>
            tpu.wait_indirect_dma semaphore(%run_scoped3A_99 : memref<!tpu.dma_semaphore, #tpu.memory_space<semaphore_mem>>) src(%dma_wait3A_113 : memref<128x128xf32, #tpu.memory_space<vmem>>) dst(%dma_wait3A_119 : memref<10240x128xf32, #tpu.memory_space<vmem_shared>>)
            tpu.yield
          }) : () -> ()
          %add3A_92 = arith.constant 2 : i32
          %add3A_93 = arith.addi %add3A_70, %add3A_92 : i32
          %lt3A_94 = arith.constant 40 : i32
          %lt3A_95 = arith.cmpi slt, %add3A_93, %lt3A_94 : i32
          %convert_element_type3A_96 = arith.extui %lt3A_95 : i1 to i32
          %cond3A_97 = arith.constant 0 : i32
          %cond3A_98 = arith.cmpi ne, %convert_element_type3A_96, %cond3A_97 : i32
          scf.if %cond3A_98 {
            %add3A_99 = arith.constant 2 : i32
            %add3A_100 = arith.addi %add3A_70, %add3A_99 : i32
            %dma_start3A_101 = arith.constant 0 : i32
            %dma_start3A_102 = arith.constant 0 : i32
            %dma_start3A_103 = arith.constant 0 : i32
            %dma_start3A_104 = tpu.memref_slice %arg9[%dma_start3A_101, %dma_start3A_102, %dma_start3A_103] : memref<2x128x128xf32, #tpu.memory_space<vmem>> -> memref<1x128x128xf32, #tpu.memory_space<vmem>>
            %dma_start3A_105 = tpu.memref_squeeze %dma_start3A_104 : memref<1x128x128xf32, #tpu.memory_space<vmem>> -> memref<128x128xf32, #tpu.memory_space<vmem>>
            %dma_start3A_106 = arith.constant 0 : i32
            %dma_start3A_107 = tpu.memref_slice %arg7[%add3A_100, %dma_start3A_106] : memref<40x128xi32, #tpu.memory_space<vmem>> -> memref<1x128xi32, #tpu.memory_space<vmem>>
            %dma_start3A_108 = tpu.memref_squeeze %dma_start3A_107 : memref<1x128xi32, #tpu.memory_space<vmem>> -> memref<128xi32, #tpu.memory_space<vmem>>
            %dma_start3A_109 = arith.constant 0 : i32
            %dma_start3A_110 = arith.constant 0 : i32
            %dma_start3A_111 = tpu.memref_slice %arg2[%dma_start3A_109, %dma_start3A_110] : memref<10240x128xf32, #tpu.memory_space<hbm>> -> memref<10240x128xf32, #tpu.memory_space<hbm>>
            tpu.enqueue_indirect_dma source(%dma_start3A_111 : memref<10240x128xf32, #tpu.memory_space<hbm>>) target(%dma_start3A_105 : memref<128x128xf32, #tpu.memory_space<vmem>>) offsets(%dma_start3A_108 : memref<128xi32, #tpu.memory_space<vmem>>) semaphore(%arg11 : memref<!tpu.dma_semaphore, #tpu.memory_space<semaphore_mem>>)
          } else {
          }
        } else {
        }
        %add3A_75 = arith.constant 1 : i32
        %add3A_76 = arith.addi %add3A_68, %add3A_75 : i32
        %lt3A_77 = arith.constant 40 : i32
        %lt3A_78 = arith.cmpi slt, %add3A_76, %lt3A_77 : i32
        %convert_element_type3A_79 = arith.extui %lt3A_78 : i1 to i32
        %cond3A_80 = arith.constant 0 : i32
        %cond3A_81 = arith.cmpi ne, %convert_element_type3A_79, %cond3A_80 : i32
        scf.if %cond3A_81 {
          %dma_wait3A = arith.constant 1 : i32
          %dma_wait3A_82 = arith.constant 0 : i32
          %dma_wait3A_83 = arith.constant 0 : i32
          %dma_wait3A_84 = tpu.memref_slice %arg9[%dma_wait3A, %dma_wait3A_82, %dma_wait3A_83] : memref<2x128x128xf32, #tpu.memory_space<vmem>> -> memref<1x128x128xf32, #tpu.memory_space<vmem>>
          %dma_wait3A_85 = tpu.memref_squeeze %dma_wait3A_84 : memref<1x128x128xf32, #tpu.memory_space<vmem>> -> memref<128x128xf32, #tpu.memory_space<vmem>>
          %dma_wait3A_86 = arith.constant 0 : i32
          %dma_wait3A_87 = tpu.memref_slice %arg7[%add3A_76, %dma_wait3A_86] : memref<40x128xi32, #tpu.memory_space<vmem>> -> memref<1x128xi32, #tpu.memory_space<vmem>>
          %dma_wait3A_88 = tpu.memref_squeeze %dma_wait3A_87 : memref<1x128xi32, #tpu.memory_space<vmem>> -> memref<128xi32, #tpu.memory_space<vmem>>
          %dma_wait3A_89 = arith.constant 0 : i32
          %dma_wait3A_90 = arith.constant 0 : i32
          %dma_wait3A_91 = tpu.memref_slice %arg2[%dma_wait3A_89, %dma_wait3A_90] : memref<10240x128xf32, #tpu.memory_space<hbm>> -> memref<10240x128xf32, #tpu.memory_space<hbm>>
          tpu.wait_indirect_dma semaphore(%arg12 : memref<!tpu.dma_semaphore, #tpu.memory_space<semaphore_mem>>) src(%dma_wait3A_91 : memref<10240x128xf32, #tpu.memory_space<hbm>>) dst(%dma_wait3A_85 : memref<128x128xf32, #tpu.memory_space<vmem>>)
          %run_scoped3A = arith.constant 1 : i32
          "tpu.region"() ({
            %run_scoped3A_99 = tpu.sem_alloc : memref<!tpu.dma_semaphore, #tpu.memory_space<semaphore_mem>>
            %dma_start3A_100 = arith.constant 0 : i32
            %dma_start3A_101 = arith.constant 0 : i32
            %dma_start3A_102 = tpu.memref_slice %arg9[%run_scoped3A, %dma_start3A_100, %dma_start3A_101] : memref<2x128x128xf32, #tpu.memory_space<vmem>> -> memref<1x128x128xf32, #tpu.memory_space<vmem>>
            %dma_start3A_103 = tpu.memref_squeeze %dma_start3A_102 : memref<1x128x128xf32, #tpu.memory_space<vmem>> -> memref<128x128xf32, #tpu.memory_space<vmem>>
            %dma_start3A_104 = arith.constant 0 : i32
            %dma_start3A_105 = tpu.memref_slice %arg8[%add3A_76, %dma_start3A_104] : memref<40x128xi32, #tpu.memory_space<vmem>> -> memref<1x128xi32, #tpu.memory_space<vmem>>
            %dma_start3A_106 = tpu.memref_squeeze %dma_start3A_105 : memref<1x128xi32, #tpu.memory_space<vmem>> -> memref<128xi32, #tpu.memory_space<vmem>>
            %dma_start3A_107 = arith.constant 0 : i32
            %dma_start3A_108 = arith.constant 0 : i32
            %dma_start3A_109 = tpu.memref_slice %arg10[%dma_start3A_107, %dma_start3A_108] : memref<10240x128xf32, #tpu.memory_space<vmem_shared>> -> memref<10240x128xf32, #tpu.memory_space<vmem_shared>>
            tpu.enqueue_indirect_dma source(%dma_start3A_103 : memref<128x128xf32, #tpu.memory_space<vmem>>) target(%dma_start3A_109 : memref<10240x128xf32, #tpu.memory_space<vmem_shared>>) offsets(%dma_start3A_106 : memref<128xi32, #tpu.memory_space<vmem>>) semaphore(%run_scoped3A_99 : memref<!tpu.dma_semaphore, #tpu.memory_space<semaphore_mem>>) {add = true}
            %dma_wait3A_110 = arith.constant 0 : i32
            %dma_wait3A_111 = arith.constant 0 : i32
            %dma_wait3A_112 = tpu.memref_slice %arg9[%run_scoped3A, %dma_wait3A_110, %dma_wait3A_111] : memref<2x128x128xf32, #tpu.memory_space<vmem>> -> memref<1x128x128xf32, #tpu.memory_space<vmem>>
            %dma_wait3A_113 = tpu.memref_squeeze %dma_wait3A_112 : memref<1x128x128xf32, #tpu.memory_space<vmem>> -> memref<128x128xf32, #tpu.memory_space<vmem>>
            %dma_wait3A_114 = arith.constant 0 : i32
            %dma_wait3A_115 = tpu.memref_slice %arg8[%add3A_76, %dma_wait3A_114] : memref<40x128xi32, #tpu.memory_space<vmem>> -> memref<1x128xi32, #tpu.memory_space<vmem>>
            %dma_wait3A_116 = tpu.memref_squeeze %dma_wait3A_115 : memref<1x128xi32, #tpu.memory_space<vmem>> -> memref<128xi32, #tpu.memory_space<vmem>>
            %dma_wait3A_117 = arith.constant 0 : i32
            %dma_wait3A_118 = arith.constant 0 : i32
            %dma_wait3A_119 = tpu.memref_slice %arg10[%dma_wait3A_117, %dma_wait3A_118] : memref<10240x128xf32, #tpu.memory_space<vmem_shared>> -> memref<10240x128xf32, #tpu.memory_space<vmem_shared>>
            tpu.wait_indirect_dma semaphore(%run_scoped3A_99 : memref<!tpu.dma_semaphore, #tpu.memory_space<semaphore_mem>>) src(%dma_wait3A_113 : memref<128x128xf32, #tpu.memory_space<vmem>>) dst(%dma_wait3A_119 : memref<10240x128xf32, #tpu.memory_space<vmem_shared>>)
            tpu.yield
          }) : () -> ()
          %add3A_92 = arith.constant 2 : i32
          %add3A_93 = arith.addi %add3A_76, %add3A_92 : i32
          %lt3A_94 = arith.constant 40 : i32
          %lt3A_95 = arith.cmpi slt, %add3A_93, %lt3A_94 : i32
          %convert_element_type3A_96 = arith.extui %lt3A_95 : i1 to i32
          %cond3A_97 = arith.constant 0 : i32
          %cond3A_98 = arith.cmpi ne, %convert_element_type3A_96, %cond3A_97 : i32
          scf.if %cond3A_98 {
            %add3A_99 = arith.constant 2 : i32
            %add3A_100 = arith.addi %add3A_76, %add3A_99 : i32
            %dma_start3A_101 = arith.constant 1 : i32
            %dma_start3A_102 = arith.constant 0 : i32
            %dma_start3A_103 = arith.constant 0 : i32
            %dma_start3A_104 = tpu.memref_slice %arg9[%dma_start3A_101, %dma_start3A_102, %dma_start3A_103] : memref<2x128x128xf32, #tpu.memory_space<vmem>> -> memref<1x128x128xf32, #tpu.memory_space<vmem>>
            %dma_start3A_105 = tpu.memref_squeeze %dma_start3A_104 : memref<1x128x128xf32, #tpu.memory_space<vmem>> -> memref<128x128xf32, #tpu.memory_space<vmem>>
            %dma_start3A_106 = arith.constant 0 : i32
            %dma_start3A_107 = tpu.memref_slice %arg7[%add3A_100, %dma_start3A_106] : memref<40x128xi32, #tpu.memory_space<vmem>> -> memref<1x128xi32, #tpu.memory_space<vmem>>
            %dma_start3A_108 = tpu.memref_squeeze %dma_start3A_107 : memref<1x128xi32, #tpu.memory_space<vmem>> -> memref<128xi32, #tpu.memory_space<vmem>>
            %dma_start3A_109 = arith.constant 0 : i32
            %dma_start3A_110 = arith.constant 0 : i32
            %dma_start3A_111 = tpu.memref_slice %arg2[%dma_start3A_109, %dma_start3A_110] : memref<10240x128xf32, #tpu.memory_space<hbm>> -> memref<10240x128xf32, #tpu.memory_space<hbm>>
            tpu.enqueue_indirect_dma source(%dma_start3A_111 : memref<10240x128xf32, #tpu.memory_space<hbm>>) target(%dma_start3A_105 : memref<128x128xf32, #tpu.memory_space<vmem>>) offsets(%dma_start3A_108 : memref<128xi32, #tpu.memory_space<vmem>>) semaphore(%arg12 : memref<!tpu.dma_semaphore, #tpu.memory_space<semaphore_mem>>)
          } else {
          }
        } else {
        }
      }
      %scan3A_35 = arith.constant 20 : i32
      "tpu.region"() ({
        %run_scoped3A = tpu.sem_alloc : memref<!tpu.dma_semaphore, #tpu.memory_space<semaphore_mem>>
        %dma_start3A_65 = arith.constant 0 : i32
        %dma_start3A_66 = arith.constant 0 : i32
        %dma_start3A_67 = tpu.memref_slice %arg7[%dma_start3A_65, %dma_start3A_66] : memref<40x128xi32, #tpu.memory_space<vmem>> -> memref<40x128xi32, #tpu.memory_space<vmem>>
        %dma_start3A_68 = arith.constant 40 : i32
        %dma_start3A_69 = arith.constant 0 : i32
        %dma_start3A_70 = tpu.memref_slice %arg3[%arg1, %dma_start3A_68, %dma_start3A_69] : memref<16x160x128xi32, #tpu.memory_space<hbm>> -> memref<1x40x128xi32, #tpu.memory_space<hbm>>
        %dma_start3A_71 = tpu.memref_squeeze %dma_start3A_70 : memref<1x40x128xi32, #tpu.memory_space<hbm>> -> memref<40x128xi32, #tpu.memory_space<hbm>>
        %dma_start3A_72 = arith.constant 0 : i32
        %dma_start3A_73 = arith.constant 0 : i32
        %dma_start3A_74 = tpu.memref_slice %arg7[%dma_start3A_72, %dma_start3A_73] : memref<40x128xi32, #tpu.memory_space<vmem>> -> memref<40x128xi32, #tpu.memory_space<vmem>>
        %dma_start3A_75 = arith.constant 40 : i32
        %dma_start3A_76 = arith.constant 0 : i32
        %dma_start3A_77 = tpu.memref_slice %arg3[%arg1, %dma_start3A_75, %dma_start3A_76] : memref<16x160x128xi32, #tpu.memory_space<hbm>> -> memref<1x40x128xi32, #tpu.memory_space<hbm>>
        %dma_start3A_78 = tpu.memref_squeeze %dma_start3A_77 : memref<1x40x128xi32, #tpu.memory_space<hbm>> -> memref<40x128xi32, #tpu.memory_space<hbm>>
        tpu.enqueue_dma source(%dma_start3A_78 : memref<40x128xi32, #tpu.memory_space<hbm>>) target(%dma_start3A_74 : memref<40x128xi32, #tpu.memory_space<vmem>>) target_semaphore(%run_scoped3A : memref<!tpu.dma_semaphore, #tpu.memory_space<semaphore_mem>>)
        %dma_wait3A = arith.constant 0 : i32
        %dma_wait3A_79 = arith.constant 0 : i32
        %dma_wait3A_80 = tpu.memref_slice %arg7[%dma_wait3A, %dma_wait3A_79] : memref<40x128xi32, #tpu.memory_space<vmem>> -> memref<40x128xi32, #tpu.memory_space<vmem>>
        %dma_wait3A_81 = arith.constant 40 : i32
        %dma_wait3A_82 = arith.constant 0 : i32
        %dma_wait3A_83 = tpu.memref_slice %arg3[%arg1, %dma_wait3A_81, %dma_wait3A_82] : memref<16x160x128xi32, #tpu.memory_space<hbm>> -> memref<1x40x128xi32, #tpu.memory_space<hbm>>
        %dma_wait3A_84 = tpu.memref_squeeze %dma_wait3A_83 : memref<1x40x128xi32, #tpu.memory_space<hbm>> -> memref<40x128xi32, #tpu.memory_space<hbm>>
        %dma_wait3A_85 = arith.constant 0 : i32
        %dma_wait3A_86 = arith.constant 0 : i32
        %dma_wait3A_87 = tpu.memref_slice %arg7[%dma_wait3A_85, %dma_wait3A_86] : memref<40x128xi32, #tpu.memory_space<vmem>> -> memref<40x128xi32, #tpu.memory_space<vmem>>
        %dma_wait3A_88 = arith.constant 40 : i32
        %dma_wait3A_89 = arith.constant 0 : i32
        %dma_wait3A_90 = tpu.memref_slice %arg3[%arg1, %dma_wait3A_88, %dma_wait3A_89] : memref<16x160x128xi32, #tpu.memory_space<hbm>> -> memref<1x40x128xi32, #tpu.memory_space<hbm>>
        %dma_wait3A_91 = tpu.memref_squeeze %dma_wait3A_90 : memref<1x40x128xi32, #tpu.memory_space<hbm>> -> memref<40x128xi32, #tpu.memory_space<hbm>>
        tpu.wait_dma2 semaphore(%run_scoped3A : memref<!tpu.dma_semaphore, #tpu.memory_space<semaphore_mem>>) src(%dma_wait3A_91 : memref<40x128xi32, #tpu.memory_space<hbm>>) dst(%dma_wait3A_87 : memref<40x128xi32, #tpu.memory_space<vmem>>)
        tpu.yield
      }) : () -> ()
      "tpu.region"() ({
        %run_scoped3A = tpu.sem_alloc : memref<!tpu.dma_semaphore, #tpu.memory_space<semaphore_mem>>
        %dma_start3A_65 = arith.constant 0 : i32
        %dma_start3A_66 = arith.constant 0 : i32
        %dma_start3A_67 = tpu.memref_slice %arg8[%dma_start3A_65, %dma_start3A_66] : memref<40x128xi32, #tpu.memory_space<vmem>> -> memref<40x128xi32, #tpu.memory_space<vmem>>
        %dma_start3A_68 = arith.constant 40 : i32
        %dma_start3A_69 = arith.constant 0 : i32
        %dma_start3A_70 = tpu.memref_slice %arg4[%arg1, %dma_start3A_68, %dma_start3A_69] : memref<16x160x128xi32, #tpu.memory_space<hbm>> -> memref<1x40x128xi32, #tpu.memory_space<hbm>>
        %dma_start3A_71 = tpu.memref_squeeze %dma_start3A_70 : memref<1x40x128xi32, #tpu.memory_space<hbm>> -> memref<40x128xi32, #tpu.memory_space<hbm>>
        %dma_start3A_72 = arith.constant 0 : i32
        %dma_start3A_73 = arith.constant 0 : i32
        %dma_start3A_74 = tpu.memref_slice %arg8[%dma_start3A_72, %dma_start3A_73] : memref<40x128xi32, #tpu.memory_space<vmem>> -> memref<40x128xi32, #tpu.memory_space<vmem>>
        %dma_start3A_75 = arith.constant 40 : i32
        %dma_start3A_76 = arith.constant 0 : i32
        %dma_start3A_77 = tpu.memref_slice %arg4[%arg1, %dma_start3A_75, %dma_start3A_76] : memref<16x160x128xi32, #tpu.memory_space<hbm>> -> memref<1x40x128xi32, #tpu.memory_space<hbm>>
        %dma_start3A_78 = tpu.memref_squeeze %dma_start3A_77 : memref<1x40x128xi32, #tpu.memory_space<hbm>> -> memref<40x128xi32, #tpu.memory_space<hbm>>
        tpu.enqueue_dma source(%dma_start3A_78 : memref<40x128xi32, #tpu.memory_space<hbm>>) target(%dma_start3A_74 : memref<40x128xi32, #tpu.memory_space<vmem>>) target_semaphore(%run_scoped3A : memref<!tpu.dma_semaphore, #tpu.memory_space<semaphore_mem>>)
        %dma_wait3A = arith.constant 0 : i32
        %dma_wait3A_79 = arith.constant 0 : i32
        %dma_wait3A_80 = tpu.memref_slice %arg8[%dma_wait3A, %dma_wait3A_79] : memref<40x128xi32, #tpu.memory_space<vmem>> -> memref<40x128xi32, #tpu.memory_space<vmem>>
        %dma_wait3A_81 = arith.constant 40 : i32
        %dma_wait3A_82 = arith.constant 0 : i32
        %dma_wait3A_83 = tpu.memref_slice %arg4[%arg1, %dma_wait3A_81, %dma_wait3A_82] : memref<16x160x128xi32, #tpu.memory_space<hbm>> -> memref<1x40x128xi32, #tpu.memory_space<hbm>>
        %dma_wait3A_84 = tpu.memref_squeeze %dma_wait3A_83 : memref<1x40x128xi32, #tpu.memory_space<hbm>> -> memref<40x128xi32, #tpu.memory_space<hbm>>
        %dma_wait3A_85 = arith.constant 0 : i32
        %dma_wait3A_86 = arith.constant 0 : i32
        %dma_wait3A_87 = tpu.memref_slice %arg8[%dma_wait3A_85, %dma_wait3A_86] : memref<40x128xi32, #tpu.memory_space<vmem>> -> memref<40x128xi32, #tpu.memory_space<vmem>>
        %dma_wait3A_88 = arith.constant 40 : i32
        %dma_wait3A_89 = arith.constant 0 : i32
        %dma_wait3A_90 = tpu.memref_slice %arg4[%arg1, %dma_wait3A_88, %dma_wait3A_89] : memref<16x160x128xi32, #tpu.memory_space<hbm>> -> memref<1x40x128xi32, #tpu.memory_space<hbm>>
        %dma_wait3A_91 = tpu.memref_squeeze %dma_wait3A_90 : memref<1x40x128xi32, #tpu.memory_space<hbm>> -> memref<40x128xi32, #tpu.memory_space<hbm>>
        tpu.wait_dma2 semaphore(%run_scoped3A : memref<!tpu.dma_semaphore, #tpu.memory_space<semaphore_mem>>) src(%dma_wait3A_91 : memref<40x128xi32, #tpu.memory_space<hbm>>) dst(%dma_wait3A_87 : memref<40x128xi32, #tpu.memory_space<vmem>>)
        tpu.yield
      }) : () -> ()
      %dma_start3A_36 = arith.constant 0 : i32
      %dma_start3A_37 = arith.constant 0 : i32
      %dma_start3A_38 = arith.constant 0 : i32
      %dma_start3A_39 = arith.constant 0 : i32
      %dma_start3A_40 = tpu.memref_slice %arg9[%dma_start3A_37, %dma_start3A_38, %dma_start3A_39] : memref<2x128x128xf32, #tpu.memory_space<vmem>> -> memref<1x128x128xf32, #tpu.memory_space<vmem>>
      %dma_start3A_41 = tpu.memref_squeeze %dma_start3A_40 : memref<1x128x128xf32, #tpu.memory_space<vmem>> -> memref<128x128xf32, #tpu.memory_space<vmem>>
      %dma_start3A_42 = arith.constant 0 : i32
      %dma_start3A_43 = tpu.memref_slice %arg7[%dma_start3A_36, %dma_start3A_42] : memref<40x128xi32, #tpu.memory_space<vmem>> -> memref<1x128xi32, #tpu.memory_space<vmem>>
      %dma_start3A_44 = tpu.memref_squeeze %dma_start3A_43 : memref<1x128xi32, #tpu.memory_space<vmem>> -> memref<128xi32, #tpu.memory_space<vmem>>
      %dma_start3A_45 = arith.constant 0 : i32
      %dma_start3A_46 = arith.constant 0 : i32
      %dma_start3A_47 = tpu.memref_slice %arg2[%dma_start3A_45, %dma_start3A_46] : memref<10240x128xf32, #tpu.memory_space<hbm>> -> memref<10240x128xf32, #tpu.memory_space<hbm>>
      tpu.enqueue_indirect_dma source(%dma_start3A_47 : memref<10240x128xf32, #tpu.memory_space<hbm>>) target(%dma_start3A_41 : memref<128x128xf32, #tpu.memory_space<vmem>>) offsets(%dma_start3A_44 : memref<128xi32, #tpu.memory_space<vmem>>) semaphore(%arg11 : memref<!tpu.dma_semaphore, #tpu.memory_space<semaphore_mem>>)
      %dma_start3A_48 = arith.constant 1 : i32
      %dma_start3A_49 = arith.constant 1 : i32
      %dma_start3A_50 = arith.constant 0 : i32
      %dma_start3A_51 = arith.constant 0 : i32
      %dma_start3A_52 = tpu.memref_slice %arg9[%dma_start3A_49, %dma_start3A_50, %dma_start3A_51] : memref<2x128x128xf32, #tpu.memory_space<vmem>> -> memref<1x128x128xf32, #tpu.memory_space<vmem>>
      %dma_start3A_53 = tpu.memref_squeeze %dma_start3A_52 : memref<1x128x128xf32, #tpu.memory_space<vmem>> -> memref<128x128xf32, #tpu.memory_space<vmem>>
      %dma_start3A_54 = arith.constant 0 : i32
      %dma_start3A_55 = tpu.memref_slice %arg7[%dma_start3A_48, %dma_start3A_54] : memref<40x128xi32, #tpu.memory_space<vmem>> -> memref<1x128xi32, #tpu.memory_space<vmem>>
      %dma_start3A_56 = tpu.memref_squeeze %dma_start3A_55 : memref<1x128xi32, #tpu.memory_space<vmem>> -> memref<128xi32, #tpu.memory_space<vmem>>
      %dma_start3A_57 = arith.constant 0 : i32
      %dma_start3A_58 = arith.constant 0 : i32
      %dma_start3A_59 = tpu.memref_slice %arg2[%dma_start3A_57, %dma_start3A_58] : memref<10240x128xf32, #tpu.memory_space<hbm>> -> memref<10240x128xf32, #tpu.memory_space<hbm>>
      tpu.enqueue_indirect_dma source(%dma_start3A_59 : memref<10240x128xf32, #tpu.memory_space<hbm>>) target(%dma_start3A_53 : memref<128x128xf32, #tpu.memory_space<vmem>>) offsets(%dma_start3A_56 : memref<128xi32, #tpu.memory_space<vmem>>) semaphore(%arg12 : memref<!tpu.dma_semaphore, #tpu.memory_space<semaphore_mem>>)
      %scan3A_60 = arith.constant 0 : i32
      %scan3A_61 = arith.constant 20 : i32
      %scan3A_62 = arith.addi %scan3A_60, %scan3A_61 : i32
      %scan3A_63 = arith.constant 1 : i32
      scf.for %scan3A_65 = %scan3A_60 to %scan3A_62 step %scan3A_63  : i32 {
        %mul3A_66 = arith.constant 2 : i32
        %mul3A_67 = arith.muli %scan3A_65, %mul3A_66 : i32
        %add3A = arith.constant 0 : i32
        %add3A_68 = arith.addi %add3A, %mul3A_67 : i32
        %add3A_69 = arith.constant 0 : i32
        %add3A_70 = arith.addi %add3A_68, %add3A_69 : i32
        %lt3A = arith.constant 40 : i32
        %lt3A_71 = arith.cmpi slt, %add3A_70, %lt3A : i32
        %convert_element_type3A_72 = arith.extui %lt3A_71 : i1 to i32
        %cond3A_73 = arith.constant 0 : i32
        %cond3A_74 = arith.cmpi ne, %convert_element_type3A_72, %cond3A_73 : i32
        scf.if %cond3A_74 {
          %dma_wait3A = arith.constant 0 : i32
          %dma_wait3A_82 = arith.constant 0 : i32
          %dma_wait3A_83 = arith.constant 0 : i32
          %dma_wait3A_84 = tpu.memref_slice %arg9[%dma_wait3A, %dma_wait3A_82, %dma_wait3A_83] : memref<2x128x128xf32, #tpu.memory_space<vmem>> -> memref<1x128x128xf32, #tpu.memory_space<vmem>>
          %dma_wait3A_85 = tpu.memref_squeeze %dma_wait3A_84 : memref<1x128x128xf32, #tpu.memory_space<vmem>> -> memref<128x128xf32, #tpu.memory_space<vmem>>
          %dma_wait3A_86 = arith.constant 0 : i32
          %dma_wait3A_87 = tpu.memref_slice %arg7[%add3A_70, %dma_wait3A_86] : memref<40x128xi32, #tpu.memory_space<vmem>> -> memref<1x128xi32, #tpu.memory_space<vmem>>
          %dma_wait3A_88 = tpu.memref_squeeze %dma_wait3A_87 : memref<1x128xi32, #tpu.memory_space<vmem>> -> memref<128xi32, #tpu.memory_space<vmem>>
          %dma_wait3A_89 = arith.constant 0 : i32
          %dma_wait3A_90 = arith.constant 0 : i32
          %dma_wait3A_91 = tpu.memref_slice %arg2[%dma_wait3A_89, %dma_wait3A_90] : memref<10240x128xf32, #tpu.memory_space<hbm>> -> memref<10240x128xf32, #tpu.memory_space<hbm>>
          tpu.wait_indirect_dma semaphore(%arg11 : memref<!tpu.dma_semaphore, #tpu.memory_space<semaphore_mem>>) src(%dma_wait3A_91 : memref<10240x128xf32, #tpu.memory_space<hbm>>) dst(%dma_wait3A_85 : memref<128x128xf32, #tpu.memory_space<vmem>>)
          %run_scoped3A = arith.constant 0 : i32
          "tpu.region"() ({
            %run_scoped3A_99 = tpu.sem_alloc : memref<!tpu.dma_semaphore, #tpu.memory_space<semaphore_mem>>
            %dma_start3A_100 = arith.constant 0 : i32
            %dma_start3A_101 = arith.constant 0 : i32
            %dma_start3A_102 = tpu.memref_slice %arg9[%run_scoped3A, %dma_start3A_100, %dma_start3A_101] : memref<2x128x128xf32, #tpu.memory_space<vmem>> -> memref<1x128x128xf32, #tpu.memory_space<vmem>>
            %dma_start3A_103 = tpu.memref_squeeze %dma_start3A_102 : memref<1x128x128xf32, #tpu.memory_space<vmem>> -> memref<128x128xf32, #tpu.memory_space<vmem>>
            %dma_start3A_104 = arith.constant 0 : i32
            %dma_start3A_105 = tpu.memref_slice %arg8[%add3A_70, %dma_start3A_104] : memref<40x128xi32, #tpu.memory_space<vmem>> -> memref<1x128xi32, #tpu.memory_space<vmem>>
            %dma_start3A_106 = tpu.memref_squeeze %dma_start3A_105 : memref<1x128xi32, #tpu.memory_space<vmem>> -> memref<128xi32, #tpu.memory_space<vmem>>
            %dma_start3A_107 = arith.constant 0 : i32
            %dma_start3A_108 = arith.constant 0 : i32
            %dma_start3A_109 = tpu.memref_slice %arg10[%dma_start3A_107, %dma_start3A_108] : memref<10240x128xf32, #tpu.memory_space<vmem_shared>> -> memref<10240x128xf32, #tpu.memory_space<vmem_shared>>
            tpu.enqueue_indirect_dma source(%dma_start3A_103 : memref<128x128xf32, #tpu.memory_space<vmem>>) target(%dma_start3A_109 : memref<10240x128xf32, #tpu.memory_space<vmem_shared>>) offsets(%dma_start3A_106 : memref<128xi32, #tpu.memory_space<vmem>>) semaphore(%run_scoped3A_99 : memref<!tpu.dma_semaphore, #tpu.memory_space<semaphore_mem>>) {add = true}
            %dma_wait3A_110 = arith.constant 0 : i32
            %dma_wait3A_111 = arith.constant 0 : i32
            %dma_wait3A_112 = tpu.memref_slice %arg9[%run_scoped3A, %dma_wait3A_110, %dma_wait3A_111] : memref<2x128x128xf32, #tpu.memory_space<vmem>> -> memref<1x128x128xf32, #tpu.memory_space<vmem>>
            %dma_wait3A_113 = tpu.memref_squeeze %dma_wait3A_112 : memref<1x128x128xf32, #tpu.memory_space<vmem>> -> memref<128x128xf32, #tpu.memory_space<vmem>>
            %dma_wait3A_114 = arith.constant 0 : i32
            %dma_wait3A_115 = tpu.memref_slice %arg8[%add3A_70, %dma_wait3A_114] : memref<40x128xi32, #tpu.memory_space<vmem>> -> memref<1x128xi32, #tpu.memory_space<vmem>>
            %dma_wait3A_116 = tpu.memref_squeeze %dma_wait3A_115 : memref<1x128xi32, #tpu.memory_space<vmem>> -> memref<128xi32, #tpu.memory_space<vmem>>
            %dma_wait3A_117 = arith.constant 0 : i32
            %dma_wait3A_118 = arith.constant 0 : i32
            %dma_wait3A_119 = tpu.memref_slice %arg10[%dma_wait3A_117, %dma_wait3A_118] : memref<10240x128xf32, #tpu.memory_space<vmem_shared>> -> memref<10240x128xf32, #tpu.memory_space<vmem_shared>>
            tpu.wait_indirect_dma semaphore(%run_scoped3A_99 : memref<!tpu.dma_semaphore, #tpu.memory_space<semaphore_mem>>) src(%dma_wait3A_113 : memref<128x128xf32, #tpu.memory_space<vmem>>) dst(%dma_wait3A_119 : memref<10240x128xf32, #tpu.memory_space<vmem_shared>>)
            tpu.yield
          }) : () -> ()
          %add3A_92 = arith.constant 2 : i32
          %add3A_93 = arith.addi %add3A_70, %add3A_92 : i32
          %lt3A_94 = arith.constant 40 : i32
          %lt3A_95 = arith.cmpi slt, %add3A_93, %lt3A_94 : i32
          %convert_element_type3A_96 = arith.extui %lt3A_95 : i1 to i32
          %cond3A_97 = arith.constant 0 : i32
          %cond3A_98 = arith.cmpi ne, %convert_element_type3A_96, %cond3A_97 : i32
          scf.if %cond3A_98 {
            %add3A_99 = arith.constant 2 : i32
            %add3A_100 = arith.addi %add3A_70, %add3A_99 : i32
            %dma_start3A_101 = arith.constant 0 : i32
            %dma_start3A_102 = arith.constant 0 : i32
            %dma_start3A_103 = arith.constant 0 : i32
            %dma_start3A_104 = tpu.memref_slice %arg9[%dma_start3A_101, %dma_start3A_102, %dma_start3A_103] : memref<2x128x128xf32, #tpu.memory_space<vmem>> -> memref<1x128x128xf32, #tpu.memory_space<vmem>>
            %dma_start3A_105 = tpu.memref_squeeze %dma_start3A_104 : memref<1x128x128xf32, #tpu.memory_space<vmem>> -> memref<128x128xf32, #tpu.memory_space<vmem>>
            %dma_start3A_106 = arith.constant 0 : i32
            %dma_start3A_107 = tpu.memref_slice %arg7[%add3A_100, %dma_start3A_106] : memref<40x128xi32, #tpu.memory_space<vmem>> -> memref<1x128xi32, #tpu.memory_space<vmem>>
            %dma_start3A_108 = tpu.memref_squeeze %dma_start3A_107 : memref<1x128xi32, #tpu.memory_space<vmem>> -> memref<128xi32, #tpu.memory_space<vmem>>
            %dma_start3A_109 = arith.constant 0 : i32
            %dma_start3A_110 = arith.constant 0 : i32
            %dma_start3A_111 = tpu.memref_slice %arg2[%dma_start3A_109, %dma_start3A_110] : memref<10240x128xf32, #tpu.memory_space<hbm>> -> memref<10240x128xf32, #tpu.memory_space<hbm>>
            tpu.enqueue_indirect_dma source(%dma_start3A_111 : memref<10240x128xf32, #tpu.memory_space<hbm>>) target(%dma_start3A_105 : memref<128x128xf32, #tpu.memory_space<vmem>>) offsets(%dma_start3A_108 : memref<128xi32, #tpu.memory_space<vmem>>) semaphore(%arg11 : memref<!tpu.dma_semaphore, #tpu.memory_space<semaphore_mem>>)
          } else {
          }
        } else {
        }
        %add3A_75 = arith.constant 1 : i32
        %add3A_76 = arith.addi %add3A_68, %add3A_75 : i32
        %lt3A_77 = arith.constant 40 : i32
        %lt3A_78 = arith.cmpi slt, %add3A_76, %lt3A_77 : i32
        %convert_element_type3A_79 = arith.extui %lt3A_78 : i1 to i32
        %cond3A_80 = arith.constant 0 : i32
        %cond3A_81 = arith.cmpi ne, %convert_element_type3A_79, %cond3A_80 : i32
        scf.if %cond3A_81 {
          %dma_wait3A = arith.constant 1 : i32
          %dma_wait3A_82 = arith.constant 0 : i32
          %dma_wait3A_83 = arith.constant 0 : i32
          %dma_wait3A_84 = tpu.memref_slice %arg9[%dma_wait3A, %dma_wait3A_82, %dma_wait3A_83] : memref<2x128x128xf32, #tpu.memory_space<vmem>> -> memref<1x128x128xf32, #tpu.memory_space<vmem>>
          %dma_wait3A_85 = tpu.memref_squeeze %dma_wait3A_84 : memref<1x128x128xf32, #tpu.memory_space<vmem>> -> memref<128x128xf32, #tpu.memory_space<vmem>>
          %dma_wait3A_86 = arith.constant 0 : i32
          %dma_wait3A_87 = tpu.memref_slice %arg7[%add3A_76, %dma_wait3A_86] : memref<40x128xi32, #tpu.memory_space<vmem>> -> memref<1x128xi32, #tpu.memory_space<vmem>>
          %dma_wait3A_88 = tpu.memref_squeeze %dma_wait3A_87 : memref<1x128xi32, #tpu.memory_space<vmem>> -> memref<128xi32, #tpu.memory_space<vmem>>
          %dma_wait3A_89 = arith.constant 0 : i32
          %dma_wait3A_90 = arith.constant 0 : i32
          %dma_wait3A_91 = tpu.memref_slice %arg2[%dma_wait3A_89, %dma_wait3A_90] : memref<10240x128xf32, #tpu.memory_space<hbm>> -> memref<10240x128xf32, #tpu.memory_space<hbm>>
          tpu.wait_indirect_dma semaphore(%arg12 : memref<!tpu.dma_semaphore, #tpu.memory_space<semaphore_mem>>) src(%dma_wait3A_91 : memref<10240x128xf32, #tpu.memory_space<hbm>>) dst(%dma_wait3A_85 : memref<128x128xf32, #tpu.memory_space<vmem>>)
          %run_scoped3A = arith.constant 1 : i32
          "tpu.region"() ({
            %run_scoped3A_99 = tpu.sem_alloc : memref<!tpu.dma_semaphore, #tpu.memory_space<semaphore_mem>>
            %dma_start3A_100 = arith.constant 0 : i32
            %dma_start3A_101 = arith.constant 0 : i32
            %dma_start3A_102 = tpu.memref_slice %arg9[%run_scoped3A, %dma_start3A_100, %dma_start3A_101] : memref<2x128x128xf32, #tpu.memory_space<vmem>> -> memref<1x128x128xf32, #tpu.memory_space<vmem>>
            %dma_start3A_103 = tpu.memref_squeeze %dma_start3A_102 : memref<1x128x128xf32, #tpu.memory_space<vmem>> -> memref<128x128xf32, #tpu.memory_space<vmem>>
            %dma_start3A_104 = arith.constant 0 : i32
            %dma_start3A_105 = tpu.memref_slice %arg8[%add3A_76, %dma_start3A_104] : memref<40x128xi32, #tpu.memory_space<vmem>> -> memref<1x128xi32, #tpu.memory_space<vmem>>
            %dma_start3A_106 = tpu.memref_squeeze %dma_start3A_105 : memref<1x128xi32, #tpu.memory_space<vmem>> -> memref<128xi32, #tpu.memory_space<vmem>>
            %dma_start3A_107 = arith.constant 0 : i32
            %dma_start3A_108 = arith.constant 0 : i32
            %dma_start3A_109 = tpu.memref_slice %arg10[%dma_start3A_107, %dma_start3A_108] : memref<10240x128xf32, #tpu.memory_space<vmem_shared>> -> memref<10240x128xf32, #tpu.memory_space<vmem_shared>>
            tpu.enqueue_indirect_dma source(%dma_start3A_103 : memref<128x128xf32, #tpu.memory_space<vmem>>) target(%dma_start3A_109 : memref<10240x128xf32, #tpu.memory_space<vmem_shared>>) offsets(%dma_start3A_106 : memref<128xi32, #tpu.memory_space<vmem>>) semaphore(%run_scoped3A_99 : memref<!tpu.dma_semaphore, #tpu.memory_space<semaphore_mem>>) {add = true}
            %dma_wait3A_110 = arith.constant 0 : i32
            %dma_wait3A_111 = arith.constant 0 : i32
            %dma_wait3A_112 = tpu.memref_slice %arg9[%run_scoped3A, %dma_wait3A_110, %dma_wait3A_111] : memref<2x128x128xf32, #tpu.memory_space<vmem>> -> memref<1x128x128xf32, #tpu.memory_space<vmem>>
            %dma_wait3A_113 = tpu.memref_squeeze %dma_wait3A_112 : memref<1x128x128xf32, #tpu.memory_space<vmem>> -> memref<128x128xf32, #tpu.memory_space<vmem>>
            %dma_wait3A_114 = arith.constant 0 : i32
            %dma_wait3A_115 = tpu.memref_slice %arg8[%add3A_76, %dma_wait3A_114] : memref<40x128xi32, #tpu.memory_space<vmem>> -> memref<1x128xi32, #tpu.memory_space<vmem>>
            %dma_wait3A_116 = tpu.memref_squeeze %dma_wait3A_115 : memref<1x128xi32, #tpu.memory_space<vmem>> -> memref<128xi32, #tpu.memory_space<vmem>>
            %dma_wait3A_117 = arith.constant 0 : i32
            %dma_wait3A_118 = arith.constant 0 : i32
            %dma_wait3A_119 = tpu.memref_slice %arg10[%dma_wait3A_117, %dma_wait3A_118] : memref<10240x128xf32, #tpu.memory_space<vmem_shared>> -> memref<10240x128xf32, #tpu.memory_space<vmem_shared>>
            tpu.wait_indirect_dma semaphore(%run_scoped3A_99 : memref<!tpu.dma_semaphore, #tpu.memory_space<semaphore_mem>>) src(%dma_wait3A_113 : memref<128x128xf32, #tpu.memory_space<vmem>>) dst(%dma_wait3A_119 : memref<10240x128xf32, #tpu.memory_space<vmem_shared>>)
            tpu.yield
          }) : () -> ()
          %add3A_92 = arith.constant 2 : i32
          %add3A_93 = arith.addi %add3A_76, %add3A_92 : i32
          %lt3A_94 = arith.constant 40 : i32
          %lt3A_95 = arith.cmpi slt, %add3A_93, %lt3A_94 : i32
          %convert_element_type3A_96 = arith.extui %lt3A_95 : i1 to i32
          %cond3A_97 = arith.constant 0 : i32
          %cond3A_98 = arith.cmpi ne, %convert_element_type3A_96, %cond3A_97 : i32
          scf.if %cond3A_98 {
            %add3A_99 = arith.constant 2 : i32
            %add3A_100 = arith.addi %add3A_76, %add3A_99 : i32
            %dma_start3A_101 = arith.constant 1 : i32
            %dma_start3A_102 = arith.constant 0 : i32
            %dma_start3A_103 = arith.constant 0 : i32
            %dma_start3A_104 = tpu.memref_slice %arg9[%dma_start3A_101, %dma_start3A_102, %dma_start3A_103] : memref<2x128x128xf32, #tpu.memory_space<vmem>> -> memref<1x128x128xf32, #tpu.memory_space<vmem>>
            %dma_start3A_105 = tpu.memref_squeeze %dma_start3A_104 : memref<1x128x128xf32, #tpu.memory_space<vmem>> -> memref<128x128xf32, #tpu.memory_space<vmem>>
            %dma_start3A_106 = arith.constant 0 : i32
            %dma_start3A_107 = tpu.memref_slice %arg7[%add3A_100, %dma_start3A_106] : memref<40x128xi32, #tpu.memory_space<vmem>> -> memref<1x128xi32, #tpu.memory_space<vmem>>
            %dma_start3A_108 = tpu.memref_squeeze %dma_start3A_107 : memref<1x128xi32, #tpu.memory_space<vmem>> -> memref<128xi32, #tpu.memory_space<vmem>>
            %dma_start3A_109 = arith.constant 0 : i32
            %dma_start3A_110 = arith.constant 0 : i32
            %dma_start3A_111 = tpu.memref_slice %arg2[%dma_start3A_109, %dma_start3A_110] : memref<10240x128xf32, #tpu.memory_space<hbm>> -> memref<10240x128xf32, #tpu.memory_space<hbm>>
            tpu.enqueue_indirect_dma source(%dma_start3A_111 : memref<10240x128xf32, #tpu.memory_space<hbm>>) target(%dma_start3A_105 : memref<128x128xf32, #tpu.memory_space<vmem>>) offsets(%dma_start3A_108 : memref<128xi32, #tpu.memory_space<vmem>>) semaphore(%arg12 : memref<!tpu.dma_semaphore, #tpu.memory_space<semaphore_mem>>)
          } else {
          }
        } else {
        }
      }
      %scan3A_64 = arith.constant 20 : i32
    } else {
    }
    %eq3A_3 = arith.constant 1 : i32
    %eq3A_4 = arith.cmpi eq, %arg0, %eq3A_3 : i32
    %convert_element_type3A_5 = arith.extui %eq3A_4 : i1 to i32
    %cond3A_6 = arith.constant 0 : i32
    %cond3A_7 = arith.cmpi ne, %convert_element_type3A_5, %cond3A_6 : i32
    scf.if %cond3A_7 {
      "tpu.region"() ({
        %run_scoped3A = tpu.sem_alloc : memref<!tpu.dma_semaphore, #tpu.memory_space<semaphore_mem>>
        %dma_start3A_65 = arith.constant 0 : i32
        %dma_start3A_66 = arith.constant 0 : i32
        %dma_start3A_67 = tpu.memref_slice %arg7[%dma_start3A_65, %dma_start3A_66] : memref<40x128xi32, #tpu.memory_space<vmem>> -> memref<40x128xi32, #tpu.memory_space<vmem>>
        %dma_start3A_68 = arith.constant 80 : i32
        %dma_start3A_69 = arith.constant 0 : i32
        %dma_start3A_70 = tpu.memref_slice %arg3[%arg1, %dma_start3A_68, %dma_start3A_69] : memref<16x160x128xi32, #tpu.memory_space<hbm>> -> memref<1x40x128xi32, #tpu.memory_space<hbm>>
        %dma_start3A_71 = tpu.memref_squeeze %dma_start3A_70 : memref<1x40x128xi32, #tpu.memory_space<hbm>> -> memref<40x128xi32, #tpu.memory_space<hbm>>
        %dma_start3A_72 = arith.constant 0 : i32
        %dma_start3A_73 = arith.constant 0 : i32
        %dma_start3A_74 = tpu.memref_slice %arg7[%dma_start3A_72, %dma_start3A_73] : memref<40x128xi32, #tpu.memory_space<vmem>> -> memref<40x128xi32, #tpu.memory_space<vmem>>
        %dma_start3A_75 = arith.constant 80 : i32
        %dma_start3A_76 = arith.constant 0 : i32
        %dma_start3A_77 = tpu.memref_slice %arg3[%arg1, %dma_start3A_75, %dma_start3A_76] : memref<16x160x128xi32, #tpu.memory_space<hbm>> -> memref<1x40x128xi32, #tpu.memory_space<hbm>>
        %dma_start3A_78 = tpu.memref_squeeze %dma_start3A_77 : memref<1x40x128xi32, #tpu.memory_space<hbm>> -> memref<40x128xi32, #tpu.memory_space<hbm>>
        tpu.enqueue_dma source(%dma_start3A_78 : memref<40x128xi32, #tpu.memory_space<hbm>>) target(%dma_start3A_74 : memref<40x128xi32, #tpu.memory_space<vmem>>) target_semaphore(%run_scoped3A : memref<!tpu.dma_semaphore, #tpu.memory_space<semaphore_mem>>)
        %dma_wait3A = arith.constant 0 : i32
        %dma_wait3A_79 = arith.constant 0 : i32
        %dma_wait3A_80 = tpu.memref_slice %arg7[%dma_wait3A, %dma_wait3A_79] : memref<40x128xi32, #tpu.memory_space<vmem>> -> memref<40x128xi32, #tpu.memory_space<vmem>>
        %dma_wait3A_81 = arith.constant 80 : i32
        %dma_wait3A_82 = arith.constant 0 : i32
        %dma_wait3A_83 = tpu.memref_slice %arg3[%arg1, %dma_wait3A_81, %dma_wait3A_82] : memref<16x160x128xi32, #tpu.memory_space<hbm>> -> memref<1x40x128xi32, #tpu.memory_space<hbm>>
        %dma_wait3A_84 = tpu.memref_squeeze %dma_wait3A_83 : memref<1x40x128xi32, #tpu.memory_space<hbm>> -> memref<40x128xi32, #tpu.memory_space<hbm>>
        %dma_wait3A_85 = arith.constant 0 : i32
        %dma_wait3A_86 = arith.constant 0 : i32
        %dma_wait3A_87 = tpu.memref_slice %arg7[%dma_wait3A_85, %dma_wait3A_86] : memref<40x128xi32, #tpu.memory_space<vmem>> -> memref<40x128xi32, #tpu.memory_space<vmem>>
        %dma_wait3A_88 = arith.constant 80 : i32
        %dma_wait3A_89 = arith.constant 0 : i32
        %dma_wait3A_90 = tpu.memref_slice %arg3[%arg1, %dma_wait3A_88, %dma_wait3A_89] : memref<16x160x128xi32, #tpu.memory_space<hbm>> -> memref<1x40x128xi32, #tpu.memory_space<hbm>>
        %dma_wait3A_91 = tpu.memref_squeeze %dma_wait3A_90 : memref<1x40x128xi32, #tpu.memory_space<hbm>> -> memref<40x128xi32, #tpu.memory_space<hbm>>
        tpu.wait_dma2 semaphore(%run_scoped3A : memref<!tpu.dma_semaphore, #tpu.memory_space<semaphore_mem>>) src(%dma_wait3A_91 : memref<40x128xi32, #tpu.memory_space<hbm>>) dst(%dma_wait3A_87 : memref<40x128xi32, #tpu.memory_space<vmem>>)
        tpu.yield
      }) : () -> ()
      "tpu.region"() ({
        %run_scoped3A = tpu.sem_alloc : memref<!tpu.dma_semaphore, #tpu.memory_space<semaphore_mem>>
        %dma_start3A_65 = arith.constant 0 : i32
        %dma_start3A_66 = arith.constant 0 : i32
        %dma_start3A_67 = tpu.memref_slice %arg8[%dma_start3A_65, %dma_start3A_66] : memref<40x128xi32, #tpu.memory_space<vmem>> -> memref<40x128xi32, #tpu.memory_space<vmem>>
        %dma_start3A_68 = arith.constant 80 : i32
        %dma_start3A_69 = arith.constant 0 : i32
        %dma_start3A_70 = tpu.memref_slice %arg4[%arg1, %dma_start3A_68, %dma_start3A_69] : memref<16x160x128xi32, #tpu.memory_space<hbm>> -> memref<1x40x128xi32, #tpu.memory_space<hbm>>
        %dma_start3A_71 = tpu.memref_squeeze %dma_start3A_70 : memref<1x40x128xi32, #tpu.memory_space<hbm>> -> memref<40x128xi32, #tpu.memory_space<hbm>>
        %dma_start3A_72 = arith.constant 0 : i32
        %dma_start3A_73 = arith.constant 0 : i32
        %dma_start3A_74 = tpu.memref_slice %arg8[%dma_start3A_72, %dma_start3A_73] : memref<40x128xi32, #tpu.memory_space<vmem>> -> memref<40x128xi32, #tpu.memory_space<vmem>>
        %dma_start3A_75 = arith.constant 80 : i32
        %dma_start3A_76 = arith.constant 0 : i32
        %dma_start3A_77 = tpu.memref_slice %arg4[%arg1, %dma_start3A_75, %dma_start3A_76] : memref<16x160x128xi32, #tpu.memory_space<hbm>> -> memref<1x40x128xi32, #tpu.memory_space<hbm>>
        %dma_start3A_78 = tpu.memref_squeeze %dma_start3A_77 : memref<1x40x128xi32, #tpu.memory_space<hbm>> -> memref<40x128xi32, #tpu.memory_space<hbm>>
        tpu.enqueue_dma source(%dma_start3A_78 : memref<40x128xi32, #tpu.memory_space<hbm>>) target(%dma_start3A_74 : memref<40x128xi32, #tpu.memory_space<vmem>>) target_semaphore(%run_scoped3A : memref<!tpu.dma_semaphore, #tpu.memory_space<semaphore_mem>>)
        %dma_wait3A = arith.constant 0 : i32
        %dma_wait3A_79 = arith.constant 0 : i32
        %dma_wait3A_80 = tpu.memref_slice %arg8[%dma_wait3A, %dma_wait3A_79] : memref<40x128xi32, #tpu.memory_space<vmem>> -> memref<40x128xi32, #tpu.memory_space<vmem>>
        %dma_wait3A_81 = arith.constant 80 : i32
        %dma_wait3A_82 = arith.constant 0 : i32
        %dma_wait3A_83 = tpu.memref_slice %arg4[%arg1, %dma_wait3A_81, %dma_wait3A_82] : memref<16x160x128xi32, #tpu.memory_space<hbm>> -> memref<1x40x128xi32, #tpu.memory_space<hbm>>
        %dma_wait3A_84 = tpu.memref_squeeze %dma_wait3A_83 : memref<1x40x128xi32, #tpu.memory_space<hbm>> -> memref<40x128xi32, #tpu.memory_space<hbm>>
        %dma_wait3A_85 = arith.constant 0 : i32
        %dma_wait3A_86 = arith.constant 0 : i32
        %dma_wait3A_87 = tpu.memref_slice %arg8[%dma_wait3A_85, %dma_wait3A_86] : memref<40x128xi32, #tpu.memory_space<vmem>> -> memref<40x128xi32, #tpu.memory_space<vmem>>
        %dma_wait3A_88 = arith.constant 80 : i32
        %dma_wait3A_89 = arith.constant 0 : i32
        %dma_wait3A_90 = tpu.memref_slice %arg4[%arg1, %dma_wait3A_88, %dma_wait3A_89] : memref<16x160x128xi32, #tpu.memory_space<hbm>> -> memref<1x40x128xi32, #tpu.memory_space<hbm>>
        %dma_wait3A_91 = tpu.memref_squeeze %dma_wait3A_90 : memref<1x40x128xi32, #tpu.memory_space<hbm>> -> memref<40x128xi32, #tpu.memory_space<hbm>>
        tpu.wait_dma2 semaphore(%run_scoped3A : memref<!tpu.dma_semaphore, #tpu.memory_space<semaphore_mem>>) src(%dma_wait3A_91 : memref<40x128xi32, #tpu.memory_space<hbm>>) dst(%dma_wait3A_87 : memref<40x128xi32, #tpu.memory_space<vmem>>)
        tpu.yield
      }) : () -> ()
      %dma_start3A = arith.constant 0 : i32
      %dma_start3A_9 = arith.constant 0 : i32
      %dma_start3A_10 = arith.constant 0 : i32
      %dma_start3A_11 = arith.constant 0 : i32
      %dma_start3A_12 = tpu.memref_slice %arg9[%dma_start3A_9, %dma_start3A_10, %dma_start3A_11] : memref<2x128x128xf32, #tpu.memory_space<vmem>> -> memref<1x128x128xf32, #tpu.memory_space<vmem>>
      %dma_start3A_13 = tpu.memref_squeeze %dma_start3A_12 : memref<1x128x128xf32, #tpu.memory_space<vmem>> -> memref<128x128xf32, #tpu.memory_space<vmem>>
      %dma_start3A_14 = arith.constant 0 : i32
      %dma_start3A_15 = tpu.memref_slice %arg7[%dma_start3A, %dma_start3A_14] : memref<40x128xi32, #tpu.memory_space<vmem>> -> memref<1x128xi32, #tpu.memory_space<vmem>>
      %dma_start3A_16 = tpu.memref_squeeze %dma_start3A_15 : memref<1x128xi32, #tpu.memory_space<vmem>> -> memref<128xi32, #tpu.memory_space<vmem>>
      %dma_start3A_17 = arith.constant 0 : i32
      %dma_start3A_18 = arith.constant 0 : i32
      %dma_start3A_19 = tpu.memref_slice %arg2[%dma_start3A_17, %dma_start3A_18] : memref<10240x128xf32, #tpu.memory_space<hbm>> -> memref<10240x128xf32, #tpu.memory_space<hbm>>
      tpu.enqueue_indirect_dma source(%dma_start3A_19 : memref<10240x128xf32, #tpu.memory_space<hbm>>) target(%dma_start3A_13 : memref<128x128xf32, #tpu.memory_space<vmem>>) offsets(%dma_start3A_16 : memref<128xi32, #tpu.memory_space<vmem>>) semaphore(%arg11 : memref<!tpu.dma_semaphore, #tpu.memory_space<semaphore_mem>>)
      %dma_start3A_20 = arith.constant 1 : i32
      %dma_start3A_21 = arith.constant 1 : i32
      %dma_start3A_22 = arith.constant 0 : i32
      %dma_start3A_23 = arith.constant 0 : i32
      %dma_start3A_24 = tpu.memref_slice %arg9[%dma_start3A_21, %dma_start3A_22, %dma_start3A_23] : memref<2x128x128xf32, #tpu.memory_space<vmem>> -> memref<1x128x128xf32, #tpu.memory_space<vmem>>
      %dma_start3A_25 = tpu.memref_squeeze %dma_start3A_24 : memref<1x128x128xf32, #tpu.memory_space<vmem>> -> memref<128x128xf32, #tpu.memory_space<vmem>>
      %dma_start3A_26 = arith.constant 0 : i32
      %dma_start3A_27 = tpu.memref_slice %arg7[%dma_start3A_20, %dma_start3A_26] : memref<40x128xi32, #tpu.memory_space<vmem>> -> memref<1x128xi32, #tpu.memory_space<vmem>>
      %dma_start3A_28 = tpu.memref_squeeze %dma_start3A_27 : memref<1x128xi32, #tpu.memory_space<vmem>> -> memref<128xi32, #tpu.memory_space<vmem>>
      %dma_start3A_29 = arith.constant 0 : i32
      %dma_start3A_30 = arith.constant 0 : i32
      %dma_start3A_31 = tpu.memref_slice %arg2[%dma_start3A_29, %dma_start3A_30] : memref<10240x128xf32, #tpu.memory_space<hbm>> -> memref<10240x128xf32, #tpu.memory_space<hbm>>
      tpu.enqueue_indirect_dma source(%dma_start3A_31 : memref<10240x128xf32, #tpu.memory_space<hbm>>) target(%dma_start3A_25 : memref<128x128xf32, #tpu.memory_space<vmem>>) offsets(%dma_start3A_28 : memref<128xi32, #tpu.memory_space<vmem>>) semaphore(%arg12 : memref<!tpu.dma_semaphore, #tpu.memory_space<semaphore_mem>>)
      %scan3A = arith.constant 0 : i32
      %scan3A_32 = arith.constant 20 : i32
      %scan3A_33 = arith.addi %scan3A, %scan3A_32 : i32
      %scan3A_34 = arith.constant 1 : i32
      scf.for %scan3A_65 = %scan3A to %scan3A_33 step %scan3A_34  : i32 {
        %mul3A_66 = arith.constant 2 : i32
        %mul3A_67 = arith.muli %scan3A_65, %mul3A_66 : i32
        %add3A = arith.constant 0 : i32
        %add3A_68 = arith.addi %add3A, %mul3A_67 : i32
        %add3A_69 = arith.constant 0 : i32
        %add3A_70 = arith.addi %add3A_68, %add3A_69 : i32
        %lt3A = arith.constant 40 : i32
        %lt3A_71 = arith.cmpi slt, %add3A_70, %lt3A : i32
        %convert_element_type3A_72 = arith.extui %lt3A_71 : i1 to i32
        %cond3A_73 = arith.constant 0 : i32
        %cond3A_74 = arith.cmpi ne, %convert_element_type3A_72, %cond3A_73 : i32
        scf.if %cond3A_74 {
          %dma_wait3A = arith.constant 0 : i32
          %dma_wait3A_82 = arith.constant 0 : i32
          %dma_wait3A_83 = arith.constant 0 : i32
          %dma_wait3A_84 = tpu.memref_slice %arg9[%dma_wait3A, %dma_wait3A_82, %dma_wait3A_83] : memref<2x128x128xf32, #tpu.memory_space<vmem>> -> memref<1x128x128xf32, #tpu.memory_space<vmem>>
          %dma_wait3A_85 = tpu.memref_squeeze %dma_wait3A_84 : memref<1x128x128xf32, #tpu.memory_space<vmem>> -> memref<128x128xf32, #tpu.memory_space<vmem>>
          %dma_wait3A_86 = arith.constant 0 : i32
          %dma_wait3A_87 = tpu.memref_slice %arg7[%add3A_70, %dma_wait3A_86] : memref<40x128xi32, #tpu.memory_space<vmem>> -> memref<1x128xi32, #tpu.memory_space<vmem>>
          %dma_wait3A_88 = tpu.memref_squeeze %dma_wait3A_87 : memref<1x128xi32, #tpu.memory_space<vmem>> -> memref<128xi32, #tpu.memory_space<vmem>>
          %dma_wait3A_89 = arith.constant 0 : i32
          %dma_wait3A_90 = arith.constant 0 : i32
          %dma_wait3A_91 = tpu.memref_slice %arg2[%dma_wait3A_89, %dma_wait3A_90] : memref<10240x128xf32, #tpu.memory_space<hbm>> -> memref<10240x128xf32, #tpu.memory_space<hbm>>
          tpu.wait_indirect_dma semaphore(%arg11 : memref<!tpu.dma_semaphore, #tpu.memory_space<semaphore_mem>>) src(%dma_wait3A_91 : memref<10240x128xf32, #tpu.memory_space<hbm>>) dst(%dma_wait3A_85 : memref<128x128xf32, #tpu.memory_space<vmem>>)
          %run_scoped3A = arith.constant 0 : i32
          "tpu.region"() ({
            %run_scoped3A_99 = tpu.sem_alloc : memref<!tpu.dma_semaphore, #tpu.memory_space<semaphore_mem>>
            %dma_start3A_100 = arith.constant 0 : i32
            %dma_start3A_101 = arith.constant 0 : i32
            %dma_start3A_102 = tpu.memref_slice %arg9[%run_scoped3A, %dma_start3A_100, %dma_start3A_101] : memref<2x128x128xf32, #tpu.memory_space<vmem>> -> memref<1x128x128xf32, #tpu.memory_space<vmem>>
            %dma_start3A_103 = tpu.memref_squeeze %dma_start3A_102 : memref<1x128x128xf32, #tpu.memory_space<vmem>> -> memref<128x128xf32, #tpu.memory_space<vmem>>
            %dma_start3A_104 = arith.constant 0 : i32
            %dma_start3A_105 = tpu.memref_slice %arg8[%add3A_70, %dma_start3A_104] : memref<40x128xi32, #tpu.memory_space<vmem>> -> memref<1x128xi32, #tpu.memory_space<vmem>>
            %dma_start3A_106 = tpu.memref_squeeze %dma_start3A_105 : memref<1x128xi32, #tpu.memory_space<vmem>> -> memref<128xi32, #tpu.memory_space<vmem>>
            %dma_start3A_107 = arith.constant 0 : i32
            %dma_start3A_108 = arith.constant 0 : i32
            %dma_start3A_109 = tpu.memref_slice %arg10[%dma_start3A_107, %dma_start3A_108] : memref<10240x128xf32, #tpu.memory_space<vmem_shared>> -> memref<10240x128xf32, #tpu.memory_space<vmem_shared>>
            tpu.enqueue_indirect_dma source(%dma_start3A_103 : memref<128x128xf32, #tpu.memory_space<vmem>>) target(%dma_start3A_109 : memref<10240x128xf32, #tpu.memory_space<vmem_shared>>) offsets(%dma_start3A_106 : memref<128xi32, #tpu.memory_space<vmem>>) semaphore(%run_scoped3A_99 : memref<!tpu.dma_semaphore, #tpu.memory_space<semaphore_mem>>) {add = true}
            %dma_wait3A_110 = arith.constant 0 : i32
            %dma_wait3A_111 = arith.constant 0 : i32
            %dma_wait3A_112 = tpu.memref_slice %arg9[%run_scoped3A, %dma_wait3A_110, %dma_wait3A_111] : memref<2x128x128xf32, #tpu.memory_space<vmem>> -> memref<1x128x128xf32, #tpu.memory_space<vmem>>
            %dma_wait3A_113 = tpu.memref_squeeze %dma_wait3A_112 : memref<1x128x128xf32, #tpu.memory_space<vmem>> -> memref<128x128xf32, #tpu.memory_space<vmem>>
            %dma_wait3A_114 = arith.constant 0 : i32
            %dma_wait3A_115 = tpu.memref_slice %arg8[%add3A_70, %dma_wait3A_114] : memref<40x128xi32, #tpu.memory_space<vmem>> -> memref<1x128xi32, #tpu.memory_space<vmem>>
            %dma_wait3A_116 = tpu.memref_squeeze %dma_wait3A_115 : memref<1x128xi32, #tpu.memory_space<vmem>> -> memref<128xi32, #tpu.memory_space<vmem>>
            %dma_wait3A_117 = arith.constant 0 : i32
            %dma_wait3A_118 = arith.constant 0 : i32
            %dma_wait3A_119 = tpu.memref_slice %arg10[%dma_wait3A_117, %dma_wait3A_118] : memref<10240x128xf32, #tpu.memory_space<vmem_shared>> -> memref<10240x128xf32, #tpu.memory_space<vmem_shared>>
            tpu.wait_indirect_dma semaphore(%run_scoped3A_99 : memref<!tpu.dma_semaphore, #tpu.memory_space<semaphore_mem>>) src(%dma_wait3A_113 : memref<128x128xf32, #tpu.memory_space<vmem>>) dst(%dma_wait3A_119 : memref<10240x128xf32, #tpu.memory_space<vmem_shared>>)
            tpu.yield
          }) : () -> ()
          %add3A_92 = arith.constant 2 : i32
          %add3A_93 = arith.addi %add3A_70, %add3A_92 : i32
          %lt3A_94 = arith.constant 40 : i32
          %lt3A_95 = arith.cmpi slt, %add3A_93, %lt3A_94 : i32
          %convert_element_type3A_96 = arith.extui %lt3A_95 : i1 to i32
          %cond3A_97 = arith.constant 0 : i32
          %cond3A_98 = arith.cmpi ne, %convert_element_type3A_96, %cond3A_97 : i32
          scf.if %cond3A_98 {
            %add3A_99 = arith.constant 2 : i32
            %add3A_100 = arith.addi %add3A_70, %add3A_99 : i32
            %dma_start3A_101 = arith.constant 0 : i32
            %dma_start3A_102 = arith.constant 0 : i32
            %dma_start3A_103 = arith.constant 0 : i32
            %dma_start3A_104 = tpu.memref_slice %arg9[%dma_start3A_101, %dma_start3A_102, %dma_start3A_103] : memref<2x128x128xf32, #tpu.memory_space<vmem>> -> memref<1x128x128xf32, #tpu.memory_space<vmem>>
            %dma_start3A_105 = tpu.memref_squeeze %dma_start3A_104 : memref<1x128x128xf32, #tpu.memory_space<vmem>> -> memref<128x128xf32, #tpu.memory_space<vmem>>
            %dma_start3A_106 = arith.constant 0 : i32
            %dma_start3A_107 = tpu.memref_slice %arg7[%add3A_100, %dma_start3A_106] : memref<40x128xi32, #tpu.memory_space<vmem>> -> memref<1x128xi32, #tpu.memory_space<vmem>>
            %dma_start3A_108 = tpu.memref_squeeze %dma_start3A_107 : memref<1x128xi32, #tpu.memory_space<vmem>> -> memref<128xi32, #tpu.memory_space<vmem>>
            %dma_start3A_109 = arith.constant 0 : i32
            %dma_start3A_110 = arith.constant 0 : i32
            %dma_start3A_111 = tpu.memref_slice %arg2[%dma_start3A_109, %dma_start3A_110] : memref<10240x128xf32, #tpu.memory_space<hbm>> -> memref<10240x128xf32, #tpu.memory_space<hbm>>
            tpu.enqueue_indirect_dma source(%dma_start3A_111 : memref<10240x128xf32, #tpu.memory_space<hbm>>) target(%dma_start3A_105 : memref<128x128xf32, #tpu.memory_space<vmem>>) offsets(%dma_start3A_108 : memref<128xi32, #tpu.memory_space<vmem>>) semaphore(%arg11 : memref<!tpu.dma_semaphore, #tpu.memory_space<semaphore_mem>>)
          } else {
          }
        } else {
        }
        %add3A_75 = arith.constant 1 : i32
        %add3A_76 = arith.addi %add3A_68, %add3A_75 : i32
        %lt3A_77 = arith.constant 40 : i32
        %lt3A_78 = arith.cmpi slt, %add3A_76, %lt3A_77 : i32
        %convert_element_type3A_79 = arith.extui %lt3A_78 : i1 to i32
        %cond3A_80 = arith.constant 0 : i32
        %cond3A_81 = arith.cmpi ne, %convert_element_type3A_79, %cond3A_80 : i32
        scf.if %cond3A_81 {
          %dma_wait3A = arith.constant 1 : i32
          %dma_wait3A_82 = arith.constant 0 : i32
          %dma_wait3A_83 = arith.constant 0 : i32
          %dma_wait3A_84 = tpu.memref_slice %arg9[%dma_wait3A, %dma_wait3A_82, %dma_wait3A_83] : memref<2x128x128xf32, #tpu.memory_space<vmem>> -> memref<1x128x128xf32, #tpu.memory_space<vmem>>
          %dma_wait3A_85 = tpu.memref_squeeze %dma_wait3A_84 : memref<1x128x128xf32, #tpu.memory_space<vmem>> -> memref<128x128xf32, #tpu.memory_space<vmem>>
          %dma_wait3A_86 = arith.constant 0 : i32
          %dma_wait3A_87 = tpu.memref_slice %arg7[%add3A_76, %dma_wait3A_86] : memref<40x128xi32, #tpu.memory_space<vmem>> -> memref<1x128xi32, #tpu.memory_space<vmem>>
          %dma_wait3A_88 = tpu.memref_squeeze %dma_wait3A_87 : memref<1x128xi32, #tpu.memory_space<vmem>> -> memref<128xi32, #tpu.memory_space<vmem>>
          %dma_wait3A_89 = arith.constant 0 : i32
          %dma_wait3A_90 = arith.constant 0 : i32
          %dma_wait3A_91 = tpu.memref_slice %arg2[%dma_wait3A_89, %dma_wait3A_90] : memref<10240x128xf32, #tpu.memory_space<hbm>> -> memref<10240x128xf32, #tpu.memory_space<hbm>>
          tpu.wait_indirect_dma semaphore(%arg12 : memref<!tpu.dma_semaphore, #tpu.memory_space<semaphore_mem>>) src(%dma_wait3A_91 : memref<10240x128xf32, #tpu.memory_space<hbm>>) dst(%dma_wait3A_85 : memref<128x128xf32, #tpu.memory_space<vmem>>)
          %run_scoped3A = arith.constant 1 : i32
          "tpu.region"() ({
            %run_scoped3A_99 = tpu.sem_alloc : memref<!tpu.dma_semaphore, #tpu.memory_space<semaphore_mem>>
            %dma_start3A_100 = arith.constant 0 : i32
            %dma_start3A_101 = arith.constant 0 : i32
            %dma_start3A_102 = tpu.memref_slice %arg9[%run_scoped3A, %dma_start3A_100, %dma_start3A_101] : memref<2x128x128xf32, #tpu.memory_space<vmem>> -> memref<1x128x128xf32, #tpu.memory_space<vmem>>
            %dma_start3A_103 = tpu.memref_squeeze %dma_start3A_102 : memref<1x128x128xf32, #tpu.memory_space<vmem>> -> memref<128x128xf32, #tpu.memory_space<vmem>>
            %dma_start3A_104 = arith.constant 0 : i32
            %dma_start3A_105 = tpu.memref_slice %arg8[%add3A_76, %dma_start3A_104] : memref<40x128xi32, #tpu.memory_space<vmem>> -> memref<1x128xi32, #tpu.memory_space<vmem>>
            %dma_start3A_106 = tpu.memref_squeeze %dma_start3A_105 : memref<1x128xi32, #tpu.memory_space<vmem>> -> memref<128xi32, #tpu.memory_space<vmem>>
            %dma_start3A_107 = arith.constant 0 : i32
            %dma_start3A_108 = arith.constant 0 : i32
            %dma_start3A_109 = tpu.memref_slice %arg10[%dma_start3A_107, %dma_start3A_108] : memref<10240x128xf32, #tpu.memory_space<vmem_shared>> -> memref<10240x128xf32, #tpu.memory_space<vmem_shared>>
            tpu.enqueue_indirect_dma source(%dma_start3A_103 : memref<128x128xf32, #tpu.memory_space<vmem>>) target(%dma_start3A_109 : memref<10240x128xf32, #tpu.memory_space<vmem_shared>>) offsets(%dma_start3A_106 : memref<128xi32, #tpu.memory_space<vmem>>) semaphore(%run_scoped3A_99 : memref<!tpu.dma_semaphore, #tpu.memory_space<semaphore_mem>>) {add = true}
            %dma_wait3A_110 = arith.constant 0 : i32
            %dma_wait3A_111 = arith.constant 0 : i32
            %dma_wait3A_112 = tpu.memref_slice %arg9[%run_scoped3A, %dma_wait3A_110, %dma_wait3A_111] : memref<2x128x128xf32, #tpu.memory_space<vmem>> -> memref<1x128x128xf32, #tpu.memory_space<vmem>>
            %dma_wait3A_113 = tpu.memref_squeeze %dma_wait3A_112 : memref<1x128x128xf32, #tpu.memory_space<vmem>> -> memref<128x128xf32, #tpu.memory_space<vmem>>
            %dma_wait3A_114 = arith.constant 0 : i32
            %dma_wait3A_115 = tpu.memref_slice %arg8[%add3A_76, %dma_wait3A_114] : memref<40x128xi32, #tpu.memory_space<vmem>> -> memref<1x128xi32, #tpu.memory_space<vmem>>
            %dma_wait3A_116 = tpu.memref_squeeze %dma_wait3A_115 : memref<1x128xi32, #tpu.memory_space<vmem>> -> memref<128xi32, #tpu.memory_space<vmem>>
            %dma_wait3A_117 = arith.constant 0 : i32
            %dma_wait3A_118 = arith.constant 0 : i32
            %dma_wait3A_119 = tpu.memref_slice %arg10[%dma_wait3A_117, %dma_wait3A_118] : memref<10240x128xf32, #tpu.memory_space<vmem_shared>> -> memref<10240x128xf32, #tpu.memory_space<vmem_shared>>
            tpu.wait_indirect_dma semaphore(%run_scoped3A_99 : memref<!tpu.dma_semaphore, #tpu.memory_space<semaphore_mem>>) src(%dma_wait3A_113 : memref<128x128xf32, #tpu.memory_space<vmem>>) dst(%dma_wait3A_119 : memref<10240x128xf32, #tpu.memory_space<vmem_shared>>)
            tpu.yield
          }) : () -> ()
          %add3A_92 = arith.constant 2 : i32
          %add3A_93 = arith.addi %add3A_76, %add3A_92 : i32
          %lt3A_94 = arith.constant 40 : i32
          %lt3A_95 = arith.cmpi slt, %add3A_93, %lt3A_94 : i32
          %convert_element_type3A_96 = arith.extui %lt3A_95 : i1 to i32
          %cond3A_97 = arith.constant 0 : i32
          %cond3A_98 = arith.cmpi ne, %convert_element_type3A_96, %cond3A_97 : i32
          scf.if %cond3A_98 {
            %add3A_99 = arith.constant 2 : i32
            %add3A_100 = arith.addi %add3A_76, %add3A_99 : i32
            %dma_start3A_101 = arith.constant 1 : i32
            %dma_start3A_102 = arith.constant 0 : i32
            %dma_start3A_103 = arith.constant 0 : i32
            %dma_start3A_104 = tpu.memref_slice %arg9[%dma_start3A_101, %dma_start3A_102, %dma_start3A_103] : memref<2x128x128xf32, #tpu.memory_space<vmem>> -> memref<1x128x128xf32, #tpu.memory_space<vmem>>
            %dma_start3A_105 = tpu.memref_squeeze %dma_start3A_104 : memref<1x128x128xf32, #tpu.memory_space<vmem>> -> memref<128x128xf32, #tpu.memory_space<vmem>>
            %dma_start3A_106 = arith.constant 0 : i32
            %dma_start3A_107 = tpu.memref_slice %arg7[%add3A_100, %dma_start3A_106] : memref<40x128xi32, #tpu.memory_space<vmem>> -> memref<1x128xi32, #tpu.memory_space<vmem>>
            %dma_start3A_108 = tpu.memref_squeeze %dma_start3A_107 : memref<1x128xi32, #tpu.memory_space<vmem>> -> memref<128xi32, #tpu.memory_space<vmem>>
            %dma_start3A_109 = arith.constant 0 : i32
            %dma_start3A_110 = arith.constant 0 : i32
            %dma_start3A_111 = tpu.memref_slice %arg2[%dma_start3A_109, %dma_start3A_110] : memref<10240x128xf32, #tpu.memory_space<hbm>> -> memref<10240x128xf32, #tpu.memory_space<hbm>>
            tpu.enqueue_indirect_dma source(%dma_start3A_111 : memref<10240x128xf32, #tpu.memory_space<hbm>>) target(%dma_start3A_105 : memref<128x128xf32, #tpu.memory_space<vmem>>) offsets(%dma_start3A_108 : memref<128xi32, #tpu.memory_space<vmem>>) semaphore(%arg12 : memref<!tpu.dma_semaphore, #tpu.memory_space<semaphore_mem>>)
          } else {
          }
        } else {
        }
      }
      %scan3A_35 = arith.constant 20 : i32
      "tpu.region"() ({
        %run_scoped3A = tpu.sem_alloc : memref<!tpu.dma_semaphore, #tpu.memory_space<semaphore_mem>>
        %dma_start3A_65 = arith.constant 0 : i32
        %dma_start3A_66 = arith.constant 0 : i32
        %dma_start3A_67 = tpu.memref_slice %arg7[%dma_start3A_65, %dma_start3A_66] : memref<40x128xi32, #tpu.memory_space<vmem>> -> memref<40x128xi32, #tpu.memory_space<vmem>>
        %dma_start3A_68 = arith.constant 120 : i32
        %dma_start3A_69 = arith.constant 0 : i32
        %dma_start3A_70 = tpu.memref_slice %arg3[%arg1, %dma_start3A_68, %dma_start3A_69] : memref<16x160x128xi32, #tpu.memory_space<hbm>> -> memref<1x40x128xi32, #tpu.memory_space<hbm>>
        %dma_start3A_71 = tpu.memref_squeeze %dma_start3A_70 : memref<1x40x128xi32, #tpu.memory_space<hbm>> -> memref<40x128xi32, #tpu.memory_space<hbm>>
        %dma_start3A_72 = arith.constant 0 : i32
        %dma_start3A_73 = arith.constant 0 : i32
        %dma_start3A_74 = tpu.memref_slice %arg7[%dma_start3A_72, %dma_start3A_73] : memref<40x128xi32, #tpu.memory_space<vmem>> -> memref<40x128xi32, #tpu.memory_space<vmem>>
        %dma_start3A_75 = arith.constant 120 : i32
        %dma_start3A_76 = arith.constant 0 : i32
        %dma_start3A_77 = tpu.memref_slice %arg3[%arg1, %dma_start3A_75, %dma_start3A_76] : memref<16x160x128xi32, #tpu.memory_space<hbm>> -> memref<1x40x128xi32, #tpu.memory_space<hbm>>
        %dma_start3A_78 = tpu.memref_squeeze %dma_start3A_77 : memref<1x40x128xi32, #tpu.memory_space<hbm>> -> memref<40x128xi32, #tpu.memory_space<hbm>>
        tpu.enqueue_dma source(%dma_start3A_78 : memref<40x128xi32, #tpu.memory_space<hbm>>) target(%dma_start3A_74 : memref<40x128xi32, #tpu.memory_space<vmem>>) target_semaphore(%run_scoped3A : memref<!tpu.dma_semaphore, #tpu.memory_space<semaphore_mem>>)
        %dma_wait3A = arith.constant 0 : i32
        %dma_wait3A_79 = arith.constant 0 : i32
        %dma_wait3A_80 = tpu.memref_slice %arg7[%dma_wait3A, %dma_wait3A_79] : memref<40x128xi32, #tpu.memory_space<vmem>> -> memref<40x128xi32, #tpu.memory_space<vmem>>
        %dma_wait3A_81 = arith.constant 120 : i32
        %dma_wait3A_82 = arith.constant 0 : i32
        %dma_wait3A_83 = tpu.memref_slice %arg3[%arg1, %dma_wait3A_81, %dma_wait3A_82] : memref<16x160x128xi32, #tpu.memory_space<hbm>> -> memref<1x40x128xi32, #tpu.memory_space<hbm>>
        %dma_wait3A_84 = tpu.memref_squeeze %dma_wait3A_83 : memref<1x40x128xi32, #tpu.memory_space<hbm>> -> memref<40x128xi32, #tpu.memory_space<hbm>>
        %dma_wait3A_85 = arith.constant 0 : i32
        %dma_wait3A_86 = arith.constant 0 : i32
        %dma_wait3A_87 = tpu.memref_slice %arg7[%dma_wait3A_85, %dma_wait3A_86] : memref<40x128xi32, #tpu.memory_space<vmem>> -> memref<40x128xi32, #tpu.memory_space<vmem>>
        %dma_wait3A_88 = arith.constant 120 : i32
        %dma_wait3A_89 = arith.constant 0 : i32
        %dma_wait3A_90 = tpu.memref_slice %arg3[%arg1, %dma_wait3A_88, %dma_wait3A_89] : memref<16x160x128xi32, #tpu.memory_space<hbm>> -> memref<1x40x128xi32, #tpu.memory_space<hbm>>
        %dma_wait3A_91 = tpu.memref_squeeze %dma_wait3A_90 : memref<1x40x128xi32, #tpu.memory_space<hbm>> -> memref<40x128xi32, #tpu.memory_space<hbm>>
        tpu.wait_dma2 semaphore(%run_scoped3A : memref<!tpu.dma_semaphore, #tpu.memory_space<semaphore_mem>>) src(%dma_wait3A_91 : memref<40x128xi32, #tpu.memory_space<hbm>>) dst(%dma_wait3A_87 : memref<40x128xi32, #tpu.memory_space<vmem>>)
        tpu.yield
      }) : () -> ()
      "tpu.region"() ({
        %run_scoped3A = tpu.sem_alloc : memref<!tpu.dma_semaphore, #tpu.memory_space<semaphore_mem>>
        %dma_start3A_65 = arith.constant 0 : i32
        %dma_start3A_66 = arith.constant 0 : i32
        %dma_start3A_67 = tpu.memref_slice %arg8[%dma_start3A_65, %dma_start3A_66] : memref<40x128xi32, #tpu.memory_space<vmem>> -> memref<40x128xi32, #tpu.memory_space<vmem>>
        %dma_start3A_68 = arith.constant 120 : i32
        %dma_start3A_69 = arith.constant 0 : i32
        %dma_start3A_70 = tpu.memref_slice %arg4[%arg1, %dma_start3A_68, %dma_start3A_69] : memref<16x160x128xi32, #tpu.memory_space<hbm>> -> memref<1x40x128xi32, #tpu.memory_space<hbm>>
        %dma_start3A_71 = tpu.memref_squeeze %dma_start3A_70 : memref<1x40x128xi32, #tpu.memory_space<hbm>> -> memref<40x128xi32, #tpu.memory_space<hbm>>
        %dma_start3A_72 = arith.constant 0 : i32
        %dma_start3A_73 = arith.constant 0 : i32
        %dma_start3A_74 = tpu.memref_slice %arg8[%dma_start3A_72, %dma_start3A_73] : memref<40x128xi32, #tpu.memory_space<vmem>> -> memref<40x128xi32, #tpu.memory_space<vmem>>
        %dma_start3A_75 = arith.constant 120 : i32
        %dma_start3A_76 = arith.constant 0 : i32
        %dma_start3A_77 = tpu.memref_slice %arg4[%arg1, %dma_start3A_75, %dma_start3A_76] : memref<16x160x128xi32, #tpu.memory_space<hbm>> -> memref<1x40x128xi32, #tpu.memory_space<hbm>>
        %dma_start3A_78 = tpu.memref_squeeze %dma_start3A_77 : memref<1x40x128xi32, #tpu.memory_space<hbm>> -> memref<40x128xi32, #tpu.memory_space<hbm>>
        tpu.enqueue_dma source(%dma_start3A_78 : memref<40x128xi32, #tpu.memory_space<hbm>>) target(%dma_start3A_74 : memref<40x128xi32, #tpu.memory_space<vmem>>) target_semaphore(%run_scoped3A : memref<!tpu.dma_semaphore, #tpu.memory_space<semaphore_mem>>)
        %dma_wait3A = arith.constant 0 : i32
        %dma_wait3A_79 = arith.constant 0 : i32
        %dma_wait3A_80 = tpu.memref_slice %arg8[%dma_wait3A, %dma_wait3A_79] : memref<40x128xi32, #tpu.memory_space<vmem>> -> memref<40x128xi32, #tpu.memory_space<vmem>>
        %dma_wait3A_81 = arith.constant 120 : i32
        %dma_wait3A_82 = arith.constant 0 : i32
        %dma_wait3A_83 = tpu.memref_slice %arg4[%arg1, %dma_wait3A_81, %dma_wait3A_82] : memref<16x160x128xi32, #tpu.memory_space<hbm>> -> memref<1x40x128xi32, #tpu.memory_space<hbm>>
        %dma_wait3A_84 = tpu.memref_squeeze %dma_wait3A_83 : memref<1x40x128xi32, #tpu.memory_space<hbm>> -> memref<40x128xi32, #tpu.memory_space<hbm>>
        %dma_wait3A_85 = arith.constant 0 : i32
        %dma_wait3A_86 = arith.constant 0 : i32
        %dma_wait3A_87 = tpu.memref_slice %arg8[%dma_wait3A_85, %dma_wait3A_86] : memref<40x128xi32, #tpu.memory_space<vmem>> -> memref<40x128xi32, #tpu.memory_space<vmem>>
        %dma_wait3A_88 = arith.constant 120 : i32
        %dma_wait3A_89 = arith.constant 0 : i32
        %dma_wait3A_90 = tpu.memref_slice %arg4[%arg1, %dma_wait3A_88, %dma_wait3A_89] : memref<16x160x128xi32, #tpu.memory_space<hbm>> -> memref<1x40x128xi32, #tpu.memory_space<hbm>>
        %dma_wait3A_91 = tpu.memref_squeeze %dma_wait3A_90 : memref<1x40x128xi32, #tpu.memory_space<hbm>> -> memref<40x128xi32, #tpu.memory_space<hbm>>
        tpu.wait_dma2 semaphore(%run_scoped3A : memref<!tpu.dma_semaphore, #tpu.memory_space<semaphore_mem>>) src(%dma_wait3A_91 : memref<40x128xi32, #tpu.memory_space<hbm>>) dst(%dma_wait3A_87 : memref<40x128xi32, #tpu.memory_space<vmem>>)
        tpu.yield
      }) : () -> ()
      %dma_start3A_36 = arith.constant 0 : i32
      %dma_start3A_37 = arith.constant 0 : i32
      %dma_start3A_38 = arith.constant 0 : i32
      %dma_start3A_39 = arith.constant 0 : i32
      %dma_start3A_40 = tpu.memref_slice %arg9[%dma_start3A_37, %dma_start3A_38, %dma_start3A_39] : memref<2x128x128xf32, #tpu.memory_space<vmem>> -> memref<1x128x128xf32, #tpu.memory_space<vmem>>
      %dma_start3A_41 = tpu.memref_squeeze %dma_start3A_40 : memref<1x128x128xf32, #tpu.memory_space<vmem>> -> memref<128x128xf32, #tpu.memory_space<vmem>>
      %dma_start3A_42 = arith.constant 0 : i32
      %dma_start3A_43 = tpu.memref_slice %arg7[%dma_start3A_36, %dma_start3A_42] : memref<40x128xi32, #tpu.memory_space<vmem>> -> memref<1x128xi32, #tpu.memory_space<vmem>>
      %dma_start3A_44 = tpu.memref_squeeze %dma_start3A_43 : memref<1x128xi32, #tpu.memory_space<vmem>> -> memref<128xi32, #tpu.memory_space<vmem>>
      %dma_start3A_45 = arith.constant 0 : i32
      %dma_start3A_46 = arith.constant 0 : i32
      %dma_start3A_47 = tpu.memref_slice %arg2[%dma_start3A_45, %dma_start3A_46] : memref<10240x128xf32, #tpu.memory_space<hbm>> -> memref<10240x128xf32, #tpu.memory_space<hbm>>
      tpu.enqueue_indirect_dma source(%dma_start3A_47 : memref<10240x128xf32, #tpu.memory_space<hbm>>) target(%dma_start3A_41 : memref<128x128xf32, #tpu.memory_space<vmem>>) offsets(%dma_start3A_44 : memref<128xi32, #tpu.memory_space<vmem>>) semaphore(%arg11 : memref<!tpu.dma_semaphore, #tpu.memory_space<semaphore_mem>>)
      %dma_start3A_48 = arith.constant 1 : i32
      %dma_start3A_49 = arith.constant 1 : i32
      %dma_start3A_50 = arith.constant 0 : i32
      %dma_start3A_51 = arith.constant 0 : i32
      %dma_start3A_52 = tpu.memref_slice %arg9[%dma_start3A_49, %dma_start3A_50, %dma_start3A_51] : memref<2x128x128xf32, #tpu.memory_space<vmem>> -> memref<1x128x128xf32, #tpu.memory_space<vmem>>
      %dma_start3A_53 = tpu.memref_squeeze %dma_start3A_52 : memref<1x128x128xf32, #tpu.memory_space<vmem>> -> memref<128x128xf32, #tpu.memory_space<vmem>>
      %dma_start3A_54 = arith.constant 0 : i32
      %dma_start3A_55 = tpu.memref_slice %arg7[%dma_start3A_48, %dma_start3A_54] : memref<40x128xi32, #tpu.memory_space<vmem>> -> memref<1x128xi32, #tpu.memory_space<vmem>>
      %dma_start3A_56 = tpu.memref_squeeze %dma_start3A_55 : memref<1x128xi32, #tpu.memory_space<vmem>> -> memref<128xi32, #tpu.memory_space<vmem>>
      %dma_start3A_57 = arith.constant 0 : i32
      %dma_start3A_58 = arith.constant 0 : i32
      %dma_start3A_59 = tpu.memref_slice %arg2[%dma_start3A_57, %dma_start3A_58] : memref<10240x128xf32, #tpu.memory_space<hbm>> -> memref<10240x128xf32, #tpu.memory_space<hbm>>
      tpu.enqueue_indirect_dma source(%dma_start3A_59 : memref<10240x128xf32, #tpu.memory_space<hbm>>) target(%dma_start3A_53 : memref<128x128xf32, #tpu.memory_space<vmem>>) offsets(%dma_start3A_56 : memref<128xi32, #tpu.memory_space<vmem>>) semaphore(%arg12 : memref<!tpu.dma_semaphore, #tpu.memory_space<semaphore_mem>>)
      %scan3A_60 = arith.constant 0 : i32
      %scan3A_61 = arith.constant 20 : i32
      %scan3A_62 = arith.addi %scan3A_60, %scan3A_61 : i32
      %scan3A_63 = arith.constant 1 : i32
      scf.for %scan3A_65 = %scan3A_60 to %scan3A_62 step %scan3A_63  : i32 {
        %mul3A_66 = arith.constant 2 : i32
        %mul3A_67 = arith.muli %scan3A_65, %mul3A_66 : i32
        %add3A = arith.constant 0 : i32
        %add3A_68 = arith.addi %add3A, %mul3A_67 : i32
        %add3A_69 = arith.constant 0 : i32
        %add3A_70 = arith.addi %add3A_68, %add3A_69 : i32
        %lt3A = arith.constant 40 : i32
        %lt3A_71 = arith.cmpi slt, %add3A_70, %lt3A : i32
        %convert_element_type3A_72 = arith.extui %lt3A_71 : i1 to i32
        %cond3A_73 = arith.constant 0 : i32
        %cond3A_74 = arith.cmpi ne, %convert_element_type3A_72, %cond3A_73 : i32
        scf.if %cond3A_74 {
          %dma_wait3A = arith.constant 0 : i32
          %dma_wait3A_82 = arith.constant 0 : i32
          %dma_wait3A_83 = arith.constant 0 : i32
          %dma_wait3A_84 = tpu.memref_slice %arg9[%dma_wait3A, %dma_wait3A_82, %dma_wait3A_83] : memref<2x128x128xf32, #tpu.memory_space<vmem>> -> memref<1x128x128xf32, #tpu.memory_space<vmem>>
          %dma_wait3A_85 = tpu.memref_squeeze %dma_wait3A_84 : memref<1x128x128xf32, #tpu.memory_space<vmem>> -> memref<128x128xf32, #tpu.memory_space<vmem>>
          %dma_wait3A_86 = arith.constant 0 : i32
          %dma_wait3A_87 = tpu.memref_slice %arg7[%add3A_70, %dma_wait3A_86] : memref<40x128xi32, #tpu.memory_space<vmem>> -> memref<1x128xi32, #tpu.memory_space<vmem>>
          %dma_wait3A_88 = tpu.memref_squeeze %dma_wait3A_87 : memref<1x128xi32, #tpu.memory_space<vmem>> -> memref<128xi32, #tpu.memory_space<vmem>>
          %dma_wait3A_89 = arith.constant 0 : i32
          %dma_wait3A_90 = arith.constant 0 : i32
          %dma_wait3A_91 = tpu.memref_slice %arg2[%dma_wait3A_89, %dma_wait3A_90] : memref<10240x128xf32, #tpu.memory_space<hbm>> -> memref<10240x128xf32, #tpu.memory_space<hbm>>
          tpu.wait_indirect_dma semaphore(%arg11 : memref<!tpu.dma_semaphore, #tpu.memory_space<semaphore_mem>>) src(%dma_wait3A_91 : memref<10240x128xf32, #tpu.memory_space<hbm>>) dst(%dma_wait3A_85 : memref<128x128xf32, #tpu.memory_space<vmem>>)
          %run_scoped3A = arith.constant 0 : i32
          "tpu.region"() ({
            %run_scoped3A_99 = tpu.sem_alloc : memref<!tpu.dma_semaphore, #tpu.memory_space<semaphore_mem>>
            %dma_start3A_100 = arith.constant 0 : i32
            %dma_start3A_101 = arith.constant 0 : i32
            %dma_start3A_102 = tpu.memref_slice %arg9[%run_scoped3A, %dma_start3A_100, %dma_start3A_101] : memref<2x128x128xf32, #tpu.memory_space<vmem>> -> memref<1x128x128xf32, #tpu.memory_space<vmem>>
            %dma_start3A_103 = tpu.memref_squeeze %dma_start3A_102 : memref<1x128x128xf32, #tpu.memory_space<vmem>> -> memref<128x128xf32, #tpu.memory_space<vmem>>
            %dma_start3A_104 = arith.constant 0 : i32
            %dma_start3A_105 = tpu.memref_slice %arg8[%add3A_70, %dma_start3A_104] : memref<40x128xi32, #tpu.memory_space<vmem>> -> memref<1x128xi32, #tpu.memory_space<vmem>>
            %dma_start3A_106 = tpu.memref_squeeze %dma_start3A_105 : memref<1x128xi32, #tpu.memory_space<vmem>> -> memref<128xi32, #tpu.memory_space<vmem>>
            %dma_start3A_107 = arith.constant 0 : i32
            %dma_start3A_108 = arith.constant 0 : i32
            %dma_start3A_109 = tpu.memref_slice %arg10[%dma_start3A_107, %dma_start3A_108] : memref<10240x128xf32, #tpu.memory_space<vmem_shared>> -> memref<10240x128xf32, #tpu.memory_space<vmem_shared>>
            tpu.enqueue_indirect_dma source(%dma_start3A_103 : memref<128x128xf32, #tpu.memory_space<vmem>>) target(%dma_start3A_109 : memref<10240x128xf32, #tpu.memory_space<vmem_shared>>) offsets(%dma_start3A_106 : memref<128xi32, #tpu.memory_space<vmem>>) semaphore(%run_scoped3A_99 : memref<!tpu.dma_semaphore, #tpu.memory_space<semaphore_mem>>) {add = true}
            %dma_wait3A_110 = arith.constant 0 : i32
            %dma_wait3A_111 = arith.constant 0 : i32
            %dma_wait3A_112 = tpu.memref_slice %arg9[%run_scoped3A, %dma_wait3A_110, %dma_wait3A_111] : memref<2x128x128xf32, #tpu.memory_space<vmem>> -> memref<1x128x128xf32, #tpu.memory_space<vmem>>
            %dma_wait3A_113 = tpu.memref_squeeze %dma_wait3A_112 : memref<1x128x128xf32, #tpu.memory_space<vmem>> -> memref<128x128xf32, #tpu.memory_space<vmem>>
            %dma_wait3A_114 = arith.constant 0 : i32
            %dma_wait3A_115 = tpu.memref_slice %arg8[%add3A_70, %dma_wait3A_114] : memref<40x128xi32, #tpu.memory_space<vmem>> -> memref<1x128xi32, #tpu.memory_space<vmem>>
            %dma_wait3A_116 = tpu.memref_squeeze %dma_wait3A_115 : memref<1x128xi32, #tpu.memory_space<vmem>> -> memref<128xi32, #tpu.memory_space<vmem>>
            %dma_wait3A_117 = arith.constant 0 : i32
            %dma_wait3A_118 = arith.constant 0 : i32
            %dma_wait3A_119 = tpu.memref_slice %arg10[%dma_wait3A_117, %dma_wait3A_118] : memref<10240x128xf32, #tpu.memory_space<vmem_shared>> -> memref<10240x128xf32, #tpu.memory_space<vmem_shared>>
            tpu.wait_indirect_dma semaphore(%run_scoped3A_99 : memref<!tpu.dma_semaphore, #tpu.memory_space<semaphore_mem>>) src(%dma_wait3A_113 : memref<128x128xf32, #tpu.memory_space<vmem>>) dst(%dma_wait3A_119 : memref<10240x128xf32, #tpu.memory_space<vmem_shared>>)
            tpu.yield
          }) : () -> ()
          %add3A_92 = arith.constant 2 : i32
          %add3A_93 = arith.addi %add3A_70, %add3A_92 : i32
          %lt3A_94 = arith.constant 40 : i32
          %lt3A_95 = arith.cmpi slt, %add3A_93, %lt3A_94 : i32
          %convert_element_type3A_96 = arith.extui %lt3A_95 : i1 to i32
          %cond3A_97 = arith.constant 0 : i32
          %cond3A_98 = arith.cmpi ne, %convert_element_type3A_96, %cond3A_97 : i32
          scf.if %cond3A_98 {
            %add3A_99 = arith.constant 2 : i32
            %add3A_100 = arith.addi %add3A_70, %add3A_99 : i32
            %dma_start3A_101 = arith.constant 0 : i32
            %dma_start3A_102 = arith.constant 0 : i32
            %dma_start3A_103 = arith.constant 0 : i32
            %dma_start3A_104 = tpu.memref_slice %arg9[%dma_start3A_101, %dma_start3A_102, %dma_start3A_103] : memref<2x128x128xf32, #tpu.memory_space<vmem>> -> memref<1x128x128xf32, #tpu.memory_space<vmem>>
            %dma_start3A_105 = tpu.memref_squeeze %dma_start3A_104 : memref<1x128x128xf32, #tpu.memory_space<vmem>> -> memref<128x128xf32, #tpu.memory_space<vmem>>
            %dma_start3A_106 = arith.constant 0 : i32
            %dma_start3A_107 = tpu.memref_slice %arg7[%add3A_100, %dma_start3A_106] : memref<40x128xi32, #tpu.memory_space<vmem>> -> memref<1x128xi32, #tpu.memory_space<vmem>>
            %dma_start3A_108 = tpu.memref_squeeze %dma_start3A_107 : memref<1x128xi32, #tpu.memory_space<vmem>> -> memref<128xi32, #tpu.memory_space<vmem>>
            %dma_start3A_109 = arith.constant 0 : i32
            %dma_start3A_110 = arith.constant 0 : i32
            %dma_start3A_111 = tpu.memref_slice %arg2[%dma_start3A_109, %dma_start3A_110] : memref<10240x128xf32, #tpu.memory_space<hbm>> -> memref<10240x128xf32, #tpu.memory_space<hbm>>
            tpu.enqueue_indirect_dma source(%dma_start3A_111 : memref<10240x128xf32, #tpu.memory_space<hbm>>) target(%dma_start3A_105 : memref<128x128xf32, #tpu.memory_space<vmem>>) offsets(%dma_start3A_108 : memref<128xi32, #tpu.memory_space<vmem>>) semaphore(%arg11 : memref<!tpu.dma_semaphore, #tpu.memory_space<semaphore_mem>>)
          } else {
          }
        } else {
        }
        %add3A_75 = arith.constant 1 : i32
        %add3A_76 = arith.addi %add3A_68, %add3A_75 : i32
        %lt3A_77 = arith.constant 40 : i32
        %lt3A_78 = arith.cmpi slt, %add3A_76, %lt3A_77 : i32
        %convert_element_type3A_79 = arith.extui %lt3A_78 : i1 to i32
        %cond3A_80 = arith.constant 0 : i32
        %cond3A_81 = arith.cmpi ne, %convert_element_type3A_79, %cond3A_80 : i32
        scf.if %cond3A_81 {
          %dma_wait3A = arith.constant 1 : i32
          %dma_wait3A_82 = arith.constant 0 : i32
          %dma_wait3A_83 = arith.constant 0 : i32
          %dma_wait3A_84 = tpu.memref_slice %arg9[%dma_wait3A, %dma_wait3A_82, %dma_wait3A_83] : memref<2x128x128xf32, #tpu.memory_space<vmem>> -> memref<1x128x128xf32, #tpu.memory_space<vmem>>
          %dma_wait3A_85 = tpu.memref_squeeze %dma_wait3A_84 : memref<1x128x128xf32, #tpu.memory_space<vmem>> -> memref<128x128xf32, #tpu.memory_space<vmem>>
          %dma_wait3A_86 = arith.constant 0 : i32
          %dma_wait3A_87 = tpu.memref_slice %arg7[%add3A_76, %dma_wait3A_86] : memref<40x128xi32, #tpu.memory_space<vmem>> -> memref<1x128xi32, #tpu.memory_space<vmem>>
          %dma_wait3A_88 = tpu.memref_squeeze %dma_wait3A_87 : memref<1x128xi32, #tpu.memory_space<vmem>> -> memref<128xi32, #tpu.memory_space<vmem>>
          %dma_wait3A_89 = arith.constant 0 : i32
          %dma_wait3A_90 = arith.constant 0 : i32
          %dma_wait3A_91 = tpu.memref_slice %arg2[%dma_wait3A_89, %dma_wait3A_90] : memref<10240x128xf32, #tpu.memory_space<hbm>> -> memref<10240x128xf32, #tpu.memory_space<hbm>>
          tpu.wait_indirect_dma semaphore(%arg12 : memref<!tpu.dma_semaphore, #tpu.memory_space<semaphore_mem>>) src(%dma_wait3A_91 : memref<10240x128xf32, #tpu.memory_space<hbm>>) dst(%dma_wait3A_85 : memref<128x128xf32, #tpu.memory_space<vmem>>)
          %run_scoped3A = arith.constant 1 : i32
          "tpu.region"() ({
            %run_scoped3A_99 = tpu.sem_alloc : memref<!tpu.dma_semaphore, #tpu.memory_space<semaphore_mem>>
            %dma_start3A_100 = arith.constant 0 : i32
            %dma_start3A_101 = arith.constant 0 : i32
            %dma_start3A_102 = tpu.memref_slice %arg9[%run_scoped3A, %dma_start3A_100, %dma_start3A_101] : memref<2x128x128xf32, #tpu.memory_space<vmem>> -> memref<1x128x128xf32, #tpu.memory_space<vmem>>
            %dma_start3A_103 = tpu.memref_squeeze %dma_start3A_102 : memref<1x128x128xf32, #tpu.memory_space<vmem>> -> memref<128x128xf32, #tpu.memory_space<vmem>>
            %dma_start3A_104 = arith.constant 0 : i32
            %dma_start3A_105 = tpu.memref_slice %arg8[%add3A_76, %dma_start3A_104] : memref<40x128xi32, #tpu.memory_space<vmem>> -> memref<1x128xi32, #tpu.memory_space<vmem>>
            %dma_start3A_106 = tpu.memref_squeeze %dma_start3A_105 : memref<1x128xi32, #tpu.memory_space<vmem>> -> memref<128xi32, #tpu.memory_space<vmem>>
            %dma_start3A_107 = arith.constant 0 : i32
            %dma_start3A_108 = arith.constant 0 : i32
            %dma_start3A_109 = tpu.memref_slice %arg10[%dma_start3A_107, %dma_start3A_108] : memref<10240x128xf32, #tpu.memory_space<vmem_shared>> -> memref<10240x128xf32, #tpu.memory_space<vmem_shared>>
            tpu.enqueue_indirect_dma source(%dma_start3A_103 : memref<128x128xf32, #tpu.memory_space<vmem>>) target(%dma_start3A_109 : memref<10240x128xf32, #tpu.memory_space<vmem_shared>>) offsets(%dma_start3A_106 : memref<128xi32, #tpu.memory_space<vmem>>) semaphore(%run_scoped3A_99 : memref<!tpu.dma_semaphore, #tpu.memory_space<semaphore_mem>>) {add = true}
            %dma_wait3A_110 = arith.constant 0 : i32
            %dma_wait3A_111 = arith.constant 0 : i32
            %dma_wait3A_112 = tpu.memref_slice %arg9[%run_scoped3A, %dma_wait3A_110, %dma_wait3A_111] : memref<2x128x128xf32, #tpu.memory_space<vmem>> -> memref<1x128x128xf32, #tpu.memory_space<vmem>>
            %dma_wait3A_113 = tpu.memref_squeeze %dma_wait3A_112 : memref<1x128x128xf32, #tpu.memory_space<vmem>> -> memref<128x128xf32, #tpu.memory_space<vmem>>
            %dma_wait3A_114 = arith.constant 0 : i32
            %dma_wait3A_115 = tpu.memref_slice %arg8[%add3A_76, %dma_wait3A_114] : memref<40x128xi32, #tpu.memory_space<vmem>> -> memref<1x128xi32, #tpu.memory_space<vmem>>
            %dma_wait3A_116 = tpu.memref_squeeze %dma_wait3A_115 : memref<1x128xi32, #tpu.memory_space<vmem>> -> memref<128xi32, #tpu.memory_space<vmem>>
            %dma_wait3A_117 = arith.constant 0 : i32
            %dma_wait3A_118 = arith.constant 0 : i32
            %dma_wait3A_119 = tpu.memref_slice %arg10[%dma_wait3A_117, %dma_wait3A_118] : memref<10240x128xf32, #tpu.memory_space<vmem_shared>> -> memref<10240x128xf32, #tpu.memory_space<vmem_shared>>
            tpu.wait_indirect_dma semaphore(%run_scoped3A_99 : memref<!tpu.dma_semaphore, #tpu.memory_space<semaphore_mem>>) src(%dma_wait3A_113 : memref<128x128xf32, #tpu.memory_space<vmem>>) dst(%dma_wait3A_119 : memref<10240x128xf32, #tpu.memory_space<vmem_shared>>)
            tpu.yield
          }) : () -> ()
          %add3A_92 = arith.constant 2 : i32
          %add3A_93 = arith.addi %add3A_76, %add3A_92 : i32
          %lt3A_94 = arith.constant 40 : i32
          %lt3A_95 = arith.cmpi slt, %add3A_93, %lt3A_94 : i32
          %convert_element_type3A_96 = arith.extui %lt3A_95 : i1 to i32
          %cond3A_97 = arith.constant 0 : i32
          %cond3A_98 = arith.cmpi ne, %convert_element_type3A_96, %cond3A_97 : i32
          scf.if %cond3A_98 {
            %add3A_99 = arith.constant 2 : i32
            %add3A_100 = arith.addi %add3A_76, %add3A_99 : i32
            %dma_start3A_101 = arith.constant 1 : i32
            %dma_start3A_102 = arith.constant 0 : i32
            %dma_start3A_103 = arith.constant 0 : i32
            %dma_start3A_104 = tpu.memref_slice %arg9[%dma_start3A_101, %dma_start3A_102, %dma_start3A_103] : memref<2x128x128xf32, #tpu.memory_space<vmem>> -> memref<1x128x128xf32, #tpu.memory_space<vmem>>
            %dma_start3A_105 = tpu.memref_squeeze %dma_start3A_104 : memref<1x128x128xf32, #tpu.memory_space<vmem>> -> memref<128x128xf32, #tpu.memory_space<vmem>>
            %dma_start3A_106 = arith.constant 0 : i32
            %dma_start3A_107 = tpu.memref_slice %arg7[%add3A_100, %dma_start3A_106] : memref<40x128xi32, #tpu.memory_space<vmem>> -> memref<1x128xi32, #tpu.memory_space<vmem>>
            %dma_start3A_108 = tpu.memref_squeeze %dma_start3A_107 : memref<1x128xi32, #tpu.memory_space<vmem>> -> memref<128xi32, #tpu.memory_space<vmem>>
            %dma_start3A_109 = arith.constant 0 : i32
            %dma_start3A_110 = arith.constant 0 : i32
            %dma_start3A_111 = tpu.memref_slice %arg2[%dma_start3A_109, %dma_start3A_110] : memref<10240x128xf32, #tpu.memory_space<hbm>> -> memref<10240x128xf32, #tpu.memory_space<hbm>>
            tpu.enqueue_indirect_dma source(%dma_start3A_111 : memref<10240x128xf32, #tpu.memory_space<hbm>>) target(%dma_start3A_105 : memref<128x128xf32, #tpu.memory_space<vmem>>) offsets(%dma_start3A_108 : memref<128xi32, #tpu.memory_space<vmem>>) semaphore(%arg12 : memref<!tpu.dma_semaphore, #tpu.memory_space<semaphore_mem>>)
          } else {
          }
        } else {
        }
      }
      %scan3A_64 = arith.constant 20 : i32
    } else {
    }
    %barrier3A_8 = arith.constant 0 : index
    tpu.barrier barrier_id(%barrier3A_8)
    "tpu.region"() ({
      %run_scoped3A = tpu.sem_alloc : memref<!tpu.dma_semaphore, #tpu.memory_space<semaphore_mem>>
      %dma_start3A = arith.constant 0 : i32
      %dma_start3A_9 = tpu.memref_slice %arg6[%arg0, %mul3A_0, %dma_start3A] : memref<2x10240x128xf32, #tpu.memory_space<hbm>> -> memref<1x640x128xf32, #tpu.memory_space<hbm>>
      %dma_start3A_10 = tpu.memref_squeeze %dma_start3A_9 : memref<1x640x128xf32, #tpu.memory_space<hbm>> -> memref<640x128xf32, #tpu.memory_space<hbm>>
      %dma_start3A_11 = arith.constant 0 : i32
      %dma_start3A_12 = tpu.memref_slice %arg10[%mul3A_0, %dma_start3A_11] : memref<10240x128xf32, #tpu.memory_space<vmem_shared>> -> memref<640x128xf32, #tpu.memory_space<vmem_shared>>
      tpu.enqueue_dma source(%dma_start3A_12 : memref<640x128xf32, #tpu.memory_space<vmem_shared>>) target(%dma_start3A_10 : memref<640x128xf32, #tpu.memory_space<hbm>>) target_semaphore(%run_scoped3A : memref<!tpu.dma_semaphore, #tpu.memory_space<semaphore_mem>>)
      %dma_wait3A = arith.constant 0 : i32
      %dma_wait3A_13 = tpu.memref_slice %arg6[%arg0, %mul3A_0, %dma_wait3A] : memref<2x10240x128xf32, #tpu.memory_space<hbm>> -> memref<1x640x128xf32, #tpu.memory_space<hbm>>
      %dma_wait3A_14 = tpu.memref_squeeze %dma_wait3A_13 : memref<1x640x128xf32, #tpu.memory_space<hbm>> -> memref<640x128xf32, #tpu.memory_space<hbm>>
      %dma_wait3A_15 = arith.constant 0 : i32
      %dma_wait3A_16 = tpu.memref_slice %arg10[%mul3A_0, %dma_wait3A_15] : memref<10240x128xf32, #tpu.memory_space<vmem_shared>> -> memref<640x128xf32, #tpu.memory_space<vmem_shared>>
      tpu.wait_dma2 semaphore(%run_scoped3A : memref<!tpu.dma_semaphore, #tpu.memory_space<semaphore_mem>>) src(%dma_wait3A_16 : memref<640x128xf32, #tpu.memory_space<vmem_shared>>) dst(%dma_wait3A_14 : memref<640x128xf32, #tpu.memory_space<hbm>>)
      tpu.yield
    }) : () -> ()
    return
  }
}

#map = affine_map<(d0, d1) -> (0, 0, 0)>
#map1 = affine_map<(d0, d1) -> (0, 0)>
module attributes {stable_mosaic.version = 14 : i64} {
  func.func @_sc_count(%arg0: i32, %arg1: i32, %arg2: memref<16x160x128xi32, #tpu.memory_space<hbm>>, %arg3: memref<10240x128xf32, #tpu.memory_space<hbm>>, %arg4: memref<2x80x128xf32, #tpu.memory_space<hbm>>, %arg5: memref<40x128xi32, #tpu.memory_space<vmem>>, %arg6: memref<80x128xf32, #tpu.memory_space<vmem>>, %arg7: memref<80xi32, #tpu.memory_space<vmem>>, %arg8: memref<80x128xf32, #tpu.memory_space<vmem_shared>>) attributes {dimension_semantics = [#tpu.dimension_semantics<core_parallel>, #tpu.dimension_semantics<subcore_parallel>], iteration_bounds = array<i64: 2, 16>, scalar_prefetch = 0 : i64, scratch_operands = 4 : i64, tpu.core_type = #tpu.core_type<sc_vector_subcore>, window_params = [{transform_indices = #map}, {transform_indices = #map1}, {transform_indices = #map}]} {
    "tpu.region"() ({
      %run_scoped3A = tpu.sem_alloc : memref<!tpu.dma_semaphore, #tpu.memory_space<semaphore_mem>>
      %dma_start3A = arith.constant 0 : i32
      %dma_start3A_46 = arith.constant 0 : i32
      %dma_start3A_47 = tpu.memref_slice %arg3[%dma_start3A, %dma_start3A_46] : memref<10240x128xf32, #tpu.memory_space<hbm>> -> memref<80x128xf32, #tpu.memory_space<hbm>>
      %dma_start3A_48 = arith.constant 0 : i32
      %dma_start3A_49 = arith.constant 0 : i32
      %dma_start3A_50 = tpu.memref_slice %arg3[%dma_start3A_48, %dma_start3A_49] : memref<10240x128xf32, #tpu.memory_space<hbm>> -> memref<80x128xf32, #tpu.memory_space<hbm>>
      tpu.enqueue_dma source(%dma_start3A_50 : memref<80x128xf32, #tpu.memory_space<hbm>>) target(%arg6 : memref<80x128xf32, #tpu.memory_space<vmem>>) target_semaphore(%run_scoped3A : memref<!tpu.dma_semaphore, #tpu.memory_space<semaphore_mem>>)
      %dma_wait3A = arith.constant 0 : i32
      %dma_wait3A_51 = arith.constant 0 : i32
      %dma_wait3A_52 = tpu.memref_slice %arg3[%dma_wait3A, %dma_wait3A_51] : memref<10240x128xf32, #tpu.memory_space<hbm>> -> memref<80x128xf32, #tpu.memory_space<hbm>>
      %dma_wait3A_53 = arith.constant 0 : i32
      %dma_wait3A_54 = arith.constant 0 : i32
      %dma_wait3A_55 = tpu.memref_slice %arg3[%dma_wait3A_53, %dma_wait3A_54] : memref<10240x128xf32, #tpu.memory_space<hbm>> -> memref<80x128xf32, #tpu.memory_space<hbm>>
      tpu.wait_dma2 semaphore(%run_scoped3A : memref<!tpu.dma_semaphore, #tpu.memory_space<semaphore_mem>>) src(%dma_wait3A_55 : memref<80x128xf32, #tpu.memory_space<hbm>>) dst(%arg6 : memref<80x128xf32, #tpu.memory_space<vmem>>)
      tpu.yield
    }) : () -> ()
    %eq3A = arith.constant 0 : i32
    %eq3A_0 = arith.cmpi eq, %arg1, %eq3A : i32
    %convert_element_type3A = arith.extui %eq3A_0 : i1 to i32
    %cond3A = arith.constant 0 : i32
    %cond3A_1 = arith.cmpi ne, %convert_element_type3A, %cond3A : i32
    scf.if %cond3A_1 {
      "tpu.region"() ({
        %run_scoped3A = tpu.sem_alloc : memref<!tpu.dma_semaphore, #tpu.memory_space<semaphore_mem>>
        %dma_start3A = arith.constant 0 : i32
        %dma_start3A_46 = arith.constant 0 : i32
        %dma_start3A_47 = tpu.memref_slice %arg3[%dma_start3A, %dma_start3A_46] : memref<10240x128xf32, #tpu.memory_space<hbm>> -> memref<80x128xf32, #tpu.memory_space<hbm>>
        tpu.enqueue_dma source(%dma_start3A_47 : memref<80x128xf32, #tpu.memory_space<hbm>>) target(%arg8 : memref<80x128xf32, #tpu.memory_space<vmem_shared>>) target_semaphore(%run_scoped3A : memref<!tpu.dma_semaphore, #tpu.memory_space<semaphore_mem>>)
        %dma_wait3A = arith.constant 0 : i32
        %dma_wait3A_48 = arith.constant 0 : i32
        %dma_wait3A_49 = tpu.memref_slice %arg3[%dma_wait3A, %dma_wait3A_48] : memref<10240x128xf32, #tpu.memory_space<hbm>> -> memref<80x128xf32, #tpu.memory_space<hbm>>
        tpu.wait_dma2 semaphore(%run_scoped3A : memref<!tpu.dma_semaphore, #tpu.memory_space<semaphore_mem>>) src(%dma_wait3A_49 : memref<80x128xf32, #tpu.memory_space<hbm>>) dst(%arg8 : memref<80x128xf32, #tpu.memory_space<vmem_shared>>)
        tpu.yield
      }) : () -> ()
    } else {
    }
    %iota3A = tpu.iota {dimensions = array<i32: 0>} : vector<16xi32>
    %add3A = arith.constant 0 : i32
    %add3A_2 = vector.broadcast %add3A : i32 to vector<16xi32>
    %add3A_3 = arith.addi %iota3A, %add3A_2 : vector<16xi32>
    %swap3A = arith.constant 0 : index
    %swap3A_4 = tpu.vector_load %arg7[%swap3A] {strides = array<i32>} : memref<80xi32, #tpu.memory_space<vmem>>, vector<16xi32>,
    tpu.vector_store %arg7[%swap3A], %add3A_3 {strides = array<i32>} : memref<80xi32, #tpu.memory_space<vmem>>, vector<16xi32>,
    %iota3A_5 = tpu.iota {dimensions = array<i32: 0>} : vector<16xi32>
    %add3A_6 = arith.constant 16 : i32
    %add3A_7 = vector.broadcast %add3A_6 : i32 to vector<16xi32>
    %add3A_8 = arith.addi %iota3A_5, %add3A_7 : vector<16xi32>
    %swap3A_9 = arith.constant 16 : index
    %swap3A_10 = tpu.vector_load %arg7[%swap3A_9] {strides = array<i32>} : memref<80xi32, #tpu.memory_space<vmem>>, vector<16xi32>,
    tpu.vector_store %arg7[%swap3A_9], %add3A_8 {strides = array<i32>} : memref<80xi32, #tpu.memory_space<vmem>>, vector<16xi32>,
    %iota3A_11 = tpu.iota {dimensions = array<i32: 0>} : vector<16xi32>
    %add3A_12 = arith.constant 32 : i32
    %add3A_13 = vector.broadcast %add3A_12 : i32 to vector<16xi32>
    %add3A_14 = arith.addi %iota3A_11, %add3A_13 : vector<16xi32>
    %swap3A_15 = arith.constant 32 : index
    %swap3A_16 = tpu.vector_load %arg7[%swap3A_15] {strides = array<i32>} : memref<80xi32, #tpu.memory_space<vmem>>, vector<16xi32>,
    tpu.vector_store %arg7[%swap3A_15], %add3A_14 {strides = array<i32>} : memref<80xi32, #tpu.memory_space<vmem>>, vector<16xi32>,
    %iota3A_17 = tpu.iota {dimensions = array<i32: 0>} : vector<16xi32>
    %add3A_18 = arith.constant 48 : i32
    %add3A_19 = vector.broadcast %add3A_18 : i32 to vector<16xi32>
    %add3A_20 = arith.addi %iota3A_17, %add3A_19 : vector<16xi32>
    %swap3A_21 = arith.constant 48 : index
    %swap3A_22 = tpu.vector_load %arg7[%swap3A_21] {strides = array<i32>} : memref<80xi32, #tpu.memory_space<vmem>>, vector<16xi32>,
    tpu.vector_store %arg7[%swap3A_21], %add3A_20 {strides = array<i32>} : memref<80xi32, #tpu.memory_space<vmem>>, vector<16xi32>,
    %iota3A_23 = tpu.iota {dimensions = array<i32: 0>} : vector<16xi32>
    %add3A_24 = arith.constant 64 : i32
    %add3A_25 = vector.broadcast %add3A_24 : i32 to vector<16xi32>
    %add3A_26 = arith.addi %iota3A_23, %add3A_25 : vector<16xi32>
    %swap3A_27 = arith.constant 64 : index
    %swap3A_28 = tpu.vector_load %arg7[%swap3A_27] {strides = array<i32>} : memref<80xi32, #tpu.memory_space<vmem>>, vector<16xi32>,
    tpu.vector_store %arg7[%swap3A_27], %add3A_26 {strides = array<i32>} : memref<80xi32, #tpu.memory_space<vmem>>, vector<16xi32>,
    %broadcast_in_dim3A = arith.constant 1.000000e+00 : f32
    %broadcast_in_dim3A_29 = vector.broadcast %broadcast_in_dim3A : f32 to vector<16xf32>
    %barrier3A = arith.constant 0 : index
    tpu.barrier barrier_id(%barrier3A)
    %eq3A_30 = arith.constant 0 : i32
    %eq3A_31 = arith.cmpi eq, %arg0, %eq3A_30 : i32
    %convert_element_type3A_32 = arith.extui %eq3A_31 : i1 to i32
    %cond3A_33 = arith.constant 0 : i32
    %cond3A_34 = arith.cmpi ne, %convert_element_type3A_32, %cond3A_33 : i32
    scf.if %cond3A_34 {
      "tpu.region"() ({
        %run_scoped3A = tpu.sem_alloc : memref<!tpu.dma_semaphore, #tpu.memory_space<semaphore_mem>>
        %dma_start3A = arith.constant 0 : i32
        %dma_start3A_55 = arith.constant 0 : i32
        %dma_start3A_56 = tpu.memref_slice %arg5[%dma_start3A, %dma_start3A_55] : memref<40x128xi32, #tpu.memory_space<vmem>> -> memref<40x128xi32, #tpu.memory_space<vmem>>
        %dma_start3A_57 = arith.constant 0 : i32
        %dma_start3A_58 = arith.constant 0 : i32
        %dma_start3A_59 = tpu.memref_slice %arg2[%arg1, %dma_start3A_57, %dma_start3A_58] : memref<16x160x128xi32, #tpu.memory_space<hbm>> -> memref<1x40x128xi32, #tpu.memory_space<hbm>>
        %dma_start3A_60 = tpu.memref_squeeze %dma_start3A_59 : memref<1x40x128xi32, #tpu.memory_space<hbm>> -> memref<40x128xi32, #tpu.memory_space<hbm>>
        %dma_start3A_61 = arith.constant 0 : i32
        %dma_start3A_62 = arith.constant 0 : i32
        %dma_start3A_63 = tpu.memref_slice %arg5[%dma_start3A_61, %dma_start3A_62] : memref<40x128xi32, #tpu.memory_space<vmem>> -> memref<40x128xi32, #tpu.memory_space<vmem>>
        %dma_start3A_64 = arith.constant 0 : i32
        %dma_start3A_65 = arith.constant 0 : i32
        %dma_start3A_66 = tpu.memref_slice %arg2[%arg1, %dma_start3A_64, %dma_start3A_65] : memref<16x160x128xi32, #tpu.memory_space<hbm>> -> memref<1x40x128xi32, #tpu.memory_space<hbm>>
        %dma_start3A_67 = tpu.memref_squeeze %dma_start3A_66 : memref<1x40x128xi32, #tpu.memory_space<hbm>> -> memref<40x128xi32, #tpu.memory_space<hbm>>
        tpu.enqueue_dma source(%dma_start3A_67 : memref<40x128xi32, #tpu.memory_space<hbm>>) target(%dma_start3A_63 : memref<40x128xi32, #tpu.memory_space<vmem>>) target_semaphore(%run_scoped3A : memref<!tpu.dma_semaphore, #tpu.memory_space<semaphore_mem>>)
        %dma_wait3A = arith.constant 0 : i32
        %dma_wait3A_68 = arith.constant 0 : i32
        %dma_wait3A_69 = tpu.memref_slice %arg5[%dma_wait3A, %dma_wait3A_68] : memref<40x128xi32, #tpu.memory_space<vmem>> -> memref<40x128xi32, #tpu.memory_space<vmem>>
        %dma_wait3A_70 = arith.constant 0 : i32
        %dma_wait3A_71 = arith.constant 0 : i32
        %dma_wait3A_72 = tpu.memref_slice %arg2[%arg1, %dma_wait3A_70, %dma_wait3A_71] : memref<16x160x128xi32, #tpu.memory_space<hbm>> -> memref<1x40x128xi32, #tpu.memory_space<hbm>>
        %dma_wait3A_73 = tpu.memref_squeeze %dma_wait3A_72 : memref<1x40x128xi32, #tpu.memory_space<hbm>> -> memref<40x128xi32, #tpu.memory_space<hbm>>
        %dma_wait3A_74 = arith.constant 0 : i32
        %dma_wait3A_75 = arith.constant 0 : i32
        %dma_wait3A_76 = tpu.memref_slice %arg5[%dma_wait3A_74, %dma_wait3A_75] : memref<40x128xi32, #tpu.memory_space<vmem>> -> memref<40x128xi32, #tpu.memory_space<vmem>>
        %dma_wait3A_77 = arith.constant 0 : i32
        %dma_wait3A_78 = arith.constant 0 : i32
        %dma_wait3A_79 = tpu.memref_slice %arg2[%arg1, %dma_wait3A_77, %dma_wait3A_78] : memref<16x160x128xi32, #tpu.memory_space<hbm>> -> memref<1x40x128xi32, #tpu.memory_space<hbm>>
        %dma_wait3A_80 = tpu.memref_squeeze %dma_wait3A_79 : memref<1x40x128xi32, #tpu.memory_space<hbm>> -> memref<40x128xi32, #tpu.memory_space<hbm>>
        tpu.wait_dma2 semaphore(%run_scoped3A : memref<!tpu.dma_semaphore, #tpu.memory_space<semaphore_mem>>) src(%dma_wait3A_80 : memref<40x128xi32, #tpu.memory_space<hbm>>) dst(%dma_wait3A_76 : memref<40x128xi32, #tpu.memory_space<vmem>>)
        tpu.yield
      }) : () -> ()
      %scan3A = arith.constant 0 : i32
      %scan3A_46 = arith.constant 40 : i32
      %scan3A_47 = arith.addi %scan3A, %scan3A_46 : i32
      %scan3A_48 = arith.constant 1 : i32
      scf.for %scan3A_55 = %scan3A to %scan3A_47 step %scan3A_48  : i32 {
        %mul3A = arith.constant 1 : i32
        %mul3A_56 = arith.muli %scan3A_55, %mul3A : i32
        %add3A_57 = arith.constant 0 : i32
        %add3A_58 = arith.addi %add3A_57, %mul3A_56 : i32
        %get3A = arith.index_cast %add3A_58 : i32 to index
        %get3A_59 = arith.constant 0 : index
        %get3A_60 = tpu.vector_load %arg5[%get3A, %get3A_59] {strides = array<i32>} : memref<40x128xi32, #tpu.memory_space<vmem>>, vector<16xi32>,
        %shift_right_logical3A = arith.constant 7 : i32
        %shift_right_logical3A_61 = vector.broadcast %shift_right_logical3A : i32 to vector<16xi32>
        %shift_right_logical3A_62 = arith.shrui %get3A_60, %shift_right_logical3A_61 : vector<16xi32>
        %and3A = arith.constant 127 : i32
        %and3A_63 = vector.broadcast %and3A : i32 to vector<16xi32>
        %and3A_64 = arith.andi %get3A_60, %and3A_63 : vector<16xi32>
        tpu.vector_store_idx %arg6[%shift_right_logical3A_62, %and3A_64], %broadcast_in_dim3A_29 {add = true} : memref<80x128xf32, #tpu.memory_space<vmem>>[vector<16xi32>, vector<16xi32>], vector<16xf32>,
        %get3A_65 = arith.index_cast %add3A_58 : i32 to index
        %get3A_66 = arith.constant 16 : index
        %get3A_67 = tpu.vector_load %arg5[%get3A_65, %get3A_66] {strides = array<i32>} : memref<40x128xi32, #tpu.memory_space<vmem>>, vector<16xi32>,
        %shift_right_logical3A_68 = arith.constant 7 : i32
        %shift_right_logical3A_69 = vector.broadcast %shift_right_logical3A_68 : i32 to vector<16xi32>
        %shift_right_logical3A_70 = arith.shrui %get3A_67, %shift_right_logical3A_69 : vector<16xi32>
        %and3A_71 = arith.constant 127 : i32
        %and3A_72 = vector.broadcast %and3A_71 : i32 to vector<16xi32>
        %and3A_73 = arith.andi %get3A_67, %and3A_72 : vector<16xi32>
        tpu.vector_store_idx %arg6[%shift_right_logical3A_70, %and3A_73], %broadcast_in_dim3A_29 {add = true} : memref<80x128xf32, #tpu.memory_space<vmem>>[vector<16xi32>, vector<16xi32>], vector<16xf32>,
        %get3A_74 = arith.index_cast %add3A_58 : i32 to index
        %get3A_75 = arith.constant 32 : index
        %get3A_76 = tpu.vector_load %arg5[%get3A_74, %get3A_75] {strides = array<i32>} : memref<40x128xi32, #tpu.memory_space<vmem>>, vector<16xi32>,
        %shift_right_logical3A_77 = arith.constant 7 : i32
        %shift_right_logical3A_78 = vector.broadcast %shift_right_logical3A_77 : i32 to vector<16xi32>
        %shift_right_logical3A_79 = arith.shrui %get3A_76, %shift_right_logical3A_78 : vector<16xi32>
        %and3A_80 = arith.constant 127 : i32
        %and3A_81 = vector.broadcast %and3A_80 : i32 to vector<16xi32>
        %and3A_82 = arith.andi %get3A_76, %and3A_81 : vector<16xi32>
        tpu.vector_store_idx %arg6[%shift_right_logical3A_79, %and3A_82], %broadcast_in_dim3A_29 {add = true} : memref<80x128xf32, #tpu.memory_space<vmem>>[vector<16xi32>, vector<16xi32>], vector<16xf32>,
        %get3A_83 = arith.index_cast %add3A_58 : i32 to index
        %get3A_84 = arith.constant 48 : index
        %get3A_85 = tpu.vector_load %arg5[%get3A_83, %get3A_84] {strides = array<i32>} : memref<40x128xi32, #tpu.memory_space<vmem>>, vector<16xi32>,
        %shift_right_logical3A_86 = arith.constant 7 : i32
        %shift_right_logical3A_87 = vector.broadcast %shift_right_logical3A_86 : i32 to vector<16xi32>
        %shift_right_logical3A_88 = arith.shrui %get3A_85, %shift_right_logical3A_87 : vector<16xi32>
        %and3A_89 = arith.constant 127 : i32
        %and3A_90 = vector.broadcast %and3A_89 : i32 to vector<16xi32>
        %and3A_91 = arith.andi %get3A_85, %and3A_90 : vector<16xi32>
        tpu.vector_store_idx %arg6[%shift_right_logical3A_88, %and3A_91], %broadcast_in_dim3A_29 {add = true} : memref<80x128xf32, #tpu.memory_space<vmem>>[vector<16xi32>, vector<16xi32>], vector<16xf32>,
        %get3A_92 = arith.index_cast %add3A_58 : i32 to index
        %get3A_93 = arith.constant 64 : index
        %get3A_94 = tpu.vector_load %arg5[%get3A_92, %get3A_93] {strides = array<i32>} : memref<40x128xi32, #tpu.memory_space<vmem>>, vector<16xi32>,
        %shift_right_logical3A_95 = arith.constant 7 : i32
        %shift_right_logical3A_96 = vector.broadcast %shift_right_logical3A_95 : i32 to vector<16xi32>
        %shift_right_logical3A_97 = arith.shrui %get3A_94, %shift_right_logical3A_96 : vector<16xi32>
        %and3A_98 = arith.constant 127 : i32
        %and3A_99 = vector.broadcast %and3A_98 : i32 to vector<16xi32>
        %and3A_100 = arith.andi %get3A_94, %and3A_99 : vector<16xi32>
        tpu.vector_store_idx %arg6[%shift_right_logical3A_97, %and3A_100], %broadcast_in_dim3A_29 {add = true} : memref<80x128xf32, #tpu.memory_space<vmem>>[vector<16xi32>, vector<16xi32>], vector<16xf32>,
        %get3A_101 = arith.index_cast %add3A_58 : i32 to index
        %get3A_102 = arith.constant 80 : index
        %get3A_103 = tpu.vector_load %arg5[%get3A_101, %get3A_102] {strides = array<i32>} : memref<40x128xi32, #tpu.memory_space<vmem>>, vector<16xi32>,
        %shift_right_logical3A_104 = arith.constant 7 : i32
        %shift_right_logical3A_105 = vector.broadcast %shift_right_logical3A_104 : i32 to vector<16xi32>
        %shift_right_logical3A_106 = arith.shrui %get3A_103, %shift_right_logical3A_105 : vector<16xi32>
        %and3A_107 = arith.constant 127 : i32
        %and3A_108 = vector.broadcast %and3A_107 : i32 to vector<16xi32>
        %and3A_109 = arith.andi %get3A_103, %and3A_108 : vector<16xi32>
        tpu.vector_store_idx %arg6[%shift_right_logical3A_106, %and3A_109], %broadcast_in_dim3A_29 {add = true} : memref<80x128xf32, #tpu.memory_space<vmem>>[vector<16xi32>, vector<16xi32>], vector<16xf32>,
        %get3A_110 = arith.index_cast %add3A_58 : i32 to index
        %get3A_111 = arith.constant 96 : index
        %get3A_112 = tpu.vector_load %arg5[%get3A_110, %get3A_111] {strides = array<i32>} : memref<40x128xi32, #tpu.memory_space<vmem>>, vector<16xi32>,
        %shift_right_logical3A_113 = arith.constant 7 : i32
        %shift_right_logical3A_114 = vector.broadcast %shift_right_logical3A_113 : i32 to vector<16xi32>
        %shift_right_logical3A_115 = arith.shrui %get3A_112, %shift_right_logical3A_114 : vector<16xi32>
        %and3A_116 = arith.constant 127 : i32
        %and3A_117 = vector.broadcast %and3A_116 : i32 to vector<16xi32>
        %and3A_118 = arith.andi %get3A_112, %and3A_117 : vector<16xi32>
        tpu.vector_store_idx %arg6[%shift_right_logical3A_115, %and3A_118], %broadcast_in_dim3A_29 {add = true} : memref<80x128xf32, #tpu.memory_space<vmem>>[vector<16xi32>, vector<16xi32>], vector<16xf32>,
        %get3A_119 = arith.index_cast %add3A_58 : i32 to index
        %get3A_120 = arith.constant 112 : index
        %get3A_121 = tpu.vector_load %arg5[%get3A_119, %get3A_120] {strides = array<i32>} : memref<40x128xi32, #tpu.memory_space<vmem>>, vector<16xi32>,
        %shift_right_logical3A_122 = arith.constant 7 : i32
        %shift_right_logical3A_123 = vector.broadcast %shift_right_logical3A_122 : i32 to vector<16xi32>
        %shift_right_logical3A_124 = arith.shrui %get3A_121, %shift_right_logical3A_123 : vector<16xi32>
        %and3A_125 = arith.constant 127 : i32
        %and3A_126 = vector.broadcast %and3A_125 : i32 to vector<16xi32>
        %and3A_127 = arith.andi %get3A_121, %and3A_126 : vector<16xi32>
        tpu.vector_store_idx %arg6[%shift_right_logical3A_124, %and3A_127], %broadcast_in_dim3A_29 {add = true} : memref<80x128xf32, #tpu.memory_space<vmem>>[vector<16xi32>, vector<16xi32>], vector<16xf32>,
      }
      %scan3A_49 = arith.constant 40 : i32
      "tpu.region"() ({
        %run_scoped3A = tpu.sem_alloc : memref<!tpu.dma_semaphore, #tpu.memory_space<semaphore_mem>>
        %dma_start3A = arith.constant 0 : i32
        %dma_start3A_55 = arith.constant 0 : i32
        %dma_start3A_56 = tpu.memref_slice %arg5[%dma_start3A, %dma_start3A_55] : memref<40x128xi32, #tpu.memory_space<vmem>> -> memref<40x128xi32, #tpu.memory_space<vmem>>
        %dma_start3A_57 = arith.constant 40 : i32
        %dma_start3A_58 = arith.constant 0 : i32
        %dma_start3A_59 = tpu.memref_slice %arg2[%arg1, %dma_start3A_57, %dma_start3A_58] : memref<16x160x128xi32, #tpu.memory_space<hbm>> -> memref<1x40x128xi32, #tpu.memory_space<hbm>>
        %dma_start3A_60 = tpu.memref_squeeze %dma_start3A_59 : memref<1x40x128xi32, #tpu.memory_space<hbm>> -> memref<40x128xi32, #tpu.memory_space<hbm>>
        %dma_start3A_61 = arith.constant 0 : i32
        %dma_start3A_62 = arith.constant 0 : i32
        %dma_start3A_63 = tpu.memref_slice %arg5[%dma_start3A_61, %dma_start3A_62] : memref<40x128xi32, #tpu.memory_space<vmem>> -> memref<40x128xi32, #tpu.memory_space<vmem>>
        %dma_start3A_64 = arith.constant 40 : i32
        %dma_start3A_65 = arith.constant 0 : i32
        %dma_start3A_66 = tpu.memref_slice %arg2[%arg1, %dma_start3A_64, %dma_start3A_65] : memref<16x160x128xi32, #tpu.memory_space<hbm>> -> memref<1x40x128xi32, #tpu.memory_space<hbm>>
        %dma_start3A_67 = tpu.memref_squeeze %dma_start3A_66 : memref<1x40x128xi32, #tpu.memory_space<hbm>> -> memref<40x128xi32, #tpu.memory_space<hbm>>
        tpu.enqueue_dma source(%dma_start3A_67 : memref<40x128xi32, #tpu.memory_space<hbm>>) target(%dma_start3A_63 : memref<40x128xi32, #tpu.memory_space<vmem>>) target_semaphore(%run_scoped3A : memref<!tpu.dma_semaphore, #tpu.memory_space<semaphore_mem>>)
        %dma_wait3A = arith.constant 0 : i32
        %dma_wait3A_68 = arith.constant 0 : i32
        %dma_wait3A_69 = tpu.memref_slice %arg5[%dma_wait3A, %dma_wait3A_68] : memref<40x128xi32, #tpu.memory_space<vmem>> -> memref<40x128xi32, #tpu.memory_space<vmem>>
        %dma_wait3A_70 = arith.constant 40 : i32
        %dma_wait3A_71 = arith.constant 0 : i32
        %dma_wait3A_72 = tpu.memref_slice %arg2[%arg1, %dma_wait3A_70, %dma_wait3A_71] : memref<16x160x128xi32, #tpu.memory_space<hbm>> -> memref<1x40x128xi32, #tpu.memory_space<hbm>>
        %dma_wait3A_73 = tpu.memref_squeeze %dma_wait3A_72 : memref<1x40x128xi32, #tpu.memory_space<hbm>> -> memref<40x128xi32, #tpu.memory_space<hbm>>
        %dma_wait3A_74 = arith.constant 0 : i32
        %dma_wait3A_75 = arith.constant 0 : i32
        %dma_wait3A_76 = tpu.memref_slice %arg5[%dma_wait3A_74, %dma_wait3A_75] : memref<40x128xi32, #tpu.memory_space<vmem>> -> memref<40x128xi32, #tpu.memory_space<vmem>>
        %dma_wait3A_77 = arith.constant 40 : i32
        %dma_wait3A_78 = arith.constant 0 : i32
        %dma_wait3A_79 = tpu.memref_slice %arg2[%arg1, %dma_wait3A_77, %dma_wait3A_78] : memref<16x160x128xi32, #tpu.memory_space<hbm>> -> memref<1x40x128xi32, #tpu.memory_space<hbm>>
        %dma_wait3A_80 = tpu.memref_squeeze %dma_wait3A_79 : memref<1x40x128xi32, #tpu.memory_space<hbm>> -> memref<40x128xi32, #tpu.memory_space<hbm>>
        tpu.wait_dma2 semaphore(%run_scoped3A : memref<!tpu.dma_semaphore, #tpu.memory_space<semaphore_mem>>) src(%dma_wait3A_80 : memref<40x128xi32, #tpu.memory_space<hbm>>) dst(%dma_wait3A_76 : memref<40x128xi32, #tpu.memory_space<vmem>>)
        tpu.yield
      }) : () -> ()
      %scan3A_50 = arith.constant 0 : i32
      %scan3A_51 = arith.constant 40 : i32
      %scan3A_52 = arith.addi %scan3A_50, %scan3A_51 : i32
      %scan3A_53 = arith.constant 1 : i32
      scf.for %scan3A_55 = %scan3A_50 to %scan3A_52 step %scan3A_53  : i32 {
        %mul3A = arith.constant 1 : i32
        %mul3A_56 = arith.muli %scan3A_55, %mul3A : i32
        %add3A_57 = arith.constant 0 : i32
        %add3A_58 = arith.addi %add3A_57, %mul3A_56 : i32
        %get3A = arith.index_cast %add3A_58 : i32 to index
        %get3A_59 = arith.constant 0 : index
        %get3A_60 = tpu.vector_load %arg5[%get3A, %get3A_59] {strides = array<i32>} : memref<40x128xi32, #tpu.memory_space<vmem>>, vector<16xi32>,
        %shift_right_logical3A = arith.constant 7 : i32
        %shift_right_logical3A_61 = vector.broadcast %shift_right_logical3A : i32 to vector<16xi32>
        %shift_right_logical3A_62 = arith.shrui %get3A_60, %shift_right_logical3A_61 : vector<16xi32>
        %and3A = arith.constant 127 : i32
        %and3A_63 = vector.broadcast %and3A : i32 to vector<16xi32>
        %and3A_64 = arith.andi %get3A_60, %and3A_63 : vector<16xi32>
        tpu.vector_store_idx %arg6[%shift_right_logical3A_62, %and3A_64], %broadcast_in_dim3A_29 {add = true} : memref<80x128xf32, #tpu.memory_space<vmem>>[vector<16xi32>, vector<16xi32>], vector<16xf32>,
        %get3A_65 = arith.index_cast %add3A_58 : i32 to index
        %get3A_66 = arith.constant 16 : index
        %get3A_67 = tpu.vector_load %arg5[%get3A_65, %get3A_66] {strides = array<i32>} : memref<40x128xi32, #tpu.memory_space<vmem>>, vector<16xi32>,
        %shift_right_logical3A_68 = arith.constant 7 : i32
        %shift_right_logical3A_69 = vector.broadcast %shift_right_logical3A_68 : i32 to vector<16xi32>
        %shift_right_logical3A_70 = arith.shrui %get3A_67, %shift_right_logical3A_69 : vector<16xi32>
        %and3A_71 = arith.constant 127 : i32
        %and3A_72 = vector.broadcast %and3A_71 : i32 to vector<16xi32>
        %and3A_73 = arith.andi %get3A_67, %and3A_72 : vector<16xi32>
        tpu.vector_store_idx %arg6[%shift_right_logical3A_70, %and3A_73], %broadcast_in_dim3A_29 {add = true} : memref<80x128xf32, #tpu.memory_space<vmem>>[vector<16xi32>, vector<16xi32>], vector<16xf32>,
        %get3A_74 = arith.index_cast %add3A_58 : i32 to index
        %get3A_75 = arith.constant 32 : index
        %get3A_76 = tpu.vector_load %arg5[%get3A_74, %get3A_75] {strides = array<i32>} : memref<40x128xi32, #tpu.memory_space<vmem>>, vector<16xi32>,
        %shift_right_logical3A_77 = arith.constant 7 : i32
        %shift_right_logical3A_78 = vector.broadcast %shift_right_logical3A_77 : i32 to vector<16xi32>
        %shift_right_logical3A_79 = arith.shrui %get3A_76, %shift_right_logical3A_78 : vector<16xi32>
        %and3A_80 = arith.constant 127 : i32
        %and3A_81 = vector.broadcast %and3A_80 : i32 to vector<16xi32>
        %and3A_82 = arith.andi %get3A_76, %and3A_81 : vector<16xi32>
        tpu.vector_store_idx %arg6[%shift_right_logical3A_79, %and3A_82], %broadcast_in_dim3A_29 {add = true} : memref<80x128xf32, #tpu.memory_space<vmem>>[vector<16xi32>, vector<16xi32>], vector<16xf32>,
        %get3A_83 = arith.index_cast %add3A_58 : i32 to index
        %get3A_84 = arith.constant 48 : index
        %get3A_85 = tpu.vector_load %arg5[%get3A_83, %get3A_84] {strides = array<i32>} : memref<40x128xi32, #tpu.memory_space<vmem>>, vector<16xi32>,
        %shift_right_logical3A_86 = arith.constant 7 : i32
        %shift_right_logical3A_87 = vector.broadcast %shift_right_logical3A_86 : i32 to vector<16xi32>
        %shift_right_logical3A_88 = arith.shrui %get3A_85, %shift_right_logical3A_87 : vector<16xi32>
        %and3A_89 = arith.constant 127 : i32
        %and3A_90 = vector.broadcast %and3A_89 : i32 to vector<16xi32>
        %and3A_91 = arith.andi %get3A_85, %and3A_90 : vector<16xi32>
        tpu.vector_store_idx %arg6[%shift_right_logical3A_88, %and3A_91], %broadcast_in_dim3A_29 {add = true} : memref<80x128xf32, #tpu.memory_space<vmem>>[vector<16xi32>, vector<16xi32>], vector<16xf32>,
        %get3A_92 = arith.index_cast %add3A_58 : i32 to index
        %get3A_93 = arith.constant 64 : index
        %get3A_94 = tpu.vector_load %arg5[%get3A_92, %get3A_93] {strides = array<i32>} : memref<40x128xi32, #tpu.memory_space<vmem>>, vector<16xi32>,
        %shift_right_logical3A_95 = arith.constant 7 : i32
        %shift_right_logical3A_96 = vector.broadcast %shift_right_logical3A_95 : i32 to vector<16xi32>
        %shift_right_logical3A_97 = arith.shrui %get3A_94, %shift_right_logical3A_96 : vector<16xi32>
        %and3A_98 = arith.constant 127 : i32
        %and3A_99 = vector.broadcast %and3A_98 : i32 to vector<16xi32>
        %and3A_100 = arith.andi %get3A_94, %and3A_99 : vector<16xi32>
        tpu.vector_store_idx %arg6[%shift_right_logical3A_97, %and3A_100], %broadcast_in_dim3A_29 {add = true} : memref<80x128xf32, #tpu.memory_space<vmem>>[vector<16xi32>, vector<16xi32>], vector<16xf32>,
        %get3A_101 = arith.index_cast %add3A_58 : i32 to index
        %get3A_102 = arith.constant 80 : index
        %get3A_103 = tpu.vector_load %arg5[%get3A_101, %get3A_102] {strides = array<i32>} : memref<40x128xi32, #tpu.memory_space<vmem>>, vector<16xi32>,
        %shift_right_logical3A_104 = arith.constant 7 : i32
        %shift_right_logical3A_105 = vector.broadcast %shift_right_logical3A_104 : i32 to vector<16xi32>
        %shift_right_logical3A_106 = arith.shrui %get3A_103, %shift_right_logical3A_105 : vector<16xi32>
        %and3A_107 = arith.constant 127 : i32
        %and3A_108 = vector.broadcast %and3A_107 : i32 to vector<16xi32>
        %and3A_109 = arith.andi %get3A_103, %and3A_108 : vector<16xi32>
        tpu.vector_store_idx %arg6[%shift_right_logical3A_106, %and3A_109], %broadcast_in_dim3A_29 {add = true} : memref<80x128xf32, #tpu.memory_space<vmem>>[vector<16xi32>, vector<16xi32>], vector<16xf32>,
        %get3A_110 = arith.index_cast %add3A_58 : i32 to index
        %get3A_111 = arith.constant 96 : index
        %get3A_112 = tpu.vector_load %arg5[%get3A_110, %get3A_111] {strides = array<i32>} : memref<40x128xi32, #tpu.memory_space<vmem>>, vector<16xi32>,
        %shift_right_logical3A_113 = arith.constant 7 : i32
        %shift_right_logical3A_114 = vector.broadcast %shift_right_logical3A_113 : i32 to vector<16xi32>
        %shift_right_logical3A_115 = arith.shrui %get3A_112, %shift_right_logical3A_114 : vector<16xi32>
        %and3A_116 = arith.constant 127 : i32
        %and3A_117 = vector.broadcast %and3A_116 : i32 to vector<16xi32>
        %and3A_118 = arith.andi %get3A_112, %and3A_117 : vector<16xi32>
        tpu.vector_store_idx %arg6[%shift_right_logical3A_115, %and3A_118], %broadcast_in_dim3A_29 {add = true} : memref<80x128xf32, #tpu.memory_space<vmem>>[vector<16xi32>, vector<16xi32>], vector<16xf32>,
        %get3A_119 = arith.index_cast %add3A_58 : i32 to index
        %get3A_120 = arith.constant 112 : index
        %get3A_121 = tpu.vector_load %arg5[%get3A_119, %get3A_120] {strides = array<i32>} : memref<40x128xi32, #tpu.memory_space<vmem>>, vector<16xi32>,
        %shift_right_logical3A_122 = arith.constant 7 : i32
        %shift_right_logical3A_123 = vector.broadcast %shift_right_logical3A_122 : i32 to vector<16xi32>
        %shift_right_logical3A_124 = arith.shrui %get3A_121, %shift_right_logical3A_123 : vector<16xi32>
        %and3A_125 = arith.constant 127 : i32
        %and3A_126 = vector.broadcast %and3A_125 : i32 to vector<16xi32>
        %and3A_127 = arith.andi %get3A_121, %and3A_126 : vector<16xi32>
        tpu.vector_store_idx %arg6[%shift_right_logical3A_124, %and3A_127], %broadcast_in_dim3A_29 {add = true} : memref<80x128xf32, #tpu.memory_space<vmem>>[vector<16xi32>, vector<16xi32>], vector<16xf32>,
      }
      %scan3A_54 = arith.constant 40 : i32
    } else {
    }
    %eq3A_35 = arith.constant 1 : i32
    %eq3A_36 = arith.cmpi eq, %arg0, %eq3A_35 : i32
    %convert_element_type3A_37 = arith.extui %eq3A_36 : i1 to i32
    %cond3A_38 = arith.constant 0 : i32
    %cond3A_39 = arith.cmpi ne, %convert_element_type3A_37, %cond3A_38 : i32
    scf.if %cond3A_39 {
      "tpu.region"() ({
        %run_scoped3A = tpu.sem_alloc : memref<!tpu.dma_semaphore, #tpu.memory_space<semaphore_mem>>
        %dma_start3A = arith.constant 0 : i32
        %dma_start3A_55 = arith.constant 0 : i32
        %dma_start3A_56 = tpu.memref_slice %arg5[%dma_start3A, %dma_start3A_55] : memref<40x128xi32, #tpu.memory_space<vmem>> -> memref<40x128xi32, #tpu.memory_space<vmem>>
        %dma_start3A_57 = arith.constant 80 : i32
        %dma_start3A_58 = arith.constant 0 : i32
        %dma_start3A_59 = tpu.memref_slice %arg2[%arg1, %dma_start3A_57, %dma_start3A_58] : memref<16x160x128xi32, #tpu.memory_space<hbm>> -> memref<1x40x128xi32, #tpu.memory_space<hbm>>
        %dma_start3A_60 = tpu.memref_squeeze %dma_start3A_59 : memref<1x40x128xi32, #tpu.memory_space<hbm>> -> memref<40x128xi32, #tpu.memory_space<hbm>>
        %dma_start3A_61 = arith.constant 0 : i32
        %dma_start3A_62 = arith.constant 0 : i32
        %dma_start3A_63 = tpu.memref_slice %arg5[%dma_start3A_61, %dma_start3A_62] : memref<40x128xi32, #tpu.memory_space<vmem>> -> memref<40x128xi32, #tpu.memory_space<vmem>>
        %dma_start3A_64 = arith.constant 80 : i32
        %dma_start3A_65 = arith.constant 0 : i32
        %dma_start3A_66 = tpu.memref_slice %arg2[%arg1, %dma_start3A_64, %dma_start3A_65] : memref<16x160x128xi32, #tpu.memory_space<hbm>> -> memref<1x40x128xi32, #tpu.memory_space<hbm>>
        %dma_start3A_67 = tpu.memref_squeeze %dma_start3A_66 : memref<1x40x128xi32, #tpu.memory_space<hbm>> -> memref<40x128xi32, #tpu.memory_space<hbm>>
        tpu.enqueue_dma source(%dma_start3A_67 : memref<40x128xi32, #tpu.memory_space<hbm>>) target(%dma_start3A_63 : memref<40x128xi32, #tpu.memory_space<vmem>>) target_semaphore(%run_scoped3A : memref<!tpu.dma_semaphore, #tpu.memory_space<semaphore_mem>>)
        %dma_wait3A = arith.constant 0 : i32
        %dma_wait3A_68 = arith.constant 0 : i32
        %dma_wait3A_69 = tpu.memref_slice %arg5[%dma_wait3A, %dma_wait3A_68] : memref<40x128xi32, #tpu.memory_space<vmem>> -> memref<40x128xi32, #tpu.memory_space<vmem>>
        %dma_wait3A_70 = arith.constant 80 : i32
        %dma_wait3A_71 = arith.constant 0 : i32
        %dma_wait3A_72 = tpu.memref_slice %arg2[%arg1, %dma_wait3A_70, %dma_wait3A_71] : memref<16x160x128xi32, #tpu.memory_space<hbm>> -> memref<1x40x128xi32, #tpu.memory_space<hbm>>
        %dma_wait3A_73 = tpu.memref_squeeze %dma_wait3A_72 : memref<1x40x128xi32, #tpu.memory_space<hbm>> -> memref<40x128xi32, #tpu.memory_space<hbm>>
        %dma_wait3A_74 = arith.constant 0 : i32
        %dma_wait3A_75 = arith.constant 0 : i32
        %dma_wait3A_76 = tpu.memref_slice %arg5[%dma_wait3A_74, %dma_wait3A_75] : memref<40x128xi32, #tpu.memory_space<vmem>> -> memref<40x128xi32, #tpu.memory_space<vmem>>
        %dma_wait3A_77 = arith.constant 80 : i32
        %dma_wait3A_78 = arith.constant 0 : i32
        %dma_wait3A_79 = tpu.memref_slice %arg2[%arg1, %dma_wait3A_77, %dma_wait3A_78] : memref<16x160x128xi32, #tpu.memory_space<hbm>> -> memref<1x40x128xi32, #tpu.memory_space<hbm>>
        %dma_wait3A_80 = tpu.memref_squeeze %dma_wait3A_79 : memref<1x40x128xi32, #tpu.memory_space<hbm>> -> memref<40x128xi32, #tpu.memory_space<hbm>>
        tpu.wait_dma2 semaphore(%run_scoped3A : memref<!tpu.dma_semaphore, #tpu.memory_space<semaphore_mem>>) src(%dma_wait3A_80 : memref<40x128xi32, #tpu.memory_space<hbm>>) dst(%dma_wait3A_76 : memref<40x128xi32, #tpu.memory_space<vmem>>)
        tpu.yield
      }) : () -> ()
      %scan3A = arith.constant 0 : i32
      %scan3A_46 = arith.constant 40 : i32
      %scan3A_47 = arith.addi %scan3A, %scan3A_46 : i32
      %scan3A_48 = arith.constant 1 : i32
      scf.for %scan3A_55 = %scan3A to %scan3A_47 step %scan3A_48  : i32 {
        %mul3A = arith.constant 1 : i32
        %mul3A_56 = arith.muli %scan3A_55, %mul3A : i32
        %add3A_57 = arith.constant 0 : i32
        %add3A_58 = arith.addi %add3A_57, %mul3A_56 : i32
        %get3A = arith.index_cast %add3A_58 : i32 to index
        %get3A_59 = arith.constant 0 : index
        %get3A_60 = tpu.vector_load %arg5[%get3A, %get3A_59] {strides = array<i32>} : memref<40x128xi32, #tpu.memory_space<vmem>>, vector<16xi32>,
        %shift_right_logical3A = arith.constant 7 : i32
        %shift_right_logical3A_61 = vector.broadcast %shift_right_logical3A : i32 to vector<16xi32>
        %shift_right_logical3A_62 = arith.shrui %get3A_60, %shift_right_logical3A_61 : vector<16xi32>
        %and3A = arith.constant 127 : i32
        %and3A_63 = vector.broadcast %and3A : i32 to vector<16xi32>
        %and3A_64 = arith.andi %get3A_60, %and3A_63 : vector<16xi32>
        tpu.vector_store_idx %arg6[%shift_right_logical3A_62, %and3A_64], %broadcast_in_dim3A_29 {add = true} : memref<80x128xf32, #tpu.memory_space<vmem>>[vector<16xi32>, vector<16xi32>], vector<16xf32>,
        %get3A_65 = arith.index_cast %add3A_58 : i32 to index
        %get3A_66 = arith.constant 16 : index
        %get3A_67 = tpu.vector_load %arg5[%get3A_65, %get3A_66] {strides = array<i32>} : memref<40x128xi32, #tpu.memory_space<vmem>>, vector<16xi32>,
        %shift_right_logical3A_68 = arith.constant 7 : i32
        %shift_right_logical3A_69 = vector.broadcast %shift_right_logical3A_68 : i32 to vector<16xi32>
        %shift_right_logical3A_70 = arith.shrui %get3A_67, %shift_right_logical3A_69 : vector<16xi32>
        %and3A_71 = arith.constant 127 : i32
        %and3A_72 = vector.broadcast %and3A_71 : i32 to vector<16xi32>
        %and3A_73 = arith.andi %get3A_67, %and3A_72 : vector<16xi32>
        tpu.vector_store_idx %arg6[%shift_right_logical3A_70, %and3A_73], %broadcast_in_dim3A_29 {add = true} : memref<80x128xf32, #tpu.memory_space<vmem>>[vector<16xi32>, vector<16xi32>], vector<16xf32>,
        %get3A_74 = arith.index_cast %add3A_58 : i32 to index
        %get3A_75 = arith.constant 32 : index
        %get3A_76 = tpu.vector_load %arg5[%get3A_74, %get3A_75] {strides = array<i32>} : memref<40x128xi32, #tpu.memory_space<vmem>>, vector<16xi32>,
        %shift_right_logical3A_77 = arith.constant 7 : i32
        %shift_right_logical3A_78 = vector.broadcast %shift_right_logical3A_77 : i32 to vector<16xi32>
        %shift_right_logical3A_79 = arith.shrui %get3A_76, %shift_right_logical3A_78 : vector<16xi32>
        %and3A_80 = arith.constant 127 : i32
        %and3A_81 = vector.broadcast %and3A_80 : i32 to vector<16xi32>
        %and3A_82 = arith.andi %get3A_76, %and3A_81 : vector<16xi32>
        tpu.vector_store_idx %arg6[%shift_right_logical3A_79, %and3A_82], %broadcast_in_dim3A_29 {add = true} : memref<80x128xf32, #tpu.memory_space<vmem>>[vector<16xi32>, vector<16xi32>], vector<16xf32>,
        %get3A_83 = arith.index_cast %add3A_58 : i32 to index
        %get3A_84 = arith.constant 48 : index
        %get3A_85 = tpu.vector_load %arg5[%get3A_83, %get3A_84] {strides = array<i32>} : memref<40x128xi32, #tpu.memory_space<vmem>>, vector<16xi32>,
        %shift_right_logical3A_86 = arith.constant 7 : i32
        %shift_right_logical3A_87 = vector.broadcast %shift_right_logical3A_86 : i32 to vector<16xi32>
        %shift_right_logical3A_88 = arith.shrui %get3A_85, %shift_right_logical3A_87 : vector<16xi32>
        %and3A_89 = arith.constant 127 : i32
        %and3A_90 = vector.broadcast %and3A_89 : i32 to vector<16xi32>
        %and3A_91 = arith.andi %get3A_85, %and3A_90 : vector<16xi32>
        tpu.vector_store_idx %arg6[%shift_right_logical3A_88, %and3A_91], %broadcast_in_dim3A_29 {add = true} : memref<80x128xf32, #tpu.memory_space<vmem>>[vector<16xi32>, vector<16xi32>], vector<16xf32>,
        %get3A_92 = arith.index_cast %add3A_58 : i32 to index
        %get3A_93 = arith.constant 64 : index
        %get3A_94 = tpu.vector_load %arg5[%get3A_92, %get3A_93] {strides = array<i32>} : memref<40x128xi32, #tpu.memory_space<vmem>>, vector<16xi32>,
        %shift_right_logical3A_95 = arith.constant 7 : i32
        %shift_right_logical3A_96 = vector.broadcast %shift_right_logical3A_95 : i32 to vector<16xi32>
        %shift_right_logical3A_97 = arith.shrui %get3A_94, %shift_right_logical3A_96 : vector<16xi32>
        %and3A_98 = arith.constant 127 : i32
        %and3A_99 = vector.broadcast %and3A_98 : i32 to vector<16xi32>
        %and3A_100 = arith.andi %get3A_94, %and3A_99 : vector<16xi32>
        tpu.vector_store_idx %arg6[%shift_right_logical3A_97, %and3A_100], %broadcast_in_dim3A_29 {add = true} : memref<80x128xf32, #tpu.memory_space<vmem>>[vector<16xi32>, vector<16xi32>], vector<16xf32>,
        %get3A_101 = arith.index_cast %add3A_58 : i32 to index
        %get3A_102 = arith.constant 80 : index
        %get3A_103 = tpu.vector_load %arg5[%get3A_101, %get3A_102] {strides = array<i32>} : memref<40x128xi32, #tpu.memory_space<vmem>>, vector<16xi32>,
        %shift_right_logical3A_104 = arith.constant 7 : i32
        %shift_right_logical3A_105 = vector.broadcast %shift_right_logical3A_104 : i32 to vector<16xi32>
        %shift_right_logical3A_106 = arith.shrui %get3A_103, %shift_right_logical3A_105 : vector<16xi32>
        %and3A_107 = arith.constant 127 : i32
        %and3A_108 = vector.broadcast %and3A_107 : i32 to vector<16xi32>
        %and3A_109 = arith.andi %get3A_103, %and3A_108 : vector<16xi32>
        tpu.vector_store_idx %arg6[%shift_right_logical3A_106, %and3A_109], %broadcast_in_dim3A_29 {add = true} : memref<80x128xf32, #tpu.memory_space<vmem>>[vector<16xi32>, vector<16xi32>], vector<16xf32>,
        %get3A_110 = arith.index_cast %add3A_58 : i32 to index
        %get3A_111 = arith.constant 96 : index
        %get3A_112 = tpu.vector_load %arg5[%get3A_110, %get3A_111] {strides = array<i32>} : memref<40x128xi32, #tpu.memory_space<vmem>>, vector<16xi32>,
        %shift_right_logical3A_113 = arith.constant 7 : i32
        %shift_right_logical3A_114 = vector.broadcast %shift_right_logical3A_113 : i32 to vector<16xi32>
        %shift_right_logical3A_115 = arith.shrui %get3A_112, %shift_right_logical3A_114 : vector<16xi32>
        %and3A_116 = arith.constant 127 : i32
        %and3A_117 = vector.broadcast %and3A_116 : i32 to vector<16xi32>
        %and3A_118 = arith.andi %get3A_112, %and3A_117 : vector<16xi32>
        tpu.vector_store_idx %arg6[%shift_right_logical3A_115, %and3A_118], %broadcast_in_dim3A_29 {add = true} : memref<80x128xf32, #tpu.memory_space<vmem>>[vector<16xi32>, vector<16xi32>], vector<16xf32>,
        %get3A_119 = arith.index_cast %add3A_58 : i32 to index
        %get3A_120 = arith.constant 112 : index
        %get3A_121 = tpu.vector_load %arg5[%get3A_119, %get3A_120] {strides = array<i32>} : memref<40x128xi32, #tpu.memory_space<vmem>>, vector<16xi32>,
        %shift_right_logical3A_122 = arith.constant 7 : i32
        %shift_right_logical3A_123 = vector.broadcast %shift_right_logical3A_122 : i32 to vector<16xi32>
        %shift_right_logical3A_124 = arith.shrui %get3A_121, %shift_right_logical3A_123 : vector<16xi32>
        %and3A_125 = arith.constant 127 : i32
        %and3A_126 = vector.broadcast %and3A_125 : i32 to vector<16xi32>
        %and3A_127 = arith.andi %get3A_121, %and3A_126 : vector<16xi32>
        tpu.vector_store_idx %arg6[%shift_right_logical3A_124, %and3A_127], %broadcast_in_dim3A_29 {add = true} : memref<80x128xf32, #tpu.memory_space<vmem>>[vector<16xi32>, vector<16xi32>], vector<16xf32>,
      }
      %scan3A_49 = arith.constant 40 : i32
      "tpu.region"() ({
        %run_scoped3A = tpu.sem_alloc : memref<!tpu.dma_semaphore, #tpu.memory_space<semaphore_mem>>
        %dma_start3A = arith.constant 0 : i32
        %dma_start3A_55 = arith.constant 0 : i32
        %dma_start3A_56 = tpu.memref_slice %arg5[%dma_start3A, %dma_start3A_55] : memref<40x128xi32, #tpu.memory_space<vmem>> -> memref<40x128xi32, #tpu.memory_space<vmem>>
        %dma_start3A_57 = arith.constant 120 : i32
        %dma_start3A_58 = arith.constant 0 : i32
        %dma_start3A_59 = tpu.memref_slice %arg2[%arg1, %dma_start3A_57, %dma_start3A_58] : memref<16x160x128xi32, #tpu.memory_space<hbm>> -> memref<1x40x128xi32, #tpu.memory_space<hbm>>
        %dma_start3A_60 = tpu.memref_squeeze %dma_start3A_59 : memref<1x40x128xi32, #tpu.memory_space<hbm>> -> memref<40x128xi32, #tpu.memory_space<hbm>>
        %dma_start3A_61 = arith.constant 0 : i32
        %dma_start3A_62 = arith.constant 0 : i32
        %dma_start3A_63 = tpu.memref_slice %arg5[%dma_start3A_61, %dma_start3A_62] : memref<40x128xi32, #tpu.memory_space<vmem>> -> memref<40x128xi32, #tpu.memory_space<vmem>>
        %dma_start3A_64 = arith.constant 120 : i32
        %dma_start3A_65 = arith.constant 0 : i32
        %dma_start3A_66 = tpu.memref_slice %arg2[%arg1, %dma_start3A_64, %dma_start3A_65] : memref<16x160x128xi32, #tpu.memory_space<hbm>> -> memref<1x40x128xi32, #tpu.memory_space<hbm>>
        %dma_start3A_67 = tpu.memref_squeeze %dma_start3A_66 : memref<1x40x128xi32, #tpu.memory_space<hbm>> -> memref<40x128xi32, #tpu.memory_space<hbm>>
        tpu.enqueue_dma source(%dma_start3A_67 : memref<40x128xi32, #tpu.memory_space<hbm>>) target(%dma_start3A_63 : memref<40x128xi32, #tpu.memory_space<vmem>>) target_semaphore(%run_scoped3A : memref<!tpu.dma_semaphore, #tpu.memory_space<semaphore_mem>>)
        %dma_wait3A = arith.constant 0 : i32
        %dma_wait3A_68 = arith.constant 0 : i32
        %dma_wait3A_69 = tpu.memref_slice %arg5[%dma_wait3A, %dma_wait3A_68] : memref<40x128xi32, #tpu.memory_space<vmem>> -> memref<40x128xi32, #tpu.memory_space<vmem>>
        %dma_wait3A_70 = arith.constant 120 : i32
        %dma_wait3A_71 = arith.constant 0 : i32
        %dma_wait3A_72 = tpu.memref_slice %arg2[%arg1, %dma_wait3A_70, %dma_wait3A_71] : memref<16x160x128xi32, #tpu.memory_space<hbm>> -> memref<1x40x128xi32, #tpu.memory_space<hbm>>
        %dma_wait3A_73 = tpu.memref_squeeze %dma_wait3A_72 : memref<1x40x128xi32, #tpu.memory_space<hbm>> -> memref<40x128xi32, #tpu.memory_space<hbm>>
        %dma_wait3A_74 = arith.constant 0 : i32
        %dma_wait3A_75 = arith.constant 0 : i32
        %dma_wait3A_76 = tpu.memref_slice %arg5[%dma_wait3A_74, %dma_wait3A_75] : memref<40x128xi32, #tpu.memory_space<vmem>> -> memref<40x128xi32, #tpu.memory_space<vmem>>
        %dma_wait3A_77 = arith.constant 120 : i32
        %dma_wait3A_78 = arith.constant 0 : i32
        %dma_wait3A_79 = tpu.memref_slice %arg2[%arg1, %dma_wait3A_77, %dma_wait3A_78] : memref<16x160x128xi32, #tpu.memory_space<hbm>> -> memref<1x40x128xi32, #tpu.memory_space<hbm>>
        %dma_wait3A_80 = tpu.memref_squeeze %dma_wait3A_79 : memref<1x40x128xi32, #tpu.memory_space<hbm>> -> memref<40x128xi32, #tpu.memory_space<hbm>>
        tpu.wait_dma2 semaphore(%run_scoped3A : memref<!tpu.dma_semaphore, #tpu.memory_space<semaphore_mem>>) src(%dma_wait3A_80 : memref<40x128xi32, #tpu.memory_space<hbm>>) dst(%dma_wait3A_76 : memref<40x128xi32, #tpu.memory_space<vmem>>)
        tpu.yield
      }) : () -> ()
      %scan3A_50 = arith.constant 0 : i32
      %scan3A_51 = arith.constant 40 : i32
      %scan3A_52 = arith.addi %scan3A_50, %scan3A_51 : i32
      %scan3A_53 = arith.constant 1 : i32
      scf.for %scan3A_55 = %scan3A_50 to %scan3A_52 step %scan3A_53  : i32 {
        %mul3A = arith.constant 1 : i32
        %mul3A_56 = arith.muli %scan3A_55, %mul3A : i32
        %add3A_57 = arith.constant 0 : i32
        %add3A_58 = arith.addi %add3A_57, %mul3A_56 : i32
        %get3A = arith.index_cast %add3A_58 : i32 to index
        %get3A_59 = arith.constant 0 : index
        %get3A_60 = tpu.vector_load %arg5[%get3A, %get3A_59] {strides = array<i32>} : memref<40x128xi32, #tpu.memory_space<vmem>>, vector<16xi32>,
        %shift_right_logical3A = arith.constant 7 : i32
        %shift_right_logical3A_61 = vector.broadcast %shift_right_logical3A : i32 to vector<16xi32>
        %shift_right_logical3A_62 = arith.shrui %get3A_60, %shift_right_logical3A_61 : vector<16xi32>
        %and3A = arith.constant 127 : i32
        %and3A_63 = vector.broadcast %and3A : i32 to vector<16xi32>
        %and3A_64 = arith.andi %get3A_60, %and3A_63 : vector<16xi32>
        tpu.vector_store_idx %arg6[%shift_right_logical3A_62, %and3A_64], %broadcast_in_dim3A_29 {add = true} : memref<80x128xf32, #tpu.memory_space<vmem>>[vector<16xi32>, vector<16xi32>], vector<16xf32>,
        %get3A_65 = arith.index_cast %add3A_58 : i32 to index
        %get3A_66 = arith.constant 16 : index
        %get3A_67 = tpu.vector_load %arg5[%get3A_65, %get3A_66] {strides = array<i32>} : memref<40x128xi32, #tpu.memory_space<vmem>>, vector<16xi32>,
        %shift_right_logical3A_68 = arith.constant 7 : i32
        %shift_right_logical3A_69 = vector.broadcast %shift_right_logical3A_68 : i32 to vector<16xi32>
        %shift_right_logical3A_70 = arith.shrui %get3A_67, %shift_right_logical3A_69 : vector<16xi32>
        %and3A_71 = arith.constant 127 : i32
        %and3A_72 = vector.broadcast %and3A_71 : i32 to vector<16xi32>
        %and3A_73 = arith.andi %get3A_67, %and3A_72 : vector<16xi32>
        tpu.vector_store_idx %arg6[%shift_right_logical3A_70, %and3A_73], %broadcast_in_dim3A_29 {add = true} : memref<80x128xf32, #tpu.memory_space<vmem>>[vector<16xi32>, vector<16xi32>], vector<16xf32>,
        %get3A_74 = arith.index_cast %add3A_58 : i32 to index
        %get3A_75 = arith.constant 32 : index
        %get3A_76 = tpu.vector_load %arg5[%get3A_74, %get3A_75] {strides = array<i32>} : memref<40x128xi32, #tpu.memory_space<vmem>>, vector<16xi32>,
        %shift_right_logical3A_77 = arith.constant 7 : i32
        %shift_right_logical3A_78 = vector.broadcast %shift_right_logical3A_77 : i32 to vector<16xi32>
        %shift_right_logical3A_79 = arith.shrui %get3A_76, %shift_right_logical3A_78 : vector<16xi32>
        %and3A_80 = arith.constant 127 : i32
        %and3A_81 = vector.broadcast %and3A_80 : i32 to vector<16xi32>
        %and3A_82 = arith.andi %get3A_76, %and3A_81 : vector<16xi32>
        tpu.vector_store_idx %arg6[%shift_right_logical3A_79, %and3A_82], %broadcast_in_dim3A_29 {add = true} : memref<80x128xf32, #tpu.memory_space<vmem>>[vector<16xi32>, vector<16xi32>], vector<16xf32>,
        %get3A_83 = arith.index_cast %add3A_58 : i32 to index
        %get3A_84 = arith.constant 48 : index
        %get3A_85 = tpu.vector_load %arg5[%get3A_83, %get3A_84] {strides = array<i32>} : memref<40x128xi32, #tpu.memory_space<vmem>>, vector<16xi32>,
        %shift_right_logical3A_86 = arith.constant 7 : i32
        %shift_right_logical3A_87 = vector.broadcast %shift_right_logical3A_86 : i32 to vector<16xi32>
        %shift_right_logical3A_88 = arith.shrui %get3A_85, %shift_right_logical3A_87 : vector<16xi32>
        %and3A_89 = arith.constant 127 : i32
        %and3A_90 = vector.broadcast %and3A_89 : i32 to vector<16xi32>
        %and3A_91 = arith.andi %get3A_85, %and3A_90 : vector<16xi32>
        tpu.vector_store_idx %arg6[%shift_right_logical3A_88, %and3A_91], %broadcast_in_dim3A_29 {add = true} : memref<80x128xf32, #tpu.memory_space<vmem>>[vector<16xi32>, vector<16xi32>], vector<16xf32>,
        %get3A_92 = arith.index_cast %add3A_58 : i32 to index
        %get3A_93 = arith.constant 64 : index
        %get3A_94 = tpu.vector_load %arg5[%get3A_92, %get3A_93] {strides = array<i32>} : memref<40x128xi32, #tpu.memory_space<vmem>>, vector<16xi32>,
        %shift_right_logical3A_95 = arith.constant 7 : i32
        %shift_right_logical3A_96 = vector.broadcast %shift_right_logical3A_95 : i32 to vector<16xi32>
        %shift_right_logical3A_97 = arith.shrui %get3A_94, %shift_right_logical3A_96 : vector<16xi32>
        %and3A_98 = arith.constant 127 : i32
        %and3A_99 = vector.broadcast %and3A_98 : i32 to vector<16xi32>
        %and3A_100 = arith.andi %get3A_94, %and3A_99 : vector<16xi32>
        tpu.vector_store_idx %arg6[%shift_right_logical3A_97, %and3A_100], %broadcast_in_dim3A_29 {add = true} : memref<80x128xf32, #tpu.memory_space<vmem>>[vector<16xi32>, vector<16xi32>], vector<16xf32>,
        %get3A_101 = arith.index_cast %add3A_58 : i32 to index
        %get3A_102 = arith.constant 80 : index
        %get3A_103 = tpu.vector_load %arg5[%get3A_101, %get3A_102] {strides = array<i32>} : memref<40x128xi32, #tpu.memory_space<vmem>>, vector<16xi32>,
        %shift_right_logical3A_104 = arith.constant 7 : i32
        %shift_right_logical3A_105 = vector.broadcast %shift_right_logical3A_104 : i32 to vector<16xi32>
        %shift_right_logical3A_106 = arith.shrui %get3A_103, %shift_right_logical3A_105 : vector<16xi32>
        %and3A_107 = arith.constant 127 : i32
        %and3A_108 = vector.broadcast %and3A_107 : i32 to vector<16xi32>
        %and3A_109 = arith.andi %get3A_103, %and3A_108 : vector<16xi32>
        tpu.vector_store_idx %arg6[%shift_right_logical3A_106, %and3A_109], %broadcast_in_dim3A_29 {add = true} : memref<80x128xf32, #tpu.memory_space<vmem>>[vector<16xi32>, vector<16xi32>], vector<16xf32>,
        %get3A_110 = arith.index_cast %add3A_58 : i32 to index
        %get3A_111 = arith.constant 96 : index
        %get3A_112 = tpu.vector_load %arg5[%get3A_110, %get3A_111] {strides = array<i32>} : memref<40x128xi32, #tpu.memory_space<vmem>>, vector<16xi32>,
        %shift_right_logical3A_113 = arith.constant 7 : i32
        %shift_right_logical3A_114 = vector.broadcast %shift_right_logical3A_113 : i32 to vector<16xi32>
        %shift_right_logical3A_115 = arith.shrui %get3A_112, %shift_right_logical3A_114 : vector<16xi32>
        %and3A_116 = arith.constant 127 : i32
        %and3A_117 = vector.broadcast %and3A_116 : i32 to vector<16xi32>
        %and3A_118 = arith.andi %get3A_112, %and3A_117 : vector<16xi32>
        tpu.vector_store_idx %arg6[%shift_right_logical3A_115, %and3A_118], %broadcast_in_dim3A_29 {add = true} : memref<80x128xf32, #tpu.memory_space<vmem>>[vector<16xi32>, vector<16xi32>], vector<16xf32>,
        %get3A_119 = arith.index_cast %add3A_58 : i32 to index
        %get3A_120 = arith.constant 112 : index
        %get3A_121 = tpu.vector_load %arg5[%get3A_119, %get3A_120] {strides = array<i32>} : memref<40x128xi32, #tpu.memory_space<vmem>>, vector<16xi32>,
        %shift_right_logical3A_122 = arith.constant 7 : i32
        %shift_right_logical3A_123 = vector.broadcast %shift_right_logical3A_122 : i32 to vector<16xi32>
        %shift_right_logical3A_124 = arith.shrui %get3A_121, %shift_right_logical3A_123 : vector<16xi32>
        %and3A_125 = arith.constant 127 : i32
        %and3A_126 = vector.broadcast %and3A_125 : i32 to vector<16xi32>
        %and3A_127 = arith.andi %get3A_121, %and3A_126 : vector<16xi32>
        tpu.vector_store_idx %arg6[%shift_right_logical3A_124, %and3A_127], %broadcast_in_dim3A_29 {add = true} : memref<80x128xf32, #tpu.memory_space<vmem>>[vector<16xi32>, vector<16xi32>], vector<16xf32>,
      }
      %scan3A_54 = arith.constant 40 : i32
    } else {
    }
    "tpu.region"() ({
      %run_scoped3A = tpu.sem_alloc : memref<!tpu.dma_semaphore, #tpu.memory_space<semaphore_mem>>
      %dma_start3A = arith.constant 0 : i32
      %dma_start3A_46 = arith.constant 0 : i32
      %dma_start3A_47 = tpu.memref_slice %arg8[%dma_start3A, %dma_start3A_46] : memref<80x128xf32, #tpu.memory_space<vmem_shared>> -> memref<80x128xf32, #tpu.memory_space<vmem_shared>>
      tpu.enqueue_indirect_dma source(%arg6 : memref<80x128xf32, #tpu.memory_space<vmem>>) target(%dma_start3A_47 : memref<80x128xf32, #tpu.memory_space<vmem_shared>>) offsets(%arg7 : memref<80xi32, #tpu.memory_space<vmem>>) semaphore(%run_scoped3A : memref<!tpu.dma_semaphore, #tpu.memory_space<semaphore_mem>>) {add = true}
      %dma_wait3A = arith.constant 0 : i32
      %dma_wait3A_48 = arith.constant 0 : i32
      %dma_wait3A_49 = tpu.memref_slice %arg8[%dma_wait3A, %dma_wait3A_48] : memref<80x128xf32, #tpu.memory_space<vmem_shared>> -> memref<80x128xf32, #tpu.memory_space<vmem_shared>>
      tpu.wait_indirect_dma semaphore(%run_scoped3A : memref<!tpu.dma_semaphore, #tpu.memory_space<semaphore_mem>>) src(%arg6 : memref<80x128xf32, #tpu.memory_space<vmem>>) dst(%dma_wait3A_49 : memref<80x128xf32, #tpu.memory_space<vmem_shared>>)
      tpu.yield
    }) : () -> ()
    %barrier3A_40 = arith.constant 0 : index
    tpu.barrier barrier_id(%barrier3A_40)
    %eq3A_41 = arith.constant 0 : i32
    %eq3A_42 = arith.cmpi eq, %arg1, %eq3A_41 : i32
    %convert_element_type3A_43 = arith.extui %eq3A_42 : i1 to i32
    %cond3A_44 = arith.constant 0 : i32
    %cond3A_45 = arith.cmpi ne, %convert_element_type3A_43, %cond3A_44 : i32
    scf.if %cond3A_45 {
      "tpu.region"() ({
        %run_scoped3A = tpu.sem_alloc : memref<!tpu.dma_semaphore, #tpu.memory_space<semaphore_mem>>
        %dma_start3A = arith.constant 0 : i32
        %dma_start3A_46 = arith.constant 0 : i32
        %dma_start3A_47 = tpu.memref_slice %arg4[%arg0, %dma_start3A, %dma_start3A_46] : memref<2x80x128xf32, #tpu.memory_space<hbm>> -> memref<1x80x128xf32, #tpu.memory_space<hbm>>
        %dma_start3A_48 = tpu.memref_squeeze %dma_start3A_47 : memref<1x80x128xf32, #tpu.memory_space<hbm>> -> memref<80x128xf32, #tpu.memory_space<hbm>>
        tpu.enqueue_dma source(%arg8 : memref<80x128xf32, #tpu.memory_space<vmem_shared>>) target(%dma_start3A_48 : memref<80x128xf32, #tpu.memory_space<hbm>>) target_semaphore(%run_scoped3A : memref<!tpu.dma_semaphore, #tpu.memory_space<semaphore_mem>>)
        %dma_wait3A = arith.constant 0 : i32
        %dma_wait3A_49 = arith.constant 0 : i32
        %dma_wait3A_50 = tpu.memref_slice %arg4[%arg0, %dma_wait3A, %dma_wait3A_49] : memref<2x80x128xf32, #tpu.memory_space<hbm>> -> memref<1x80x128xf32, #tpu.memory_space<hbm>>
        %dma_wait3A_51 = tpu.memref_squeeze %dma_wait3A_50 : memref<1x80x128xf32, #tpu.memory_space<hbm>> -> memref<80x128xf32, #tpu.memory_space<hbm>>
        tpu.wait_dma2 semaphore(%run_scoped3A : memref<!tpu.dma_semaphore, #tpu.memory_space<semaphore_mem>>) src(%arg8 : memref<80x128xf32, #tpu.memory_space<vmem_shared>>) dst(%dma_wait3A_51 : memref<80x128xf32, #tpu.memory_space<hbm>>)
        tpu.yield
      }) : () -> ()
    } else {
    }
    return
  }
}

module attributes {stable_mosaic.version = 14 : i64} {
  func.func @_g1_body(%arg0: i32, %arg1: memref<1024x128xf32, #tpu.memory_space<vmem>>, %arg2: memref<128x128xf32, #tpu.memory_space<vmem>>, %arg3: memref<2x8x128xf32, #tpu.memory_space<vmem>>, %arg4: memref<1024x128xf32, #tpu.memory_space<vmem>>) attributes {dimension_semantics = [#tpu.dimension_semantics<arbitrary>], iteration_bounds = array<i64: 10>, scalar_prefetch = 0 : i64, scratch_operands = 0 : i64, tpu.core_type = #tpu.core_type<tc>, window_params = [{transform_indices = @transform_0, window_bounds = array<i64: 1024, 128>}, {pipeline_mode = #tpu.pipeline_mode<synchronous>, transform_indices = @transform_1, window_bounds = array<i64: 128, 128>}, {transform_indices = @transform_2, window_bounds = array<i64: 2, 8, 128>}, {transform_indices = @transform_3, window_bounds = array<i64: 1024, 128>}]} {
    %get3A = arith.constant 0 : index
    %get3A_0 = arith.constant 0 : index
    %get3A_1 = vector.load %arg1[%get3A, %get3A_0] : memref<1024x128xf32, #tpu.memory_space<vmem>>, vector<1024x128xf32>
    %get3A_2 = arith.constant 0 : index
    %get3A_3 = arith.constant 0 : index
    %get3A_4 = vector.load %arg2[%get3A_2, %get3A_3] : memref<128x128xf32, #tpu.memory_space<vmem>>, vector<128x128xf32>
    %dot_general3A = arith.constant dense<0.000000e+00> : vector<1024x128xf32>
    %dot_general3A_5 = tpu.matmul %get3A_1, %get3A_4, %dot_general3A {dimension_numbers = #tpu.dot_dimension_numbers<[1], [0], [0], [1], [0, 0, 1, 1], [], []>, precision = #tpu.contract_precision<fp32>, transpose_lhs_hint = false} : vector<1024x128xf32>, vector<128x128xf32>, vector<1024x128xf32> -> vector<1024x128xf32>
    %get3A_6 = arith.constant 0 : index
    %get3A_7 = arith.constant 0 : index
    %get3A_8 = arith.constant 0 : index
    %get3A_9 = vector.load %arg3[%get3A_6, %get3A_7, %get3A_8] : memref<2x8x128xf32, #tpu.memory_space<vmem>>, vector<2x8x128xf32>
    %slice3A = vector.extract_strided_slice %get3A_9 {offsets = [0, 0, 0], sizes = [1, 8, 128], strides = [1, 1, 1]} : vector<2x8x128xf32> to vector<1x8x128xf32>
    %squeeze3A = vector.shape_cast %slice3A : vector<1x8x128xf32> to vector<8x128xf32>
    %add3A = arith.constant 1.000000e+00 : f32
    %add3A_10 = vector.broadcast %add3A : f32 to vector<8x128xf32>
    %add3A_11 = arith.addf %add3A_10, %squeeze3A : vector<8x128xf32>
    %slice3A_12 = vector.extract_strided_slice %get3A_9 {offsets = [1, 0, 0], sizes = [1, 8, 128], strides = [1, 1, 1]} : vector<2x8x128xf32> to vector<1x8x128xf32>
    %squeeze3A_13 = vector.shape_cast %slice3A_12 : vector<1x8x128xf32> to vector<8x128xf32>
    %add3A_14 = arith.addf %add3A_11, %squeeze3A_13 : vector<8x128xf32>
    %rsqrt3A = math.rsqrt %add3A_14 : vector<8x128xf32>
    %reshape3A = vector.shape_cast %dot_general3A_5 : vector<1024x128xf32> to vector<8x128x128xf32>
    %broadcast_in_dim3A = vector.shape_cast %rsqrt3A : vector<8x128xf32> to vector<8x128x1xf32>
    %mul3A = vector.broadcast %broadcast_in_dim3A : vector<8x128x1xf32> to vector<8x128x128xf32>
    %mul3A_15 = arith.mulf %reshape3A, %mul3A : vector<8x128x128xf32>
    %reshape3A_16 = vector.shape_cast %mul3A_15 : vector<8x128x128xf32> to vector<1024x128xf32>
    %swap3A = arith.constant 0 : index
    %swap3A_17 = arith.constant 0 : index
    %swap3A_18 = vector.load %arg4[%swap3A, %swap3A_17] : memref<1024x128xf32, #tpu.memory_space<vmem>>, vector<1024x128xf32>
    tpu.vector_store %arg4[%swap3A, %swap3A_17], %reshape3A_16 {strides = array<i32>} : memref<1024x128xf32, #tpu.memory_space<vmem>>, vector<1024x128xf32>,
    return
  }
  func.func @transform_0(%arg0: i32) -> (i32, i32) {
    %c0_i32 = arith.constant 0 : i32
    %c0_i32_0 = arith.constant 0 : i32
    return %arg0, %c0_i32 : i32, i32
  }
  func.func @transform_1(%arg0: i32) -> (i32, i32) {
    %c0_i32 = arith.constant 0 : i32
    %c0_i32_0 = arith.constant 0 : i32
    %c0_i32_1 = arith.constant 0 : i32
    return %c0_i32, %c0_i32_0 : i32, i32
  }
  func.func @transform_2(%arg0: i32) -> (i32, i32, i32) {
    %c0_i32 = arith.constant 0 : i32
    %c0_i32_0 = arith.constant 0 : i32
    %c0_i32_1 = arith.constant 0 : i32
    return %c0_i32, %arg0, %c0_i32_0 : i32, i32, i32
  }
  func.func @transform_3(%arg0: i32) -> (i32, i32) {
    %c0_i32 = arith.constant 0 : i32
    %c0_i32_0 = arith.constant 0 : i32
    return %arg0, %c0_i32 : i32, i32
  }
}

module attributes {stable_mosaic.version = 14 : i64} {
  func.func @_mid_body(%arg0: i32, %arg1: memref<2x1024x128xf32, #tpu.memory_space<vmem>>, %arg2: memref<1024x128xf32, #tpu.memory_space<vmem>>, %arg3: memref<2x8x128xf32, #tpu.memory_space<vmem>>, %arg4: memref<1x128xf32, #tpu.memory_space<vmem>>, %arg5: memref<128x128xf32, #tpu.memory_space<vmem>>, %arg6: memref<1024x128xf32, #tpu.memory_space<vmem>>) attributes {dimension_semantics = [#tpu.dimension_semantics<arbitrary>], iteration_bounds = array<i64: 10>, scalar_prefetch = 0 : i64, scratch_operands = 0 : i64, tpu.core_type = #tpu.core_type<tc>, window_params = [{transform_indices = @transform_0, window_bounds = array<i64: 2, 1024, 128>}, {transform_indices = @transform_1, window_bounds = array<i64: 1024, 128>}, {transform_indices = @transform_2, window_bounds = array<i64: 2, 8, 128>}, {pipeline_mode = #tpu.pipeline_mode<synchronous>, transform_indices = @transform_3, window_bounds = array<i64: 1, 128>}, {pipeline_mode = #tpu.pipeline_mode<synchronous>, transform_indices = @transform_4, window_bounds = array<i64: 128, 128>}, {transform_indices = @transform_5, window_bounds = array<i64: 1024, 128>}]} {
    %get3A = arith.constant 0 : index
    %get3A_0 = arith.constant 0 : index
    %get3A_1 = arith.constant 0 : index
    %get3A_2 = vector.load %arg3[%get3A, %get3A_0, %get3A_1] : memref<2x8x128xf32, #tpu.memory_space<vmem>>, vector<2x8x128xf32>
    %slice3A = vector.extract_strided_slice %get3A_2 {offsets = [0, 0, 0], sizes = [1, 8, 128], strides = [1, 1, 1]} : vector<2x8x128xf32> to vector<1x8x128xf32>
    %squeeze3A = vector.shape_cast %slice3A : vector<1x8x128xf32> to vector<8x128xf32>
    %add3A = arith.constant 1.000000e+00 : f32
    %add3A_3 = vector.broadcast %add3A : f32 to vector<8x128xf32>
    %add3A_4 = arith.addf %add3A_3, %squeeze3A : vector<8x128xf32>
    %slice3A_5 = vector.extract_strided_slice %get3A_2 {offsets = [1, 0, 0], sizes = [1, 8, 128], strides = [1, 1, 1]} : vector<2x8x128xf32> to vector<1x8x128xf32>
    %squeeze3A_6 = vector.shape_cast %slice3A_5 : vector<1x8x128xf32> to vector<8x128xf32>
    %add3A_7 = arith.addf %add3A_4, %squeeze3A_6 : vector<8x128xf32>
    %rsqrt3A = math.rsqrt %add3A_7 : vector<8x128xf32>
    %get3A_8 = arith.constant 0 : index
    %get3A_9 = arith.constant 0 : index
    %get3A_10 = arith.constant 0 : index
    %get3A_11 = vector.load %arg1[%get3A_8, %get3A_9, %get3A_10] : memref<2x1024x128xf32, #tpu.memory_space<vmem>>, vector<1x1024x128xf32>
    %get3A_12 = vector.shape_cast %get3A_11 : vector<1x1024x128xf32> to vector<1024x128xf32>
    %get3A_13 = arith.constant 1 : index
    %get3A_14 = arith.constant 0 : index
    %get3A_15 = arith.constant 0 : index
    %get3A_16 = vector.load %arg1[%get3A_13, %get3A_14, %get3A_15] : memref<2x1024x128xf32, #tpu.memory_space<vmem>>, vector<1x1024x128xf32>
    %get3A_17 = vector.shape_cast %get3A_16 : vector<1x1024x128xf32> to vector<1024x128xf32>
    %add3A_18 = arith.addf %get3A_12, %get3A_17 : vector<1024x128xf32>
    %get3A_19 = arith.constant 0 : index
    %get3A_20 = arith.constant 0 : index
    %get3A_21 = vector.load %arg2[%get3A_19, %get3A_20] : memref<1024x128xf32, #tpu.memory_space<vmem>>, vector<1024x128xf32>
    %add3A_22 = arith.addf %add3A_18, %get3A_21 : vector<1024x128xf32>
    %reshape3A = vector.shape_cast %add3A_22 : vector<1024x128xf32> to vector<8x128x128xf32>
    %broadcast_in_dim3A = vector.shape_cast %rsqrt3A : vector<8x128xf32> to vector<8x128x1xf32>
    %mul3A = vector.broadcast %broadcast_in_dim3A : vector<8x128x1xf32> to vector<8x128x128xf32>
    %mul3A_23 = arith.mulf %reshape3A, %mul3A : vector<8x128x128xf32>
    %reshape3A_24 = vector.shape_cast %mul3A_23 : vector<8x128x128xf32> to vector<1024x128xf32>
    %get3A_25 = arith.constant 0 : index
    %get3A_26 = arith.constant 0 : index
    %get3A_27 = vector.load %arg4[%get3A_25, %get3A_26] : memref<1x128xf32, #tpu.memory_space<vmem>>, vector<1x128xf32>
    %add3A_28 = vector.broadcast %get3A_27 : vector<1x128xf32> to vector<1024x128xf32>
    %add3A_29 = arith.addf %reshape3A_24, %add3A_28 : vector<1024x128xf32>
    %max3A = arith.constant 0.000000e+00 : f32
    %max3A_30 = vector.broadcast %max3A : f32 to vector<1024x128xf32>
    %max3A_31 = arith.maximumf %add3A_29, %max3A_30 : vector<1024x128xf32>
    %get3A_32 = arith.constant 0 : index
    %get3A_33 = arith.constant 0 : index
    %get3A_34 = vector.load %arg5[%get3A_32, %get3A_33] : memref<128x128xf32, #tpu.memory_space<vmem>>, vector<128x128xf32>
    %dot_general3A = arith.constant dense<0.000000e+00> : vector<1024x128xf32>
    %dot_general3A_35 = tpu.matmul %max3A_31, %get3A_34, %dot_general3A {dimension_numbers = #tpu.dot_dimension_numbers<[1], [0], [0], [1], [0, 0, 1, 1], [], []>, precision = #tpu.contract_precision<fp32>, transpose_lhs_hint = false} : vector<1024x128xf32>, vector<128x128xf32>, vector<1024x128xf32> -> vector<1024x128xf32>
    %reshape3A_36 = vector.shape_cast %dot_general3A_35 : vector<1024x128xf32> to vector<8x128x128xf32>
    %broadcast_in_dim3A_37 = vector.shape_cast %rsqrt3A : vector<8x128xf32> to vector<8x128x1xf32>
    %mul3A_38 = vector.broadcast %broadcast_in_dim3A_37 : vector<8x128x1xf32> to vector<8x128x128xf32>
    %mul3A_39 = arith.mulf %reshape3A_36, %mul3A_38 : vector<8x128x128xf32>
    %reshape3A_40 = vector.shape_cast %mul3A_39 : vector<8x128x128xf32> to vector<1024x128xf32>
    %swap3A = arith.constant 0 : index
    %swap3A_41 = arith.constant 0 : index
    %swap3A_42 = vector.load %arg6[%swap3A, %swap3A_41] : memref<1024x128xf32, #tpu.memory_space<vmem>>, vector<1024x128xf32>
    tpu.vector_store %arg6[%swap3A, %swap3A_41], %reshape3A_40 {strides = array<i32>} : memref<1024x128xf32, #tpu.memory_space<vmem>>, vector<1024x128xf32>,
    return
  }
  func.func @transform_0(%arg0: i32) -> (i32, i32, i32) {
    %c0_i32 = arith.constant 0 : i32
    %c0_i32_0 = arith.constant 0 : i32
    %c0_i32_1 = arith.constant 0 : i32
    return %c0_i32, %arg0, %c0_i32_0 : i32, i32, i32
  }
  func.func @transform_1(%arg0: i32) -> (i32, i32) {
    %c0_i32 = arith.constant 0 : i32
    %c0_i32_0 = arith.constant 0 : i32
    return %arg0, %c0_i32 : i32, i32
  }
  func.func @transform_2(%arg0: i32) -> (i32, i32, i32) {
    %c0_i32 = arith.constant 0 : i32
    %c0_i32_0 = arith.constant 0 : i32
    %c0_i32_1 = arith.constant 0 : i32
    return %c0_i32, %arg0, %c0_i32_0 : i32, i32, i32
  }
  func.func @transform_3(%arg0: i32) -> (i32, i32) {
    %c0_i32 = arith.constant 0 : i32
    %c0_i32_0 = arith.constant 0 : i32
    %c0_i32_1 = arith.constant 0 : i32
    return %c0_i32, %c0_i32_0 : i32, i32
  }
  func.func @transform_4(%arg0: i32) -> (i32, i32) {
    %c0_i32 = arith.constant 0 : i32
    %c0_i32_0 = arith.constant 0 : i32
    %c0_i32_1 = arith.constant 0 : i32
    return %c0_i32, %c0_i32_0 : i32, i32
  }
  func.func @transform_5(%arg0: i32) -> (i32, i32) {
    %c0_i32 = arith.constant 0 : i32
    %c0_i32_0 = arith.constant 0 : i32
    return %arg0, %c0_i32 : i32, i32
  }
}

module attributes {stable_mosaic.version = 14 : i64} {
  func.func @_out_body(%arg0: i32, %arg1: memref<2x1024x128xf32, #tpu.memory_space<vmem>>, %arg2: memref<1024x128xf32, #tpu.memory_space<vmem>>, %arg3: memref<2x8x128xf32, #tpu.memory_space<vmem>>, %arg4: memref<1x128xf32, #tpu.memory_space<vmem>>, %arg5: memref<128x40xf32, #tpu.memory_space<vmem>>, %arg6: memref<1x40xf32, #tpu.memory_space<vmem>>, %arg7: memref<1024x40xf32, #tpu.memory_space<vmem>>) attributes {dimension_semantics = [#tpu.dimension_semantics<arbitrary>], iteration_bounds = array<i64: 10>, scalar_prefetch = 0 : i64, scratch_operands = 0 : i64, tpu.core_type = #tpu.core_type<tc>, window_params = [{transform_indices = @transform_0, window_bounds = array<i64: 2, 1024, 128>}, {transform_indices = @transform_1, window_bounds = array<i64: 1024, 128>}, {transform_indices = @transform_2, window_bounds = array<i64: 2, 8, 128>}, {pipeline_mode = #tpu.pipeline_mode<synchronous>, transform_indices = @transform_3, window_bounds = array<i64: 1, 128>}, {pipeline_mode = #tpu.pipeline_mode<synchronous>, transform_indices = @transform_4, window_bounds = array<i64: 128, 40>}, {pipeline_mode = #tpu.pipeline_mode<synchronous>, transform_indices = @transform_5, window_bounds = array<i64: 1, 40>}, {transform_indices = @transform_6, window_bounds = array<i64: 1024, 40>}]} {
    %get3A = arith.constant 0 : index
    %get3A_0 = arith.constant 0 : index
    %get3A_1 = arith.constant 0 : index
    %get3A_2 = vector.load %arg3[%get3A, %get3A_0, %get3A_1] : memref<2x8x128xf32, #tpu.memory_space<vmem>>, vector<2x8x128xf32>
    %slice3A = vector.extract_strided_slice %get3A_2 {offsets = [0, 0, 0], sizes = [1, 8, 128], strides = [1, 1, 1]} : vector<2x8x128xf32> to vector<1x8x128xf32>
    %squeeze3A = vector.shape_cast %slice3A : vector<1x8x128xf32> to vector<8x128xf32>
    %add3A = arith.constant 1.000000e+00 : f32
    %add3A_3 = vector.broadcast %add3A : f32 to vector<8x128xf32>
    %add3A_4 = arith.addf %add3A_3, %squeeze3A : vector<8x128xf32>
    %slice3A_5 = vector.extract_strided_slice %get3A_2 {offsets = [1, 0, 0], sizes = [1, 8, 128], strides = [1, 1, 1]} : vector<2x8x128xf32> to vector<1x8x128xf32>
    %squeeze3A_6 = vector.shape_cast %slice3A_5 : vector<1x8x128xf32> to vector<8x128xf32>
    %add3A_7 = arith.addf %add3A_4, %squeeze3A_6 : vector<8x128xf32>
    %rsqrt3A = math.rsqrt %add3A_7 : vector<8x128xf32>
    %get3A_8 = arith.constant 0 : index
    %get3A_9 = arith.constant 0 : index
    %get3A_10 = arith.constant 0 : index
    %get3A_11 = vector.load %arg1[%get3A_8, %get3A_9, %get3A_10] : memref<2x1024x128xf32, #tpu.memory_space<vmem>>, vector<1x1024x128xf32>
    %get3A_12 = vector.shape_cast %get3A_11 : vector<1x1024x128xf32> to vector<1024x128xf32>
    %get3A_13 = arith.constant 1 : index
    %get3A_14 = arith.constant 0 : index
    %get3A_15 = arith.constant 0 : index
    %get3A_16 = vector.load %arg1[%get3A_13, %get3A_14, %get3A_15] : memref<2x1024x128xf32, #tpu.memory_space<vmem>>, vector<1x1024x128xf32>
    %get3A_17 = vector.shape_cast %get3A_16 : vector<1x1024x128xf32> to vector<1024x128xf32>
    %add3A_18 = arith.addf %get3A_12, %get3A_17 : vector<1024x128xf32>
    %get3A_19 = arith.constant 0 : index
    %get3A_20 = arith.constant 0 : index
    %get3A_21 = vector.load %arg2[%get3A_19, %get3A_20] : memref<1024x128xf32, #tpu.memory_space<vmem>>, vector<1024x128xf32>
    %add3A_22 = arith.addf %add3A_18, %get3A_21 : vector<1024x128xf32>
    %reshape3A = vector.shape_cast %add3A_22 : vector<1024x128xf32> to vector<8x128x128xf32>
    %broadcast_in_dim3A = vector.shape_cast %rsqrt3A : vector<8x128xf32> to vector<8x128x1xf32>
    %mul3A = vector.broadcast %broadcast_in_dim3A : vector<8x128x1xf32> to vector<8x128x128xf32>
    %mul3A_23 = arith.mulf %reshape3A, %mul3A : vector<8x128x128xf32>
    %reshape3A_24 = vector.shape_cast %mul3A_23 : vector<8x128x128xf32> to vector<1024x128xf32>
    %get3A_25 = arith.constant 0 : index
    %get3A_26 = arith.constant 0 : index
    %get3A_27 = vector.load %arg4[%get3A_25, %get3A_26] : memref<1x128xf32, #tpu.memory_space<vmem>>, vector<1x128xf32>
    %add3A_28 = vector.broadcast %get3A_27 : vector<1x128xf32> to vector<1024x128xf32>
    %add3A_29 = arith.addf %reshape3A_24, %add3A_28 : vector<1024x128xf32>
    %max3A = arith.constant 0.000000e+00 : f32
    %max3A_30 = vector.broadcast %max3A : f32 to vector<1024x128xf32>
    %max3A_31 = arith.maximumf %add3A_29, %max3A_30 : vector<1024x128xf32>
    %get3A_32 = arith.constant 0 : index
    %get3A_33 = arith.constant 0 : index
    %get3A_34 = vector.load %arg5[%get3A_32, %get3A_33] : memref<128x40xf32, #tpu.memory_space<vmem>>, vector<128x40xf32>
    %dot_general3A = arith.constant dense<0.000000e+00> : vector<1024x40xf32>
    %dot_general3A_35 = tpu.matmul %max3A_31, %get3A_34, %dot_general3A {dimension_numbers = #tpu.dot_dimension_numbers<[1], [0], [0], [1], [0, 0, 1, 1], [], []>, precision = #tpu.contract_precision<fp32>, transpose_lhs_hint = false} : vector<1024x128xf32>, vector<128x40xf32>, vector<1024x40xf32> -> vector<1024x40xf32>
    %get3A_36 = arith.constant 0 : index
    %get3A_37 = arith.constant 0 : index
    %get3A_38 = vector.load %arg6[%get3A_36, %get3A_37] : memref<1x40xf32, #tpu.memory_space<vmem>>, vector<1x40xf32>
    %add3A_39 = vector.broadcast %get3A_38 : vector<1x40xf32> to vector<1024x40xf32>
    %add3A_40 = arith.addf %dot_general3A_35, %add3A_39 : vector<1024x40xf32>
    %swap3A = arith.constant 0 : index
    %swap3A_41 = arith.constant 0 : index
    %swap3A_42 = vector.load %arg7[%swap3A, %swap3A_41] : memref<1024x40xf32, #tpu.memory_space<vmem>>, vector<1024x40xf32>
    tpu.vector_store %arg7[%swap3A, %swap3A_41], %add3A_40 {strides = array<i32>} : memref<1024x40xf32, #tpu.memory_space<vmem>>, vector<1024x40xf32>,
    return
  }
  func.func @transform_0(%arg0: i32) -> (i32, i32, i32) {
    %c0_i32 = arith.constant 0 : i32
    %c0_i32_0 = arith.constant 0 : i32
    %c0_i32_1 = arith.constant 0 : i32
    return %c0_i32, %arg0, %c0_i32_0 : i32, i32, i32
  }
  func.func @transform_1(%arg0: i32) -> (i32, i32) {
    %c0_i32 = arith.constant 0 : i32
    %c0_i32_0 = arith.constant 0 : i32
    return %arg0, %c0_i32 : i32, i32
  }
  func.func @transform_2(%arg0: i32) -> (i32, i32, i32) {
    %c0_i32 = arith.constant 0 : i32
    %c0_i32_0 = arith.constant 0 : i32
    %c0_i32_1 = arith.constant 0 : i32
    return %c0_i32, %arg0, %c0_i32_0 : i32, i32, i32
  }
  func.func @transform_3(%arg0: i32) -> (i32, i32) {
    %c0_i32 = arith.constant 0 : i32
    %c0_i32_0 = arith.constant 0 : i32
    %c0_i32_1 = arith.constant 0 : i32
    return %c0_i32, %c0_i32_0 : i32, i32
  }
  func.func @transform_4(%arg0: i32) -> (i32, i32) {
    %c0_i32 = arith.constant 0 : i32
    %c0_i32_0 = arith.constant 0 : i32
    %c0_i32_1 = arith.constant 0 : i32
    return %c0_i32, %c0_i32_0 : i32, i32
  }
  func.func @transform_5(%arg0: i32) -> (i32, i32) {
    %c0_i32 = arith.constant 0 : i32
    %c0_i32_0 = arith.constant 0 : i32
    %c0_i32_1 = arith.constant 0 : i32
    return %c0_i32, %c0_i32_0 : i32, i32
  }
  func.func @transform_6(%arg0: i32) -> (i32, i32) {
    %c0_i32 = arith.constant 0 : i32
    %c0_i32_0 = arith.constant 0 : i32
    return %arg0, %c0_i32 : i32, i32
  }
}

</mosaic_0001>

<sc_bundles>
// kernel: kernel.11.cloned.1.call-start
scs
__scs_entry_jumppad:
0x0: {  	(pc) =	sbr.rel $0x88, $3  }
0x1: {  	(tag) =	ssettag $0x0;
	lr =	simm.s32 $0x1  }
0x2: {  	[smem:$0x3F99] =	sst lr;
	_ =	strace $0xD0000000  }
0x3: {  	_ = 	snop  }
0x4: {  	_ = 	snop  }
0x5: {  	_ = 	snop  }
0x6: {  	_ = 	snop  }
0x7: {  	_ = 	snop  }
__scs_overlays_trampoline_lowered:
0x8: {  	[smem:$0x3FA8] =	sst s0  }
0x9: {  	[smem:$0x3FA9] =	sst s1  }
0xa: {  	[smem:$0x3FAA] =	sst s2  }
0xb: {  	[smem:$0x3FAB] =	sst s3  }
0xc: {  	[smem:$0x3FAC] =	sst s4  }
0xd: {  	[smem:$0x3FAD] =	sst s5  }
0xe: {  	[smem:$0x3FAE] =	sst s6  }
0xf: {  	[smem:$0x3FAF] =	sst s7  }
0x10: {  	[smem:$0x3FB0] =	sst s8  }
0x11: {  	[smem:$0x3FB1] =	sst s9;
	s0 =	simm.s32 @!p0 $0x0  }
0x12: {  	s1 =	sld [smem:$0x3F97];
	s0 =	simm.s32 @p0 $0x1  }
0x13: {  	[smem:$0x3FB2] =	sst s0;
	s0 =	simm.s32 @!p1 $0x0  }
0x14: {  	s2 =	sld [smem:$0x3F96];
	s0 =	simm.s32 @p1 $0x1  }
0x15: {  	[smem:$0x3FB3] =	sst s0;
	s0 =	simm.s32 @!p2 $0x0  }
0x16: {  	s3 =	sld [smem:$0x3FDB];
	s0 =	simm.s32 @p2 $0x1  }
0x17: {  	s4 =	simm.s32 $0x1BF5;
	[smem:$0x3FB5] =	sst s0  }
0x18: {  	s0 =	sld [smem:$0x3F98];
	_ =	swait.ge [sflag:s4], $0x0  }
0x19: {  	s7 =	sld [smem:$0x3F99]  }
0x1a: {  	s8 =	sadd.s32 $0xFFFFE003, lr  }
0x1b: {  	s9 =	sadd.s32 $0xFFFFFEF7, lr;
	s5 =	simm.s32 $0xFFFFFFFF;
	p2 =	slt.u32 s8, $0xFFFFF086  }
0x1c: {  	p1 =	slt.u32 s9, $0xF7A;
	s5 =	simm.s32 @!p2 $0x0  }
0x1d: {  	s5 =	simm.s32 @p1 $0x1;
	p0 =	seq.s32 s7, s2  }
0x1e: {  	s7 =	smul.u32 @!p0 $0xF7A, s2;
	p2 =	seq.s32 @!p0 s5, $0x0  }
0x1f: {  	s9 =	smul.u32 $0xF7A, s1;
	s8 =	simm.s32 @!p0 $0x1BF5;
	p2 =	por !p2, p0  }
0x20: {  	[sflag:s8] =	ssyncset.s32 @!p0 $0xFFFFF086;
	s6 =	sadd.s32 @!p0 s3, s7;
	s7 =	simm.s32 @!p0 $0x108  }
0x21: {  	s3 =	sadd.s32 s3, s9;
	s6 =	sadd.s32 @!p0 $0x88, s6;
	s7 =	simm.s32 @p2 $0x1082  }
0x22: {  	[simem:s7], [sflag:s8] =	dma.local @!p0 [hbm:s6], $0xF7A  }
0x23: {  	s9 =	sor.u32 $0xD0000000, s2;
	s6 =	simm.s32 $0x108;
	_ =	swait.ge @!p0 [sflag:s8], $0x0  }
0x24: {  	s3 =	sadd.s32 $0x88, s3;
	s6 =	simm.s32 @!p1 $0x1082;
	[sflag:s4] =	ssyncset.s32 $0xFFFFF086  }
0x25: {  	[simem:s6], [sflag:s4] =	dma.local [hbm:s3], $0xF7A  }
0x26: {  	[smem:$0x3F99] =	sst s1;
	(tag) =	ssettag s2;
	_ =	strace s9  }
0x27: {  	s1 =	sld [smem:$0x3FA9]  }
0x28: {  	s2 =	sld [smem:$0x3FAA]  }
0x29: {  	s4 =	sld [smem:$0x3FAC]  }
0x2a: {  	p0 =	seq.s32 s5, $0x0;
	s5 =	sld [smem:$0x3FAD]  }
0x2b: {  	s6 =	sld [smem:$0x3FAE]  }
0x2c: {  	s7 =	sld [smem:$0x3FAF]  }
0x2d: {  	s3 =	simm.s32 $0x108;
	s8 =	sld [smem:$0x3FB0]  }
0x2e: {  	s3 =	simm.s32 @!p0 $0x1082;
	s9 =	sld [smem:$0x3FB1]  }
0x2f: {  	lr =	sadd.s32 s0, s3;
	s0 =	sld [smem:$0x3FA8]  }
0x30: {  	s3 =	sld [smem:$0x3FAB]  }
0x31: {  	[smem:$0x3FB4] =	sst s10  }
0x32: {  	s10 =	sld [smem:$0x3FB2];
	_ =	sdelay $0x3  }
0x33: {  	p0 =	seq.s32 s10, $0x1;
	s10 =	sld [smem:$0x3FB4];
	_ =	sdelay $0x3  }
0x34: {  	[smem:$0x3FB4] =	sst s10  }
0x35: {  	s10 =	sld [smem:$0x3FB3];
	_ =	sdelay $0x3  }
0x36: {  	p1 =	seq.s32 s10, $0x1;
	s10 =	sld [smem:$0x3FB4];
	_ =	sdelay $0x3  }
0x37: {  	[smem:$0x3FB4] =	sst s10  }
0x38: {  	s10 =	sld [smem:$0x3FB5]  }
0x39: {  	_ = 	snop;
	(pc) =	sbr.ind lr, $3  }
0x3a: {  	_ = 	snop  }
0x3b: {  	_ = 	snop  }
0x3c: {  	p2 =	seq.s32 s10, $0x1;
	s10 =	sld [smem:$0x3FB4]  }
0x3d: {  	_ =	shalt  }
0x3e: {  	_ =	shalt  }
0x3f: {  	_ =	shalt  }
0x40: {  	_ =	shalt  }
0x41: {  	_ =	shalt  }
0x42: {  	_ =	shalt  }
0x43: {  	_ =	shalt  }
0x44: {  	_ =	shalt  }
0x45: {  	_ =	shalt  }
0x46: {  	_ =	shalt  }
0x47: {  	_ =	shalt  }
0x48: {  	_ =	shalt  }
0x49: {  	_ =	shalt  }
0x4a: {  	_ =	shalt  }
0x4b: {  	_ =	shalt  }
0x4c: {  	_ =	shalt  }
0x4d: {  	_ =	shalt  }
0x4e: {  	_ =	shalt  }
0x4f: {  	_ =	shalt  }
0x50: {  	_ =	shalt  }
0x51: {  	_ =	shalt  }
0x52: {  	_ =	shalt  }
0x53: {  	_ =	shalt  }
0x54: {  	_ =	shalt  }
0x55: {  	_ =	shalt  }
0x56: {  	_ =	shalt  }
0x57: {  	_ =	shalt  }
0x58: {  	_ =	shalt  }
0x59: {  	_ =	shalt  }
0x5a: {  	_ =	shalt  }
0x5b: {  	_ =	shalt  }
0x5c: {  	_ =	shalt  }
0x5d: {  	_ =	shalt  }
0x5e: {  	_ =	shalt  }
0x5f: {  	_ =	shalt  }
0x60: {  	_ =	shalt  }
0x61: {  	_ =	shalt  }
0x62: {  	_ =	shalt  }
0x63: {  	_ =	shalt  }
0x64: {  	_ =	shalt  }
0x65: {  	_ =	shalt  }
0x66: {  	_ =	shalt  }
0x67: {  	_ =	shalt  }
0x68: {  	_ =	shalt  }
0x69: {  	_ =	shalt  }
0x6a: {  	_ =	shalt  }
0x6b: {  	_ =	shalt  }
0x6c: {  	_ =	shalt  }
0x6d: {  	_ =	shalt  }
0x6e: {  	_ =	shalt  }
0x6f: {  	_ =	shalt  }
0x70: {  	_ =	shalt  }
0x71: {  	_ =	shalt  }
0x72: {  	_ =	shalt  }
0x73: {  	_ =	shalt  }
0x74: {  	_ =	shalt  }
0x75: {  	_ =	shalt  }
0x76: {  	_ =	shalt  }
0x77: {  	_ =	shalt  }
0x78: {  	_ =	shalt  }
0x79: {  	_ =	shalt  }
0x7a: {  	_ =	shalt  }
0x7b: {  	_ =	shalt  }
0x7c: {  	_ =	shalt  }
0x7d: {  	_ =	shalt  }
0x7e: {  	_ =	shalt  }
0x7f: {  	_ =	shalt  }
0x80: {  	_ =	shalt  }
0x81: {  	_ =	shalt  }
0x82: {  	_ =	shalt  }
0x83: {  	_ =	shalt  }
0x84: {  	_ =	shalt  }
0x85: {  	_ =	shalt  }
0x86: {  	_ =	shalt  }
0x87: {  	_ =	shalt  }
.Lfunc_end0:
.L_simem_size_0:
called_computation.1_lowered:
.L_overlay_start_0:
0x88: {  	s2 =	sld [smem:$0x3FD9]  }
0x89: {  	s3 =	sld [smem:$0x3FFE];
	_ =	sdelay $0x1  }
0x8a: {  	s1 =	srdreg.scid  }
0x8b: {  	s0 =	sand.u32 $0x1, s1  }
0x8c: {  	s17 =	sshll.u32 s0, $0xA;
	s2 =	sadd.s32 s3, s2  }
0x8d: {  	s2 =	sadd.s32 s2, s17  }
0x8e: {  	[smem:$0x3FC0] =	sst s2  }
0x8f: {  	_ = 	snop  }
0x90: {  	s2 =	sld [smem:$0x3FD0];
	(tm) =	ssettm $0x1  }
0x91: {  	s18 =	sld [smem:$0x3FFB];
	_ =	sdelay $0x3  }
0x92: {  	_ =	strace s18  }
0x93: {  	s3 =	sld [smem:$0x3FFC];
	_ =	sdelay $0x3  }
0x94: {  	_ =	strace s3  }
0x95: {  	s3 =	sld [smem:$0x3FFD];
	_ =	sdelay $0x3  }
0x96: {  	_ =	strace s3  }
0x97: {  	_ =	strace $0x8FFFFFFF  }
0x98: {  	s19 =	sld [smem:$0x3FDB];
	_ =	sdelay $0x1  }
0x99: {  	s4 =	simm.s32 $_scs_section_size  }
0x9a: {  	s5 =	simm.s32 $_size__tile_overlayer_lowered;
	s6 =	simm.s32 $_tile_overlayer_lowered  }
0x9b: {  	s22 =	simm.s32 $0x1BFF;
	s21 =	sshll.u32 s6, $0x1;
	s3 =	sadd.s32 s4, s19  }
0x9c: {  	s7 =	simm.s32 $0x0;
	s20 =	sshll.u32 s5, $0x1;
	s5 =	sadd.s32 s21, s3  }
0x9d: {  	[timem:s7], [sflag:s22] =	dma.local [hbm:s5], s20  }
0x9e: {  	_ =	swait.ge [sflag:s22], s20  }
0x9f: {  	s4 =	ssub.s32 $0x0, s20;
	[sflag:s22] =	ssyncset.done $0x0  }
0xa0: {  	[sflag:s22] =	ssyncadd.s32 s4;
	_ =	sdelay $0x1  }
0xa1: {  	s23 =	simm.s32 $0x1B8B  }
0xa2: {  	_ =	swait.ge [sflag:s23], $0x1  }
0xa3: {  	[sflag:s23] =	ssyncset.done $0x0  }
0xa4: {  	s25 =	simm.s32 $0x1B8E;
	s24 =	sld [smem:$0x3FFE];
	[sflag:s23] =	ssyncadd.s32 $0xFFFFFFFF  }
0xa5: {  	s26 =	simm.s32 $execute0_lowered;
	[smem:$0x3FD2] =	sst s25  }
0xa6: {  	s5 =	sshll.u32 s26, $0x1;
	_ =	strace $0x80000049;
	[dreg:$0x1] =	wrdreg $0xFFFFFFFF  }
0xa7: {  	s28 =	simm.s32 $_size_execute0_lowered;
	s3 =	sadd.s32 s3, s5;
	[dreg:$0x0] =	wrdreg $0x0  }
0xa8: {  	s5 =	sshll.u32 s28, $0x1;
	[dreg:$0x2] =	wrdreg s3  }
0xa9: {  	[dreg:$0x3] =	wrdreg s5  }
0xaa: {  	[dreg:$0x4] =	wrdreg $0xC0  }
0xab: {  	_ =	task [dreg:s7], $0x5FFFF  }
0xac: {  	[dreg:$0x1] =	wrdreg $0xFFFFFFFF  }
0xad: {  	[dreg:$0x0] =	wrdreg $0x60  }
0xae: {  	[dreg:$0x2] =	wrdreg s24  }
0xaf: {  	[dreg:$0x3] =	wrdreg s2  }
0xb0: {  	[dreg:$0x4] =	wrdreg $0xA8000  }
0xb1: {  	[dreg:$0x5] =	wrdreg $0x9  }
0xb2: {  	_ =	task.clear_ibuf [dreg:s7], $0x6FFFF;
	_ =	strace $0x90000049  }
0xb3: {  	s29 =	simm.s32 $0x9;
	_ =	strace $0x8000004B  }
0xb4: {  	_ =	swait.ge [sflag:s29], $0x1  }
0xb5: {  	[sflag:s29] =	ssyncadd.s32 $0xFFFFFFFF  }
0xb6: {  	_ =	strace $0x9000004B  }
0xb7: {  	_ =	sfence  }
0xb8: {  	s30 =	sld [smem:$0x0];
	_ =	sdelay $0x2  }
0xb9: {  	s31 =	sshll.u32 s1, $0xD;
	s1 =	sshrl.u32 s1, $0x2  }
0xba: {  	s3 =	sand.u32 $0x4000, s31;
	s1 =	sadd.s32 s1, s30  }
0xbb: {  	s0 =	sor.u32 s3, s0;
	s1 =	sshll.u32 s1, $0x11  }
0xbc: {  	s0 =	sor.u32 s1, s0  }
0xbd: {  	s0 =	sadd.s32 $0x8F2B, s0  }
0xbe: {  	[sflag:s0] =	ssyncadd.remote.s32 $0x1  }
0xbf: {  	_ =	sfence.sel $0xFFFF  }
0xc0: {  	[dreg:$0x0] =	wrdreg $0xFFFFFFFF;
	(pc) =	sbr.abs _section_cstart, $3  }
0xc1: {  	[dreg:$0x1] =	wrdreg $0xFFFFFFFF  }
0xc2: {  	_ =	task.clear_ibuf [dreg:s7], $0x2FFFF;
	_ =	strace $0x9FFFFFFF  }
0xc3: {  	(tm) =	ssettm $0x7FFFFFFF  }
tec
execute0_lowered:
.L_overlay_start_1:
0x0: {  	(tag) =	ssettag $0x1  }
0x1: {  	s5 =	rddreg [dreg:$0x0]  }
0x2: {  	s14 =	rddreg [dreg:$0x1]  }
0x3: {  	s2 =	rddreg [dreg:$0x2]  }
0x4: {  	s0 =	rddreg [dreg:$0x3]  }
0x5: {  	s1 =	stileid.u32;
	s4 =	srdreg.scid;
	s3 =	simm.s32 $0x0  }
0x6: {  	s20 =	simm.s32 $0x80;
	s21 =	simm.s32 $0x2800;
	s22 =	simm.s32 $0x6800  }
0x7: {  	s23 =	simm.s32 $0x1;
	s24 =	simm.s32 $0x2;
	s25 =	simm.s32 $0x2700  }
0x8: {  	s26 =	simm.s32 $0x2780;
	s6 =	smul.u32 $0x14000, s1;
	s7 =	sand.u32 $0x1, s4  }
0x9: {  	[smem:$0x7FF] =	sst s3;
	s4 =	sadd.s32 $0x34E00, s5;
	s9 =	smul.u32 $0x50000, s1  }
0xa: {  	s13 =	sadd.s32 $0x2E00, s5;
	s10 =	smul.u32 $0x5000, s1;
	s31 =	sshll.u32 s1, $0x6  }
0xb: {  	s8 =	smul.u32 $0x140000, s7;
	_ =	strace $0x8000004A;
	s29 =	ssub.s32 $0x2, s7  }
0xc: {  	p0 =	seq.s32 s7, $0x1;
	s30 =	sshrl.u32 s29, $0x1;
	s9 =	sshrl.u32 s9, $0x2  }
0xd: {  	s12 =	sshrl.u32 s10, $0x3;
	s8 =	sadd.s32 s6, s8;
	s6 =	sshrl.u32 s6, $0x3  }
0xe: {  	s16 =	ssub.s32 s29, s30;
	s17 =	sadd.s32 s9, s2;
	s7 =	sadd.s32 s13, s12  }
0xf: {  	s10 =	sadd.s32 $0x280, s12;
	s18 =	sadd.s32 $0x500, s12;
	s19 =	sadd.s32 $0x780, s12  }
0x10: {  	s8 =	sshrl.u32 s8, $0x3;
	s6 =	sadd.s32 s6, s5;
	s9 =	sadd.s32 s13, s10  }
.Ltmp0:
0x11: {  	s10 =	sadd.s32 s14, s10;
	s11 =	sadd.s32 s13, s18;
	(pc) =	sbr.rel .LBB2_1-.Ltmp0, $4  }
0x12: {  	s13 =	sadd.s32 s13, s19;
	s16 =	smax.u32 s16, $0x1;
	s17 =	sshrl.u32 s17, $0x3  }
0x13: {  	s15 =	sadd.s32 s8, s5;
	s5 =	sadd.s32 $0xCE00, s6;
	s6 =	sor.u32 $0x1C03, s31  }
0x14: {  	s8 =	sadd.s32 s14, s12;
	s12 =	sadd.s32 s14, s18;
	s14 =	sadd.s32 s14, s19  }
0x15: {  	s18 =	simm.s32 $0x3;
	s19 =	simm.s32 $0x1400;
	s15 =	sadd.s32 $0x5CE00, s15  }
.LBB2_11:
0x16: {  	[tilespmem:s22], [sflag:$0x2] =	stream.indirect.gather [hbm4b:s4+s20], $0x80, s29, s20, $0xb8;
	[tilespmem:$0x1E800] =	vst v63  }
.LBB2_12:
0x17: {  	_ =	swait.ge [sflag:s23], $0x4000  }
0x18: {  	[sflag:s23] =	ssyncset.done $0x0  }
0x19: {  	[sflag:s23] =	ssyncadd.s32 $0xFFFFC000  }
0x1a: {  	[spmem:s2] =	stream.indirect.scatter.add.f32 [tilespmem:s21], [sflag:$0x3], $0x80, s25, s20, $0xb8;
	[tilespmem:$0x1E800] =	vst v63  }
0x1b: {  	_ =	swait.ge [sflag:s18], $0x4000  }
0x1c: {  	[sflag:s18] =	ssyncset.done $0x0  }
0x1d: {  	[sflag:s18] =	ssyncadd.s32 $0xFFFFC000  }
0x1e: {  	_ =	swait.ge [sflag:s24], $0x4000  }
0x1f: {  	[sflag:s24] =	ssyncset.done $0x0  }
0x20: {  	[sflag:s24] =	ssyncadd.s32 $0xFFFFC000  }
0x21: {  	[spmem:s2] =	stream.indirect.scatter.add.f32 [tilespmem:s22], [sflag:$0x3], $0x80, s26, s20, $0xb8;
	[tilespmem:$0x1E800] =	vst v63  }
0x22: {  	_ =	swait.ge [sflag:s18], $0x4000  }
0x23: {  	s3 =	sadd.s32 $0x1, s3;
	[sflag:s18] =	ssyncset.done $0x0  }
0x24: {  	p1 =	sne.s32 s3, s16;
	[sflag:s18] =	ssyncadd.s32 $0xFFFFC000  }
.Ltmp1:
0x25: {  	[bflag:$0x0] =	sbarrier.arrive $0xFFFF;
	(pc) =	sbr.rel @!p1 .LBB2_13-.Ltmp1, $4  }
0x26: {  	[hbm:s15], [sflag:s6] =	dma.local [spmem:s17], $0x2800  }
0x27: {  	_ =	swait.ge [sflag:s18], $0x2800  }
0x28: {  	[sflag:s18] =	ssyncset.done $0x0  }
0x29: {  	[sflag:s18] =	ssyncadd.s32 $0xFFFFD800  }
.LBB2_1:
0x2a: {  	[spmem:s17], [sflag:s6] =	dma.local [hbm:s5], $0x2800  }
.Ltmp2:
0x2b: {  	_ =	swait.ge [sflag:s18], $0x2800;
	(pc) =	sbr.rel @!p0 .LBB2_2-.Ltmp2, $4  }
0x2c: {  	[sflag:s18] =	ssyncset.done $0x0  }
0x2d: {  	[sflag:s18] =	ssyncadd.s32 $0xFFFFD800  }
0x2e: {  	[bflag:$0x0] =	sbarrier.arrive $0xFFFF  }
0x2f: {  	s28 =	simm.s32 $0x0  }
0x30: {  	[tilespmem:s28], [sflag:$0x3] =	stream.linear.gather [hbm4b:s11+s28], $0x1400, $0x38;
	[tilespmem:$0x1E800] =	vst v63  }
0x31: {  	_ =	swait.ge [sflag:s18], $0x1400  }
0x32: {  	[sflag:s18] =	ssyncset.done $0x0  }
0x33: {  	[sflag:s18] =	ssyncadd.s32 $0xFFFFEC00  }
0x34: {  	[tilespmem:s19], [sflag:$0x3] =	stream.linear.gather [hbm4b:s12+s28], $0x1400, $0x38;
	[tilespmem:$0x1E800] =	vst v63  }
0x35: {  	_ =	swait.ge [sflag:s18], $0x1400  }
0x36: {  	[sflag:s18] =	ssyncset.done $0x0  }
0x37: {  	[sflag:s18] =	ssyncadd.s32 $0xFFFFEC00  }
0x38: {  	[tilespmem:s21], [sflag:$0x1] =	stream.indirect.gather [hbm4b:s4+s20], $0x80, s28, s20, $0xb8;
	[tilespmem:$0x1E800] =	vst v63  }
0x39: {  	_ = 	snop  }
0x3a: {  	[tilespmem:s22], [sflag:$0x2] =	stream.indirect.gather [hbm4b:s4+s20], $0x80, s20, s20, $0xb8;
	[tilespmem:$0x1E800] =	vst v63  }
0x3b: {  	_ =	swait.ge [sflag:s23], $0x4000  }
0x3c: {  	[sflag:s23] =	ssyncset.done $0x0  }
0x3d: {  	s28 =	simm.s32 $0x1400;
	[sflag:s23] =	ssyncadd.s32 $0xFFFFC000  }
0x3e: {  	[spmem:s2] =	stream.indirect.scatter.add.f32 [tilespmem:s21], [sflag:$0x3], $0x80, s28, s20, $0xb8;
	[tilespmem:$0x1E800] =	vst v63  }
0x3f: {  	_ =	swait.ge [sflag:s18], $0x4000  }
0x40: {  	[sflag:s18] =	ssyncset.done $0x0  }
0x41: {  	s28 =	simm.s32 $0x100;
	[sflag:s18] =	ssyncadd.s32 $0xFFFFC000  }
0x42: {  	[tilespmem:s21], [sflag:$0x1] =	stream.indirect.gather [hbm4b:s4+s20], $0x80, s28, s20, $0xb8;
	[tilespmem:$0x1E800] =	vst v63  }
0x43: {  	_ =	swait.ge [sflag:s24], $0x4000  }
0x44: {  	[sflag:s24] =	ssyncset.done $0x0  }
0x45: {  	s28 =	simm.s32 $0x1480;
	[sflag:s24] =	ssyncadd.s32 $0xFFFFC000  }
0x46: {  	[spmem:s2] =	stream.indirect.scatter.add.f32 [tilespmem:s22], [sflag:$0x3], $0x80, s28, s20, $0xb8;
	[tilespmem:$0x1E800] =	vst v63  }
0x47: {  	_ =	swait.ge [sflag:s18], $0x4000  }
0x48: {  	[sflag:s18] =	ssyncset.done $0x0  }
0x49: {  	s29 =	simm.s32 $0x180;
	s28 =	simm.s32 $0x400;
	[sflag:s18] =	ssyncadd.s32 $0xFFFFC000  }
.LBB2_8:
0x4a: {  	[tilespmem:s22], [sflag:$0x2] =	stream.indirect.gather [hbm4b:s4+s20], $0x80, s29, s20, $0xb8;
	[tilespmem:$0x1E800] =	vst v63  }
0x4b: {  	s29 =	smov.u32 s28  }
0x4c: {  	p1 =	sne.s32 s28, $0x4800;
	s28 =	sadd.s32 $0x400, s28;
	_ =	swait.ge [sflag:s23], $0x4000  }
0x4d: {  	s29 =	sshra.s32 s29, $0x2;
	[sflag:s23] =	ssyncset.done $0x0  }
0x4e: {  	s30 =	sadd.s32 $0x1400, s29;
	[sflag:s23] =	ssyncadd.s32 $0xFFFFC000  }
0x4f: {  	[spmem:s2] =	stream.indirect.scatter.add.f32 [tilespmem:s21], [sflag:$0x3], $0x80, s30, s20, $0xb8;
	[tilespmem:$0x1E800] =	vst v63  }
0x50: {  	_ =	swait.ge [sflag:s18], $0x4000  }
0x51: {  	[sflag:s18] =	ssyncset.done $0x0  }
0x52: {  	s30 =	sadd.s32 $0x100, s29;
	[sflag:s18] =	ssyncadd.s32 $0xFFFFC000  }
0x53: {  	[tilespmem:s21], [sflag:$0x1] =	stream.indirect.gather [hbm4b:s4+s20], $0x80, s30, s20, $0xb8;
	[tilespmem:$0x1E800] =	vst v63  }
0x54: {  	_ =	swait.ge [sflag:s24], $0x4000  }
0x55: {  	[sflag:s24] =	ssyncset.done $0x0  }
.Ltmp3:
0x56: {  	s30 =	sadd.s32 $0x1480, s29;
	[sflag:s24] =	ssyncadd.s32 $0xFFFFC000;
	(pc) =	sbr.rel @p1 .LBB2_8-.Ltmp3, $4  }
0x57: {  	[spmem:s2] =	stream.indirect.scatter.add.f32 [tilespmem:s22], [sflag:$0x3], $0x80, s30, s20, $0xb8;
	[tilespmem:$0x1E800] =	vst v63  }
0x58: {  	_ =	swait.ge [sflag:s18], $0x4000  }
0x59: {  	[sflag:s18] =	ssyncset.done $0x0  }
0x5a: {  	s29 =	sadd.s32 $0x180, s29;
	[sflag:s18] =	ssyncadd.s32 $0xFFFFC000  }
0x5b: {  	[tilespmem:s22], [sflag:$0x2] =	stream.indirect.gather [hbm4b:s4+s20], $0x80, s29, s20, $0xb8;
	[tilespmem:$0x1E800] =	vst v63  }
0x5c: {  	_ =	swait.ge [sflag:s23], $0x4000  }
0x5d: {  	[sflag:s23] =	ssyncset.done $0x0  }
0x5e: {  	[sflag:s23] =	ssyncadd.s32 $0xFFFFC000  }
0x5f: {  	[spmem:s2] =	stream.indirect.scatter.add.f32 [tilespmem:s21], [sflag:$0x3], $0x80, s25, s20, $0xb8;
	[tilespmem:$0x1E800] =	vst v63  }
0x60: {  	_ =	swait.ge [sflag:s18], $0x4000  }
0x61: {  	[sflag:s18] =	ssyncset.done $0x0  }
0x62: {  	[sflag:s18] =	ssyncadd.s32 $0xFFFFC000  }
0x63: {  	_ =	swait.ge [sflag:s24], $0x4000  }
0x64: {  	[sflag:s24] =	ssyncset.done $0x0  }
0x65: {  	[sflag:s24] =	ssyncadd.s32 $0xFFFFC000  }
0x66: {  	[spmem:s2] =	stream.indirect.scatter.add.f32 [tilespmem:s22], [sflag:$0x3], $0x80, s26, s20, $0xb8;
	[tilespmem:$0x1E800] =	vst v63  }
0x67: {  	_ =	swait.ge [sflag:s18], $0x4000  }
0x68: {  	[sflag:s18] =	ssyncset.done $0x0  }
0x69: {  	s28 =	simm.s32 $0x0;
	[sflag:s18] =	ssyncadd.s32 $0xFFFFC000  }
0x6a: {  	[tilespmem:s28], [sflag:$0x3] =	stream.linear.gather [hbm4b:s13+s28], $0x1400, $0x38;
	[tilespmem:$0x1E800] =	vst v63  }
0x6b: {  	_ =	swait.ge [sflag:s18], $0x1400  }
0x6c: {  	[sflag:s18] =	ssyncset.done $0x0  }
0x6d: {  	[sflag:s18] =	ssyncadd.s32 $0xFFFFEC00  }
0x6e: {  	[tilespmem:s19], [sflag:$0x3] =	stream.linear.gather [hbm4b:s14+s28], $0x1400, $0x38;
	[tilespmem:$0x1E800] =	vst v63  }
0x6f: {  	_ =	swait.ge [sflag:s18], $0x1400  }
0x70: {  	[sflag:s18] =	ssyncset.done $0x0  }
0x71: {  	[sflag:s18] =	ssyncadd.s32 $0xFFFFEC00  }
0x72: {  	[tilespmem:s21], [sflag:$0x1] =	stream.indirect.gather [hbm4b:s4+s20], $0x80, s28, s20, $0xb8;
	[tilespmem:$0x1E800] =	vst v63  }
0x73: {  	_ = 	snop  }
0x74: {  	[tilespmem:s22], [sflag:$0x2] =	stream.indirect.gather [hbm4b:s4+s20], $0x80, s20, s20, $0xb8;
	[tilespmem:$0x1E800] =	vst v63  }
0x75: {  	_ =	swait.ge [sflag:s23], $0x4000  }
0x76: {  	[sflag:s23] =	ssyncset.done $0x0  }
0x77: {  	s28 =	simm.s32 $0x1400;
	[sflag:s23] =	ssyncadd.s32 $0xFFFFC000  }
0x78: {  	[spmem:s2] =	stream.indirect.scatter.add.f32 [tilespmem:s21], [sflag:$0x3], $0x80, s28, s20, $0xb8;
	[tilespmem:$0x1E800] =	vst v63  }
0x79: {  	_ =	swait.ge [sflag:s18], $0x4000  }
0x7a: {  	[sflag:s18] =	ssyncset.done $0x0  }
0x7b: {  	s28 =	simm.s32 $0x100;
	[sflag:s18] =	ssyncadd.s32 $0xFFFFC000  }
0x7c: {  	[tilespmem:s21], [sflag:$0x1] =	stream.indirect.gather [hbm4b:s4+s20], $0x80, s28, s20, $0xb8;
	[tilespmem:$0x1E800] =	vst v63  }
0x7d: {  	_ =	swait.ge [sflag:s24], $0x4000  }
0x7e: {  	[sflag:s24] =	ssyncset.done $0x0  }
0x7f: {  	s28 =	simm.s32 $0x1480;
	[sflag:s24] =	ssyncadd.s32 $0xFFFFC000  }
0x80: {  	[spmem:s2] =	stream.indirect.scatter.add.f32 [tilespmem:s22], [sflag:$0x3], $0x80, s28, s20, $0xb8;
	[tilespmem:$0x1E800] =	vst v63  }
0x81: {  	_ =	swait.ge [sflag:s18], $0x4000  }
0x82: {  	[sflag:s18] =	ssyncset.done $0x0  }
0x83: {  	s29 =	simm.s32 $0x180;
	s28 =	simm.s32 $0x400;
	[sflag:s18] =	ssyncadd.s32 $0xFFFFC000  }
.LBB2_10:
0x84: {  	[tilespmem:s22], [sflag:$0x2] =	stream.indirect.gather [hbm4b:s4+s20], $0x80, s29, s20, $0xb8;
	[tilespmem:$0x1E800] =	vst v63  }
0x85: {  	s29 =	smov.u32 s28  }
0x86: {  	p1 =	sne.s32 s28, $0x4800;
	s28 =	sadd.s32 $0x400, s28;
	_ =	swait.ge [sflag:s23], $0x4000  }
0x87: {  	s29 =	sshra.s32 s29, $0x2;
	[sflag:s23] =	ssyncset.done $0x0  }
0x88: {  	s30 =	sadd.s32 $0x1400, s29;
	[sflag:s23] =	ssyncadd.s32 $0xFFFFC000  }
0x89: {  	[spmem:s2] =	stream.indirect.scatter.add.f32 [tilespmem:s21], [sflag:$0x3], $0x80, s30, s20, $0xb8;
	[tilespmem:$0x1E800] =	vst v63  }
0x8a: {  	_ =	swait.ge [sflag:s18], $0x4000  }
0x8b: {  	[sflag:s18] =	ssyncset.done $0x0  }
0x8c: {  	s30 =	sadd.s32 $0x100, s29;
	[sflag:s18] =	ssyncadd.s32 $0xFFFFC000  }
0x8d: {  	[tilespmem:s21], [sflag:$0x1] =	stream.indirect.gather [hbm4b:s4+s20], $0x80, s30, s20, $0xb8;
	[tilespmem:$0x1E800] =	vst v63  }
0x8e: {  	_ =	swait.ge [sflag:s24], $0x4000  }
0x8f: {  	[sflag:s24] =	ssyncset.done $0x0  }
.Ltmp4:
0x90: {  	s30 =	sadd.s32 $0x1480, s29;
	[sflag:s24] =	ssyncadd.s32 $0xFFFFC000;
	(pc) =	sbr.rel @p1 .LBB2_10-.Ltmp4, $4  }
0x91: {  	[spmem:s2] =	stream.indirect.scatter.add.f32 [tilespmem:s22], [sflag:$0x3], $0x80, s30, s20, $0xb8;
	[tilespmem:$0x1E800] =	vst v63  }
0x92: {  	_ =	swait.ge [sflag:s18], $0x4000  }
0x93: {  	[sflag:s18] =	ssyncset.done $0x0  }
0x94: {  	s29 =	sadd.s32 $0x180, s29;
	[sflag:s18] =	ssyncadd.s32 $0xFFFFC000  }
.Ltmp5:
0x95: {  	_ = 	snop;
	(pc) =	sbr.rel .LBB2_11-.Ltmp5, $1  }
0x96: {  	_ =	sdelay $0x3  }
.LBB2_2:
0x97: {  	[tilespmem:s28], [sflag:$0x3] =	stream.linear.gather [hbm4b:s7+s28], $0x1400, $0x38;
	[tilespmem:$0x1E800] =	vst v63  }
0x98: {  	_ =	swait.ge [sflag:s18], $0x1400  }
0x99: {  	[sflag:s18] =	ssyncset.done $0x0  }
0x9a: {  	[sflag:s18] =	ssyncadd.s32 $0xFFFFEC00  }
0x9b: {  	[tilespmem:s19], [sflag:$0x3] =	stream.linear.gather [hbm4b:s8+s28], $0x1400, $0x38;
	[tilespmem:$0x1E800] =	vst v63  }
0x9c: {  	_ =	swait.ge [sflag:s18], $0x1400  }
0x9d: {  	[sflag:s18] =	ssyncset.done $0x0  }
0x9e: {  	[sflag:s18] =	ssyncadd.s32 $0xFFFFEC00  }
0x9f: {  	[tilespmem:s21], [sflag:$0x1] =	stream.indirect.gather [hbm4b:s4+s20], $0x80, s28, s20, $0xb8;
	[tilespmem:$0x1E800] =	vst v63  }
0xa0: {  	_ = 	snop  }
0xa1: {  	[tilespmem:s22], [sflag:$0x2] =	stream.indirect.gather [hbm4b:s4+s20], $0x80, s20, s20, $0xb8;
	[tilespmem:$0x1E800] =	vst v63  }
0xa2: {  	_ =	swait.ge [sflag:s23], $0x4000  }
0xa3: {  	[sflag:s23] =	ssyncset.done $0x0  }
0xa4: {  	s28 =	simm.s32 $0x1400;
	[sflag:s23] =	ssyncadd.s32 $0xFFFFC000  }
0xa5: {  	[spmem:s2] =	stream.indirect.scatter.add.f32 [tilespmem:s21], [sflag:$0x3], $0x80, s28, s20, $0xb8;
	[tilespmem:$0x1E800] =	vst v63  }
0xa6: {  	_ =	swait.ge [sflag:s18], $0x4000  }
0xa7: {  	[sflag:s18] =	ssyncset.done $0x0  }
0xa8: {  	s28 =	simm.s32 $0x100;
	[sflag:s18] =	ssyncadd.s32 $0xFFFFC000  }
0xa9: {  	[tilespmem:s21], [sflag:$0x1] =	stream.indirect.gather [hbm4b:s4+s20], $0x80, s28, s20, $0xb8;
	[tilespmem:$0x1E800] =	vst v63  }
0xaa: {  	_ =	swait.ge [sflag:s24], $0x4000  }
0xab: {  	[sflag:s24] =	ssyncset.done $0x0  }
0xac: {  	s28 =	simm.s32 $0x1480;
	[sflag:s24] =	ssyncadd.s32 $0xFFFFC000  }
0xad: {  	[spmem:s2] =	stream.indirect.scatter.add.f32 [tilespmem:s22], [sflag:$0x3], $0x80, s28, s20, $0xb8;
	[tilespmem:$0x1E800] =	vst v63  }
0xae: {  	_ =	swait.ge [sflag:s18], $0x4000  }
0xaf: {  	[sflag:s18] =	ssyncset.done $0x0  }
0xb0: {  	s29 =	simm.s32 $0x180;
	s28 =	simm.s32 $0x400;
	[sflag:s18] =	ssyncadd.s32 $0xFFFFC000  }
.LBB2_3:
0xb1: {  	[tilespmem:s22], [sflag:$0x2] =	stream.indirect.gather [hbm4b:s4+s20], $0x80, s29, s20, $0xb8;
	[tilespmem:$0x1E800] =	vst v63  }
0xb2: {  	s29 =	smov.u32 s28  }
0xb3: {  	p1 =	sne.s32 s28, $0x4800;
	s28 =	sadd.s32 $0x400, s28;
	_ =	swait.ge [sflag:s23], $0x4000  }
0xb4: {  	s29 =	sshra.s32 s29, $0x2;
	[sflag:s23] =	ssyncset.done $0x0  }
0xb5: {  	s30 =	sadd.s32 $0x1400, s29;
	[sflag:s23] =	ssyncadd.s32 $0xFFFFC000  }
0xb6: {  	[spmem:s2] =	stream.indirect.scatter.add.f32 [tilespmem:s21], [sflag:$0x3], $0x80, s30, s20, $0xb8;
	[tilespmem:$0x1E800] =	vst v63  }
0xb7: {  	_ =	swait.ge [sflag:s18], $0x4000  }
0xb8: {  	[sflag:s18] =	ssyncset.done $0x0  }
0xb9: {  	s30 =	sadd.s32 $0x100, s29;
	[sflag:s18] =	ssyncadd.s32 $0xFFFFC000  }
0xba: {  	[tilespmem:s21], [sflag:$0x1] =	stream.indirect.gather [hbm4b:s4+s20], $0x80, s30, s20, $0xb8;
	[tilespmem:$0x1E800] =	vst v63  }
0xbb: {  	_ =	swait.ge [sflag:s24], $0x4000  }
0xbc: {  	[sflag:s24] =	ssyncset.done $0x0  }
.Ltmp6:
0xbd: {  	s30 =	sadd.s32 $0x1480, s29;
	[sflag:s24] =	ssyncadd.s32 $0xFFFFC000;
	(pc) =	sbr.rel @p1 .LBB2_3-.Ltmp6, $4  }
0xbe: {  	[spmem:s2] =	stream.indirect.scatter.add.f32 [tilespmem:s22], [sflag:$0x3], $0x80, s30, s20, $0xb8;
	[tilespmem:$0x1E800] =	vst v63  }
0xbf: {  	_ =	swait.ge [sflag:s18], $0x4000  }
0xc0: {  	[sflag:s18] =	ssyncset.done $0x0  }
0xc1: {  	s29 =	sadd.s32 $0x180, s29;
	[sflag:s18] =	ssyncadd.s32 $0xFFFFC000  }
0xc2: {  	[tilespmem:s22], [sflag:$0x2] =	stream.indirect.gather [hbm4b:s4+s20], $0x80, s29, s20, $0xb8;
	[tilespmem:$0x1E800] =	vst v63  }
0xc3: {  	_ =	swait.ge [sflag:s23], $0x4000  }
0xc4: {  	[sflag:s23] =	ssyncset.done $0x0  }
0xc5: {  	[sflag:s23] =	ssyncadd.s32 $0xFFFFC000  }
0xc6: {  	[spmem:s2] =	stream.indirect.scatter.add.f32 [tilespmem:s21], [sflag:$0x3], $0x80, s25, s20, $0xb8;
	[tilespmem:$0x1E800] =	vst v63  }
0xc7: {  	_ =	swait.ge [sflag:s18], $0x4000  }
0xc8: {  	[sflag:s18] =	ssyncset.done $0x0  }
0xc9: {  	[sflag:s18] =	ssyncadd.s32 $0xFFFFC000  }
0xca: {  	_ =	swait.ge [sflag:s24], $0x4000  }
0xcb: {  	[sflag:s24] =	ssyncset.done $0x0  }
0xcc: {  	[sflag:s24] =	ssyncadd.s32 $0xFFFFC000  }
0xcd: {  	[spmem:s2] =	stream.indirect.scatter.add.f32 [tilespmem:s22], [sflag:$0x3], $0x80, s26, s20, $0xb8;
	[tilespmem:$0x1E800] =	vst v63  }
0xce: {  	_ =	swait.ge [sflag:s18], $0x4000  }
0xcf: {  	[sflag:s18] =	ssyncset.done $0x0  }
0xd0: {  	s28 =	simm.s32 $0x0;
	[sflag:s18] =	ssyncadd.s32 $0xFFFFC000  }
0xd1: {  	[tilespmem:s28], [sflag:$0x3] =	stream.linear.gather [hbm4b:s9+s28], $0x1400, $0x38;
	[tilespmem:$0x1E800] =	vst v63  }
0xd2: {  	_ =	swait.ge [sflag:s18], $0x1400  }
0xd3: {  	[sflag:s18] =	ssyncset.done $0x0  }
0xd4: {  	[sflag:s18] =	ssyncadd.s32 $0xFFFFEC00  }
0xd5: {  	[tilespmem:s19], [sflag:$0x3] =	stream.linear.gather [hbm4b:s10+s28], $0x1400, $0x38;
	[tilespmem:$0x1E800] =	vst v63  }
0xd6: {  	_ =	swait.ge [sflag:s18], $0x1400  }
0xd7: {  	[sflag:s18] =	ssyncset.done $0x0  }
0xd8: {  	[sflag:s18] =	ssyncadd.s32 $0xFFFFEC00  }
0xd9: {  	[tilespmem:s21], [sflag:$0x1] =	stream.indirect.gather [hbm4b:s4+s20], $0x80, s28, s20, $0xb8;
	[tilespmem:$0x1E800] =	vst v63  }
0xda: {  	_ = 	snop  }
0xdb: {  	[tilespmem:s22], [sflag:$0x2] =	stream.indirect.gather [hbm4b:s4+s20], $0x80, s20, s20, $0xb8;
	[tilespmem:$0x1E800] =	vst v63  }
0xdc: {  	_ =	swait.ge [sflag:s23], $0x4000  }
0xdd: {  	[sflag:s23] =	ssyncset.done $0x0  }
0xde: {  	s28 =	simm.s32 $0x1400;
	[sflag:s23] =	ssyncadd.s32 $0xFFFFC000  }
0xdf: {  	[spmem:s2] =	stream.indirect.scatter.add.f32 [tilespmem:s21], [sflag:$0x3], $0x80, s28, s20, $0xb8;
	[tilespmem:$0x1E800] =	vst v63  }
0xe0: {  	_ =	swait.ge [sflag:s18], $0x4000  }
0xe1: {  	[sflag:s18] =	ssyncset.done $0x0  }
0xe2: {  	s28 =	simm.s32 $0x100;
	[sflag:s18] =	ssyncadd.s32 $0xFFFFC000  }
0xe3: {  	[tilespmem:s21], [sflag:$0x1] =	stream.indirect.gather [hbm4b:s4+s20], $0x80, s28, s20, $0xb8;
	[tilespmem:$0x1E800] =	vst v63  }
0xe4: {  	_ =	swait.ge [sflag:s24], $0x4000  }
0xe5: {  	[sflag:s24] =	ssyncset.done $0x0  }
0xe6: {  	s28 =	simm.s32 $0x1480;
	[sflag:s24] =	ssyncadd.s32 $0xFFFFC000  }
0xe7: {  	[spmem:s2] =	stream.indirect.scatter.add.f32 [tilespmem:s22], [sflag:$0x3], $0x80, s28, s20, $0xb8;
	[tilespmem:$0x1E800] =	vst v63  }
0xe8: {  	_ =	swait.ge [sflag:s18], $0x4000  }
0xe9: {  	[sflag:s18] =	ssyncset.done $0x0  }
0xea: {  	s29 =	simm.s32 $0x180;
	s28 =	simm.s32 $0x400;
	[sflag:s18] =	ssyncadd.s32 $0xFFFFC000  }
.LBB2_5:
0xeb: {  	[tilespmem:s22], [sflag:$0x2] =	stream.indirect.gather [hbm4b:s4+s20], $0x80, s29, s20, $0xb8;
	[tilespmem:$0x1E800] =	vst v63  }
0xec: {  	s29 =	smov.u32 s28  }
0xed: {  	p1 =	seq.s32 s28, $0x4800;
	s28 =	sadd.s32 $0x400, s28;
	_ =	swait.ge [sflag:s23], $0x4000  }
0xee: {  	s29 =	sshra.s32 s29, $0x2;
	[sflag:s23] =	ssyncset.done $0x0  }
0xef: {  	s30 =	sadd.s32 $0x1400, s29;
	[sflag:s23] =	ssyncadd.s32 $0xFFFFC000  }
0xf0: {  	[spmem:s2] =	stream.indirect.scatter.add.f32 [tilespmem:s21], [sflag:$0x3], $0x80, s30, s20, $0xb8;
	[tilespmem:$0x1E800] =	vst v63  }
0xf1: {  	_ =	swait.ge [sflag:s18], $0x4000  }
0xf2: {  	[sflag:s18] =	ssyncset.done $0x0  }
0xf3: {  	s30 =	sadd.s32 $0x100, s29;
	[sflag:s18] =	ssyncadd.s32 $0xFFFFC000  }
0xf4: {  	[tilespmem:s21], [sflag:$0x1] =	stream.indirect.gather [hbm4b:s4+s20], $0x80, s30, s20, $0xb8;
	[tilespmem:$0x1E800] =	vst v63  }
0xf5: {  	_ =	swait.ge [sflag:s24], $0x4000  }
0xf6: {  	[sflag:s24] =	ssyncset.done $0x0  }
.Ltmp7:
0xf7: {  	s30 =	sadd.s32 $0x1480, s29;
	[sflag:s24] =	ssyncadd.s32 $0xFFFFC000;
	(pc) =	sbr.rel @!p1 .LBB2_5-.Ltmp7, $4  }
0xf8: {  	[spmem:s2] =	stream.indirect.scatter.add.f32 [tilespmem:s22], [sflag:$0x3], $0x80, s30, s20, $0xb8;
	[tilespmem:$0x1E800] =	vst v63  }
0xf9: {  	_ =	swait.ge [sflag:s18], $0x4000  }
0xfa: {  	[sflag:s18] =	ssyncset.done $0x0  }
0xfb: {  	s29 =	sadd.s32 $0x180, s29;
	[sflag:s18] =	ssyncadd.s32 $0xFFFFC000  }
.Ltmp8:
0xfc: {  	(pc) =	sbr.rel .LBB2_12-.Ltmp8, $2  }
0xfd: {  	_ =	sdelay $0x2  }
0xfe: {  	[tilespmem:s22], [sflag:$0x2] =	stream.indirect.gather [hbm4b:s4+s20], $0x80, s29, s20, $0xb8;
	[tilespmem:$0x1E800] =	vst v63  }
.LBB2_13:
0xff: {  	_ =	sfence.sel $0x180000  }
0x100: {  	[bflag:$0x0] =	sbarrier.arrive $0xFFFF  }
0x101: {  	p0 =	sne.s32 s1, $0x0;
	_ =	strace $0x9000004A  }
0x102: {  	s0 =	sadd.s32 @!p0 $0x100000, s0;
	[bflag:$0x2] =	sbarrier.arrive $0xFFFF  }
0x103: {  	[sflag:s0] =	ssyncadd.tile.s32 @!p0 $0x1;
	_ =	shalt  }
.Lfunc_end2:
_tile_overlayer_lowered:
.L_overlay_start_2:
0x104: {  	(tag) =	ssettag $0x2  }
0x105: {  	s0 =	rddreg [dreg:$0x0];
	s2 =	stileid.u32  }
0x106: {  	s1 =	rddreg [dreg:$0x1];
	p0 =	sne.s32 s2, $0x0  }
0x107: {  	s3 =	rddreg [dreg:$0x2];
	[bflag:$0x3] =	sbarrier.arrive $0xFFFF;
	s2 =	simm.s32 @!p0 $0x1C03  }
0x108: {  	[timem:s3], [sflag:s2] =	dma.local @!p0 [hbm:s0], s1  }
0x109: {  	s0 =	simm.s32 @!p0 $0x3  }
0x10a: {  	_ =	swait.ge @!p0 [sflag:s0], s1  }
0x10b: {  	s1 =	ssub.s32 @!p0 $0x0, s1;
	[sflag:s0] =	ssyncset.done @!p0 $0x0  }
0x10c: {  	[sflag:s0] =	ssyncadd.s32 @!p0 s1  }
0x10d: {  	[bflag:$0x3] =	sbarrier.arrive $0xFFFF  }
0x10e: {  	_ =	shalt  }

// kernel: kernel.14.cloned.1.call-start
scs
__scs_entry_jumppad:
0x0: {  	(pc) =	sbr.rel $0x88, $3  }
0x1: {  	(tag) =	ssettag $0x0;
	lr =	simm.s32 $0x1  }
0x2: {  	[smem:$0x3F99] =	sst lr;
	_ =	strace $0xD0000000  }
0x3: {  	_ = 	snop  }
0x4: {  	_ = 	snop  }
0x5: {  	_ = 	snop  }
0x6: {  	_ = 	snop  }
0x7: {  	_ = 	snop  }
__scs_overlays_trampoline_lowered:
0x8: {  	[smem:$0x3FA8] =	sst s0  }
0x9: {  	[smem:$0x3FA9] =	sst s1  }
0xa: {  	[smem:$0x3FAA] =	sst s2  }
0xb: {  	[smem:$0x3FAB] =	sst s3  }
0xc: {  	[smem:$0x3FAC] =	sst s4  }
0xd: {  	[smem:$0x3FAD] =	sst s5  }
0xe: {  	[smem:$0x3FAE] =	sst s6  }
0xf: {  	[smem:$0x3FAF] =	sst s7  }
0x10: {  	[smem:$0x3FB0] =	sst s8  }
0x11: {  	[smem:$0x3FB1] =	sst s9;
	s0 =	simm.s32 @!p0 $0x0  }
0x12: {  	s1 =	sld [smem:$0x3F97];
	s0 =	simm.s32 @p0 $0x1  }
0x13: {  	[smem:$0x3FB2] =	sst s0;
	s0 =	simm.s32 @!p1 $0x0  }
0x14: {  	s2 =	sld [smem:$0x3F96];
	s0 =	simm.s32 @p1 $0x1  }
0x15: {  	[smem:$0x3FB3] =	sst s0;
	s0 =	simm.s32 @!p2 $0x0  }
0x16: {  	s3 =	sld [smem:$0x3FDB];
	s0 =	simm.s32 @p2 $0x1  }
0x17: {  	s4 =	simm.s32 $0x1BF5;
	[smem:$0x3FB5] =	sst s0  }
0x18: {  	s0 =	sld [smem:$0x3F98];
	_ =	swait.ge [sflag:s4], $0x0  }
0x19: {  	s7 =	sld [smem:$0x3F99]  }
0x1a: {  	s8 =	sadd.s32 $0xFFFFE003, lr  }
0x1b: {  	s9 =	sadd.s32 $0xFFFFFEF7, lr;
	s5 =	simm.s32 $0xFFFFFFFF;
	p2 =	slt.u32 s8, $0xFFFFF086  }
0x1c: {  	p1 =	slt.u32 s9, $0xF7A;
	s5 =	simm.s32 @!p2 $0x0  }
0x1d: {  	s5 =	simm.s32 @p1 $0x1;
	p0 =	seq.s32 s7, s2  }
0x1e: {  	s7 =	smul.u32 @!p0 $0xF7A, s2;
	p2 =	seq.s32 @!p0 s5, $0x0  }
0x1f: {  	s9 =	smul.u32 $0xF7A, s1;
	s8 =	simm.s32 @!p0 $0x1BF5;
	p2 =	por !p2, p0  }
0x20: {  	[sflag:s8] =	ssyncset.s32 @!p0 $0xFFFFF086;
	s6 =	sadd.s32 @!p0 s3, s7;
	s7 =	simm.s32 @!p0 $0x108  }
0x21: {  	s3 =	sadd.s32 s3, s9;
	s6 =	sadd.s32 @!p0 $0x88, s6;
	s7 =	simm.s32 @p2 $0x1082  }
0x22: {  	[simem:s7], [sflag:s8] =	dma.local @!p0 [hbm:s6], $0xF7A  }
0x23: {  	s9 =	sor.u32 $0xD0000000, s2;
	s6 =	simm.s32 $0x108;
	_ =	swait.ge @!p0 [sflag:s8], $0x0  }
0x24: {  	s3 =	sadd.s32 $0x88, s3;
	s6 =	simm.s32 @!p1 $0x1082;
	[sflag:s4] =	ssyncset.s32 $0xFFFFF086  }
0x25: {  	[simem:s6], [sflag:s4] =	dma.local [hbm:s3], $0xF7A  }
0x26: {  	[smem:$0x3F99] =	sst s1;
	(tag) =	ssettag s2;
	_ =	strace s9  }
0x27: {  	s1 =	sld [smem:$0x3FA9]  }
0x28: {  	s2 =	sld [smem:$0x3FAA]  }
0x29: {  	s4 =	sld [smem:$0x3FAC]  }
0x2a: {  	p0 =	seq.s32 s5, $0x0;
	s5 =	sld [smem:$0x3FAD]  }
0x2b: {  	s6 =	sld [smem:$0x3FAE]  }
0x2c: {  	s7 =	sld [smem:$0x3FAF]  }
0x2d: {  	s3 =	simm.s32 $0x108;
	s8 =	sld [smem:$0x3FB0]  }
0x2e: {  	s3 =	simm.s32 @!p0 $0x1082;
	s9 =	sld [smem:$0x3FB1]  }
0x2f: {  	lr =	sadd.s32 s0, s3;
	s0 =	sld [smem:$0x3FA8]  }
0x30: {  	s3 =	sld [smem:$0x3FAB]  }
0x31: {  	[smem:$0x3FB4] =	sst s10  }
0x32: {  	s10 =	sld [smem:$0x3FB2];
	_ =	sdelay $0x3  }
0x33: {  	p0 =	seq.s32 s10, $0x1;
	s10 =	sld [smem:$0x3FB4];
	_ =	sdelay $0x3  }
0x34: {  	[smem:$0x3FB4] =	sst s10  }
0x35: {  	s10 =	sld [smem:$0x3FB3];
	_ =	sdelay $0x3  }
0x36: {  	p1 =	seq.s32 s10, $0x1;
	s10 =	sld [smem:$0x3FB4];
	_ =	sdelay $0x3  }
0x37: {  	[smem:$0x3FB4] =	sst s10  }
0x38: {  	s10 =	sld [smem:$0x3FB5]  }
0x39: {  	_ = 	snop;
	(pc) =	sbr.ind lr, $3  }
0x3a: {  	_ = 	snop  }
0x3b: {  	_ = 	snop  }
0x3c: {  	p2 =	seq.s32 s10, $0x1;
	s10 =	sld [smem:$0x3FB4]  }
0x3d: {  	_ =	shalt  }
0x3e: {  	_ =	shalt  }
0x3f: {  	_ =	shalt  }
0x40: {  	_ =	shalt  }
0x41: {  	_ =	shalt  }
0x42: {  	_ =	shalt  }
0x43: {  	_ =	shalt  }
0x44: {  	_ =	shalt  }
0x45: {  	_ =	shalt  }
0x46: {  	_ =	shalt  }
0x47: {  	_ =	shalt  }
0x48: {  	_ =	shalt  }
0x49: {  	_ =	shalt  }
0x4a: {  	_ =	shalt  }
0x4b: {  	_ =	shalt  }
0x4c: {  	_ =	shalt  }
0x4d: {  	_ =	shalt  }
0x4e: {  	_ =	shalt  }
0x4f: {  	_ =	shalt  }
0x50: {  	_ =	shalt  }
0x51: {  	_ =	shalt  }
0x52: {  	_ =	shalt  }
0x53: {  	_ =	shalt  }
0x54: {  	_ =	shalt  }
0x55: {  	_ =	shalt  }
0x56: {  	_ =	shalt  }
0x57: {  	_ =	shalt  }
0x58: {  	_ =	shalt  }
0x59: {  	_ =	shalt  }
0x5a: {  	_ =	shalt  }
0x5b: {  	_ =	shalt  }
0x5c: {  	_ =	shalt  }
0x5d: {  	_ =	shalt  }
0x5e: {  	_ =	shalt  }
0x5f: {  	_ =	shalt  }
0x60: {  	_ =	shalt  }
0x61: {  	_ =	shalt  }
0x62: {  	_ =	shalt  }
0x63: {  	_ =	shalt  }
0x64: {  	_ =	shalt  }
0x65: {  	_ =	shalt  }
0x66: {  	_ =	shalt  }
0x67: {  	_ =	shalt  }
0x68: {  	_ =	shalt  }
0x69: {  	_ =	shalt  }
0x6a: {  	_ =	shalt  }
0x6b: {  	_ =	shalt  }
0x6c: {  	_ =	shalt  }
0x6d: {  	_ =	shalt  }
0x6e: {  	_ =	shalt  }
0x6f: {  	_ =	shalt  }
0x70: {  	_ =	shalt  }
0x71: {  	_ =	shalt  }
0x72: {  	_ =	shalt  }
0x73: {  	_ =	shalt  }
0x74: {  	_ =	shalt  }
0x75: {  	_ =	shalt  }
0x76: {  	_ =	shalt  }
0x77: {  	_ =	shalt  }
0x78: {  	_ =	shalt  }
0x79: {  	_ =	shalt  }
0x7a: {  	_ =	shalt  }
0x7b: {  	_ =	shalt  }
0x7c: {  	_ =	shalt  }
0x7d: {  	_ =	shalt  }
0x7e: {  	_ =	shalt  }
0x7f: {  	_ =	shalt  }
0x80: {  	_ =	shalt  }
0x81: {  	_ =	shalt  }
0x82: {  	_ =	shalt  }
0x83: {  	_ =	shalt  }
0x84: {  	_ =	shalt  }
0x85: {  	_ =	shalt  }
0x86: {  	_ =	shalt  }
0x87: {  	_ =	shalt  }
.Lfunc_end0:
.L_simem_size_0:
called_computation.2_lowered:
.L_overlay_start_0:
0x88: {  	s2 =	sld [smem:$0x3FD9]  }
0x89: {  	s3 =	sld [smem:$0x3FFE];
	_ =	sdelay $0x1  }
0x8a: {  	s1 =	srdreg.scid  }
0x8b: {  	s0 =	sand.u32 $0x1, s1  }
0x8c: {  	s17 =	sshll.u32 s0, $0xA;
	s2 =	sadd.s32 s3, s2  }
0x8d: {  	s2 =	sadd.s32 s2, s17  }
0x8e: {  	[smem:$0x3FC0] =	sst s2  }
0x8f: {  	_ = 	snop  }
0x90: {  	s2 =	sld [smem:$0x3FD0];
	(tm) =	ssettm $0x1  }
0x91: {  	s18 =	sld [smem:$0x3FFB];
	_ =	sdelay $0x3  }
0x92: {  	_ =	strace s18  }
0x93: {  	s3 =	sld [smem:$0x3FFC];
	_ =	sdelay $0x3  }
0x94: {  	_ =	strace s3  }
0x95: {  	s3 =	sld [smem:$0x3FFD];
	_ =	sdelay $0x3  }
0x96: {  	_ =	strace s3  }
0x97: {  	_ =	strace $0x8FFFFFFF  }
0x98: {  	s19 =	sld [smem:$0x3FDB];
	_ =	sdelay $0x1  }
0x99: {  	s4 =	simm.s32 $_scs_section_size  }
0x9a: {  	s5 =	simm.s32 $_size__tile_overlayer_lowered;
	s6 =	simm.s32 $_tile_overlayer_lowered  }
0x9b: {  	s22 =	simm.s32 $0x1BFF;
	s21 =	sshll.u32 s6, $0x1;
	s3 =	sadd.s32 s4, s19  }
0x9c: {  	s7 =	simm.s32 $0x0;
	s20 =	sshll.u32 s5, $0x1;
	s5 =	sadd.s32 s21, s3  }
0x9d: {  	[timem:s7], [sflag:s22] =	dma.local [hbm:s5], s20  }
0x9e: {  	_ =	swait.ge [sflag:s22], s20  }
0x9f: {  	s4 =	ssub.s32 $0x0, s20;
	[sflag:s22] =	ssyncset.done $0x0  }
0xa0: {  	[sflag:s22] =	ssyncadd.s32 s4;
	_ =	sdelay $0x1  }
0xa1: {  	s23 =	simm.s32 $0x1B8B  }
0xa2: {  	_ =	swait.ge [sflag:s23], $0x1  }
0xa3: {  	[sflag:s23] =	ssyncset.done $0x0  }
0xa4: {  	s25 =	simm.s32 $0x1B8E;
	s24 =	sld [smem:$0x3FFE];
	[sflag:s23] =	ssyncadd.s32 $0xFFFFFFFF  }
0xa5: {  	s26 =	simm.s32 $execute0_lowered;
	[smem:$0x3FD2] =	sst s25  }
0xa6: {  	s5 =	sshll.u32 s26, $0x1;
	_ =	strace $0x8000004C;
	[dreg:$0x1] =	wrdreg $0xFFFFFFFF  }
0xa7: {  	s28 =	simm.s32 $_size_execute0_lowered;
	s3 =	sadd.s32 s3, s5;
	[dreg:$0x0] =	wrdreg $0x0  }
0xa8: {  	s5 =	sshll.u32 s28, $0x1;
	[dreg:$0x2] =	wrdreg s3  }
0xa9: {  	[dreg:$0x3] =	wrdreg s5  }
0xaa: {  	[dreg:$0x4] =	wrdreg $0xC0  }
0xab: {  	_ =	task [dreg:s7], $0x5FFFF  }
0xac: {  	[dreg:$0x1] =	wrdreg $0xFFFFFFFF  }
0xad: {  	[dreg:$0x0] =	wrdreg $0x60  }
0xae: {  	[dreg:$0x2] =	wrdreg s24  }
0xaf: {  	[dreg:$0x3] =	wrdreg s2  }
0xb0: {  	[dreg:$0x4] =	wrdreg $0xA8000  }
0xb1: {  	[dreg:$0x5] =	wrdreg $0x9  }
0xb2: {  	_ =	task.clear_ibuf [dreg:s7], $0x6FFFF;
	_ =	strace $0x9000004C  }
0xb3: {  	s29 =	simm.s32 $0x9;
	_ =	strace $0x8000004E  }
0xb4: {  	_ =	swait.ge [sflag:s29], $0x1  }
0xb5: {  	[sflag:s29] =	ssyncadd.s32 $0xFFFFFFFF  }
0xb6: {  	_ =	strace $0x9000004E  }
0xb7: {  	_ =	sfence  }
0xb8: {  	s30 =	sld [smem:$0x0];
	_ =	sdelay $0x2  }
0xb9: {  	s31 =	sshll.u32 s1, $0xD;
	s1 =	sshrl.u32 s1, $0x2  }
0xba: {  	s3 =	sand.u32 $0x4000, s31;
	s1 =	sadd.s32 s1, s30  }
0xbb: {  	s0 =	sor.u32 s3, s0;
	s1 =	sshll.u32 s1, $0x11  }
0xbc: {  	s0 =	sor.u32 s1, s0  }
0xbd: {  	s0 =	sadd.s32 $0x8F2B, s0  }
0xbe: {  	[sflag:s0] =	ssyncadd.remote.s32 $0x1  }
0xbf: {  	_ =	sfence.sel $0xFFFF  }
0xc0: {  	[dreg:$0x0] =	wrdreg $0xFFFFFFFF;
	(pc) =	sbr.abs _section_cstart, $3  }
0xc1: {  	[dreg:$0x1] =	wrdreg $0xFFFFFFFF  }
0xc2: {  	_ =	task.clear_ibuf [dreg:s7], $0x2FFFF;
	_ =	strace $0x9FFFFFFF  }
0xc3: {  	(tm) =	ssettm $0x7FFFFFFF  }
tec
execute0_lowered:
.L_overlay_start_1:
0x0: {  	(tag) =	ssettag $0x1  }
0x1: {  	s5 =	rddreg [dreg:$0x0]  }
0x2: {  	s14 =	rddreg [dreg:$0x1]  }
0x3: {  	s2 =	rddreg [dreg:$0x2]  }
0x4: {  	s0 =	rddreg [dreg:$0x3]  }
0x5: {  	s1 =	stileid.u32;
	s4 =	srdreg.scid;
	s3 =	simm.s32 $0x0  }
0x6: {  	s20 =	simm.s32 $0x80;
	s21 =	simm.s32 $0x2800;
	s22 =	simm.s32 $0x6800  }
0x7: {  	s23 =	simm.s32 $0x1;
	s24 =	simm.s32 $0x2;
	s25 =	simm.s32 $0x2700  }
0x8: {  	s26 =	simm.s32 $0x2780;
	s6 =	smul.u32 $0x14000, s1;
	s7 =	sand.u32 $0x1, s4  }
0x9: {  	[smem:$0x7FF] =	sst s3;
	s4 =	sadd.s32 $0x34E00, s5;
	s9 =	smul.u32 $0x50000, s1  }
0xa: {  	s13 =	sadd.s32 $0x2E00, s5;
	s10 =	smul.u32 $0x5000, s1;
	s31 =	sshll.u32 s1, $0x6  }
0xb: {  	s8 =	smul.u32 $0x140000, s7;
	_ =	strace $0x8000004D;
	s29 =	ssub.s32 $0x2, s7  }
0xc: {  	p0 =	seq.s32 s7, $0x1;
	s30 =	sshrl.u32 s29, $0x1;
	s9 =	sshrl.u32 s9, $0x2  }
0xd: {  	s12 =	sshrl.u32 s10, $0x3;
	s8 =	sadd.s32 s6, s8;
	s6 =	sshrl.u32 s6, $0x3  }
0xe: {  	s16 =	ssub.s32 s29, s30;
	s17 =	sadd.s32 s9, s2;
	s7 =	sadd.s32 s13, s12  }
0xf: {  	s10 =	sadd.s32 $0x280, s12;
	s18 =	sadd.s32 $0x500, s12;
	s19 =	sadd.s32 $0x780, s12  }
0x10: {  	s8 =	sshrl.u32 s8, $0x3;
	s6 =	sadd.s32 s6, s5;
	s9 =	sadd.s32 s13, s10  }
.Ltmp0:
0x11: {  	s10 =	sadd.s32 s14, s10;
	s11 =	sadd.s32 s13, s18;
	(pc) =	sbr.rel .LBB2_1-.Ltmp0, $4  }
0x12: {  	s13 =	sadd.s32 s13, s19;
	s16 =	smax.u32 s16, $0x1;
	s17 =	sshrl.u32 s17, $0x3  }
0x13: {  	s15 =	sadd.s32 s8, s5;
	s5 =	sadd.s32 $0xCE00, s6;
	s6 =	sor.u32 $0x1C03, s31  }
0x14: {  	s8 =	sadd.s32 s14, s12;
	s12 =	sadd.s32 s14, s18;
	s14 =	sadd.s32 s14, s19  }
0x15: {  	s18 =	simm.s32 $0x3;
	s19 =	simm.s32 $0x1400;
	s15 =	sadd.s32 $0x5CE00, s15  }
.LBB2_11:
0x16: {  	[tilespmem:s22], [sflag:$0x2] =	stream.indirect.gather [hbm4b:s4+s20], $0x80, s29, s20, $0xb8;
	[tilespmem:$0x1E800] =	vst v63  }
.LBB2_12:
0x17: {  	_ =	swait.ge [sflag:s23], $0x4000  }
0x18: {  	[sflag:s23] =	ssyncset.done $0x0  }
0x19: {  	[sflag:s23] =	ssyncadd.s32 $0xFFFFC000  }
0x1a: {  	[spmem:s2] =	stream.indirect.scatter.add.f32 [tilespmem:s21], [sflag:$0x3], $0x80, s25, s20, $0xb8;
	[tilespmem:$0x1E800] =	vst v63  }
0x1b: {  	_ =	swait.ge [sflag:s18], $0x4000  }
0x1c: {  	[sflag:s18] =	ssyncset.done $0x0  }
0x1d: {  	[sflag:s18] =	ssyncadd.s32 $0xFFFFC000  }
0x1e: {  	_ =	swait.ge [sflag:s24], $0x4000  }
0x1f: {  	[sflag:s24] =	ssyncset.done $0x0  }
0x20: {  	[sflag:s24] =	ssyncadd.s32 $0xFFFFC000  }
0x21: {  	[spmem:s2] =	stream.indirect.scatter.add.f32 [tilespmem:s22], [sflag:$0x3], $0x80, s26, s20, $0xb8;
	[tilespmem:$0x1E800] =	vst v63  }
0x22: {  	_ =	swait.ge [sflag:s18], $0x4000  }
0x23: {  	s3 =	sadd.s32 $0x1, s3;
	[sflag:s18] =	ssyncset.done $0x0  }
0x24: {  	p1 =	sne.s32 s3, s16;
	[sflag:s18] =	ssyncadd.s32 $0xFFFFC000  }
.Ltmp1:
0x25: {  	[bflag:$0x0] =	sbarrier.arrive $0xFFFF;
	(pc) =	sbr.rel @!p1 .LBB2_13-.Ltmp1, $4  }
0x26: {  	[hbm:s15], [sflag:s6] =	dma.local [spmem:s17], $0x2800  }
0x27: {  	_ =	swait.ge [sflag:s18], $0x2800  }
0x28: {  	[sflag:s18] =	ssyncset.done $0x0  }
0x29: {  	[sflag:s18] =	ssyncadd.s32 $0xFFFFD800  }
.LBB2_1:
0x2a: {  	[spmem:s17], [sflag:s6] =	dma.local [hbm:s5], $0x2800  }
.Ltmp2:
0x2b: {  	_ =	swait.ge [sflag:s18], $0x2800;
	(pc) =	sbr.rel @!p0 .LBB2_2-.Ltmp2, $4  }
0x2c: {  	[sflag:s18] =	ssyncset.done $0x0  }
0x2d: {  	[sflag:s18] =	ssyncadd.s32 $0xFFFFD800  }
0x2e: {  	[bflag:$0x0] =	sbarrier.arrive $0xFFFF  }
0x2f: {  	s28 =	simm.s32 $0x0  }
0x30: {  	[tilespmem:s28], [sflag:$0x3] =	stream.linear.gather [hbm4b:s11+s28], $0x1400, $0x38;
	[tilespmem:$0x1E800] =	vst v63  }
0x31: {  	_ =	swait.ge [sflag:s18], $0x1400  }
0x32: {  	[sflag:s18] =	ssyncset.done $0x0  }
0x33: {  	[sflag:s18] =	ssyncadd.s32 $0xFFFFEC00  }
0x34: {  	[tilespmem:s19], [sflag:$0x3] =	stream.linear.gather [hbm4b:s12+s28], $0x1400, $0x38;
	[tilespmem:$0x1E800] =	vst v63  }
0x35: {  	_ =	swait.ge [sflag:s18], $0x1400  }
0x36: {  	[sflag:s18] =	ssyncset.done $0x0  }
0x37: {  	[sflag:s18] =	ssyncadd.s32 $0xFFFFEC00  }
0x38: {  	[tilespmem:s21], [sflag:$0x1] =	stream.indirect.gather [hbm4b:s4+s20], $0x80, s28, s20, $0xb8;
	[tilespmem:$0x1E800] =	vst v63  }
0x39: {  	_ = 	snop  }
0x3a: {  	[tilespmem:s22], [sflag:$0x2] =	stream.indirect.gather [hbm4b:s4+s20], $0x80, s20, s20, $0xb8;
	[tilespmem:$0x1E800] =	vst v63  }
0x3b: {  	_ =	swait.ge [sflag:s23], $0x4000  }
0x3c: {  	[sflag:s23] =	ssyncset.done $0x0  }
0x3d: {  	s28 =	simm.s32 $0x1400;
	[sflag:s23] =	ssyncadd.s32 $0xFFFFC000  }
0x3e: {  	[spmem:s2] =	stream.indirect.scatter.add.f32 [tilespmem:s21], [sflag:$0x3], $0x80, s28, s20, $0xb8;
	[tilespmem:$0x1E800] =	vst v63  }
0x3f: {  	_ =	swait.ge [sflag:s18], $0x4000  }
0x40: {  	[sflag:s18] =	ssyncset.done $0x0  }
0x41: {  	s28 =	simm.s32 $0x100;
	[sflag:s18] =	ssyncadd.s32 $0xFFFFC000  }
0x42: {  	[tilespmem:s21], [sflag:$0x1] =	stream.indirect.gather [hbm4b:s4+s20], $0x80, s28, s20, $0xb8;
	[tilespmem:$0x1E800] =	vst v63  }
0x43: {  	_ =	swait.ge [sflag:s24], $0x4000  }
0x44: {  	[sflag:s24] =	ssyncset.done $0x0  }
0x45: {  	s28 =	simm.s32 $0x1480;
	[sflag:s24] =	ssyncadd.s32 $0xFFFFC000  }
0x46: {  	[spmem:s2] =	stream.indirect.scatter.add.f32 [tilespmem:s22], [sflag:$0x3], $0x80, s28, s20, $0xb8;
	[tilespmem:$0x1E800] =	vst v63  }
0x47: {  	_ =	swait.ge [sflag:s18], $0x4000  }
0x48: {  	[sflag:s18] =	ssyncset.done $0x0  }
0x49: {  	s29 =	simm.s32 $0x180;
	s28 =	simm.s32 $0x400;
	[sflag:s18] =	ssyncadd.s32 $0xFFFFC000  }
.LBB2_8:
0x4a: {  	[tilespmem:s22], [sflag:$0x2] =	stream.indirect.gather [hbm4b:s4+s20], $0x80, s29, s20, $0xb8;
	[tilespmem:$0x1E800] =	vst v63  }
0x4b: {  	s29 =	smov.u32 s28  }
0x4c: {  	p1 =	sne.s32 s28, $0x4800;
	s28 =	sadd.s32 $0x400, s28;
	_ =	swait.ge [sflag:s23], $0x4000  }
0x4d: {  	s29 =	sshra.s32 s29, $0x2;
	[sflag:s23] =	ssyncset.done $0x0  }
0x4e: {  	s30 =	sadd.s32 $0x1400, s29;
	[sflag:s23] =	ssyncadd.s32 $0xFFFFC000  }
0x4f: {  	[spmem:s2] =	stream.indirect.scatter.add.f32 [tilespmem:s21], [sflag:$0x3], $0x80, s30, s20, $0xb8;
	[tilespmem:$0x1E800] =	vst v63  }
0x50: {  	_ =	swait.ge [sflag:s18], $0x4000  }
0x51: {  	[sflag:s18] =	ssyncset.done $0x0  }
0x52: {  	s30 =	sadd.s32 $0x100, s29;
	[sflag:s18] =	ssyncadd.s32 $0xFFFFC000  }
0x53: {  	[tilespmem:s21], [sflag:$0x1] =	stream.indirect.gather [hbm4b:s4+s20], $0x80, s30, s20, $0xb8;
	[tilespmem:$0x1E800] =	vst v63  }
0x54: {  	_ =	swait.ge [sflag:s24], $0x4000  }
0x55: {  	[sflag:s24] =	ssyncset.done $0x0  }
.Ltmp3:
0x56: {  	s30 =	sadd.s32 $0x1480, s29;
	[sflag:s24] =	ssyncadd.s32 $0xFFFFC000;
	(pc) =	sbr.rel @p1 .LBB2_8-.Ltmp3, $4  }
0x57: {  	[spmem:s2] =	stream.indirect.scatter.add.f32 [tilespmem:s22], [sflag:$0x3], $0x80, s30, s20, $0xb8;
	[tilespmem:$0x1E800] =	vst v63  }
0x58: {  	_ =	swait.ge [sflag:s18], $0x4000  }
0x59: {  	[sflag:s18] =	ssyncset.done $0x0  }
0x5a: {  	s29 =	sadd.s32 $0x180, s29;
	[sflag:s18] =	ssyncadd.s32 $0xFFFFC000  }
0x5b: {  	[tilespmem:s22], [sflag:$0x2] =	stream.indirect.gather [hbm4b:s4+s20], $0x80, s29, s20, $0xb8;
	[tilespmem:$0x1E800] =	vst v63  }
0x5c: {  	_ =	swait.ge [sflag:s23], $0x4000  }
0x5d: {  	[sflag:s23] =	ssyncset.done $0x0  }
0x5e: {  	[sflag:s23] =	ssyncadd.s32 $0xFFFFC000  }
0x5f: {  	[spmem:s2] =	stream.indirect.scatter.add.f32 [tilespmem:s21], [sflag:$0x3], $0x80, s25, s20, $0xb8;
	[tilespmem:$0x1E800] =	vst v63  }
0x60: {  	_ =	swait.ge [sflag:s18], $0x4000  }
0x61: {  	[sflag:s18] =	ssyncset.done $0x0  }
0x62: {  	[sflag:s18] =	ssyncadd.s32 $0xFFFFC000  }
0x63: {  	_ =	swait.ge [sflag:s24], $0x4000  }
0x64: {  	[sflag:s24] =	ssyncset.done $0x0  }
0x65: {  	[sflag:s24] =	ssyncadd.s32 $0xFFFFC000  }
0x66: {  	[spmem:s2] =	stream.indirect.scatter.add.f32 [tilespmem:s22], [sflag:$0x3], $0x80, s26, s20, $0xb8;
	[tilespmem:$0x1E800] =	vst v63  }
0x67: {  	_ =	swait.ge [sflag:s18], $0x4000  }
0x68: {  	[sflag:s18] =	ssyncset.done $0x0  }
0x69: {  	s28 =	simm.s32 $0x0;
	[sflag:s18] =	ssyncadd.s32 $0xFFFFC000  }
0x6a: {  	[tilespmem:s28], [sflag:$0x3] =	stream.linear.gather [hbm4b:s13+s28], $0x1400, $0x38;
	[tilespmem:$0x1E800] =	vst v63  }
0x6b: {  	_ =	swait.ge [sflag:s18], $0x1400  }
0x6c: {  	[sflag:s18] =	ssyncset.done $0x0  }
0x6d: {  	[sflag:s18] =	ssyncadd.s32 $0xFFFFEC00  }
0x6e: {  	[tilespmem:s19], [sflag:$0x3] =	stream.linear.gather [hbm4b:s14+s28], $0x1400, $0x38;
	[tilespmem:$0x1E800] =	vst v63  }
0x6f: {  	_ =	swait.ge [sflag:s18], $0x1400  }
0x70: {  	[sflag:s18] =	ssyncset.done $0x0  }
0x71: {  	[sflag:s18] =	ssyncadd.s32 $0xFFFFEC00  }
0x72: {  	[tilespmem:s21], [sflag:$0x1] =	stream.indirect.gather [hbm4b:s4+s20], $0x80, s28, s20, $0xb8;
	[tilespmem:$0x1E800] =	vst v63  }
0x73: {  	_ = 	snop  }
0x74: {  	[tilespmem:s22], [sflag:$0x2] =	stream.indirect.gather [hbm4b:s4+s20], $0x80, s20, s20, $0xb8;
	[tilespmem:$0x1E800] =	vst v63  }
0x75: {  	_ =	swait.ge [sflag:s23], $0x4000  }
0x76: {  	[sflag:s23] =	ssyncset.done $0x0  }
0x77: {  	s28 =	simm.s32 $0x1400;
	[sflag:s23] =	ssyncadd.s32 $0xFFFFC000  }
0x78: {  	[spmem:s2] =	stream.indirect.scatter.add.f32 [tilespmem:s21], [sflag:$0x3], $0x80, s28, s20, $0xb8;
	[tilespmem:$0x1E800] =	vst v63  }
0x79: {  	_ =	swait.ge [sflag:s18], $0x4000  }
0x7a: {  	[sflag:s18] =	ssyncset.done $0x0  }
0x7b: {  	s28 =	simm.s32 $0x100;
	[sflag:s18] =	ssyncadd.s32 $0xFFFFC000  }
0x7c: {  	[tilespmem:s21], [sflag:$0x1] =	stream.indirect.gather [hbm4b:s4+s20], $0x80, s28, s20, $0xb8;
	[tilespmem:$0x1E800] =	vst v63  }
0x7d: {  	_ =	swait.ge [sflag:s24], $0x4000  }
0x7e: {  	[sflag:s24] =	ssyncset.done $0x0  }
0x7f: {  	s28 =	simm.s32 $0x1480;
	[sflag:s24] =	ssyncadd.s32 $0xFFFFC000  }
0x80: {  	[spmem:s2] =	stream.indirect.scatter.add.f32 [tilespmem:s22], [sflag:$0x3], $0x80, s28, s20, $0xb8;
	[tilespmem:$0x1E800] =	vst v63  }
0x81: {  	_ =	swait.ge [sflag:s18], $0x4000  }
0x82: {  	[sflag:s18] =	ssyncset.done $0x0  }
0x83: {  	s29 =	simm.s32 $0x180;
	s28 =	simm.s32 $0x400;
	[sflag:s18] =	ssyncadd.s32 $0xFFFFC000  }
.LBB2_10:
0x84: {  	[tilespmem:s22], [sflag:$0x2] =	stream.indirect.gather [hbm4b:s4+s20], $0x80, s29, s20, $0xb8;
	[tilespmem:$0x1E800] =	vst v63  }
0x85: {  	s29 =	smov.u32 s28  }
0x86: {  	p1 =	sne.s32 s28, $0x4800;
	s28 =	sadd.s32 $0x400, s28;
	_ =	swait.ge [sflag:s23], $0x4000  }
0x87: {  	s29 =	sshra.s32 s29, $0x2;
	[sflag:s23] =	ssyncset.done $0x0  }
0x88: {  	s30 =	sadd.s32 $0x1400, s29;
	[sflag:s23] =	ssyncadd.s32 $0xFFFFC000  }
0x89: {  	[spmem:s2] =	stream.indirect.scatter.add.f32 [tilespmem:s21], [sflag:$0x3], $0x80, s30, s20, $0xb8;
	[tilespmem:$0x1E800] =	vst v63  }
0x8a: {  	_ =	swait.ge [sflag:s18], $0x4000  }
0x8b: {  	[sflag:s18] =	ssyncset.done $0x0  }
0x8c: {  	s30 =	sadd.s32 $0x100, s29;
	[sflag:s18] =	ssyncadd.s32 $0xFFFFC000  }
0x8d: {  	[tilespmem:s21], [sflag:$0x1] =	stream.indirect.gather [hbm4b:s4+s20], $0x80, s30, s20, $0xb8;
	[tilespmem:$0x1E800] =	vst v63  }
0x8e: {  	_ =	swait.ge [sflag:s24], $0x4000  }
0x8f: {  	[sflag:s24] =	ssyncset.done $0x0  }
.Ltmp4:
0x90: {  	s30 =	sadd.s32 $0x1480, s29;
	[sflag:s24] =	ssyncadd.s32 $0xFFFFC000;
	(pc) =	sbr.rel @p1 .LBB2_10-.Ltmp4, $4  }
0x91: {  	[spmem:s2] =	stream.indirect.scatter.add.f32 [tilespmem:s22], [sflag:$0x3], $0x80, s30, s20, $0xb8;
	[tilespmem:$0x1E800] =	vst v63  }
0x92: {  	_ =	swait.ge [sflag:s18], $0x4000  }
0x93: {  	[sflag:s18] =	ssyncset.done $0x0  }
0x94: {  	s29 =	sadd.s32 $0x180, s29;
	[sflag:s18] =	ssyncadd.s32 $0xFFFFC000  }
.Ltmp5:
0x95: {  	_ = 	snop;
	(pc) =	sbr.rel .LBB2_11-.Ltmp5, $1  }
0x96: {  	_ =	sdelay $0x3  }
.LBB2_2:
0x97: {  	[tilespmem:s28], [sflag:$0x3] =	stream.linear.gather [hbm4b:s7+s28], $0x1400, $0x38;
	[tilespmem:$0x1E800] =	vst v63  }
0x98: {  	_ =	swait.ge [sflag:s18], $0x1400  }
0x99: {  	[sflag:s18] =	ssyncset.done $0x0  }
0x9a: {  	[sflag:s18] =	ssyncadd.s32 $0xFFFFEC00  }
0x9b: {  	[tilespmem:s19], [sflag:$0x3] =	stream.linear.gather [hbm4b:s8+s28], $0x1400, $0x38;
	[tilespmem:$0x1E800] =	vst v63  }
0x9c: {  	_ =	swait.ge [sflag:s18], $0x1400  }
0x9d: {  	[sflag:s18] =	ssyncset.done $0x0  }
0x9e: {  	[sflag:s18] =	ssyncadd.s32 $0xFFFFEC00  }
0x9f: {  	[tilespmem:s21], [sflag:$0x1] =	stream.indirect.gather [hbm4b:s4+s20], $0x80, s28, s20, $0xb8;
	[tilespmem:$0x1E800] =	vst v63  }
0xa0: {  	_ = 	snop  }
0xa1: {  	[tilespmem:s22], [sflag:$0x2] =	stream.indirect.gather [hbm4b:s4+s20], $0x80, s20, s20, $0xb8;
	[tilespmem:$0x1E800] =	vst v63  }
0xa2: {  	_ =	swait.ge [sflag:s23], $0x4000  }
0xa3: {  	[sflag:s23] =	ssyncset.done $0x0  }
0xa4: {  	s28 =	simm.s32 $0x1400;
	[sflag:s23] =	ssyncadd.s32 $0xFFFFC000  }
0xa5: {  	[spmem:s2] =	stream.indirect.scatter.add.f32 [tilespmem:s21], [sflag:$0x3], $0x80, s28, s20, $0xb8;
	[tilespmem:$0x1E800] =	vst v63  }
0xa6: {  	_ =	swait.ge [sflag:s18], $0x4000  }
0xa7: {  	[sflag:s18] =	ssyncset.done $0x0  }
0xa8: {  	s28 =	simm.s32 $0x100;
	[sflag:s18] =	ssyncadd.s32 $0xFFFFC000  }
0xa9: {  	[tilespmem:s21], [sflag:$0x1] =	stream.indirect.gather [hbm4b:s4+s20], $0x80, s28, s20, $0xb8;
	[tilespmem:$0x1E800] =	vst v63  }
0xaa: {  	_ =	swait.ge [sflag:s24], $0x4000  }
0xab: {  	[sflag:s24] =	ssyncset.done $0x0  }
0xac: {  	s28 =	simm.s32 $0x1480;
	[sflag:s24] =	ssyncadd.s32 $0xFFFFC000  }
0xad: {  	[spmem:s2] =	stream.indirect.scatter.add.f32 [tilespmem:s22], [sflag:$0x3], $0x80, s28, s20, $0xb8;
	[tilespmem:$0x1E800] =	vst v63  }
0xae: {  	_ =	swait.ge [sflag:s18], $0x4000  }
0xaf: {  	[sflag:s18] =	ssyncset.done $0x0  }
0xb0: {  	s29 =	simm.s32 $0x180;
	s28 =	simm.s32 $0x400;
	[sflag:s18] =	ssyncadd.s32 $0xFFFFC000  }
.LBB2_3:
0xb1: {  	[tilespmem:s22], [sflag:$0x2] =	stream.indirect.gather [hbm4b:s4+s20], $0x80, s29, s20, $0xb8;
	[tilespmem:$0x1E800] =	vst v63  }
0xb2: {  	s29 =	smov.u32 s28  }
0xb3: {  	p1 =	sne.s32 s28, $0x4800;
	s28 =	sadd.s32 $0x400, s28;
	_ =	swait.ge [sflag:s23], $0x4000  }
0xb4: {  	s29 =	sshra.s32 s29, $0x2;
	[sflag:s23] =	ssyncset.done $0x0  }
0xb5: {  	s30 =	sadd.s32 $0x1400, s29;
	[sflag:s23] =	ssyncadd.s32 $0xFFFFC000  }
0xb6: {  	[spmem:s2] =	stream.indirect.scatter.add.f32 [tilespmem:s21], [sflag:$0x3], $0x80, s30, s20, $0xb8;
	[tilespmem:$0x1E800] =	vst v63  }
0xb7: {  	_ =	swait.ge [sflag:s18], $0x4000  }
0xb8: {  	[sflag:s18] =	ssyncset.done $0x0  }
0xb9: {  	s30 =	sadd.s32 $0x100, s29;
	[sflag:s18] =	ssyncadd.s32 $0xFFFFC000  }
0xba: {  	[tilespmem:s21], [sflag:$0x1] =	stream.indirect.gather [hbm4b:s4+s20], $0x80, s30, s20, $0xb8;
	[tilespmem:$0x1E800] =	vst v63  }
0xbb: {  	_ =	swait.ge [sflag:s24], $0x4000  }
0xbc: {  	[sflag:s24] =	ssyncset.done $0x0  }
.Ltmp6:
0xbd: {  	s30 =	sadd.s32 $0x1480, s29;
	[sflag:s24] =	ssyncadd.s32 $0xFFFFC000;
	(pc) =	sbr.rel @p1 .LBB2_3-.Ltmp6, $4  }
0xbe: {  	[spmem:s2] =	stream.indirect.scatter.add.f32 [tilespmem:s22], [sflag:$0x3], $0x80, s30, s20, $0xb8;
	[tilespmem:$0x1E800] =	vst v63  }
0xbf: {  	_ =	swait.ge [sflag:s18], $0x4000  }
0xc0: {  	[sflag:s18] =	ssyncset.done $0x0  }
0xc1: {  	s29 =	sadd.s32 $0x180, s29;
	[sflag:s18] =	ssyncadd.s32 $0xFFFFC000  }
0xc2: {  	[tilespmem:s22], [sflag:$0x2] =	stream.indirect.gather [hbm4b:s4+s20], $0x80, s29, s20, $0xb8;
	[tilespmem:$0x1E800] =	vst v63  }
0xc3: {  	_ =	swait.ge [sflag:s23], $0x4000  }
0xc4: {  	[sflag:s23] =	ssyncset.done $0x0  }
0xc5: {  	[sflag:s23] =	ssyncadd.s32 $0xFFFFC000  }
0xc6: {  	[spmem:s2] =	stream.indirect.scatter.add.f32 [tilespmem:s21], [sflag:$0x3], $0x80, s25, s20, $0xb8;
	[tilespmem:$0x1E800] =	vst v63  }
0xc7: {  	_ =	swait.ge [sflag:s18], $0x4000  }
0xc8: {  	[sflag:s18] =	ssyncset.done $0x0  }
0xc9: {  	[sflag:s18] =	ssyncadd.s32 $0xFFFFC000  }
0xca: {  	_ =	swait.ge [sflag:s24], $0x4000  }
0xcb: {  	[sflag:s24] =	ssyncset.done $0x0  }
0xcc: {  	[sflag:s24] =	ssyncadd.s32 $0xFFFFC000  }
0xcd: {  	[spmem:s2] =	stream.indirect.scatter.add.f32 [tilespmem:s22], [sflag:$0x3], $0x80, s26, s20, $0xb8;
	[tilespmem:$0x1E800] =	vst v63  }
0xce: {  	_ =	swait.ge [sflag:s18], $0x4000  }
0xcf: {  	[sflag:s18] =	ssyncset.done $0x0  }
0xd0: {  	s28 =	simm.s32 $0x0;
	[sflag:s18] =	ssyncadd.s32 $0xFFFFC000  }
0xd1: {  	[tilespmem:s28], [sflag:$0x3] =	stream.linear.gather [hbm4b:s9+s28], $0x1400, $0x38;
	[tilespmem:$0x1E800] =	vst v63  }
0xd2: {  	_ =	swait.ge [sflag:s18], $0x1400  }
0xd3: {  	[sflag:s18] =	ssyncset.done $0x0  }
0xd4: {  	[sflag:s18] =	ssyncadd.s32 $0xFFFFEC00  }
0xd5: {  	[tilespmem:s19], [sflag:$0x3] =	stream.linear.gather [hbm4b:s10+s28], $0x1400, $0x38;
	[tilespmem:$0x1E800] =	vst v63  }
0xd6: {  	_ =	swait.ge [sflag:s18], $0x1400  }
0xd7: {  	[sflag:s18] =	ssyncset.done $0x0  }
0xd8: {  	[sflag:s18] =	ssyncadd.s32 $0xFFFFEC00  }
0xd9: {  	[tilespmem:s21], [sflag:$0x1] =	stream.indirect.gather [hbm4b:s4+s20], $0x80, s28, s20, $0xb8;
	[tilespmem:$0x1E800] =	vst v63  }
0xda: {  	_ = 	snop  }
0xdb: {  	[tilespmem:s22], [sflag:$0x2] =	stream.indirect.gather [hbm4b:s4+s20], $0x80, s20, s20, $0xb8;
	[tilespmem:$0x1E800] =	vst v63  }
0xdc: {  	_ =	swait.ge [sflag:s23], $0x4000  }
0xdd: {  	[sflag:s23] =	ssyncset.done $0x0  }
0xde: {  	s28 =	simm.s32 $0x1400;
	[sflag:s23] =	ssyncadd.s32 $0xFFFFC000  }
0xdf: {  	[spmem:s2] =	stream.indirect.scatter.add.f32 [tilespmem:s21], [sflag:$0x3], $0x80, s28, s20, $0xb8;
	[tilespmem:$0x1E800] =	vst v63  }
0xe0: {  	_ =	swait.ge [sflag:s18], $0x4000  }
0xe1: {  	[sflag:s18] =	ssyncset.done $0x0  }
0xe2: {  	s28 =	simm.s32 $0x100;
	[sflag:s18] =	ssyncadd.s32 $0xFFFFC000  }
0xe3: {  	[tilespmem:s21], [sflag:$0x1] =	stream.indirect.gather [hbm4b:s4+s20], $0x80, s28, s20, $0xb8;
	[tilespmem:$0x1E800] =	vst v63  }
0xe4: {  	_ =	swait.ge [sflag:s24], $0x4000  }
0xe5: {  	[sflag:s24] =	ssyncset.done $0x0  }
0xe6: {  	s28 =	simm.s32 $0x1480;
	[sflag:s24] =	ssyncadd.s32 $0xFFFFC000  }
0xe7: {  	[spmem:s2] =	stream.indirect.scatter.add.f32 [tilespmem:s22], [sflag:$0x3], $0x80, s28, s20, $0xb8;
	[tilespmem:$0x1E800] =	vst v63  }
0xe8: {  	_ =	swait.ge [sflag:s18], $0x4000  }
0xe9: {  	[sflag:s18] =	ssyncset.done $0x0  }
0xea: {  	s29 =	simm.s32 $0x180;
	s28 =	simm.s32 $0x400;
	[sflag:s18] =	ssyncadd.s32 $0xFFFFC000  }
.LBB2_5:
0xeb: {  	[tilespmem:s22], [sflag:$0x2] =	stream.indirect.gather [hbm4b:s4+s20], $0x80, s29, s20, $0xb8;
	[tilespmem:$0x1E800] =	vst v63  }
0xec: {  	s29 =	smov.u32 s28  }
0xed: {  	p1 =	seq.s32 s28, $0x4800;
	s28 =	sadd.s32 $0x400, s28;
	_ =	swait.ge [sflag:s23], $0x4000  }
0xee: {  	s29 =	sshra.s32 s29, $0x2;
	[sflag:s23] =	ssyncset.done $0x0  }
0xef: {  	s30 =	sadd.s32 $0x1400, s29;
	[sflag:s23] =	ssyncadd.s32 $0xFFFFC000  }
0xf0: {  	[spmem:s2] =	stream.indirect.scatter.add.f32 [tilespmem:s21], [sflag:$0x3], $0x80, s30, s20, $0xb8;
	[tilespmem:$0x1E800] =	vst v63  }
0xf1: {  	_ =	swait.ge [sflag:s18], $0x4000  }
0xf2: {  	[sflag:s18] =	ssyncset.done $0x0  }
0xf3: {  	s30 =	sadd.s32 $0x100, s29;
	[sflag:s18] =	ssyncadd.s32 $0xFFFFC000  }
0xf4: {  	[tilespmem:s21], [sflag:$0x1] =	stream.indirect.gather [hbm4b:s4+s20], $0x80, s30, s20, $0xb8;
	[tilespmem:$0x1E800] =	vst v63  }
0xf5: {  	_ =	swait.ge [sflag:s24], $0x4000  }
0xf6: {  	[sflag:s24] =	ssyncset.done $0x0  }
.Ltmp7:
0xf7: {  	s30 =	sadd.s32 $0x1480, s29;
	[sflag:s24] =	ssyncadd.s32 $0xFFFFC000;
	(pc) =	sbr.rel @!p1 .LBB2_5-.Ltmp7, $4  }
0xf8: {  	[spmem:s2] =	stream.indirect.scatter.add.f32 [tilespmem:s22], [sflag:$0x3], $0x80, s30, s20, $0xb8;
	[tilespmem:$0x1E800] =	vst v63  }
0xf9: {  	_ =	swait.ge [sflag:s18], $0x4000  }
0xfa: {  	[sflag:s18] =	ssyncset.done $0x0  }
0xfb: {  	s29 =	sadd.s32 $0x180, s29;
	[sflag:s18] =	ssyncadd.s32 $0xFFFFC000  }
.Ltmp8:
0xfc: {  	(pc) =	sbr.rel .LBB2_12-.Ltmp8, $2  }
0xfd: {  	_ =	sdelay $0x2  }
0xfe: {  	[tilespmem:s22], [sflag:$0x2] =	stream.indirect.gather [hbm4b:s4+s20], $0x80, s29, s20, $0xb8;
	[tilespmem:$0x1E800] =	vst v63  }
.LBB2_13:
0xff: {  	_ =	sfence.sel $0x180000  }
0x100: {  	[bflag:$0x0] =	sbarrier.arrive $0xFFFF  }
0x101: {  	p0 =	sne.s32 s1, $0x0;
	_ =	strace $0x9000004D  }
0x102: {  	s0 =	sadd.s32 @!p0 $0x100000, s0;
	[bflag:$0x2] =	sbarrier.arrive $0xFFFF  }
0x103: {  	[sflag:s0] =	ssyncadd.tile.s32 @!p0 $0x1;
	_ =	shalt  }
.Lfunc_end2:
_tile_overlayer_lowered:
.L_overlay_start_2:
0x104: {  	(tag) =	ssettag $0x2  }
0x105: {  	s0 =	rddreg [dreg:$0x0];
	s2 =	stileid.u32  }
0x106: {  	s1 =	rddreg [dreg:$0x1];
	p0 =	sne.s32 s2, $0x0  }
0x107: {  	s3 =	rddreg [dreg:$0x2];
	[bflag:$0x3] =	sbarrier.arrive $0xFFFF;
	s2 =	simm.s32 @!p0 $0x1C03  }
0x108: {  	[timem:s3], [sflag:s2] =	dma.local @!p0 [hbm:s0], s1  }
0x109: {  	s0 =	simm.s32 @!p0 $0x3  }
0x10a: {  	_ =	swait.ge @!p0 [sflag:s0], s1  }
0x10b: {  	s1 =	ssub.s32 @!p0 $0x0, s1;
	[sflag:s0] =	ssyncset.done @!p0 $0x0  }
0x10c: {  	[sflag:s0] =	ssyncadd.s32 @!p0 s1  }
0x10d: {  	[bflag:$0x3] =	sbarrier.arrive $0xFFFF  }
0x10e: {  	_ =	shalt  }

// kernel: kernel.8.cloned.1.call-start
scs
__scs_entry_jumppad:
0x0: {  	(pc) =	sbr.rel $0x88, $3  }
0x1: {  	(tag) =	ssettag $0x0;
	lr =	simm.s32 $0x1  }
0x2: {  	[smem:$0x3F99] =	sst lr;
	_ =	strace $0xD0000000  }
0x3: {  	_ = 	snop  }
0x4: {  	_ = 	snop  }
0x5: {  	_ = 	snop  }
0x6: {  	_ = 	snop  }
0x7: {  	_ = 	snop  }
__scs_overlays_trampoline_lowered:
0x8: {  	[smem:$0x3FA8] =	sst s0  }
0x9: {  	[smem:$0x3FA9] =	sst s1  }
0xa: {  	[smem:$0x3FAA] =	sst s2  }
0xb: {  	[smem:$0x3FAB] =	sst s3  }
0xc: {  	[smem:$0x3FAC] =	sst s4  }
0xd: {  	[smem:$0x3FAD] =	sst s5  }
0xe: {  	[smem:$0x3FAE] =	sst s6  }
0xf: {  	[smem:$0x3FAF] =	sst s7  }
0x10: {  	[smem:$0x3FB0] =	sst s8  }
0x11: {  	[smem:$0x3FB1] =	sst s9;
	s0 =	simm.s32 @!p0 $0x0  }
0x12: {  	s1 =	sld [smem:$0x3F97];
	s0 =	simm.s32 @p0 $0x1  }
0x13: {  	[smem:$0x3FB2] =	sst s0;
	s0 =	simm.s32 @!p1 $0x0  }
0x14: {  	s2 =	sld [smem:$0x3F96];
	s0 =	simm.s32 @p1 $0x1  }
0x15: {  	[smem:$0x3FB3] =	sst s0;
	s0 =	simm.s32 @!p2 $0x0  }
0x16: {  	s3 =	sld [smem:$0x3FDB];
	s0 =	simm.s32 @p2 $0x1  }
0x17: {  	s4 =	simm.s32 $0x1BF5;
	[smem:$0x3FB5] =	sst s0  }
0x18: {  	s0 =	sld [smem:$0x3F98];
	_ =	swait.ge [sflag:s4], $0x0  }
0x19: {  	s7 =	sld [smem:$0x3F99]  }
0x1a: {  	s8 =	sadd.s32 $0xFFFFE003, lr  }
0x1b: {  	s9 =	sadd.s32 $0xFFFFFEF7, lr;
	s5 =	simm.s32 $0xFFFFFFFF;
	p2 =	slt.u32 s8, $0xFFFFF086  }
0x1c: {  	p1 =	slt.u32 s9, $0xF7A;
	s5 =	simm.s32 @!p2 $0x0  }
0x1d: {  	s5 =	simm.s32 @p1 $0x1;
	p0 =	seq.s32 s7, s2  }
0x1e: {  	s7 =	smul.u32 @!p0 $0xF7A, s2;
	p2 =	seq.s32 @!p0 s5, $0x0  }
0x1f: {  	s9 =	smul.u32 $0xF7A, s1;
	s8 =	simm.s32 @!p0 $0x1BF5;
	p2 =	por !p2, p0  }
0x20: {  	[sflag:s8] =	ssyncset.s32 @!p0 $0xFFFFF086;
	s6 =	sadd.s32 @!p0 s3, s7;
	s7 =	simm.s32 @!p0 $0x108  }
0x21: {  	s3 =	sadd.s32 s3, s9;
	s6 =	sadd.s32 @!p0 $0x88, s6;
	s7 =	simm.s32 @p2 $0x1082  }
0x22: {  	[simem:s7], [sflag:s8] =	dma.local @!p0 [hbm:s6], $0xF7A  }
0x23: {  	s9 =	sor.u32 $0xD0000000, s2;
	s6 =	simm.s32 $0x108;
	_ =	swait.ge @!p0 [sflag:s8], $0x0  }
0x24: {  	s3 =	sadd.s32 $0x88, s3;
	s6 =	simm.s32 @!p1 $0x1082;
	[sflag:s4] =	ssyncset.s32 $0xFFFFF086  }
0x25: {  	[simem:s6], [sflag:s4] =	dma.local [hbm:s3], $0xF7A  }
0x26: {  	[smem:$0x3F99] =	sst s1;
	(tag) =	ssettag s2;
	_ =	strace s9  }
0x27: {  	s1 =	sld [smem:$0x3FA9]  }
0x28: {  	s2 =	sld [smem:$0x3FAA]  }
0x29: {  	s4 =	sld [smem:$0x3FAC]  }
0x2a: {  	p0 =	seq.s32 s5, $0x0;
	s5 =	sld [smem:$0x3FAD]  }
0x2b: {  	s6 =	sld [smem:$0x3FAE]  }
0x2c: {  	s7 =	sld [smem:$0x3FAF]  }
0x2d: {  	s3 =	simm.s32 $0x108;
	s8 =	sld [smem:$0x3FB0]  }
0x2e: {  	s3 =	simm.s32 @!p0 $0x1082;
	s9 =	sld [smem:$0x3FB1]  }
0x2f: {  	lr =	sadd.s32 s0, s3;
	s0 =	sld [smem:$0x3FA8]  }
0x30: {  	s3 =	sld [smem:$0x3FAB]  }
0x31: {  	[smem:$0x3FB4] =	sst s10  }
0x32: {  	s10 =	sld [smem:$0x3FB2];
	_ =	sdelay $0x3  }
0x33: {  	p0 =	seq.s32 s10, $0x1;
	s10 =	sld [smem:$0x3FB4];
	_ =	sdelay $0x3  }
0x34: {  	[smem:$0x3FB4] =	sst s10  }
0x35: {  	s10 =	sld [smem:$0x3FB3];
	_ =	sdelay $0x3  }
0x36: {  	p1 =	seq.s32 s10, $0x1;
	s10 =	sld [smem:$0x3FB4];
	_ =	sdelay $0x3  }
0x37: {  	[smem:$0x3FB4] =	sst s10  }
0x38: {  	s10 =	sld [smem:$0x3FB5]  }
0x39: {  	_ = 	snop;
	(pc) =	sbr.ind lr, $3  }
0x3a: {  	_ = 	snop  }
0x3b: {  	_ = 	snop  }
0x3c: {  	p2 =	seq.s32 s10, $0x1;
	s10 =	sld [smem:$0x3FB4]  }
0x3d: {  	_ =	shalt  }
0x3e: {  	_ =	shalt  }
0x3f: {  	_ =	shalt  }
0x40: {  	_ =	shalt  }
0x41: {  	_ =	shalt  }
0x42: {  	_ =	shalt  }
0x43: {  	_ =	shalt  }
0x44: {  	_ =	shalt  }
0x45: {  	_ =	shalt  }
0x46: {  	_ =	shalt  }
0x47: {  	_ =	shalt  }
0x48: {  	_ =	shalt  }
0x49: {  	_ =	shalt  }
0x4a: {  	_ =	shalt  }
0x4b: {  	_ =	shalt  }
0x4c: {  	_ =	shalt  }
0x4d: {  	_ =	shalt  }
0x4e: {  	_ =	shalt  }
0x4f: {  	_ =	shalt  }
0x50: {  	_ =	shalt  }
0x51: {  	_ =	shalt  }
0x52: {  	_ =	shalt  }
0x53: {  	_ =	shalt  }
0x54: {  	_ =	shalt  }
0x55: {  	_ =	shalt  }
0x56: {  	_ =	shalt  }
0x57: {  	_ =	shalt  }
0x58: {  	_ =	shalt  }
0x59: {  	_ =	shalt  }
0x5a: {  	_ =	shalt  }
0x5b: {  	_ =	shalt  }
0x5c: {  	_ =	shalt  }
0x5d: {  	_ =	shalt  }
0x5e: {  	_ =	shalt  }
0x5f: {  	_ =	shalt  }
0x60: {  	_ =	shalt  }
0x61: {  	_ =	shalt  }
0x62: {  	_ =	shalt  }
0x63: {  	_ =	shalt  }
0x64: {  	_ =	shalt  }
0x65: {  	_ =	shalt  }
0x66: {  	_ =	shalt  }
0x67: {  	_ =	shalt  }
0x68: {  	_ =	shalt  }
0x69: {  	_ =	shalt  }
0x6a: {  	_ =	shalt  }
0x6b: {  	_ =	shalt  }
0x6c: {  	_ =	shalt  }
0x6d: {  	_ =	shalt  }
0x6e: {  	_ =	shalt  }
0x6f: {  	_ =	shalt  }
0x70: {  	_ =	shalt  }
0x71: {  	_ =	shalt  }
0x72: {  	_ =	shalt  }
0x73: {  	_ =	shalt  }
0x74: {  	_ =	shalt  }
0x75: {  	_ =	shalt  }
0x76: {  	_ =	shalt  }
0x77: {  	_ =	shalt  }
0x78: {  	_ =	shalt  }
0x79: {  	_ =	shalt  }
0x7a: {  	_ =	shalt  }
0x7b: {  	_ =	shalt  }
0x7c: {  	_ =	shalt  }
0x7d: {  	_ =	shalt  }
0x7e: {  	_ =	shalt  }
0x7f: {  	_ =	shalt  }
0x80: {  	_ =	shalt  }
0x81: {  	_ =	shalt  }
0x82: {  	_ =	shalt  }
0x83: {  	_ =	shalt  }
0x84: {  	_ =	shalt  }
0x85: {  	_ =	shalt  }
0x86: {  	_ =	shalt  }
0x87: {  	_ =	shalt  }
.Lfunc_end0:
.L_simem_size_0:
called_computation_lowered:
.L_overlay_start_0:
0x88: {  	s2 =	sld [smem:$0x3FD9]  }
0x89: {  	s3 =	sld [smem:$0x3FFE];
	_ =	sdelay $0x1  }
0x8a: {  	s1 =	srdreg.scid  }
0x8b: {  	s0 =	sand.u32 $0x1, s1  }
0x8c: {  	s17 =	sshll.u32 s0, $0xA;
	s2 =	sadd.s32 s3, s2  }
0x8d: {  	s2 =	sadd.s32 s2, s17  }
0x8e: {  	[smem:$0x3FC0] =	sst s2  }
0x8f: {  	_ = 	snop  }
0x90: {  	s2 =	sld [smem:$0x3FD0];
	(tm) =	ssettm $0x1  }
0x91: {  	s18 =	sld [smem:$0x3FFB];
	_ =	sdelay $0x3  }
0x92: {  	_ =	strace s18  }
0x93: {  	s3 =	sld [smem:$0x3FFC];
	_ =	sdelay $0x3  }
0x94: {  	_ =	strace s3  }
0x95: {  	s3 =	sld [smem:$0x3FFD];
	_ =	sdelay $0x3  }
0x96: {  	_ =	strace s3  }
0x97: {  	_ =	strace $0x8FFFFFFF  }
0x98: {  	s19 =	sld [smem:$0x3FDB];
	_ =	sdelay $0x1  }
0x99: {  	s4 =	simm.s32 $_scs_section_size  }
0x9a: {  	s5 =	simm.s32 $_size__tile_overlayer_lowered;
	s6 =	simm.s32 $_tile_overlayer_lowered  }
0x9b: {  	s22 =	simm.s32 $0x1BFF;
	s21 =	sshll.u32 s6, $0x1;
	s3 =	sadd.s32 s4, s19  }
0x9c: {  	s7 =	simm.s32 $0x0;
	s20 =	sshll.u32 s5, $0x1;
	s5 =	sadd.s32 s21, s3  }
0x9d: {  	[timem:s7], [sflag:s22] =	dma.local [hbm:s5], s20  }
0x9e: {  	_ =	swait.ge [sflag:s22], s20  }
0x9f: {  	s4 =	ssub.s32 $0x0, s20;
	[sflag:s22] =	ssyncset.done $0x0  }
0xa0: {  	[sflag:s22] =	ssyncadd.s32 s4;
	_ =	sdelay $0x1  }
0xa1: {  	s23 =	simm.s32 $0x1B8B  }
0xa2: {  	_ =	swait.ge [sflag:s23], $0x1  }
0xa3: {  	[sflag:s23] =	ssyncset.done $0x0  }
0xa4: {  	s25 =	simm.s32 $0x1B8E;
	s24 =	sld [smem:$0x3FFE];
	[sflag:s23] =	ssyncadd.s32 $0xFFFFFFFF  }
0xa5: {  	s26 =	simm.s32 $execute0_lowered;
	[smem:$0x3FD2] =	sst s25  }
0xa6: {  	s5 =	sshll.u32 s26, $0x1;
	_ =	strace $0x80000046;
	[dreg:$0x1] =	wrdreg $0xFFFFFFFF  }
0xa7: {  	s28 =	simm.s32 $_size_execute0_lowered;
	s3 =	sadd.s32 s3, s5;
	[dreg:$0x0] =	wrdreg $0x0  }
0xa8: {  	s5 =	sshll.u32 s28, $0x1;
	[dreg:$0x2] =	wrdreg s3  }
0xa9: {  	[dreg:$0x3] =	wrdreg s5  }
0xaa: {  	[dreg:$0x4] =	wrdreg $0xC0  }
0xab: {  	_ =	task [dreg:s7], $0x5FFFF  }
0xac: {  	[dreg:$0x1] =	wrdreg $0xFFFFFFFF  }
0xad: {  	[dreg:$0x0] =	wrdreg $0x60  }
0xae: {  	[dreg:$0x2] =	wrdreg s2  }
0xaf: {  	[dreg:$0x3] =	wrdreg s24  }
0xb0: {  	[dreg:$0x4] =	wrdreg $0x3C800  }
0xb1: {  	[dreg:$0x5] =	wrdreg $0x9  }
0xb2: {  	_ =	task.clear_ibuf [dreg:s7], $0x6FFFF;
	_ =	strace $0x90000046  }
0xb3: {  	s29 =	simm.s32 $0x9;
	_ =	strace $0x80000048  }
0xb4: {  	_ =	swait.ge [sflag:s29], $0x1  }
0xb5: {  	[sflag:s29] =	ssyncadd.s32 $0xFFFFFFFF  }
0xb6: {  	_ =	strace $0x90000048  }
0xb7: {  	_ =	sfence  }
0xb8: {  	s30 =	sld [smem:$0x0];
	_ =	sdelay $0x2  }
0xb9: {  	s31 =	sshll.u32 s1, $0xD;
	s1 =	sshrl.u32 s1, $0x2  }
0xba: {  	s3 =	sand.u32 $0x4000, s31;
	s1 =	sadd.s32 s1, s30  }
0xbb: {  	s0 =	sor.u32 s3, s0;
	s1 =	sshll.u32 s1, $0x11  }
0xbc: {  	s0 =	sor.u32 s1, s0  }
0xbd: {  	s0 =	sadd.s32 $0x8F2B, s0  }
0xbe: {  	[sflag:s0] =	ssyncadd.remote.s32 $0x1  }
0xbf: {  	_ =	sfence.sel $0xFFFF  }
0xc0: {  	[dreg:$0x0] =	wrdreg $0xFFFFFFFF;
	(pc) =	sbr.abs _section_cstart, $3  }
0xc1: {  	[dreg:$0x1] =	wrdreg $0xFFFFFFFF  }
0xc2: {  	_ =	task.clear_ibuf [dreg:s7], $0x2FFFF;
	_ =	strace $0x9FFFFFFF  }
0xc3: {  	(tm) =	ssettm $0x7FFFFFFF  }
tec
execute0_lowered:
.L_overlay_start_1:
0x0: {  	(tag) =	ssettag $0x1  }
0x1: {  	s4 =	rddreg [dreg:$0x0]  }
0x2: {  	s5 =	rddreg [dreg:$0x1]  }
0x3: {  	s1 =	rddreg [dreg:$0x2];
	s2 =	srdreg.scid  }
0x4: {  	s0 =	rddreg [dreg:$0x3];
	s10 =	stileid.u32  }
0x5: {  	s13 =	simm.s32 $0x50;
	s14 =	simm.s32 $0x3C00;
	s15 =	simm.s32 $0x0  }
0x6: {  	s6 =	sand.u32 $0x1, s2;
	s2 =	simm.s32 $0x0;
	s8 =	smul.u32 $0x5000, s10  }
0x7: {  	s3 =	sadd.s32 $0xCE00, s5;
	p1 =	sne.s32 s10, $0x0;
	s10 =	simm.s32 $0x1400  }
0x8: {  	s7 =	smul.u32 $0x500, s6;
	[smem:$0x7FF] =	sst s2;
	s9 =	ssub.s32 $0x2, s6  }
.Ltmp0:
0x9: {  	p0 =	seq.s32 s6, $0x1;
	s12 =	sshrl.u32 @!p1 s1, $0x3;
	(pc) =	sbr.rel .LBB2_1-.Ltmp0, $4  }
0xa: {  	_ =	strace $0x80000047;
	s30 =	sshrl.u32 s9, $0x1;
	s31 =	sshrl.u32 s8, $0x3  }
0xb: {  	v0 =	vlaneseq.u32;
	s11 =	sadd.s32 s7, s5;
	s9 =	ssub.s32 s9, s30;
	s4 =	sadd.s32 s4, s31  }
0xc: {  	v5 =	vimm.f32 $1.000000000e+00;
	v1 =	vor.u32 $0x10, v0;
	s5 =	sadd.s32 $0x280, s4;
	s6 =	sadd.s32 $0x500, s4;
	s7 =	sadd.s32 $0x780, s4  }
0xd: {  	v2 =	vor.u32 $0x20, v0;
	v3 =	vor.u32 $0x30, v0;
	v4 =	vor.u32 $0x40, v0;
	s8 =	sadd.s32 $0x34E00, s11;
	s9 =	smax.u32 s9, $0x1;
	s11 =	simm.s32 $0x1  }
.LBB2_10:
0xe: {  	[spmem:s1] =	stream.indirect.scatter.add.f32 [tilespmem:s10], [sflag:$0x1], $0x80, s14, s13, $0xb8;
	[tilespmem:$0x3F00] =	vst v63  }
0xf: {  	_ =	swait.ge [sflag:s11], $0x2800  }
0x10: {  	[sflag:s11] =	ssyncset.done $0x0  }
0x11: {  	s15 =	sadd.s32 $0x1, s15;
	[sflag:s11] =	ssyncadd.s32 $0xFFFFD800  }
0x12: {  	s16 =	simm.s32 @!p1 $0x1C01;
	p2 =	sne.s32 s15, s9;
	[bflag:$0x0] =	sbarrier.arrive $0xFFFF  }
0x13: {  	[hbm:s8], [sflag:s16] =	dma.local @!p1 [spmem:s12], $0x500  }
.Ltmp1:
0x14: {  	_ = 	snop;
	(pc) =	sbr.rel @!p2 .LBB2_11-.Ltmp1, $4  }
0x15: {  	s16 =	simm.s32 @!p1 $0x1  }
0x16: {  	_ =	swait.ge @!p1 [sflag:s16], $0x500  }
0x17: {  	[sflag:s16] =	ssyncset.done @!p1 $0x0  }
0x18: {  	[sflag:s16] =	ssyncadd.s32 @!p1 $0xFFFFFB00  }
.LBB2_1:
0x19: {  	[tilespmem:s10], [sflag:$0x1] =	stream.linear.gather [hbm4b:s3+s2], $0x2800, $0x38;
	[tilespmem:$0x3F00] =	vst v63  }
0x1a: {  	_ =	swait.ge [sflag:s11], $0x2800  }
0x1b: {  	[sflag:s11] =	ssyncset.done $0x0  }
0x1c: {  	s16 =	simm.s32 @!p1 $0x1C01;
	[sflag:s11] =	ssyncadd.s32 $0xFFFFD800  }
0x1d: {  	[spmem:s12], [sflag:s16] =	dma.local @!p1 [hbm:s3], $0x500  }
0x1e: {  	s16 =	simm.s32 @!p1 $0x1  }
0x1f: {  	_ =	swait.ge @!p1 [sflag:s16], $0x500  }
0x20: {  	[sflag:s16] =	ssyncset.done @!p1 $0x0  }
0x21: {  	[sflag:s16] =	ssyncadd.s32 @!p1 $0xFFFFFB00  }
0x22: {  	[tilespmem:$0x3C00] =	vst v0  }
0x23: {  	[tilespmem:$0x3C10] =	vst v1  }
.Ltmp2:
0x24: {  	[tilespmem:$0x3C20] =	vst v2;
	(pc) =	sbr.rel @!p0 .LBB2_2-.Ltmp2, $4  }
0x25: {  	[tilespmem:$0x3C30] =	vst v3  }
0x26: {  	[tilespmem:$0x3C40] =	vst v4  }
0x27: {  	[bflag:$0x0] =	sbarrier.arrive $0xFFFF  }
0x28: {  	s16 =	simm.s32 $0x0  }
0x29: {  	[tilespmem:s16], [sflag:$0x1] =	stream.linear.gather [hbm4b:s6+s16], $0x1400, $0x38;
	[tilespmem:$0x3F00] =	vst v63  }
0x2a: {  	_ =	swait.ge [sflag:s11], $0x1400  }
0x2b: {  	[sflag:s11] =	ssyncset.done $0x0  }
0x2c: {  	[sflag:s11] =	ssyncadd.s32 $0xFFFFEC00  }
.LBB2_7:
0x2d: {  	s17 =	sshra.s32 s16, $0x2  }
0x2e: {  	v6 =	vld [tilespmem:s17+$0x0];
	_ =	sdelay $0x7  }
0x2f: {  	[tilespmem:v6+s10+$0x0] =	vst.idx.add.f32.msk $0xffff, v5  }
0x30: {  	v6 =	vld [tilespmem:s17+$0x10];
	_ =	sdelay $0x7  }
0x31: {  	[tilespmem:v6+s10+$0x0] =	vst.idx.add.f32.msk $0xffff, v5  }
0x32: {  	v6 =	vld [tilespmem:s17+$0x20];
	_ =	sdelay $0x7  }
0x33: {  	[tilespmem:v6+s10+$0x0] =	vst.idx.add.f32.msk $0xffff, v5  }
0x34: {  	v6 =	vld [tilespmem:s17+$0x30];
	_ =	sdelay $0x7  }
0x35: {  	[tilespmem:v6+s10+$0x0] =	vst.idx.add.f32.msk $0xffff, v5  }
0x36: {  	v6 =	vld [tilespmem:s17+$0x40];
	_ =	sdelay $0x7  }
0x37: {  	[tilespmem:v6+s10+$0x0] =	vst.idx.add.f32.msk $0xffff, v5  }
0x38: {  	v6 =	vld [tilespmem:s17+$0x50];
	_ =	sdelay $0x7  }
0x39: {  	[tilespmem:v6+s10+$0x0] =	vst.idx.add.f32.msk $0xffff, v5  }
0x3a: {  	v6 =	vld [tilespmem:s17+$0x60];
	_ =	sdelay $0x7  }
0x3b: {  	[tilespmem:v6+s10+$0x0] =	vst.idx.add.f32.msk $0xffff, v5  }
0x3c: {  	v6 =	vld [tilespmem:s17+$0x70];
	_ =	sdelay $0x2  }
0x3d: {  	p2 =	sne.s32 s16, $0x4E00  }
.Ltmp3:
0x3e: {  	_ = 	snop;
	(pc) =	sbr.rel @p2 .LBB2_7-.Ltmp3, $2  }
0x3f: {  	_ =	sdelay $0x2  }
0x40: {  	s16 =	sadd.s32 $0x200, s16;
	[tilespmem:v6+s10+$0x0] =	vst.idx.add.f32.msk $0xffff, v5  }
0x41: {  	s16 =	simm.s32 $0x0  }
0x42: {  	[tilespmem:s16], [sflag:$0x1] =	stream.linear.gather [hbm4b:s7+s16], $0x1400, $0x38;
	[tilespmem:$0x3F00] =	vst v63  }
0x43: {  	_ =	swait.ge [sflag:s11], $0x1400  }
0x44: {  	[sflag:s11] =	ssyncset.done $0x0  }
0x45: {  	[sflag:s11] =	ssyncadd.s32 $0xFFFFEC00  }
.LBB2_9:
0x46: {  	s17 =	sshra.s32 s16, $0x2  }
0x47: {  	v6 =	vld [tilespmem:s17+$0x0];
	_ =	sdelay $0x7  }
0x48: {  	[tilespmem:v6+s10+$0x0] =	vst.idx.add.f32.msk $0xffff, v5  }
0x49: {  	v6 =	vld [tilespmem:s17+$0x10];
	_ =	sdelay $0x7  }
0x4a: {  	[tilespmem:v6+s10+$0x0] =	vst.idx.add.f32.msk $0xffff, v5  }
0x4b: {  	v6 =	vld [tilespmem:s17+$0x20];
	_ =	sdelay $0x7  }
0x4c: {  	[tilespmem:v6+s10+$0x0] =	vst.idx.add.f32.msk $0xffff, v5  }
0x4d: {  	v6 =	vld [tilespmem:s17+$0x30];
	_ =	sdelay $0x7  }
0x4e: {  	[tilespmem:v6+s10+$0x0] =	vst.idx.add.f32.msk $0xffff, v5  }
0x4f: {  	v6 =	vld [tilespmem:s17+$0x40];
	_ =	sdelay $0x7  }
0x50: {  	[tilespmem:v6+s10+$0x0] =	vst.idx.add.f32.msk $0xffff, v5  }
0x51: {  	v6 =	vld [tilespmem:s17+$0x50];
	_ =	sdelay $0x7  }
0x52: {  	[tilespmem:v6+s10+$0x0] =	vst.idx.add.f32.msk $0xffff, v5  }
0x53: {  	v6 =	vld [tilespmem:s17+$0x60];
	_ =	sdelay $0x7  }
0x54: {  	[tilespmem:v6+s10+$0x0] =	vst.idx.add.f32.msk $0xffff, v5  }
0x55: {  	v6 =	vld [tilespmem:s17+$0x70];
	_ =	sdelay $0x2  }
0x56: {  	p2 =	sne.s32 s16, $0x4E00  }
.Ltmp4:
0x57: {  	_ = 	snop;
	(pc) =	sbr.rel @p2 .LBB2_9-.Ltmp4, $2  }
0x58: {  	_ =	sdelay $0x2  }
0x59: {  	s16 =	sadd.s32 $0x200, s16;
	[tilespmem:v6+s10+$0x0] =	vst.idx.add.f32.msk $0xffff, v5  }
.Ltmp5:
0x5a: {  	_ = 	snop;
	(pc) =	sbr.rel .LBB2_10-.Ltmp5, $1  }
0x5b: {  	_ =	sdelay $0x3  }
.LBB2_2:
0x5c: {  	[tilespmem:s16], [sflag:$0x1] =	stream.linear.gather [hbm4b:s4+s16], $0x1400, $0x38;
	[tilespmem:$0x3F00] =	vst v63  }
0x5d: {  	_ =	swait.ge [sflag:s11], $0x1400  }
0x5e: {  	[sflag:s11] =	ssyncset.done $0x0  }
0x5f: {  	[sflag:s11] =	ssyncadd.s32 $0xFFFFEC00  }
.LBB2_3:
0x60: {  	s17 =	sshra.s32 s16, $0x2  }
0x61: {  	v6 =	vld [tilespmem:s17+$0x0];
	_ =	sdelay $0x7  }
0x62: {  	[tilespmem:v6+s10+$0x0] =	vst.idx.add.f32.msk $0xffff, v5  }
0x63: {  	v6 =	vld [tilespmem:s17+$0x10];
	_ =	sdelay $0x7  }
0x64: {  	[tilespmem:v6+s10+$0x0] =	vst.idx.add.f32.msk $0xffff, v5  }
0x65: {  	v6 =	vld [tilespmem:s17+$0x20];
	_ =	sdelay $0x7  }
0x66: {  	[tilespmem:v6+s10+$0x0] =	vst.idx.add.f32.msk $0xffff, v5  }
0x67: {  	v6 =	vld [tilespmem:s17+$0x30];
	_ =	sdelay $0x7  }
0x68: {  	[tilespmem:v6+s10+$0x0] =	vst.idx.add.f32.msk $0xffff, v5  }
0x69: {  	v6 =	vld [tilespmem:s17+$0x40];
	_ =	sdelay $0x7  }
0x6a: {  	[tilespmem:v6+s10+$0x0] =	vst.idx.add.f32.msk $0xffff, v5  }
0x6b: {  	v6 =	vld [tilespmem:s17+$0x50];
	_ =	sdelay $0x7  }
0x6c: {  	[tilespmem:v6+s10+$0x0] =	vst.idx.add.f32.msk $0xffff, v5  }
0x6d: {  	v6 =	vld [tilespmem:s17+$0x60];
	_ =	sdelay $0x7  }
0x6e: {  	[tilespmem:v6+s10+$0x0] =	vst.idx.add.f32.msk $0xffff, v5  }
0x6f: {  	v6 =	vld [tilespmem:s17+$0x70];
	_ =	sdelay $0x2  }
0x70: {  	p2 =	sne.s32 s16, $0x4E00  }
.Ltmp6:
0x71: {  	_ = 	snop;
	(pc) =	sbr.rel @p2 .LBB2_3-.Ltmp6, $2  }
0x72: {  	_ =	sdelay $0x2  }
0x73: {  	s16 =	sadd.s32 $0x200, s16;
	[tilespmem:v6+s10+$0x0] =	vst.idx.add.f32.msk $0xffff, v5  }
0x74: {  	s16 =	simm.s32 $0x0  }
0x75: {  	[tilespmem:s16], [sflag:$0x1] =	stream.linear.gather [hbm4b:s5+s16], $0x1400, $0x38;
	[tilespmem:$0x3F00] =	vst v63  }
0x76: {  	_ =	swait.ge [sflag:s11], $0x1400  }
0x77: {  	[sflag:s11] =	ssyncset.done $0x0  }
0x78: {  	[sflag:s11] =	ssyncadd.s32 $0xFFFFEC00  }
.LBB2_5:
0x79: {  	s17 =	sshra.s32 s16, $0x2  }
0x7a: {  	v6 =	vld [tilespmem:s17+$0x0];
	_ =	sdelay $0x7  }
0x7b: {  	[tilespmem:v6+s10+$0x0] =	vst.idx.add.f32.msk $0xffff, v5  }
0x7c: {  	v6 =	vld [tilespmem:s17+$0x10];
	_ =	sdelay $0x7  }
0x7d: {  	[tilespmem:v6+s10+$0x0] =	vst.idx.add.f32.msk $0xffff, v5  }
0x7e: {  	v6 =	vld [tilespmem:s17+$0x20];
	_ =	sdelay $0x7  }
0x7f: {  	[tilespmem:v6+s10+$0x0] =	vst.idx.add.f32.msk $0xffff, v5  }
0x80: {  	v6 =	vld [tilespmem:s17+$0x30];
	_ =	sdelay $0x7  }
0x81: {  	[tilespmem:v6+s10+$0x0] =	vst.idx.add.f32.msk $0xffff, v5  }
0x82: {  	v6 =	vld [tilespmem:s17+$0x40];
	_ =	sdelay $0x7  }
0x83: {  	[tilespmem:v6+s10+$0x0] =	vst.idx.add.f32.msk $0xffff, v5  }
0x84: {  	v6 =	vld [tilespmem:s17+$0x50];
	_ =	sdelay $0x7  }
0x85: {  	[tilespmem:v6+s10+$0x0] =	vst.idx.add.f32.msk $0xffff, v5  }
0x86: {  	v6 =	vld [tilespmem:s17+$0x60];
	_ =	sdelay $0x7  }
0x87: {  	[tilespmem:v6+s10+$0x0] =	vst.idx.add.f32.msk $0xffff, v5  }
0x88: {  	v6 =	vld [tilespmem:s17+$0x70];
	_ =	sdelay $0x2  }
0x89: {  	p2 =	seq.s32 s16, $0x4E00  }
.Ltmp7:
0x8a: {  	_ = 	snop;
	(pc) =	sbr.rel @!p2 .LBB2_5-.Ltmp7, $2  }
0x8b: {  	_ =	sdelay $0x2  }
0x8c: {  	s16 =	sadd.s32 $0x200, s16;
	[tilespmem:v6+s10+$0x0] =	vst.idx.add.f32.msk $0xffff, v5  }
.Ltmp8:
0x8d: {  	_ = 	snop;
	(pc) =	sbr.rel .LBB2_10-.Ltmp8, $1  }
0x8e: {  	_ =	sdelay $0x3  }
.LBB2_11:
0x8f: {  	_ =	sfence.sel $0x180000  }
0x90: {  	[bflag:$0x0] =	sbarrier.arrive $0xFFFF  }
0x91: {  	_ =	strace $0x90000047  }
0x92: {  	s0 =	sadd.s32 @!p1 $0x100000, s0;
	[bflag:$0x2] =	sbarrier.arrive $0xFFFF  }
0x93: {  	[sflag:s0] =	ssyncadd.tile.s32 @!p1 $0x1;
	_ =	shalt  }
.Lfunc_end2:
_tile_overlayer_lowered:
.L_overlay_start_2:
0x94: {  	(tag) =	ssettag $0x2  }
0x95: {  	s0 =	rddreg [dreg:$0x0];
	s2 =	stileid.u32  }
0x96: {  	s1 =	rddreg [dreg:$0x1];
	p0 =	sne.s32 s2, $0x0  }
0x97: {  	s3 =	rddreg [dreg:$0x2];
	[bflag:$0x3] =	sbarrier.arrive $0xFFFF;
	s2 =	simm.s32 @!p0 $0x1C01  }
0x98: {  	[timem:s3], [sflag:s2] =	dma.local @!p0 [hbm:s0], s1  }
0x99: {  	s0 =	simm.s32 @!p0 $0x1  }
0x9a: {  	_ =	swait.ge @!p0 [sflag:s0], s1  }
0x9b: {  	s1 =	ssub.s32 @!p0 $0x0, s1;
	[sflag:s0] =	ssyncset.done @!p0 $0x0  }
0x9c: {  	[sflag:s0] =	ssyncadd.s32 @!p0 s1  }
0x9d: {  	[bflag:$0x3] =	sbarrier.arrive $0xFFFF  }
0x9e: {  	_ =	shalt  }

</sc_bundles>
